<compile_context>
chip_gen: v7x
topology: tpu7x:2x2x1
jax: 0.10.2.dev20260603
libtpu: 0.0.44.dev20260713+nightly
codegen_flags: <defaults>
</compile_context>

<pallas_src>
import functools

import jax
import jax.numpy as jnp
from jax import lax
from jax.experimental import pallas as pl
from jax.experimental.pallas import tpu as pltpu
from jax.experimental.pallas import tpu_sc as plsc

NG = 64
RATIO = 0.8
NC = 2
NS = 16
NW = NC * NS
CHUNK = 128


def _make_aggregate(NP, F, CPT):
  RPT = NP // NS

  mesh = plsc.VectorSubcoreMesh(core_axis_name="c", subcore_axis_name="s")

  @functools.partial(
      pl.kernel,
      out_type=(
          jax.ShapeDtypeStruct((NC, NP, F), jnp.float32),
          jax.ShapeDtypeStruct((NC, NP), jnp.float32),
      ),
      mesh=mesh,
      scratch_types=[
          pltpu.VMEM((2, CHUNK), jnp.int32),
          pltpu.VMEM((2, CHUNK), jnp.int32),
          pltpu.VMEM((2, CHUNK, F), jnp.float32),
          pltpu.VMEM((2, CHUNK), jnp.float32),
          pltpu.VMEM_SHARED((NP, F), jnp.float32),
          pltpu.VMEM_SHARED((NP,), jnp.float32),
          pltpu.SemaphoreType.DMA((2,)),
          pltpu.SemaphoreType.DMA((2,)),
          pltpu.SemaphoreType.DMA((2,)),
      ],
  )
  def agg_kernel(x_hbm, f_hbm, srcg, dstg, zf_hbm, z1_hbm,
                 aggp, degp,
                 src_v, dst_v, rows_v, fv, agg_sh, deg_sh, sem, sem2, sem3):
    c = lax.axis_index("c")
    s = lax.axis_index("s")
    wid = c * NS + s

    pltpu.sync_copy(zf_hbm.at[pl.ds(s * RPT, RPT), :],
                    agg_sh.at[pl.ds(s * RPT, RPT), :])
    pltpu.sync_copy(z1_hbm.at[pl.ds(s * RPT, RPT)],
                    deg_sh.at[pl.ds(s * RPT, RPT)])
    plsc.subcore_barrier()

    def idx_issue(i, b):
      pltpu.async_copy(srcg.at[wid, i], src_v.at[b], sem3.at[b])
      pltpu.async_copy(dstg.at[wid, i], dst_v.at[b], sem3.at[b])

    def idx_wait(i, b):
      pltpu.make_async_copy(srcg.at[wid, i], src_v.at[b], sem3.at[b]).wait()
      pltpu.make_async_copy(dstg.at[wid, i], dst_v.at[b], sem3.at[b]).wait()

    def g_issue(i, b):
      pltpu.async_copy(x_hbm.at[src_v.at[b]], rows_v.at[b], sem.at[b])
      pltpu.async_copy(f_hbm.at[src_v.at[b]], fv.at[b], sem2.at[b])

    def g_wait(i, b):
      pltpu.make_async_copy(x_hbm.at[src_v.at[b]], rows_v.at[b],
                            sem.at[b]).wait()
      pltpu.make_async_copy(f_hbm.at[src_v.at[b]], fv.at[b],
                            sem2.at[b]).wait()

    idx_issue(0, 0)
    idx_wait(0, 0)
    g_issue(0, 0)

    @pl.loop(0, CPT // 2)
    def _(ih):
      for b in range(2):
        i = ih * 2 + b

        @pl.when(i < CPT - 1)
        def _():
          idx_issue(i + 1, 1 - b)

        g_wait(i, b)

        @pl.when(i < CPT - 1)
        def _():
          idx_wait(i + 1, 1 - b)
          g_issue(i + 1, 1 - b)

        pltpu.sync_copy(rows_v.at[b], agg_sh.at[dst_v.at[b]], add=True)
        pltpu.sync_copy(fv.at[b], deg_sh.at[dst_v.at[b]], add=True)

    plsc.subcore_barrier()
    pltpu.sync_copy(agg_sh.at[pl.ds(s * RPT, RPT), :],
                    aggp.at[c, pl.ds(s * RPT, RPT), :])
    pltpu.sync_copy(deg_sh.at[pl.ds(s * RPT, RPT)],
                    degp.at[c, pl.ds(s * RPT, RPT)])

  return agg_kernel


def _linear_block(agg0, agg1, deg0, deg1, x, wlt, bl, wrt, wsc, h_out, s_out):
  deg = jnp.maximum(deg0[...] + deg1[...], 1.0)
  agg = (agg0[...] + agg1[...]) / deg
  h = jnp.dot(agg, wlt[...], preferred_element_type=jnp.float32)
  h = h + bl[...] + jnp.dot(x[...], wrt[...], preferred_element_type=jnp.float32)
  h = jnp.maximum(h, 0.0)
  h_out[...] = h
  s_out[...] = jnp.tanh(jnp.dot(h, wsc[...], preferred_element_type=jnp.float32))


def _linear(aggp, degp, x, wlt, bl, wrt, wsc, NP, F, BN=1024):
  grid = (NP // BN,)
  return pl.pallas_call(
      _linear_block,
      grid=grid,
      in_specs=[
          pl.BlockSpec((None, BN, F), lambda i: (0, i, 0)),
          pl.BlockSpec((None, BN, F), lambda i: (1, i, 0)),
          pl.BlockSpec((None, BN, 1), lambda i: (0, i, 0)),
          pl.BlockSpec((None, BN, 1), lambda i: (1, i, 0)),
          pl.BlockSpec((BN, F), lambda i: (i, 0)),
          pl.BlockSpec((F, F), lambda i: (0, 0)),
          pl.BlockSpec((1, F), lambda i: (0, 0)),
          pl.BlockSpec((F, F), lambda i: (0, 0)),
          pl.BlockSpec((F, 1), lambda i: (0, 0)),
      ],
      out_specs=[
          pl.BlockSpec((BN, F), lambda i: (i, 0)),
          pl.BlockSpec((BN, 1), lambda i: (i, 0)),
      ],
      out_shape=[
          jax.ShapeDtypeStruct((NP, F), jnp.float32),
          jax.ShapeDtypeStruct((NP, 1), jnp.float32),
      ],
  )(aggp, aggp, degp, degp, x, wlt, bl, wrt, wsc)


def _rankro_block(srow, brow, vrow, scol, bcol, vcol, h,
                  keep_out, xn_out, ro_out,
                  rank_s, n_s, mx_s, sm_s, cnt_s, *, BR, BJ, NI, NJ, F):
  i = pl.program_id(0)
  j = pl.program_id(1)

  @pl.when(j == 0)
  def _():
    rank_s[...] = jnp.zeros_like(rank_s)
    n_s[...] = jnp.zeros_like(n_s)

  @pl.when((i == 0) & (j == 0))
  def _():
    mx_s[...] = jnp.full_like(mx_s, -jnp.inf)
    sm_s[...] = jnp.zeros_like(sm_s)
    cnt_s[...] = jnp.zeros_like(cnt_s)

  bi = brow[...]
  bj = bcol[...]

  @pl.when((jnp.min(bj) <= jnp.max(bi)) & (jnp.max(bj) >= jnp.min(bi)))
  def _():
    si = srow[...]
    sj = scol[...]
    vj = vcol[...] > 0.0
    ridx = i * BR + lax.broadcasted_iota(jnp.int32, (BR, 1), 0)
    cidx = j * BJ + lax.broadcasted_iota(jnp.int32, (1, BJ), 1)
    same = (bj == bi) & vj
    ahead = (sj > si) | ((sj == si) & (cidx < ridx))
    rank_s[...] += jnp.sum((same & ahead).astype(jnp.float32), axis=1,
                           keepdims=True)
    n_s[...] += jnp.sum(same.astype(jnp.float32), axis=1, keepdims=True)

  @pl.when(j == NJ - 1)
  def _():
    k = jnp.ceil(jnp.float32(RATIO) * n_s[...])
    kp = (vrow[...] > 0.0) & (rank_s[...] < k)
    keep_out[...] = kp.astype(jnp.float32)
    xn = jnp.where(kp, h[...] * srow[...], 0.0)
    xn_out[...] = xn
    gids = lax.broadcasted_iota(jnp.int32, (1, NG), 1)
    onehot = ((bi == gids) & kp).astype(jnp.float32)
    sm_s[...] += lax.dot_general(onehot, xn, (((0,), (0,)), ((), ())),
                                 preferred_element_type=jnp.float32)
    cnt_s[...] += lax.dot_general(onehot, kp.astype(jnp.float32),
                                  (((0,), (0,)), ((), ())),
                                  preferred_element_type=jnp.float32)

    def gmax(g, carry):
      mask = (bi == g) & kp
      mval = jnp.max(jnp.where(mask, xn, -jnp.inf), axis=0, keepdims=True)
      cur = mx_s[pl.ds(g, 1), :]
      mx_s[pl.ds(g, 1), :] = jnp.maximum(cur, mval)
      return carry

    lax.fori_loop(jnp.min(bi), jnp.max(bi) + 1, gmax, 0)

  @pl.when((i == NI - 1) & (j == NJ - 1))
  def _():
    mean = sm_s[...] / jnp.maximum(cnt_s[...], 1.0)
    ro_out[:, :F] = mx_s[...]
    ro_out[:, F:] = mean


def _rankro(score, batch, valid, h, NP, F, BR=1024, BJ=2048):
  NI, NJ = NP // BR, NP // BJ
  scol = score.reshape(1, NP)
  bcol = batch.reshape(1, NP)
  vcol = valid.reshape(1, NP)
  return pl.pallas_call(
      functools.partial(_rankro_block, BR=BR, BJ=BJ, NI=NI, NJ=NJ, F=F),
      grid=(NI, NJ),
      in_specs=[
          pl.BlockSpec((BR, 1), lambda i, j: (i, 0)),
          pl.BlockSpec((BR, 1), lambda i, j: (i, 0)),
          pl.BlockSpec((BR, 1), lambda i, j: (i, 0)),
          pl.BlockSpec((1, BJ), lambda i, j: (0, j)),
          pl.BlockSpec((1, BJ), lambda i, j: (0, j)),
          pl.BlockSpec((1, BJ), lambda i, j: (0, j)),
          pl.BlockSpec((BR, F), lambda i, j: (i, 0)),
      ],
      out_specs=[
          pl.BlockSpec((BR, 1), lambda i, j: (i, 0)),
          pl.BlockSpec((BR, F), lambda i, j: (i, 0)),
          pl.BlockSpec((NG, 2 * F), lambda i, j: (0, 0)),
      ],
      out_shape=[
          jax.ShapeDtypeStruct((NP, 1), jnp.float32),
          jax.ShapeDtypeStruct((NP, F), jnp.float32),
          jax.ShapeDtypeStruct((NG, 2 * F), jnp.float32),
      ],
      scratch_shapes=[
          pltpu.VMEM((BR, 1), jnp.float32),
          pltpu.VMEM((BR, 1), jnp.float32),
          pltpu.VMEM((NG, F), jnp.float32),
          pltpu.VMEM((NG, F), jnp.float32),
          pltpu.VMEM((NG, 1), jnp.float32),
      ],
  )(score, batch.reshape(NP, 1), valid, scol, bcol, vcol, h)


def _head_block(x1, x2, x3, w1t, b1, w2t, b2, w3t, b3, out):
  z = x1[...] + x2[...] + x3[...]
  z = jnp.maximum(jnp.dot(z, w1t[...], preferred_element_type=jnp.float32)
                  + b1[...], 0.0)
  z = jnp.maximum(jnp.dot(z, w2t[...], preferred_element_type=jnp.float32)
                  + b2[...], 0.0)
  z = jnp.maximum(jnp.dot(z, w3t[...], preferred_element_type=jnp.float32)
                  + b3[...], 0.0)
  out[...] = z


def _head(x1, x2, x3, W1, lb1, W2, lb2, W3, lb3):
  OUT = W3.shape[0]
  return pl.pallas_call(
      _head_block,
      out_shape=jax.ShapeDtypeStruct((NG, OUT), jnp.float32),
  )(x1, x2, x3, W1.T, lb1.reshape(1, -1), W2.T, lb2.reshape(1, -1),
    W3.T, lb3.reshape(1, -1))


def kernel(x, edge_index, batch, Wl1, bl1, Wr1, w1, Wl2, bl2, Wr2, w2,
           Wl3, bl3, Wr3, w3, W1, lb1, W2, lb2, W3, lb3):
  N = x.shape[0]
  F = x.shape[-1]
  E = edge_index.shape[1]

  NP = ((N + 1 + 511) // 512) * 512
  CPT = (E + NW * CHUNK - 1) // (NW * CHUNK)
  CPT = CPT + (CPT % 2)
  EP = NW * CPT * CHUNK

  xp = jnp.zeros((NP, F), jnp.float32).at[:N].set(x.reshape(N, F))
  batch_p = jnp.full((NP,), NG - 1, jnp.int32).at[:N].set(
      batch.astype(jnp.int32))
  valid = (jnp.arange(NP) < N).astype(jnp.float32)
  padidx = (N + (jnp.arange(EP - E) % min(CHUNK, NP - N - 1))).astype(jnp.int32)
  src = jnp.concatenate([edge_index[0].astype(jnp.int32), padidx])
  dst = jnp.concatenate([edge_index[1].astype(jnp.int32), padidx])
  srcg = src.reshape(NW, CPT, CHUNK)
  dstg = dst.reshape(NW, CPT, CHUNK)
  zf = jnp.zeros((NP, F), jnp.float32)
  z1 = jnp.zeros((NP,), jnp.float32)

  aggregate = _make_aggregate(NP, F, CPT)

  def layer(xc, fc, Wl, bl, Wr, w):
    aggp, degp = aggregate(xc, fc, srcg, dstg, zf, z1)
    wsc = (w / jnp.linalg.norm(w)).reshape(F, 1)
    h, score = _linear(aggp, degp.reshape(NC, NP, 1), xc, Wl.T,
                       bl.reshape(1, F), Wr.T, wsc, NP, F)
    keep, xn, ro = _rankro(score, batch_p, fc.reshape(NP, 1), h, NP, F)
    return xn, keep.reshape(NP), ro

  h1, v1, x1 = layer(xp, valid, Wl1, bl1, Wr1, w1)
  h2, v2, x2 = layer(h1, v1, Wl2, bl2, Wr2, w2)
  _, _, x3 = layer(h2, v2, Wl3, bl3, Wr3, w3)
  return _head(x1, x2, x3, W1, lb1, W2, lb2, W3, lb3)

# --- scband reference (transcript-rebuilt; emitter-appended) ---
"""Pipeline reference for scband-net-50783693308236 (READ-ONLY COPY).

The authoritative reference and input builder live on the scoring server;
editing this copy changes nothing except your own understanding.
"""

import jax, jax.numpy as jnp
import numpy as np

NUM_GRAPHS = 64
RATIO = 0.8

def sage_conv(x, edge_index, emask, Wl, bl, Wr):
    # PyG SAGEConv with mean aggregation: lin_l(mean_j x_j) + lin_r(x_i); bias only on lin_l
    src = edge_index[0]
    dst = edge_index[1]
    N = x.shape[0]
    deg = jnp.zeros((N,), x.dtype).at[dst].add(emask.astype(x.dtype))
    agg = jnp.zeros((N, x.shape[1]), x.dtype).at[dst].add(jnp.where(emask[:, None], x[src], 0.0))
    agg = agg / jnp.clip(deg, 1.0)[:, None]
    return agg @ Wl.T + bl + x @ Wr.T

def topk_pool(x, edge_index, emask, batch, valid, w, ratio, num_graphs):
    # PyG TopKPooling: score = tanh(x.w / ||w||); keep top ceil(ratio*n_g) per graph; x' = x[perm]*score[perm]
    score = jnp.tanh((x @ w) / jnp.linalg.norm(w))
    counts = jnp.zeros((num_graphs,), jnp.int32).at[batch].add(valid.astype(jnp.int32))
    k = jnp.ceil(ratio * counts.astype(jnp.float32)).astype(jnp.int32)
    sortb = jnp.where(valid, batch, num_graphs).astype(jnp.int32)
    order = jnp.lexsort((-score, sortb))  # sort by graph (invalid last), then descending score
    sorted_batch = batch[order]
    sorted_valid = valid[order]
    starts = jnp.concatenate([jnp.zeros((1,), counts.dtype), jnp.cumsum(counts)[:-1]])
    N = x.shape[0]
    pos = jnp.arange(N) - starts[sorted_batch]
    keep = sorted_valid & (pos < k[sorted_batch])
    newpos = jnp.cumsum(keep.astype(jnp.int32)) - 1
    total = jnp.sum(keep.astype(jnp.int32))
    dstpos = jnp.where(keep, newpos, N)
    xs = x[order] * score[order][:, None]
    x_new = jnp.zeros_like(x).at[dstpos].set(xs, mode='drop')
    batch_new = jnp.zeros((N,), batch.dtype).at[dstpos].set(sorted_batch, mode='drop')
    valid_new = jnp.arange(N) < total
    newid = jnp.full((N,), -1, jnp.int32).at[order].set(jnp.where(keep, newpos, -1))
    src = edge_index[0]
    dst = edge_index[1]
    s2 = newid[src]
    d2 = newid[dst]
    emask_new = emask & (s2 >= 0) & (d2 >= 0)
    ei_new = jnp.stack([jnp.where(emask_new, s2, 0), jnp.where(emask_new, d2, 0)])
    return x_new, ei_new, emask_new, batch_new, valid_new

def readout(x, batch, valid, num_graphs):
    # cat([global_max_pool, global_mean_pool], dim=1)
    mx = jax.ops.segment_max(jnp.where(valid[:, None], x, -jnp.inf), batch, num_segments=num_graphs)
    sm = jax.ops.segment_sum(jnp.where(valid[:, None], x, 0.0), batch, num_segments=num_graphs)
    cnt = jax.ops.segment_sum(valid.astype(x.dtype), batch, num_segments=num_graphs)
    mean = sm / jnp.clip(cnt, 1.0)[:, None]
    return jnp.concatenate([mx, mean], axis=1)

def setup_inputs(seed: int = 0):
    key = jax.random.key(seed)
    ks = jax.random.split(key, 16)
    N = 10000
    E = 320000
    F_IN = 128  # num_nodes(64) * num_node_feature(2)
    H = 128
    OUT = 64 * 64
    x = jax.random.normal(ks[0], (N, 1, F_IN), jnp.float32)
    edge_index = jax.random.randint(ks[1], (2, E), 0, N, dtype=jnp.int32)
    batch = jnp.sort(jax.random.randint(ks[2], (N,), 0, NUM_GRAPHS, dtype=jnp.int32))
    def lin(k, o, i):
        return jax.random.normal(k, (o, i), jnp.float32) / jnp.sqrt(float(i))
    return {
        "x": x, "edge_index": edge_index, "batch": batch,
        "Wl1": lin(ks[3], H, F_IN), "bl1": jnp.zeros((H,), jnp.float32), "Wr1": lin(ks[4], H, F_IN),
        "w1": jax.random.normal(ks[5], (H,), jnp.float32),
        "Wl2": lin(ks[6], H, H), "bl2": jnp.zeros((H,), jnp.float32), "Wr2": lin(ks[7], H, H),
        "w2": jax.random.normal(ks[8], (H,), jnp.float32),
        "Wl3": lin(ks[9], H, H), "bl3": jnp.zeros((H,), jnp.float32), "Wr3": lin(ks[10], H, H),
        "w3": jax.random.normal(ks[11], (H,), jnp.float32),
        "W1": lin(ks[12], 128, 256), "lb1": jnp.zeros((128,), jnp.float32),
        "W2": lin(ks[13], 64, 128), "lb2": jnp.zeros((64,), jnp.float32),
        "W3": lin(ks[14], OUT, 64), "lb3": jnp.zeros((OUT,), jnp.float32),
    }

def reference(x, edge_index, batch, Wl1, bl1, Wr1, w1, Wl2, bl2, Wr2, w2, Wl3, bl3, Wr3, w3, W1, lb1, W2, lb2, W3, lb3):
    h = x.squeeze(1)
    emask = jnp.ones((edge_index.shape[1],), bool)
    valid = jnp.ones((h.shape[0],), bool)
    h = jax.nn.relu(sage_conv(h, edge_index, emask, Wl1, bl1, Wr1))
    h, ei, em, bt, vm = topk_pool(h, edge_index, emask, batch, valid, w1, RATIO, NUM_GRAPHS)
    x1 = readout(h, bt, vm, NUM_GRAPHS)
    h = jax.nn.relu(sage_conv(h, ei, em, Wl2, bl2, Wr2))
    h, ei, em, bt, vm = topk_pool(h, ei, em, bt, vm, w2, RATIO, NUM_GRAPHS)
    x2 = readout(h, bt, vm, NUM_GRAPHS)
    h = jax.nn.relu(sage_conv(h, ei, em, Wl3, bl3, Wr3))
    h, ei, em, bt, vm = topk_pool(h, ei, em, bt, vm, w3, RATIO, NUM_GRAPHS)
    x3 = readout(h, bt, vm, NUM_GRAPHS)
    z = x1 + x2 + x3
    z = jax.nn.relu(z @ W1.T + lb1)
    z = jax.nn.relu(z @ W2.T + lb2)
    # dropout p=0.3 is identity in eval mode
    z = jax.nn.relu(z @ W3.T + lb3)
    return z

if __name__ == "__main__":
    import jax
    _d = setup_inputs()
    print(jax.jit(kernel)(*tuple(_d.values())))

</pallas_src>

<mosaic_0001>
#map = affine_map<(d0, d1) -> (0, 0)>
#map1 = affine_map<(d0, d1) -> (0)>
#map2 = affine_map<(d0, d1) -> (0, 0, 0)>
module attributes {stable_mosaic.version = 14 : i64} {
  func.func @agg_kernel(%arg0: i32, %arg1: i32, %arg2: memref<10240x128xf32, #tpu.memory_space<hbm>>, %arg3: memref<10240xf32, #tpu.memory_space<hbm>>, %arg4: memref<32x80x128xi32, #tpu.memory_space<hbm>>, %arg5: memref<32x80x128xi32, #tpu.memory_space<hbm>>, %arg6: memref<10240x128xf32, #tpu.memory_space<hbm>>, %arg7: memref<10240xf32, #tpu.memory_space<hbm>>, %arg8: memref<2x10240x128xf32, #tpu.memory_space<hbm>>, %arg9: memref<2x10240xf32, #tpu.memory_space<hbm>>, %arg10: memref<2x128xi32, #tpu.memory_space<vmem>>, %arg11: memref<2x128xi32, #tpu.memory_space<vmem>>, %arg12: memref<2x128x128xf32, #tpu.memory_space<vmem>>, %arg13: memref<2x128xf32, #tpu.memory_space<vmem>>, %arg14: memref<10240x128xf32, #tpu.memory_space<vmem_shared>>, %arg15: memref<10240xf32, #tpu.memory_space<vmem_shared>>, %arg16: memref<2x!tpu.dma_semaphore, #tpu.memory_space<semaphore_mem>>, %arg17: memref<2x!tpu.dma_semaphore, #tpu.memory_space<semaphore_mem>>, %arg18: memref<2x!tpu.dma_semaphore, #tpu.memory_space<semaphore_mem>>) attributes {dimension_semantics = [#tpu.dimension_semantics<core_parallel>, #tpu.dimension_semantics<subcore_parallel>], iteration_bounds = array<i64: 2, 16>, scalar_prefetch = 0 : i64, scratch_operands = 9 : i64, tpu.core_type = #tpu.core_type<sc_vector_subcore>, window_params = [{transform_indices = #map}, {transform_indices = #map1}, {transform_indices = #map2}, {transform_indices = #map2}, {transform_indices = #map}, {transform_indices = #map1}, {transform_indices = #map2}, {transform_indices = #map}]} {
    %mul3A = arith.constant 16 : i32
    %mul3A_0 = arith.muli %arg0, %mul3A : i32
    %add3A = arith.addi %mul3A_0, %arg1 : i32
    %mul3A_1 = arith.constant 640 : i32
    %mul3A_2 = arith.muli %arg1, %mul3A_1 : i32
    %mul3A_3 = arith.constant 640 : i32
    %mul3A_4 = arith.muli %arg1, %mul3A_3 : i32
    "tpu.region"() ({
      %run_scoped3A = tpu.sem_alloc : memref<!tpu.dma_semaphore, #tpu.memory_space<semaphore_mem>>
      %dma_start3A_116 = arith.constant 0 : i32
      %dma_start3A_117 = tpu.memref_slice %arg14[%mul3A_4, %dma_start3A_116] : memref<10240x128xf32, #tpu.memory_space<vmem_shared>> -> memref<640x128xf32, #tpu.memory_space<vmem_shared>>
      %dma_start3A_118 = arith.constant 0 : i32
      %dma_start3A_119 = tpu.memref_slice %arg6[%mul3A_2, %dma_start3A_118] : memref<10240x128xf32, #tpu.memory_space<hbm>> -> memref<640x128xf32, #tpu.memory_space<hbm>>
      tpu.enqueue_dma source(%dma_start3A_119 : memref<640x128xf32, #tpu.memory_space<hbm>>) target(%dma_start3A_117 : memref<640x128xf32, #tpu.memory_space<vmem_shared>>) target_semaphore(%run_scoped3A : memref<!tpu.dma_semaphore, #tpu.memory_space<semaphore_mem>>)
      %dma_wait3A_120 = arith.constant 0 : i32
      %dma_wait3A_121 = tpu.memref_slice %arg14[%mul3A_4, %dma_wait3A_120] : memref<10240x128xf32, #tpu.memory_space<vmem_shared>> -> memref<640x128xf32, #tpu.memory_space<vmem_shared>>
      %dma_wait3A_122 = arith.constant 0 : i32
      %dma_wait3A_123 = tpu.memref_slice %arg6[%mul3A_2, %dma_wait3A_122] : memref<10240x128xf32, #tpu.memory_space<hbm>> -> memref<640x128xf32, #tpu.memory_space<hbm>>
      tpu.wait_dma2 semaphore(%run_scoped3A : memref<!tpu.dma_semaphore, #tpu.memory_space<semaphore_mem>>) src(%dma_wait3A_123 : memref<640x128xf32, #tpu.memory_space<hbm>>) dst(%dma_wait3A_121 : memref<640x128xf32, #tpu.memory_space<vmem_shared>>)
      tpu.yield
    }) : () -> ()
    %mul3A_5 = arith.constant 640 : i32
    %mul3A_6 = arith.muli %arg1, %mul3A_5 : i32
    %mul3A_7 = arith.constant 640 : i32
    %mul3A_8 = arith.muli %arg1, %mul3A_7 : i32
    "tpu.region"() ({
      %run_scoped3A = tpu.sem_alloc : memref<!tpu.dma_semaphore, #tpu.memory_space<semaphore_mem>>
      %dma_start3A_116 = tpu.memref_slice %arg15[%mul3A_8] : memref<10240xf32, #tpu.memory_space<vmem_shared>> -> memref<640xf32, #tpu.memory_space<vmem_shared>>
      %dma_start3A_117 = tpu.memref_slice %arg7[%mul3A_6] : memref<10240xf32, #tpu.memory_space<hbm>> -> memref<640xf32, #tpu.memory_space<hbm>>
      tpu.enqueue_dma source(%dma_start3A_117 : memref<640xf32, #tpu.memory_space<hbm>>) target(%dma_start3A_116 : memref<640xf32, #tpu.memory_space<vmem_shared>>) target_semaphore(%run_scoped3A : memref<!tpu.dma_semaphore, #tpu.memory_space<semaphore_mem>>)
      %dma_wait3A_118 = tpu.memref_slice %arg15[%mul3A_8] : memref<10240xf32, #tpu.memory_space<vmem_shared>> -> memref<640xf32, #tpu.memory_space<vmem_shared>>
      %dma_wait3A_119 = tpu.memref_slice %arg7[%mul3A_6] : memref<10240xf32, #tpu.memory_space<hbm>> -> memref<640xf32, #tpu.memory_space<hbm>>
      tpu.wait_dma2 semaphore(%run_scoped3A : memref<!tpu.dma_semaphore, #tpu.memory_space<semaphore_mem>>) src(%dma_wait3A_119 : memref<640xf32, #tpu.memory_space<hbm>>) dst(%dma_wait3A_118 : memref<640xf32, #tpu.memory_space<vmem_shared>>)
      tpu.yield
    }) : () -> ()
    %barrier3A = arith.constant 0 : index
    tpu.barrier barrier_id(%barrier3A)
    %dma_start3A = arith.constant 0 : i32
    %dma_start3A_9 = arith.constant 0 : i32
    %dma_start3A_10 = arith.constant 0 : i32
    %dma_start3A_11 = arith.constant 0 : i32
    %dma_start3A_12 = tpu.memref_slice %arg10[%dma_start3A_9, %dma_start3A_11] : memref<2x128xi32, #tpu.memory_space<vmem>> -> memref<1x128xi32, #tpu.memory_space<vmem>>
    %dma_start3A_13 = tpu.memref_squeeze %dma_start3A_12 : memref<1x128xi32, #tpu.memory_space<vmem>> -> memref<128xi32, #tpu.memory_space<vmem>>
    %dma_start3A_14 = arith.constant 0 : i32
    %dma_start3A_15 = tpu.memref_slice %arg4[%add3A, %dma_start3A, %dma_start3A_14] : memref<32x80x128xi32, #tpu.memory_space<hbm>> -> memref<1x1x128xi32, #tpu.memory_space<hbm>>
    %dma_start3A_16 = tpu.memref_squeeze %dma_start3A_15 : memref<1x1x128xi32, #tpu.memory_space<hbm>> -> memref<128xi32, #tpu.memory_space<hbm>>
    %dma_start3A_17 = tpu.memref_slice %arg18[%dma_start3A_10] : memref<2x!tpu.dma_semaphore, #tpu.memory_space<semaphore_mem>> -> memref<1x!tpu.dma_semaphore, #tpu.memory_space<semaphore_mem>>
    %dma_start3A_18 = tpu.memref_squeeze %dma_start3A_17 : memref<1x!tpu.dma_semaphore, #tpu.memory_space<semaphore_mem>> -> memref<!tpu.dma_semaphore, #tpu.memory_space<semaphore_mem>>
    %dma_start3A_19 = arith.constant 0 : i32
    %dma_start3A_20 = tpu.memref_slice %arg10[%dma_start3A_9, %dma_start3A_19] : memref<2x128xi32, #tpu.memory_space<vmem>> -> memref<1x128xi32, #tpu.memory_space<vmem>>
    %dma_start3A_21 = tpu.memref_squeeze %dma_start3A_20 : memref<1x128xi32, #tpu.memory_space<vmem>> -> memref<128xi32, #tpu.memory_space<vmem>>
    %dma_start3A_22 = arith.constant 0 : i32
    %dma_start3A_23 = tpu.memref_slice %arg4[%add3A, %dma_start3A, %dma_start3A_22] : memref<32x80x128xi32, #tpu.memory_space<hbm>> -> memref<1x1x128xi32, #tpu.memory_space<hbm>>
    %dma_start3A_24 = tpu.memref_squeeze %dma_start3A_23 : memref<1x1x128xi32, #tpu.memory_space<hbm>> -> memref<128xi32, #tpu.memory_space<hbm>>
    tpu.enqueue_dma source(%dma_start3A_24 : memref<128xi32, #tpu.memory_space<hbm>>) target(%dma_start3A_21 : memref<128xi32, #tpu.memory_space<vmem>>) target_semaphore(%dma_start3A_18 : memref<!tpu.dma_semaphore, #tpu.memory_space<semaphore_mem>>)
    %dma_start3A_25 = arith.constant 0 : i32
    %dma_start3A_26 = arith.constant 0 : i32
    %dma_start3A_27 = arith.constant 0 : i32
    %dma_start3A_28 = arith.constant 0 : i32
    %dma_start3A_29 = tpu.memref_slice %arg11[%dma_start3A_26, %dma_start3A_28] : memref<2x128xi32, #tpu.memory_space<vmem>> -> memref<1x128xi32, #tpu.memory_space<vmem>>
    %dma_start3A_30 = tpu.memref_squeeze %dma_start3A_29 : memref<1x128xi32, #tpu.memory_space<vmem>> -> memref<128xi32, #tpu.memory_space<vmem>>
    %dma_start3A_31 = arith.constant 0 : i32
    %dma_start3A_32 = tpu.memref_slice %arg5[%add3A, %dma_start3A_25, %dma_start3A_31] : memref<32x80x128xi32, #tpu.memory_space<hbm>> -> memref<1x1x128xi32, #tpu.memory_space<hbm>>
    %dma_start3A_33 = tpu.memref_squeeze %dma_start3A_32 : memref<1x1x128xi32, #tpu.memory_space<hbm>> -> memref<128xi32, #tpu.memory_space<hbm>>
    %dma_start3A_34 = tpu.memref_slice %arg18[%dma_start3A_27] : memref<2x!tpu.dma_semaphore, #tpu.memory_space<semaphore_mem>> -> memref<1x!tpu.dma_semaphore, #tpu.memory_space<semaphore_mem>>
    %dma_start3A_35 = tpu.memref_squeeze %dma_start3A_34 : memref<1x!tpu.dma_semaphore, #tpu.memory_space<semaphore_mem>> -> memref<!tpu.dma_semaphore, #tpu.memory_space<semaphore_mem>>
    %dma_start3A_36 = arith.constant 0 : i32
    %dma_start3A_37 = tpu.memref_slice %arg11[%dma_start3A_26, %dma_start3A_36] : memref<2x128xi32, #tpu.memory_space<vmem>> -> memref<1x128xi32, #tpu.memory_space<vmem>>
    %dma_start3A_38 = tpu.memref_squeeze %dma_start3A_37 : memref<1x128xi32, #tpu.memory_space<vmem>> -> memref<128xi32, #tpu.memory_space<vmem>>
    %dma_start3A_39 = arith.constant 0 : i32
    %dma_start3A_40 = tpu.memref_slice %arg5[%add3A, %dma_start3A_25, %dma_start3A_39] : memref<32x80x128xi32, #tpu.memory_space<hbm>> -> memref<1x1x128xi32, #tpu.memory_space<hbm>>
    %dma_start3A_41 = tpu.memref_squeeze %dma_start3A_40 : memref<1x1x128xi32, #tpu.memory_space<hbm>> -> memref<128xi32, #tpu.memory_space<hbm>>
    tpu.enqueue_dma source(%dma_start3A_41 : memref<128xi32, #tpu.memory_space<hbm>>) target(%dma_start3A_38 : memref<128xi32, #tpu.memory_space<vmem>>) target_semaphore(%dma_start3A_35 : memref<!tpu.dma_semaphore, #tpu.memory_space<semaphore_mem>>)
    %dma_wait3A = arith.constant 0 : i32
    %dma_wait3A_42 = arith.constant 0 : i32
    %dma_wait3A_43 = arith.constant 0 : i32
    %dma_wait3A_44 = arith.constant 0 : i32
    %dma_wait3A_45 = tpu.memref_slice %arg10[%dma_wait3A_42, %dma_wait3A_44] : memref<2x128xi32, #tpu.memory_space<vmem>> -> memref<1x128xi32, #tpu.memory_space<vmem>>
    %dma_wait3A_46 = tpu.memref_squeeze %dma_wait3A_45 : memref<1x128xi32, #tpu.memory_space<vmem>> -> memref<128xi32, #tpu.memory_space<vmem>>
    %dma_wait3A_47 = arith.constant 0 : i32
    %dma_wait3A_48 = tpu.memref_slice %arg4[%add3A, %dma_wait3A, %dma_wait3A_47] : memref<32x80x128xi32, #tpu.memory_space<hbm>> -> memref<1x1x128xi32, #tpu.memory_space<hbm>>
    %dma_wait3A_49 = tpu.memref_squeeze %dma_wait3A_48 : memref<1x1x128xi32, #tpu.memory_space<hbm>> -> memref<128xi32, #tpu.memory_space<hbm>>
    %dma_wait3A_50 = tpu.memref_slice %arg18[%dma_wait3A_43] : memref<2x!tpu.dma_semaphore, #tpu.memory_space<semaphore_mem>> -> memref<1x!tpu.dma_semaphore, #tpu.memory_space<semaphore_mem>>
    %dma_wait3A_51 = tpu.memref_squeeze %dma_wait3A_50 : memref<1x!tpu.dma_semaphore, #tpu.memory_space<semaphore_mem>> -> memref<!tpu.dma_semaphore, #tpu.memory_space<semaphore_mem>>
    %dma_wait3A_52 = arith.constant 0 : i32
    %dma_wait3A_53 = tpu.memref_slice %arg10[%dma_wait3A_42, %dma_wait3A_52] : memref<2x128xi32, #tpu.memory_space<vmem>> -> memref<1x128xi32, #tpu.memory_space<vmem>>
    %dma_wait3A_54 = tpu.memref_squeeze %dma_wait3A_53 : memref<1x128xi32, #tpu.memory_space<vmem>> -> memref<128xi32, #tpu.memory_space<vmem>>
    %dma_wait3A_55 = arith.constant 0 : i32
    %dma_wait3A_56 = tpu.memref_slice %arg4[%add3A, %dma_wait3A, %dma_wait3A_55] : memref<32x80x128xi32, #tpu.memory_space<hbm>> -> memref<1x1x128xi32, #tpu.memory_space<hbm>>
    %dma_wait3A_57 = tpu.memref_squeeze %dma_wait3A_56 : memref<1x1x128xi32, #tpu.memory_space<hbm>> -> memref<128xi32, #tpu.memory_space<hbm>>
    tpu.wait_dma2 semaphore(%dma_wait3A_51 : memref<!tpu.dma_semaphore, #tpu.memory_space<semaphore_mem>>) src(%dma_wait3A_57 : memref<128xi32, #tpu.memory_space<hbm>>) dst(%dma_wait3A_54 : memref<128xi32, #tpu.memory_space<vmem>>)
    %dma_wait3A_58 = arith.constant 0 : i32
    %dma_wait3A_59 = arith.constant 0 : i32
    %dma_wait3A_60 = arith.constant 0 : i32
    %dma_wait3A_61 = arith.constant 0 : i32
    %dma_wait3A_62 = tpu.memref_slice %arg11[%dma_wait3A_59, %dma_wait3A_61] : memref<2x128xi32, #tpu.memory_space<vmem>> -> memref<1x128xi32, #tpu.memory_space<vmem>>
    %dma_wait3A_63 = tpu.memref_squeeze %dma_wait3A_62 : memref<1x128xi32, #tpu.memory_space<vmem>> -> memref<128xi32, #tpu.memory_space<vmem>>
    %dma_wait3A_64 = arith.constant 0 : i32
    %dma_wait3A_65 = tpu.memref_slice %arg5[%add3A, %dma_wait3A_58, %dma_wait3A_64] : memref<32x80x128xi32, #tpu.memory_space<hbm>> -> memref<1x1x128xi32, #tpu.memory_space<hbm>>
    %dma_wait3A_66 = tpu.memref_squeeze %dma_wait3A_65 : memref<1x1x128xi32, #tpu.memory_space<hbm>> -> memref<128xi32, #tpu.memory_space<hbm>>
    %dma_wait3A_67 = tpu.memref_slice %arg18[%dma_wait3A_60] : memref<2x!tpu.dma_semaphore, #tpu.memory_space<semaphore_mem>> -> memref<1x!tpu.dma_semaphore, #tpu.memory_space<semaphore_mem>>
    %dma_wait3A_68 = tpu.memref_squeeze %dma_wait3A_67 : memref<1x!tpu.dma_semaphore, #tpu.memory_space<semaphore_mem>> -> memref<!tpu.dma_semaphore, #tpu.memory_space<semaphore_mem>>
    %dma_wait3A_69 = arith.constant 0 : i32
    %dma_wait3A_70 = tpu.memref_slice %arg11[%dma_wait3A_59, %dma_wait3A_69] : memref<2x128xi32, #tpu.memory_space<vmem>> -> memref<1x128xi32, #tpu.memory_space<vmem>>
    %dma_wait3A_71 = tpu.memref_squeeze %dma_wait3A_70 : memref<1x128xi32, #tpu.memory_space<vmem>> -> memref<128xi32, #tpu.memory_space<vmem>>
    %dma_wait3A_72 = arith.constant 0 : i32
    %dma_wait3A_73 = tpu.memref_slice %arg5[%add3A, %dma_wait3A_58, %dma_wait3A_72] : memref<32x80x128xi32, #tpu.memory_space<hbm>> -> memref<1x1x128xi32, #tpu.memory_space<hbm>>
    %dma_wait3A_74 = tpu.memref_squeeze %dma_wait3A_73 : memref<1x1x128xi32, #tpu.memory_space<hbm>> -> memref<128xi32, #tpu.memory_space<hbm>>
    tpu.wait_dma2 semaphore(%dma_wait3A_68 : memref<!tpu.dma_semaphore, #tpu.memory_space<semaphore_mem>>) src(%dma_wait3A_74 : memref<128xi32, #tpu.memory_space<hbm>>) dst(%dma_wait3A_71 : memref<128xi32, #tpu.memory_space<vmem>>)
    %dma_start3A_75 = arith.constant 0 : i32
    %dma_start3A_76 = arith.constant 0 : i32
    %dma_start3A_77 = arith.constant 0 : i32
    %dma_start3A_78 = arith.constant 0 : i32
    %dma_start3A_79 = arith.constant 0 : i32
    %dma_start3A_80 = tpu.memref_slice %arg12[%dma_start3A_76, %dma_start3A_78, %dma_start3A_79] : memref<2x128x128xf32, #tpu.memory_space<vmem>> -> memref<1x128x128xf32, #tpu.memory_space<vmem>>
    %dma_start3A_81 = tpu.memref_squeeze %dma_start3A_80 : memref<1x128x128xf32, #tpu.memory_space<vmem>> -> memref<128x128xf32, #tpu.memory_space<vmem>>
    %dma_start3A_82 = arith.constant 0 : i32
    %dma_start3A_83 = tpu.memref_slice %arg10[%dma_start3A_75, %dma_start3A_82] : memref<2x128xi32, #tpu.memory_space<vmem>> -> memref<1x128xi32, #tpu.memory_space<vmem>>
    %dma_start3A_84 = tpu.memref_squeeze %dma_start3A_83 : memref<1x128xi32, #tpu.memory_space<vmem>> -> memref<128xi32, #tpu.memory_space<vmem>>
    %dma_start3A_85 = arith.constant 0 : i32
    %dma_start3A_86 = arith.constant 0 : i32
    %dma_start3A_87 = tpu.memref_slice %arg2[%dma_start3A_85, %dma_start3A_86] : memref<10240x128xf32, #tpu.memory_space<hbm>> -> memref<10240x128xf32, #tpu.memory_space<hbm>>
    %dma_start3A_88 = tpu.memref_slice %arg16[%dma_start3A_77] : memref<2x!tpu.dma_semaphore, #tpu.memory_space<semaphore_mem>> -> memref<1x!tpu.dma_semaphore, #tpu.memory_space<semaphore_mem>>
    %dma_start3A_89 = tpu.memref_squeeze %dma_start3A_88 : memref<1x!tpu.dma_semaphore, #tpu.memory_space<semaphore_mem>> -> memref<!tpu.dma_semaphore, #tpu.memory_space<semaphore_mem>>
    tpu.enqueue_indirect_dma source(%dma_start3A_87 : memref<10240x128xf32, #tpu.memory_space<hbm>>) target(%dma_start3A_81 : memref<128x128xf32, #tpu.memory_space<vmem>>) offsets(%dma_start3A_84 : memref<128xi32, #tpu.memory_space<vmem>>) semaphore(%dma_start3A_89 : memref<!tpu.dma_semaphore, #tpu.memory_space<semaphore_mem>>)
    %dma_start3A_90 = arith.constant 0 : i32
    %dma_start3A_91 = arith.constant 0 : i32
    %dma_start3A_92 = arith.constant 0 : i32
    %dma_start3A_93 = arith.constant 0 : i32
    %dma_start3A_94 = tpu.memref_slice %arg13[%dma_start3A_91, %dma_start3A_93] : memref<2x128xf32, #tpu.memory_space<vmem>> -> memref<1x128xf32, #tpu.memory_space<vmem>>
    %dma_start3A_95 = tpu.memref_squeeze %dma_start3A_94 : memref<1x128xf32, #tpu.memory_space<vmem>> -> memref<128xf32, #tpu.memory_space<vmem>>
    %dma_start3A_96 = arith.constant 0 : i32
    %dma_start3A_97 = tpu.memref_slice %arg10[%dma_start3A_90, %dma_start3A_96] : memref<2x128xi32, #tpu.memory_space<vmem>> -> memref<1x128xi32, #tpu.memory_space<vmem>>
    %dma_start3A_98 = tpu.memref_squeeze %dma_start3A_97 : memref<1x128xi32, #tpu.memory_space<vmem>> -> memref<128xi32, #tpu.memory_space<vmem>>
    %dma_start3A_99 = arith.constant 0 : i32
    %dma_start3A_100 = tpu.memref_slice %arg3[%dma_start3A_99] : memref<10240xf32, #tpu.memory_space<hbm>> -> memref<10240xf32, #tpu.memory_space<hbm>>
    %dma_start3A_101 = tpu.memref_slice %arg17[%dma_start3A_92] : memref<2x!tpu.dma_semaphore, #tpu.memory_space<semaphore_mem>> -> memref<1x!tpu.dma_semaphore, #tpu.memory_space<semaphore_mem>>
    %dma_start3A_102 = tpu.memref_squeeze %dma_start3A_101 : memref<1x!tpu.dma_semaphore, #tpu.memory_space<semaphore_mem>> -> memref<!tpu.dma_semaphore, #tpu.memory_space<semaphore_mem>>
    tpu.enqueue_indirect_dma source(%dma_start3A_100 : memref<10240xf32, #tpu.memory_space<hbm>>) target(%dma_start3A_95 : memref<128xf32, #tpu.memory_space<vmem>>) offsets(%dma_start3A_98 : memref<128xi32, #tpu.memory_space<vmem>>) semaphore(%dma_start3A_102 : memref<!tpu.dma_semaphore, #tpu.memory_space<semaphore_mem>>)
    %scan3A = arith.constant 0 : i32
    %scan3A_103 = arith.constant 40 : i32
    %scan3A_104 = arith.addi %scan3A, %scan3A_103 : i32
    %scan3A_105 = arith.constant 1 : i32
    scf.for %scan3A_116 = %scan3A to %scan3A_104 step %scan3A_105  : i32 {
      %mul3A_117 = arith.constant 1 : i32
      %mul3A_118 = arith.muli %scan3A_116, %mul3A_117 : i32
      %add3A_119 = arith.constant 0 : i32
      %add3A_120 = arith.addi %add3A_119, %mul3A_118 : i32
      %mul3A_121 = arith.constant 2 : i32
      %mul3A_122 = arith.muli %add3A_120, %mul3A_121 : i32
      %add3A_123 = arith.constant 0 : i32
      %add3A_124 = arith.addi %mul3A_122, %add3A_123 : i32
      %lt3A = arith.constant 79 : i32
      %lt3A_125 = arith.cmpi slt, %add3A_124, %lt3A : i32
      %convert_element_type3A = arith.extui %lt3A_125 : i1 to i32
      %cond3A = arith.constant 0 : i32
      %cond3A_126 = arith.cmpi ne, %convert_element_type3A, %cond3A : i32
      scf.if %cond3A_126 {
        %add3A_209 = arith.constant 1 : i32
        %add3A_210 = arith.addi %add3A_124, %add3A_209 : i32
        %dma_start3A_211 = arith.constant 1 : i32
        %dma_start3A_212 = arith.constant 1 : i32
        %dma_start3A_213 = arith.constant 0 : i32
        %dma_start3A_214 = tpu.memref_slice %arg10[%dma_start3A_211, %dma_start3A_213] : memref<2x128xi32, #tpu.memory_space<vmem>> -> memref<1x128xi32, #tpu.memory_space<vmem>>
        %dma_start3A_215 = tpu.memref_squeeze %dma_start3A_214 : memref<1x128xi32, #tpu.memory_space<vmem>> -> memref<128xi32, #tpu.memory_space<vmem>>
        %dma_start3A_216 = arith.constant 0 : i32
        %dma_start3A_217 = tpu.memref_slice %arg4[%add3A, %add3A_210, %dma_start3A_216] : memref<32x80x128xi32, #tpu.memory_space<hbm>> -> memref<1x1x128xi32, #tpu.memory_space<hbm>>
        %dma_start3A_218 = tpu.memref_squeeze %dma_start3A_217 : memref<1x1x128xi32, #tpu.memory_space<hbm>> -> memref<128xi32, #tpu.memory_space<hbm>>
        %dma_start3A_219 = tpu.memref_slice %arg18[%dma_start3A_212] : memref<2x!tpu.dma_semaphore, #tpu.memory_space<semaphore_mem>> -> memref<1x!tpu.dma_semaphore, #tpu.memory_space<semaphore_mem>>
        %dma_start3A_220 = tpu.memref_squeeze %dma_start3A_219 : memref<1x!tpu.dma_semaphore, #tpu.memory_space<semaphore_mem>> -> memref<!tpu.dma_semaphore, #tpu.memory_space<semaphore_mem>>
        %dma_start3A_221 = arith.constant 0 : i32
        %dma_start3A_222 = tpu.memref_slice %arg10[%dma_start3A_211, %dma_start3A_221] : memref<2x128xi32, #tpu.memory_space<vmem>> -> memref<1x128xi32, #tpu.memory_space<vmem>>
        %dma_start3A_223 = tpu.memref_squeeze %dma_start3A_222 : memref<1x128xi32, #tpu.memory_space<vmem>> -> memref<128xi32, #tpu.memory_space<vmem>>
        %dma_start3A_224 = arith.constant 0 : i32
        %dma_start3A_225 = tpu.memref_slice %arg4[%add3A, %add3A_210, %dma_start3A_224] : memref<32x80x128xi32, #tpu.memory_space<hbm>> -> memref<1x1x128xi32, #tpu.memory_space<hbm>>
        %dma_start3A_226 = tpu.memref_squeeze %dma_start3A_225 : memref<1x1x128xi32, #tpu.memory_space<hbm>> -> memref<128xi32, #tpu.memory_space<hbm>>
        tpu.enqueue_dma source(%dma_start3A_226 : memref<128xi32, #tpu.memory_space<hbm>>) target(%dma_start3A_223 : memref<128xi32, #tpu.memory_space<vmem>>) target_semaphore(%dma_start3A_220 : memref<!tpu.dma_semaphore, #tpu.memory_space<semaphore_mem>>)
        %dma_start3A_227 = arith.constant 1 : i32
        %dma_start3A_228 = arith.constant 1 : i32
        %dma_start3A_229 = arith.constant 0 : i32
        %dma_start3A_230 = tpu.memref_slice %arg11[%dma_start3A_227, %dma_start3A_229] : memref<2x128xi32, #tpu.memory_space<vmem>> -> memref<1x128xi32, #tpu.memory_space<vmem>>
        %dma_start3A_231 = tpu.memref_squeeze %dma_start3A_230 : memref<1x128xi32, #tpu.memory_space<vmem>> -> memref<128xi32, #tpu.memory_space<vmem>>
        %dma_start3A_232 = arith.constant 0 : i32
        %dma_start3A_233 = tpu.memref_slice %arg5[%add3A, %add3A_210, %dma_start3A_232] : memref<32x80x128xi32, #tpu.memory_space<hbm>> -> memref<1x1x128xi32, #tpu.memory_space<hbm>>
        %dma_start3A_234 = tpu.memref_squeeze %dma_start3A_233 : memref<1x1x128xi32, #tpu.memory_space<hbm>> -> memref<128xi32, #tpu.memory_space<hbm>>
        %dma_start3A_235 = tpu.memref_slice %arg18[%dma_start3A_228] : memref<2x!tpu.dma_semaphore, #tpu.memory_space<semaphore_mem>> -> memref<1x!tpu.dma_semaphore, #tpu.memory_space<semaphore_mem>>
        %dma_start3A_236 = tpu.memref_squeeze %dma_start3A_235 : memref<1x!tpu.dma_semaphore, #tpu.memory_space<semaphore_mem>> -> memref<!tpu.dma_semaphore, #tpu.memory_space<semaphore_mem>>
        %dma_start3A_237 = arith.constant 0 : i32
        %dma_start3A_238 = tpu.memref_slice %arg11[%dma_start3A_227, %dma_start3A_237] : memref<2x128xi32, #tpu.memory_space<vmem>> -> memref<1x128xi32, #tpu.memory_space<vmem>>
        %dma_start3A_239 = tpu.memref_squeeze %dma_start3A_238 : memref<1x128xi32, #tpu.memory_space<vmem>> -> memref<128xi32, #tpu.memory_space<vmem>>
        %dma_start3A_240 = arith.constant 0 : i32
        %dma_start3A_241 = tpu.memref_slice %arg5[%add3A, %add3A_210, %dma_start3A_240] : memref<32x80x128xi32, #tpu.memory_space<hbm>> -> memref<1x1x128xi32, #tpu.memory_space<hbm>>
        %dma_start3A_242 = tpu.memref_squeeze %dma_start3A_241 : memref<1x1x128xi32, #tpu.memory_space<hbm>> -> memref<128xi32, #tpu.memory_space<hbm>>
        tpu.enqueue_dma source(%dma_start3A_242 : memref<128xi32, #tpu.memory_space<hbm>>) target(%dma_start3A_239 : memref<128xi32, #tpu.memory_space<vmem>>) target_semaphore(%dma_start3A_236 : memref<!tpu.dma_semaphore, #tpu.memory_space<semaphore_mem>>)
      } else {
      }
      %dma_wait3A_127 = arith.constant 0 : i32
      %dma_wait3A_128 = arith.constant 0 : i32
      %dma_wait3A_129 = arith.constant 0 : i32
      %dma_wait3A_130 = arith.constant 0 : i32
      %dma_wait3A_131 = arith.constant 0 : i32
      %dma_wait3A_132 = tpu.memref_slice %arg12[%dma_wait3A_128, %dma_wait3A_130, %dma_wait3A_131] : memref<2x128x128xf32, #tpu.memory_space<vmem>> -> memref<1x128x128xf32, #tpu.memory_space<vmem>>
      %dma_wait3A_133 = tpu.memref_squeeze %dma_wait3A_132 : memref<1x128x128xf32, #tpu.memory_space<vmem>> -> memref<128x128xf32, #tpu.memory_space<vmem>>
      %dma_wait3A_134 = arith.constant 0 : i32
      %dma_wait3A_135 = tpu.memref_slice %arg10[%dma_wait3A_127, %dma_wait3A_134] : memref<2x128xi32, #tpu.memory_space<vmem>> -> memref<1x128xi32, #tpu.memory_space<vmem>>
      %dma_wait3A_136 = tpu.memref_squeeze %dma_wait3A_135 : memref<1x128xi32, #tpu.memory_space<vmem>> -> memref<128xi32, #tpu.memory_space<vmem>>
      %dma_wait3A_137 = arith.constant 0 : i32
      %dma_wait3A_138 = arith.constant 0 : i32
      %dma_wait3A_139 = tpu.memref_slice %arg2[%dma_wait3A_137, %dma_wait3A_138] : memref<10240x128xf32, #tpu.memory_space<hbm>> -> memref<10240x128xf32, #tpu.memory_space<hbm>>
      %dma_wait3A_140 = tpu.memref_slice %arg16[%dma_wait3A_129] : memref<2x!tpu.dma_semaphore, #tpu.memory_space<semaphore_mem>> -> memref<1x!tpu.dma_semaphore, #tpu.memory_space<semaphore_mem>>
      %dma_wait3A_141 = tpu.memref_squeeze %dma_wait3A_140 : memref<1x!tpu.dma_semaphore, #tpu.memory_space<semaphore_mem>> -> memref<!tpu.dma_semaphore, #tpu.memory_space<semaphore_mem>>
      tpu.wait_indirect_dma semaphore(%dma_wait3A_141 : memref<!tpu.dma_semaphore, #tpu.memory_space<semaphore_mem>>) src(%dma_wait3A_139 : memref<10240x128xf32, #tpu.memory_space<hbm>>) dst(%dma_wait3A_133 : memref<128x128xf32, #tpu.memory_space<vmem>>)
      %dma_wait3A_142 = arith.constant 0 : i32
      %dma_wait3A_143 = arith.constant 0 : i32
      %dma_wait3A_144 = arith.constant 0 : i32
      %dma_wait3A_145 = arith.constant 0 : i32
      %dma_wait3A_146 = tpu.memref_slice %arg13[%dma_wait3A_143, %dma_wait3A_145] : memref<2x128xf32, #tpu.memory_space<vmem>> -> memref<1x128xf32, #tpu.memory_space<vmem>>
      %dma_wait3A_147 = tpu.memref_squeeze %dma_wait3A_146 : memref<1x128xf32, #tpu.memory_space<vmem>> -> memref<128xf32, #tpu.memory_space<vmem>>
      %dma_wait3A_148 = arith.constant 0 : i32
      %dma_wait3A_149 = tpu.memref_slice %arg10[%dma_wait3A_142, %dma_wait3A_148] : memref<2x128xi32, #tpu.memory_space<vmem>> -> memref<1x128xi32, #tpu.memory_space<vmem>>
      %dma_wait3A_150 = tpu.memref_squeeze %dma_wait3A_149 : memref<1x128xi32, #tpu.memory_space<vmem>> -> memref<128xi32, #tpu.memory_space<vmem>>
      %dma_wait3A_151 = arith.constant 0 : i32
      %dma_wait3A_152 = tpu.memref_slice %arg3[%dma_wait3A_151] : memref<10240xf32, #tpu.memory_space<hbm>> -> memref<10240xf32, #tpu.memory_space<hbm>>
      %dma_wait3A_153 = tpu.memref_slice %arg17[%dma_wait3A_144] : memref<2x!tpu.dma_semaphore, #tpu.memory_space<semaphore_mem>> -> memref<1x!tpu.dma_semaphore, #tpu.memory_space<semaphore_mem>>
      %dma_wait3A_154 = tpu.memref_squeeze %dma_wait3A_153 : memref<1x!tpu.dma_semaphore, #tpu.memory_space<semaphore_mem>> -> memref<!tpu.dma_semaphore, #tpu.memory_space<semaphore_mem>>
      tpu.wait_indirect_dma semaphore(%dma_wait3A_154 : memref<!tpu.dma_semaphore, #tpu.memory_space<semaphore_mem>>) src(%dma_wait3A_152 : memref<10240xf32, #tpu.memory_space<hbm>>) dst(%dma_wait3A_147 : memref<128xf32, #tpu.memory_space<vmem>>)
      %lt3A_155 = arith.constant 79 : i32
      %lt3A_156 = arith.cmpi slt, %add3A_124, %lt3A_155 : i32
      %convert_element_type3A_157 = arith.extui %lt3A_156 : i1 to i32
      %cond3A_158 = arith.constant 0 : i32
      %cond3A_159 = arith.cmpi ne, %convert_element_type3A_157, %cond3A_158 : i32
      scf.if %cond3A_159 {
        %add3A_209 = arith.constant 1 : i32
        %add3A_210 = arith.addi %add3A_124, %add3A_209 : i32
        %dma_wait3A_211 = arith.constant 1 : i32
        %dma_wait3A_212 = arith.constant 1 : i32
        %dma_wait3A_213 = arith.constant 0 : i32
        %dma_wait3A_214 = tpu.memref_slice %arg10[%dma_wait3A_211, %dma_wait3A_213] : memref<2x128xi32, #tpu.memory_space<vmem>> -> memref<1x128xi32, #tpu.memory_space<vmem>>
        %dma_wait3A_215 = tpu.memref_squeeze %dma_wait3A_214 : memref<1x128xi32, #tpu.memory_space<vmem>> -> memref<128xi32, #tpu.memory_space<vmem>>
        %dma_wait3A_216 = arith.constant 0 : i32
        %dma_wait3A_217 = tpu.memref_slice %arg4[%add3A, %add3A_210, %dma_wait3A_216] : memref<32x80x128xi32, #tpu.memory_space<hbm>> -> memref<1x1x128xi32, #tpu.memory_space<hbm>>
        %dma_wait3A_218 = tpu.memref_squeeze %dma_wait3A_217 : memref<1x1x128xi32, #tpu.memory_space<hbm>> -> memref<128xi32, #tpu.memory_space<hbm>>
        %dma_wait3A_219 = tpu.memref_slice %arg18[%dma_wait3A_212] : memref<2x!tpu.dma_semaphore, #tpu.memory_space<semaphore_mem>> -> memref<1x!tpu.dma_semaphore, #tpu.memory_space<semaphore_mem>>
        %dma_wait3A_220 = tpu.memref_squeeze %dma_wait3A_219 : memref<1x!tpu.dma_semaphore, #tpu.memory_space<semaphore_mem>> -> memref<!tpu.dma_semaphore, #tpu.memory_space<semaphore_mem>>
        %dma_wait3A_221 = arith.constant 0 : i32
        %dma_wait3A_222 = tpu.memref_slice %arg10[%dma_wait3A_211, %dma_wait3A_221] : memref<2x128xi32, #tpu.memory_space<vmem>> -> memref<1x128xi32, #tpu.memory_space<vmem>>
        %dma_wait3A_223 = tpu.memref_squeeze %dma_wait3A_222 : memref<1x128xi32, #tpu.memory_space<vmem>> -> memref<128xi32, #tpu.memory_space<vmem>>
        %dma_wait3A_224 = arith.constant 0 : i32
        %dma_wait3A_225 = tpu.memref_slice %arg4[%add3A, %add3A_210, %dma_wait3A_224] : memref<32x80x128xi32, #tpu.memory_space<hbm>> -> memref<1x1x128xi32, #tpu.memory_space<hbm>>
        %dma_wait3A_226 = tpu.memref_squeeze %dma_wait3A_225 : memref<1x1x128xi32, #tpu.memory_space<hbm>> -> memref<128xi32, #tpu.memory_space<hbm>>
        tpu.wait_dma2 semaphore(%dma_wait3A_220 : memref<!tpu.dma_semaphore, #tpu.memory_space<semaphore_mem>>) src(%dma_wait3A_226 : memref<128xi32, #tpu.memory_space<hbm>>) dst(%dma_wait3A_223 : memref<128xi32, #tpu.memory_space<vmem>>)
        %dma_wait3A_227 = arith.constant 1 : i32
        %dma_wait3A_228 = arith.constant 1 : i32
        %dma_wait3A_229 = arith.constant 0 : i32
        %dma_wait3A_230 = tpu.memref_slice %arg11[%dma_wait3A_227, %dma_wait3A_229] : memref<2x128xi32, #tpu.memory_space<vmem>> -> memref<1x128xi32, #tpu.memory_space<vmem>>
        %dma_wait3A_231 = tpu.memref_squeeze %dma_wait3A_230 : memref<1x128xi32, #tpu.memory_space<vmem>> -> memref<128xi32, #tpu.memory_space<vmem>>
        %dma_wait3A_232 = arith.constant 0 : i32
        %dma_wait3A_233 = tpu.memref_slice %arg5[%add3A, %add3A_210, %dma_wait3A_232] : memref<32x80x128xi32, #tpu.memory_space<hbm>> -> memref<1x1x128xi32, #tpu.memory_space<hbm>>
        %dma_wait3A_234 = tpu.memref_squeeze %dma_wait3A_233 : memref<1x1x128xi32, #tpu.memory_space<hbm>> -> memref<128xi32, #tpu.memory_space<hbm>>
        %dma_wait3A_235 = tpu.memref_slice %arg18[%dma_wait3A_228] : memref<2x!tpu.dma_semaphore, #tpu.memory_space<semaphore_mem>> -> memref<1x!tpu.dma_semaphore, #tpu.memory_space<semaphore_mem>>
        %dma_wait3A_236 = tpu.memref_squeeze %dma_wait3A_235 : memref<1x!tpu.dma_semaphore, #tpu.memory_space<semaphore_mem>> -> memref<!tpu.dma_semaphore, #tpu.memory_space<semaphore_mem>>
        %dma_wait3A_237 = arith.constant 0 : i32
        %dma_wait3A_238 = tpu.memref_slice %arg11[%dma_wait3A_227, %dma_wait3A_237] : memref<2x128xi32, #tpu.memory_space<vmem>> -> memref<1x128xi32, #tpu.memory_space<vmem>>
        %dma_wait3A_239 = tpu.memref_squeeze %dma_wait3A_238 : memref<1x128xi32, #tpu.memory_space<vmem>> -> memref<128xi32, #tpu.memory_space<vmem>>
        %dma_wait3A_240 = arith.constant 0 : i32
        %dma_wait3A_241 = tpu.memref_slice %arg5[%add3A, %add3A_210, %dma_wait3A_240] : memref<32x80x128xi32, #tpu.memory_space<hbm>> -> memref<1x1x128xi32, #tpu.memory_space<hbm>>
        %dma_wait3A_242 = tpu.memref_squeeze %dma_wait3A_241 : memref<1x1x128xi32, #tpu.memory_space<hbm>> -> memref<128xi32, #tpu.memory_space<hbm>>
        tpu.wait_dma2 semaphore(%dma_wait3A_236 : memref<!tpu.dma_semaphore, #tpu.memory_space<semaphore_mem>>) src(%dma_wait3A_242 : memref<128xi32, #tpu.memory_space<hbm>>) dst(%dma_wait3A_239 : memref<128xi32, #tpu.memory_space<vmem>>)
        %add3A_243 = arith.constant 1 : i32
        %add3A_244 = arith.addi %add3A_124, %add3A_243 : i32
        %dma_start3A_245 = arith.constant 1 : i32
        %dma_start3A_246 = arith.constant 1 : i32
        %dma_start3A_247 = arith.constant 1 : i32
        %dma_start3A_248 = arith.constant 0 : i32
        %dma_start3A_249 = arith.constant 0 : i32
        %dma_start3A_250 = tpu.memref_slice %arg12[%dma_start3A_246, %dma_start3A_248, %dma_start3A_249] : memref<2x128x128xf32, #tpu.memory_space<vmem>> -> memref<1x128x128xf32, #tpu.memory_space<vmem>>
        %dma_start3A_251 = tpu.memref_squeeze %dma_start3A_250 : memref<1x128x128xf32, #tpu.memory_space<vmem>> -> memref<128x128xf32, #tpu.memory_space<vmem>>
        %dma_start3A_252 = arith.constant 0 : i32
        %dma_start3A_253 = tpu.memref_slice %arg10[%dma_start3A_245, %dma_start3A_252] : memref<2x128xi32, #tpu.memory_space<vmem>> -> memref<1x128xi32, #tpu.memory_space<vmem>>
        %dma_start3A_254 = tpu.memref_squeeze %dma_start3A_253 : memref<1x128xi32, #tpu.memory_space<vmem>> -> memref<128xi32, #tpu.memory_space<vmem>>
        %dma_start3A_255 = arith.constant 0 : i32
        %dma_start3A_256 = arith.constant 0 : i32
        %dma_start3A_257 = tpu.memref_slice %arg2[%dma_start3A_255, %dma_start3A_256] : memref<10240x128xf32, #tpu.memory_space<hbm>> -> memref<10240x128xf32, #tpu.memory_space<hbm>>
        %dma_start3A_258 = tpu.memref_slice %arg16[%dma_start3A_247] : memref<2x!tpu.dma_semaphore, #tpu.memory_space<semaphore_mem>> -> memref<1x!tpu.dma_semaphore, #tpu.memory_space<semaphore_mem>>
        %dma_start3A_259 = tpu.memref_squeeze %dma_start3A_258 : memref<1x!tpu.dma_semaphore, #tpu.memory_space<semaphore_mem>> -> memref<!tpu.dma_semaphore, #tpu.memory_space<semaphore_mem>>
        tpu.enqueue_indirect_dma source(%dma_start3A_257 : memref<10240x128xf32, #tpu.memory_space<hbm>>) target(%dma_start3A_251 : memref<128x128xf32, #tpu.memory_space<vmem>>) offsets(%dma_start3A_254 : memref<128xi32, #tpu.memory_space<vmem>>) semaphore(%dma_start3A_259 : memref<!tpu.dma_semaphore, #tpu.memory_space<semaphore_mem>>)
        %dma_start3A_260 = arith.constant 1 : i32
        %dma_start3A_261 = arith.constant 1 : i32
        %dma_start3A_262 = arith.constant 1 : i32
        %dma_start3A_263 = arith.constant 0 : i32
        %dma_start3A_264 = tpu.memref_slice %arg13[%dma_start3A_261, %dma_start3A_263] : memref<2x128xf32, #tpu.memory_space<vmem>> -> memref<1x128xf32, #tpu.memory_space<vmem>>
        %dma_start3A_265 = tpu.memref_squeeze %dma_start3A_264 : memref<1x128xf32, #tpu.memory_space<vmem>> -> memref<128xf32, #tpu.memory_space<vmem>>
        %dma_start3A_266 = arith.constant 0 : i32
        %dma_start3A_267 = tpu.memref_slice %arg10[%dma_start3A_260, %dma_start3A_266] : memref<2x128xi32, #tpu.memory_space<vmem>> -> memref<1x128xi32, #tpu.memory_space<vmem>>
        %dma_start3A_268 = tpu.memref_squeeze %dma_start3A_267 : memref<1x128xi32, #tpu.memory_space<vmem>> -> memref<128xi32, #tpu.memory_space<vmem>>
        %dma_start3A_269 = arith.constant 0 : i32
        %dma_start3A_270 = tpu.memref_slice %arg3[%dma_start3A_269] : memref<10240xf32, #tpu.memory_space<hbm>> -> memref<10240xf32, #tpu.memory_space<hbm>>
        %dma_start3A_271 = tpu.memref_slice %arg17[%dma_start3A_262] : memref<2x!tpu.dma_semaphore, #tpu.memory_space<semaphore_mem>> -> memref<1x!tpu.dma_semaphore, #tpu.memory_space<semaphore_mem>>
        %dma_start3A_272 = tpu.memref_squeeze %dma_start3A_271 : memref<1x!tpu.dma_semaphore, #tpu.memory_space<semaphore_mem>> -> memref<!tpu.dma_semaphore, #tpu.memory_space<semaphore_mem>>
        tpu.enqueue_indirect_dma source(%dma_start3A_270 : memref<10240xf32, #tpu.memory_space<hbm>>) target(%dma_start3A_265 : memref<128xf32, #tpu.memory_space<vmem>>) offsets(%dma_start3A_268 : memref<128xi32, #tpu.memory_space<vmem>>) semaphore(%dma_start3A_272 : memref<!tpu.dma_semaphore, #tpu.memory_space<semaphore_mem>>)
      } else {
      }
      %run_scoped3A = arith.constant 0 : i32
      %run_scoped3A_160 = arith.constant 0 : i32
      "tpu.region"() ({
        %run_scoped3A_209 = tpu.sem_alloc : memref<!tpu.dma_semaphore, #tpu.memory_space<semaphore_mem>>
        %dma_start3A_210 = arith.constant 0 : i32
        %dma_start3A_211 = arith.constant 0 : i32
        %dma_start3A_212 = tpu.memref_slice %arg12[%run_scoped3A, %dma_start3A_210, %dma_start3A_211] : memref<2x128x128xf32, #tpu.memory_space<vmem>> -> memref<1x128x128xf32, #tpu.memory_space<vmem>>
        %dma_start3A_213 = tpu.memref_squeeze %dma_start3A_212 : memref<1x128x128xf32, #tpu.memory_space<vmem>> -> memref<128x128xf32, #tpu.memory_space<vmem>>
        %dma_start3A_214 = arith.constant 0 : i32
        %dma_start3A_215 = tpu.memref_slice %arg11[%run_scoped3A_160, %dma_start3A_214] : memref<2x128xi32, #tpu.memory_space<vmem>> -> memref<1x128xi32, #tpu.memory_space<vmem>>
        %dma_start3A_216 = tpu.memref_squeeze %dma_start3A_215 : memref<1x128xi32, #tpu.memory_space<vmem>> -> memref<128xi32, #tpu.memory_space<vmem>>
        %dma_start3A_217 = arith.constant 0 : i32
        %dma_start3A_218 = arith.constant 0 : i32
        %dma_start3A_219 = tpu.memref_slice %arg14[%dma_start3A_217, %dma_start3A_218] : memref<10240x128xf32, #tpu.memory_space<vmem_shared>> -> memref<10240x128xf32, #tpu.memory_space<vmem_shared>>
        tpu.enqueue_indirect_dma source(%dma_start3A_213 : memref<128x128xf32, #tpu.memory_space<vmem>>) target(%dma_start3A_219 : memref<10240x128xf32, #tpu.memory_space<vmem_shared>>) offsets(%dma_start3A_216 : memref<128xi32, #tpu.memory_space<vmem>>) semaphore(%run_scoped3A_209 : memref<!tpu.dma_semaphore, #tpu.memory_space<semaphore_mem>>) {add = true}
        %dma_wait3A_220 = arith.constant 0 : i32
        %dma_wait3A_221 = arith.constant 0 : i32
        %dma_wait3A_222 = tpu.memref_slice %arg12[%run_scoped3A, %dma_wait3A_220, %dma_wait3A_221] : memref<2x128x128xf32, #tpu.memory_space<vmem>> -> memref<1x128x128xf32, #tpu.memory_space<vmem>>
        %dma_wait3A_223 = tpu.memref_squeeze %dma_wait3A_222 : memref<1x128x128xf32, #tpu.memory_space<vmem>> -> memref<128x128xf32, #tpu.memory_space<vmem>>
        %dma_wait3A_224 = arith.constant 0 : i32
        %dma_wait3A_225 = tpu.memref_slice %arg11[%run_scoped3A_160, %dma_wait3A_224] : memref<2x128xi32, #tpu.memory_space<vmem>> -> memref<1x128xi32, #tpu.memory_space<vmem>>
        %dma_wait3A_226 = tpu.memref_squeeze %dma_wait3A_225 : memref<1x128xi32, #tpu.memory_space<vmem>> -> memref<128xi32, #tpu.memory_space<vmem>>
        %dma_wait3A_227 = arith.constant 0 : i32
        %dma_wait3A_228 = arith.constant 0 : i32
        %dma_wait3A_229 = tpu.memref_slice %arg14[%dma_wait3A_227, %dma_wait3A_228] : memref<10240x128xf32, #tpu.memory_space<vmem_shared>> -> memref<10240x128xf32, #tpu.memory_space<vmem_shared>>
        tpu.wait_indirect_dma semaphore(%run_scoped3A_209 : memref<!tpu.dma_semaphore, #tpu.memory_space<semaphore_mem>>) src(%dma_wait3A_223 : memref<128x128xf32, #tpu.memory_space<vmem>>) dst(%dma_wait3A_229 : memref<10240x128xf32, #tpu.memory_space<vmem_shared>>)
        tpu.yield
      }) : () -> ()
      %run_scoped3A_161 = arith.constant 0 : i32
      %run_scoped3A_162 = arith.constant 0 : i32
      "tpu.region"() ({
        %run_scoped3A_209 = tpu.sem_alloc : memref<!tpu.dma_semaphore, #tpu.memory_space<semaphore_mem>>
        %dma_start3A_210 = arith.constant 0 : i32
        %dma_start3A_211 = tpu.memref_slice %arg13[%run_scoped3A_161, %dma_start3A_210] : memref<2x128xf32, #tpu.memory_space<vmem>> -> memref<1x128xf32, #tpu.memory_space<vmem>>
        %dma_start3A_212 = tpu.memref_squeeze %dma_start3A_211 : memref<1x128xf32, #tpu.memory_space<vmem>> -> memref<128xf32, #tpu.memory_space<vmem>>
        %dma_start3A_213 = arith.constant 0 : i32
        %dma_start3A_214 = tpu.memref_slice %arg11[%run_scoped3A_162, %dma_start3A_213] : memref<2x128xi32, #tpu.memory_space<vmem>> -> memref<1x128xi32, #tpu.memory_space<vmem>>
        %dma_start3A_215 = tpu.memref_squeeze %dma_start3A_214 : memref<1x128xi32, #tpu.memory_space<vmem>> -> memref<128xi32, #tpu.memory_space<vmem>>
        %dma_start3A_216 = arith.constant 0 : i32
        %dma_start3A_217 = tpu.memref_slice %arg15[%dma_start3A_216] : memref<10240xf32, #tpu.memory_space<vmem_shared>> -> memref<10240xf32, #tpu.memory_space<vmem_shared>>
        tpu.enqueue_indirect_dma source(%dma_start3A_212 : memref<128xf32, #tpu.memory_space<vmem>>) target(%dma_start3A_217 : memref<10240xf32, #tpu.memory_space<vmem_shared>>) offsets(%dma_start3A_215 : memref<128xi32, #tpu.memory_space<vmem>>) semaphore(%run_scoped3A_209 : memref<!tpu.dma_semaphore, #tpu.memory_space<semaphore_mem>>) {add = true}
        %dma_wait3A_218 = arith.constant 0 : i32
        %dma_wait3A_219 = tpu.memref_slice %arg13[%run_scoped3A_161, %dma_wait3A_218] : memref<2x128xf32, #tpu.memory_space<vmem>> -> memref<1x128xf32, #tpu.memory_space<vmem>>
        %dma_wait3A_220 = tpu.memref_squeeze %dma_wait3A_219 : memref<1x128xf32, #tpu.memory_space<vmem>> -> memref<128xf32, #tpu.memory_space<vmem>>
        %dma_wait3A_221 = arith.constant 0 : i32
        %dma_wait3A_222 = tpu.memref_slice %arg11[%run_scoped3A_162, %dma_wait3A_221] : memref<2x128xi32, #tpu.memory_space<vmem>> -> memref<1x128xi32, #tpu.memory_space<vmem>>
        %dma_wait3A_223 = tpu.memref_squeeze %dma_wait3A_222 : memref<1x128xi32, #tpu.memory_space<vmem>> -> memref<128xi32, #tpu.memory_space<vmem>>
        %dma_wait3A_224 = arith.constant 0 : i32
        %dma_wait3A_225 = tpu.memref_slice %arg15[%dma_wait3A_224] : memref<10240xf32, #tpu.memory_space<vmem_shared>> -> memref<10240xf32, #tpu.memory_space<vmem_shared>>
        tpu.wait_indirect_dma semaphore(%run_scoped3A_209 : memref<!tpu.dma_semaphore, #tpu.memory_space<semaphore_mem>>) src(%dma_wait3A_220 : memref<128xf32, #tpu.memory_space<vmem>>) dst(%dma_wait3A_225 : memref<10240xf32, #tpu.memory_space<vmem_shared>>)
        tpu.yield
      }) : () -> ()
      %mul3A_163 = arith.constant 2 : i32
      %mul3A_164 = arith.muli %add3A_120, %mul3A_163 : i32
      %add3A_165 = arith.constant 1 : i32
      %add3A_166 = arith.addi %mul3A_164, %add3A_165 : i32
      %lt3A_167 = arith.constant 79 : i32
      %lt3A_168 = arith.cmpi slt, %add3A_166, %lt3A_167 : i32
      %convert_element_type3A_169 = arith.extui %lt3A_168 : i1 to i32
      %cond3A_170 = arith.constant 0 : i32
      %cond3A_171 = arith.cmpi ne, %convert_element_type3A_169, %cond3A_170 : i32
      scf.if %cond3A_171 {
        %add3A_209 = arith.constant 1 : i32
        %add3A_210 = arith.addi %add3A_166, %add3A_209 : i32
        %dma_start3A_211 = arith.constant 0 : i32
        %dma_start3A_212 = arith.constant 0 : i32
        %dma_start3A_213 = arith.constant 0 : i32
        %dma_start3A_214 = tpu.memref_slice %arg10[%dma_start3A_211, %dma_start3A_213] : memref<2x128xi32, #tpu.memory_space<vmem>> -> memref<1x128xi32, #tpu.memory_space<vmem>>
        %dma_start3A_215 = tpu.memref_squeeze %dma_start3A_214 : memref<1x128xi32, #tpu.memory_space<vmem>> -> memref<128xi32, #tpu.memory_space<vmem>>
        %dma_start3A_216 = arith.constant 0 : i32
        %dma_start3A_217 = tpu.memref_slice %arg4[%add3A, %add3A_210, %dma_start3A_216] : memref<32x80x128xi32, #tpu.memory_space<hbm>> -> memref<1x1x128xi32, #tpu.memory_space<hbm>>
        %dma_start3A_218 = tpu.memref_squeeze %dma_start3A_217 : memref<1x1x128xi32, #tpu.memory_space<hbm>> -> memref<128xi32, #tpu.memory_space<hbm>>
        %dma_start3A_219 = tpu.memref_slice %arg18[%dma_start3A_212] : memref<2x!tpu.dma_semaphore, #tpu.memory_space<semaphore_mem>> -> memref<1x!tpu.dma_semaphore, #tpu.memory_space<semaphore_mem>>
        %dma_start3A_220 = tpu.memref_squeeze %dma_start3A_219 : memref<1x!tpu.dma_semaphore, #tpu.memory_space<semaphore_mem>> -> memref<!tpu.dma_semaphore, #tpu.memory_space<semaphore_mem>>
        %dma_start3A_221 = arith.constant 0 : i32
        %dma_start3A_222 = tpu.memref_slice %arg10[%dma_start3A_211, %dma_start3A_221] : memref<2x128xi32, #tpu.memory_space<vmem>> -> memref<1x128xi32, #tpu.memory_space<vmem>>
        %dma_start3A_223 = tpu.memref_squeeze %dma_start3A_222 : memref<1x128xi32, #tpu.memory_space<vmem>> -> memref<128xi32, #tpu.memory_space<vmem>>
        %dma_start3A_224 = arith.constant 0 : i32
        %dma_start3A_225 = tpu.memref_slice %arg4[%add3A, %add3A_210, %dma_start3A_224] : memref<32x80x128xi32, #tpu.memory_space<hbm>> -> memref<1x1x128xi32, #tpu.memory_space<hbm>>
        %dma_start3A_226 = tpu.memref_squeeze %dma_start3A_225 : memref<1x1x128xi32, #tpu.memory_space<hbm>> -> memref<128xi32, #tpu.memory_space<hbm>>
        tpu.enqueue_dma source(%dma_start3A_226 : memref<128xi32, #tpu.memory_space<hbm>>) target(%dma_start3A_223 : memref<128xi32, #tpu.memory_space<vmem>>) target_semaphore(%dma_start3A_220 : memref<!tpu.dma_semaphore, #tpu.memory_space<semaphore_mem>>)
        %dma_start3A_227 = arith.constant 0 : i32
        %dma_start3A_228 = arith.constant 0 : i32
        %dma_start3A_229 = arith.constant 0 : i32
        %dma_start3A_230 = tpu.memref_slice %arg11[%dma_start3A_227, %dma_start3A_229] : memref<2x128xi32, #tpu.memory_space<vmem>> -> memref<1x128xi32, #tpu.memory_space<vmem>>
        %dma_start3A_231 = tpu.memref_squeeze %dma_start3A_230 : memref<1x128xi32, #tpu.memory_space<vmem>> -> memref<128xi32, #tpu.memory_space<vmem>>
        %dma_start3A_232 = arith.constant 0 : i32
        %dma_start3A_233 = tpu.memref_slice %arg5[%add3A, %add3A_210, %dma_start3A_232] : memref<32x80x128xi32, #tpu.memory_space<hbm>> -> memref<1x1x128xi32, #tpu.memory_space<hbm>>
        %dma_start3A_234 = tpu.memref_squeeze %dma_start3A_233 : memref<1x1x128xi32, #tpu.memory_space<hbm>> -> memref<128xi32, #tpu.memory_space<hbm>>
        %dma_start3A_235 = tpu.memref_slice %arg18[%dma_start3A_228] : memref<2x!tpu.dma_semaphore, #tpu.memory_space<semaphore_mem>> -> memref<1x!tpu.dma_semaphore, #tpu.memory_space<semaphore_mem>>
        %dma_start3A_236 = tpu.memref_squeeze %dma_start3A_235 : memref<1x!tpu.dma_semaphore, #tpu.memory_space<semaphore_mem>> -> memref<!tpu.dma_semaphore, #tpu.memory_space<semaphore_mem>>
        %dma_start3A_237 = arith.constant 0 : i32
        %dma_start3A_238 = tpu.memref_slice %arg11[%dma_start3A_227, %dma_start3A_237] : memref<2x128xi32, #tpu.memory_space<vmem>> -> memref<1x128xi32, #tpu.memory_space<vmem>>
        %dma_start3A_239 = tpu.memref_squeeze %dma_start3A_238 : memref<1x128xi32, #tpu.memory_space<vmem>> -> memref<128xi32, #tpu.memory_space<vmem>>
        %dma_start3A_240 = arith.constant 0 : i32
        %dma_start3A_241 = tpu.memref_slice %arg5[%add3A, %add3A_210, %dma_start3A_240] : memref<32x80x128xi32, #tpu.memory_space<hbm>> -> memref<1x1x128xi32, #tpu.memory_space<hbm>>
        %dma_start3A_242 = tpu.memref_squeeze %dma_start3A_241 : memref<1x1x128xi32, #tpu.memory_space<hbm>> -> memref<128xi32, #tpu.memory_space<hbm>>
        tpu.enqueue_dma source(%dma_start3A_242 : memref<128xi32, #tpu.memory_space<hbm>>) target(%dma_start3A_239 : memref<128xi32, #tpu.memory_space<vmem>>) target_semaphore(%dma_start3A_236 : memref<!tpu.dma_semaphore, #tpu.memory_space<semaphore_mem>>)
      } else {
      }
      %dma_wait3A_172 = arith.constant 1 : i32
      %dma_wait3A_173 = arith.constant 1 : i32
      %dma_wait3A_174 = arith.constant 1 : i32
      %dma_wait3A_175 = arith.constant 0 : i32
      %dma_wait3A_176 = arith.constant 0 : i32
      %dma_wait3A_177 = tpu.memref_slice %arg12[%dma_wait3A_173, %dma_wait3A_175, %dma_wait3A_176] : memref<2x128x128xf32, #tpu.memory_space<vmem>> -> memref<1x128x128xf32, #tpu.memory_space<vmem>>
      %dma_wait3A_178 = tpu.memref_squeeze %dma_wait3A_177 : memref<1x128x128xf32, #tpu.memory_space<vmem>> -> memref<128x128xf32, #tpu.memory_space<vmem>>
      %dma_wait3A_179 = arith.constant 0 : i32
      %dma_wait3A_180 = tpu.memref_slice %arg10[%dma_wait3A_172, %dma_wait3A_179] : memref<2x128xi32, #tpu.memory_space<vmem>> -> memref<1x128xi32, #tpu.memory_space<vmem>>
      %dma_wait3A_181 = tpu.memref_squeeze %dma_wait3A_180 : memref<1x128xi32, #tpu.memory_space<vmem>> -> memref<128xi32, #tpu.memory_space<vmem>>
      %dma_wait3A_182 = arith.constant 0 : i32
      %dma_wait3A_183 = arith.constant 0 : i32
      %dma_wait3A_184 = tpu.memref_slice %arg2[%dma_wait3A_182, %dma_wait3A_183] : memref<10240x128xf32, #tpu.memory_space<hbm>> -> memref<10240x128xf32, #tpu.memory_space<hbm>>
      %dma_wait3A_185 = tpu.memref_slice %arg16[%dma_wait3A_174] : memref<2x!tpu.dma_semaphore, #tpu.memory_space<semaphore_mem>> -> memref<1x!tpu.dma_semaphore, #tpu.memory_space<semaphore_mem>>
      %dma_wait3A_186 = tpu.memref_squeeze %dma_wait3A_185 : memref<1x!tpu.dma_semaphore, #tpu.memory_space<semaphore_mem>> -> memref<!tpu.dma_semaphore, #tpu.memory_space<semaphore_mem>>
      tpu.wait_indirect_dma semaphore(%dma_wait3A_186 : memref<!tpu.dma_semaphore, #tpu.memory_space<semaphore_mem>>) src(%dma_wait3A_184 : memref<10240x128xf32, #tpu.memory_space<hbm>>) dst(%dma_wait3A_178 : memref<128x128xf32, #tpu.memory_space<vmem>>)
      %dma_wait3A_187 = arith.constant 1 : i32
      %dma_wait3A_188 = arith.constant 1 : i32
      %dma_wait3A_189 = arith.constant 1 : i32
      %dma_wait3A_190 = arith.constant 0 : i32
      %dma_wait3A_191 = tpu.memref_slice %arg13[%dma_wait3A_188, %dma_wait3A_190] : memref<2x128xf32, #tpu.memory_space<vmem>> -> memref<1x128xf32, #tpu.memory_space<vmem>>
      %dma_wait3A_192 = tpu.memref_squeeze %dma_wait3A_191 : memref<1x128xf32, #tpu.memory_space<vmem>> -> memref<128xf32, #tpu.memory_space<vmem>>
      %dma_wait3A_193 = arith.constant 0 : i32
      %dma_wait3A_194 = tpu.memref_slice %arg10[%dma_wait3A_187, %dma_wait3A_193] : memref<2x128xi32, #tpu.memory_space<vmem>> -> memref<1x128xi32, #tpu.memory_space<vmem>>
      %dma_wait3A_195 = tpu.memref_squeeze %dma_wait3A_194 : memref<1x128xi32, #tpu.memory_space<vmem>> -> memref<128xi32, #tpu.memory_space<vmem>>
      %dma_wait3A_196 = arith.constant 0 : i32
      %dma_wait3A_197 = tpu.memref_slice %arg3[%dma_wait3A_196] : memref<10240xf32, #tpu.memory_space<hbm>> -> memref<10240xf32, #tpu.memory_space<hbm>>
      %dma_wait3A_198 = tpu.memref_slice %arg17[%dma_wait3A_189] : memref<2x!tpu.dma_semaphore, #tpu.memory_space<semaphore_mem>> -> memref<1x!tpu.dma_semaphore, #tpu.memory_space<semaphore_mem>>
      %dma_wait3A_199 = tpu.memref_squeeze %dma_wait3A_198 : memref<1x!tpu.dma_semaphore, #tpu.memory_space<semaphore_mem>> -> memref<!tpu.dma_semaphore, #tpu.memory_space<semaphore_mem>>
      tpu.wait_indirect_dma semaphore(%dma_wait3A_199 : memref<!tpu.dma_semaphore, #tpu.memory_space<semaphore_mem>>) src(%dma_wait3A_197 : memref<10240xf32, #tpu.memory_space<hbm>>) dst(%dma_wait3A_192 : memref<128xf32, #tpu.memory_space<vmem>>)
      %lt3A_200 = arith.constant 79 : i32
      %lt3A_201 = arith.cmpi slt, %add3A_166, %lt3A_200 : i32
      %convert_element_type3A_202 = arith.extui %lt3A_201 : i1 to i32
      %cond3A_203 = arith.constant 0 : i32
      %cond3A_204 = arith.cmpi ne, %convert_element_type3A_202, %cond3A_203 : i32
      scf.if %cond3A_204 {
        %add3A_209 = arith.constant 1 : i32
        %add3A_210 = arith.addi %add3A_166, %add3A_209 : i32
        %dma_wait3A_211 = arith.constant 0 : i32
        %dma_wait3A_212 = arith.constant 0 : i32
        %dma_wait3A_213 = arith.constant 0 : i32
        %dma_wait3A_214 = tpu.memref_slice %arg10[%dma_wait3A_211, %dma_wait3A_213] : memref<2x128xi32, #tpu.memory_space<vmem>> -> memref<1x128xi32, #tpu.memory_space<vmem>>
        %dma_wait3A_215 = tpu.memref_squeeze %dma_wait3A_214 : memref<1x128xi32, #tpu.memory_space<vmem>> -> memref<128xi32, #tpu.memory_space<vmem>>
        %dma_wait3A_216 = arith.constant 0 : i32
        %dma_wait3A_217 = tpu.memref_slice %arg4[%add3A, %add3A_210, %dma_wait3A_216] : memref<32x80x128xi32, #tpu.memory_space<hbm>> -> memref<1x1x128xi32, #tpu.memory_space<hbm>>
        %dma_wait3A_218 = tpu.memref_squeeze %dma_wait3A_217 : memref<1x1x128xi32, #tpu.memory_space<hbm>> -> memref<128xi32, #tpu.memory_space<hbm>>
        %dma_wait3A_219 = tpu.memref_slice %arg18[%dma_wait3A_212] : memref<2x!tpu.dma_semaphore, #tpu.memory_space<semaphore_mem>> -> memref<1x!tpu.dma_semaphore, #tpu.memory_space<semaphore_mem>>
        %dma_wait3A_220 = tpu.memref_squeeze %dma_wait3A_219 : memref<1x!tpu.dma_semaphore, #tpu.memory_space<semaphore_mem>> -> memref<!tpu.dma_semaphore, #tpu.memory_space<semaphore_mem>>
        %dma_wait3A_221 = arith.constant 0 : i32
        %dma_wait3A_222 = tpu.memref_slice %arg10[%dma_wait3A_211, %dma_wait3A_221] : memref<2x128xi32, #tpu.memory_space<vmem>> -> memref<1x128xi32, #tpu.memory_space<vmem>>
        %dma_wait3A_223 = tpu.memref_squeeze %dma_wait3A_222 : memref<1x128xi32, #tpu.memory_space<vmem>> -> memref<128xi32, #tpu.memory_space<vmem>>
        %dma_wait3A_224 = arith.constant 0 : i32
        %dma_wait3A_225 = tpu.memref_slice %arg4[%add3A, %add3A_210, %dma_wait3A_224] : memref<32x80x128xi32, #tpu.memory_space<hbm>> -> memref<1x1x128xi32, #tpu.memory_space<hbm>>
        %dma_wait3A_226 = tpu.memref_squeeze %dma_wait3A_225 : memref<1x1x128xi32, #tpu.memory_space<hbm>> -> memref<128xi32, #tpu.memory_space<hbm>>
        tpu.wait_dma2 semaphore(%dma_wait3A_220 : memref<!tpu.dma_semaphore, #tpu.memory_space<semaphore_mem>>) src(%dma_wait3A_226 : memref<128xi32, #tpu.memory_space<hbm>>) dst(%dma_wait3A_223 : memref<128xi32, #tpu.memory_space<vmem>>)
        %dma_wait3A_227 = arith.constant 0 : i32
        %dma_wait3A_228 = arith.constant 0 : i32
        %dma_wait3A_229 = arith.constant 0 : i32
        %dma_wait3A_230 = tpu.memref_slice %arg11[%dma_wait3A_227, %dma_wait3A_229] : memref<2x128xi32, #tpu.memory_space<vmem>> -> memref<1x128xi32, #tpu.memory_space<vmem>>
        %dma_wait3A_231 = tpu.memref_squeeze %dma_wait3A_230 : memref<1x128xi32, #tpu.memory_space<vmem>> -> memref<128xi32, #tpu.memory_space<vmem>>
        %dma_wait3A_232 = arith.constant 0 : i32
        %dma_wait3A_233 = tpu.memref_slice %arg5[%add3A, %add3A_210, %dma_wait3A_232] : memref<32x80x128xi32, #tpu.memory_space<hbm>> -> memref<1x1x128xi32, #tpu.memory_space<hbm>>
        %dma_wait3A_234 = tpu.memref_squeeze %dma_wait3A_233 : memref<1x1x128xi32, #tpu.memory_space<hbm>> -> memref<128xi32, #tpu.memory_space<hbm>>
        %dma_wait3A_235 = tpu.memref_slice %arg18[%dma_wait3A_228] : memref<2x!tpu.dma_semaphore, #tpu.memory_space<semaphore_mem>> -> memref<1x!tpu.dma_semaphore, #tpu.memory_space<semaphore_mem>>
        %dma_wait3A_236 = tpu.memref_squeeze %dma_wait3A_235 : memref<1x!tpu.dma_semaphore, #tpu.memory_space<semaphore_mem>> -> memref<!tpu.dma_semaphore, #tpu.memory_space<semaphore_mem>>
        %dma_wait3A_237 = arith.constant 0 : i32
        %dma_wait3A_238 = tpu.memref_slice %arg11[%dma_wait3A_227, %dma_wait3A_237] : memref<2x128xi32, #tpu.memory_space<vmem>> -> memref<1x128xi32, #tpu.memory_space<vmem>>
        %dma_wait3A_239 = tpu.memref_squeeze %dma_wait3A_238 : memref<1x128xi32, #tpu.memory_space<vmem>> -> memref<128xi32, #tpu.memory_space<vmem>>
        %dma_wait3A_240 = arith.constant 0 : i32
        %dma_wait3A_241 = tpu.memref_slice %arg5[%add3A, %add3A_210, %dma_wait3A_240] : memref<32x80x128xi32, #tpu.memory_space<hbm>> -> memref<1x1x128xi32, #tpu.memory_space<hbm>>
        %dma_wait3A_242 = tpu.memref_squeeze %dma_wait3A_241 : memref<1x1x128xi32, #tpu.memory_space<hbm>> -> memref<128xi32, #tpu.memory_space<hbm>>
        tpu.wait_dma2 semaphore(%dma_wait3A_236 : memref<!tpu.dma_semaphore, #tpu.memory_space<semaphore_mem>>) src(%dma_wait3A_242 : memref<128xi32, #tpu.memory_space<hbm>>) dst(%dma_wait3A_239 : memref<128xi32, #tpu.memory_space<vmem>>)
        %add3A_243 = arith.constant 1 : i32
        %add3A_244 = arith.addi %add3A_166, %add3A_243 : i32
        %dma_start3A_245 = arith.constant 0 : i32
        %dma_start3A_246 = arith.constant 0 : i32
        %dma_start3A_247 = arith.constant 0 : i32
        %dma_start3A_248 = arith.constant 0 : i32
        %dma_start3A_249 = arith.constant 0 : i32
        %dma_start3A_250 = tpu.memref_slice %arg12[%dma_start3A_246, %dma_start3A_248, %dma_start3A_249] : memref<2x128x128xf32, #tpu.memory_space<vmem>> -> memref<1x128x128xf32, #tpu.memory_space<vmem>>
        %dma_start3A_251 = tpu.memref_squeeze %dma_start3A_250 : memref<1x128x128xf32, #tpu.memory_space<vmem>> -> memref<128x128xf32, #tpu.memory_space<vmem>>
        %dma_start3A_252 = arith.constant 0 : i32
        %dma_start3A_253 = tpu.memref_slice %arg10[%dma_start3A_245, %dma_start3A_252] : memref<2x128xi32, #tpu.memory_space<vmem>> -> memref<1x128xi32, #tpu.memory_space<vmem>>
        %dma_start3A_254 = tpu.memref_squeeze %dma_start3A_253 : memref<1x128xi32, #tpu.memory_space<vmem>> -> memref<128xi32, #tpu.memory_space<vmem>>
        %dma_start3A_255 = arith.constant 0 : i32
        %dma_start3A_256 = arith.constant 0 : i32
        %dma_start3A_257 = tpu.memref_slice %arg2[%dma_start3A_255, %dma_start3A_256] : memref<10240x128xf32, #tpu.memory_space<hbm>> -> memref<10240x128xf32, #tpu.memory_space<hbm>>
        %dma_start3A_258 = tpu.memref_slice %arg16[%dma_start3A_247] : memref<2x!tpu.dma_semaphore, #tpu.memory_space<semaphore_mem>> -> memref<1x!tpu.dma_semaphore, #tpu.memory_space<semaphore_mem>>
        %dma_start3A_259 = tpu.memref_squeeze %dma_start3A_258 : memref<1x!tpu.dma_semaphore, #tpu.memory_space<semaphore_mem>> -> memref<!tpu.dma_semaphore, #tpu.memory_space<semaphore_mem>>
        tpu.enqueue_indirect_dma source(%dma_start3A_257 : memref<10240x128xf32, #tpu.memory_space<hbm>>) target(%dma_start3A_251 : memref<128x128xf32, #tpu.memory_space<vmem>>) offsets(%dma_start3A_254 : memref<128xi32, #tpu.memory_space<vmem>>) semaphore(%dma_start3A_259 : memref<!tpu.dma_semaphore, #tpu.memory_space<semaphore_mem>>)
        %dma_start3A_260 = arith.constant 0 : i32
        %dma_start3A_261 = arith.constant 0 : i32
        %dma_start3A_262 = arith.constant 0 : i32
        %dma_start3A_263 = arith.constant 0 : i32
        %dma_start3A_264 = tpu.memref_slice %arg13[%dma_start3A_261, %dma_start3A_263] : memref<2x128xf32, #tpu.memory_space<vmem>> -> memref<1x128xf32, #tpu.memory_space<vmem>>
        %dma_start3A_265 = tpu.memref_squeeze %dma_start3A_264 : memref<1x128xf32, #tpu.memory_space<vmem>> -> memref<128xf32, #tpu.memory_space<vmem>>
        %dma_start3A_266 = arith.constant 0 : i32
        %dma_start3A_267 = tpu.memref_slice %arg10[%dma_start3A_260, %dma_start3A_266] : memref<2x128xi32, #tpu.memory_space<vmem>> -> memref<1x128xi32, #tpu.memory_space<vmem>>
        %dma_start3A_268 = tpu.memref_squeeze %dma_start3A_267 : memref<1x128xi32, #tpu.memory_space<vmem>> -> memref<128xi32, #tpu.memory_space<vmem>>
        %dma_start3A_269 = arith.constant 0 : i32
        %dma_start3A_270 = tpu.memref_slice %arg3[%dma_start3A_269] : memref<10240xf32, #tpu.memory_space<hbm>> -> memref<10240xf32, #tpu.memory_space<hbm>>
        %dma_start3A_271 = tpu.memref_slice %arg17[%dma_start3A_262] : memref<2x!tpu.dma_semaphore, #tpu.memory_space<semaphore_mem>> -> memref<1x!tpu.dma_semaphore, #tpu.memory_space<semaphore_mem>>
        %dma_start3A_272 = tpu.memref_squeeze %dma_start3A_271 : memref<1x!tpu.dma_semaphore, #tpu.memory_space<semaphore_mem>> -> memref<!tpu.dma_semaphore, #tpu.memory_space<semaphore_mem>>
        tpu.enqueue_indirect_dma source(%dma_start3A_270 : memref<10240xf32, #tpu.memory_space<hbm>>) target(%dma_start3A_265 : memref<128xf32, #tpu.memory_space<vmem>>) offsets(%dma_start3A_268 : memref<128xi32, #tpu.memory_space<vmem>>) semaphore(%dma_start3A_272 : memref<!tpu.dma_semaphore, #tpu.memory_space<semaphore_mem>>)
      } else {
      }
      %run_scoped3A_205 = arith.constant 1 : i32
      %run_scoped3A_206 = arith.constant 1 : i32
      "tpu.region"() ({
        %run_scoped3A_209 = tpu.sem_alloc : memref<!tpu.dma_semaphore, #tpu.memory_space<semaphore_mem>>
        %dma_start3A_210 = arith.constant 0 : i32
        %dma_start3A_211 = arith.constant 0 : i32
        %dma_start3A_212 = tpu.memref_slice %arg12[%run_scoped3A_205, %dma_start3A_210, %dma_start3A_211] : memref<2x128x128xf32, #tpu.memory_space<vmem>> -> memref<1x128x128xf32, #tpu.memory_space<vmem>>
        %dma_start3A_213 = tpu.memref_squeeze %dma_start3A_212 : memref<1x128x128xf32, #tpu.memory_space<vmem>> -> memref<128x128xf32, #tpu.memory_space<vmem>>
        %dma_start3A_214 = arith.constant 0 : i32
        %dma_start3A_215 = tpu.memref_slice %arg11[%run_scoped3A_206, %dma_start3A_214] : memref<2x128xi32, #tpu.memory_space<vmem>> -> memref<1x128xi32, #tpu.memory_space<vmem>>
        %dma_start3A_216 = tpu.memref_squeeze %dma_start3A_215 : memref<1x128xi32, #tpu.memory_space<vmem>> -> memref<128xi32, #tpu.memory_space<vmem>>
        %dma_start3A_217 = arith.constant 0 : i32
        %dma_start3A_218 = arith.constant 0 : i32
        %dma_start3A_219 = tpu.memref_slice %arg14[%dma_start3A_217, %dma_start3A_218] : memref<10240x128xf32, #tpu.memory_space<vmem_shared>> -> memref<10240x128xf32, #tpu.memory_space<vmem_shared>>
        tpu.enqueue_indirect_dma source(%dma_start3A_213 : memref<128x128xf32, #tpu.memory_space<vmem>>) target(%dma_start3A_219 : memref<10240x128xf32, #tpu.memory_space<vmem_shared>>) offsets(%dma_start3A_216 : memref<128xi32, #tpu.memory_space<vmem>>) semaphore(%run_scoped3A_209 : memref<!tpu.dma_semaphore, #tpu.memory_space<semaphore_mem>>) {add = true}
        %dma_wait3A_220 = arith.constant 0 : i32
        %dma_wait3A_221 = arith.constant 0 : i32
        %dma_wait3A_222 = tpu.memref_slice %arg12[%run_scoped3A_205, %dma_wait3A_220, %dma_wait3A_221] : memref<2x128x128xf32, #tpu.memory_space<vmem>> -> memref<1x128x128xf32, #tpu.memory_space<vmem>>
        %dma_wait3A_223 = tpu.memref_squeeze %dma_wait3A_222 : memref<1x128x128xf32, #tpu.memory_space<vmem>> -> memref<128x128xf32, #tpu.memory_space<vmem>>
        %dma_wait3A_224 = arith.constant 0 : i32
        %dma_wait3A_225 = tpu.memref_slice %arg11[%run_scoped3A_206, %dma_wait3A_224] : memref<2x128xi32, #tpu.memory_space<vmem>> -> memref<1x128xi32, #tpu.memory_space<vmem>>
        %dma_wait3A_226 = tpu.memref_squeeze %dma_wait3A_225 : memref<1x128xi32, #tpu.memory_space<vmem>> -> memref<128xi32, #tpu.memory_space<vmem>>
        %dma_wait3A_227 = arith.constant 0 : i32
        %dma_wait3A_228 = arith.constant 0 : i32
        %dma_wait3A_229 = tpu.memref_slice %arg14[%dma_wait3A_227, %dma_wait3A_228] : memref<10240x128xf32, #tpu.memory_space<vmem_shared>> -> memref<10240x128xf32, #tpu.memory_space<vmem_shared>>
        tpu.wait_indirect_dma semaphore(%run_scoped3A_209 : memref<!tpu.dma_semaphore, #tpu.memory_space<semaphore_mem>>) src(%dma_wait3A_223 : memref<128x128xf32, #tpu.memory_space<vmem>>) dst(%dma_wait3A_229 : memref<10240x128xf32, #tpu.memory_space<vmem_shared>>)
        tpu.yield
      }) : () -> ()
      %run_scoped3A_207 = arith.constant 1 : i32
      %run_scoped3A_208 = arith.constant 1 : i32
      "tpu.region"() ({
        %run_scoped3A_209 = tpu.sem_alloc : memref<!tpu.dma_semaphore, #tpu.memory_space<semaphore_mem>>
        %dma_start3A_210 = arith.constant 0 : i32
        %dma_start3A_211 = tpu.memref_slice %arg13[%run_scoped3A_207, %dma_start3A_210] : memref<2x128xf32, #tpu.memory_space<vmem>> -> memref<1x128xf32, #tpu.memory_space<vmem>>
        %dma_start3A_212 = tpu.memref_squeeze %dma_start3A_211 : memref<1x128xf32, #tpu.memory_space<vmem>> -> memref<128xf32, #tpu.memory_space<vmem>>
        %dma_start3A_213 = arith.constant 0 : i32
        %dma_start3A_214 = tpu.memref_slice %arg11[%run_scoped3A_208, %dma_start3A_213] : memref<2x128xi32, #tpu.memory_space<vmem>> -> memref<1x128xi32, #tpu.memory_space<vmem>>
        %dma_start3A_215 = tpu.memref_squeeze %dma_start3A_214 : memref<1x128xi32, #tpu.memory_space<vmem>> -> memref<128xi32, #tpu.memory_space<vmem>>
        %dma_start3A_216 = arith.constant 0 : i32
        %dma_start3A_217 = tpu.memref_slice %arg15[%dma_start3A_216] : memref<10240xf32, #tpu.memory_space<vmem_shared>> -> memref<10240xf32, #tpu.memory_space<vmem_shared>>
        tpu.enqueue_indirect_dma source(%dma_start3A_212 : memref<128xf32, #tpu.memory_space<vmem>>) target(%dma_start3A_217 : memref<10240xf32, #tpu.memory_space<vmem_shared>>) offsets(%dma_start3A_215 : memref<128xi32, #tpu.memory_space<vmem>>) semaphore(%run_scoped3A_209 : memref<!tpu.dma_semaphore, #tpu.memory_space<semaphore_mem>>) {add = true}
        %dma_wait3A_218 = arith.constant 0 : i32
        %dma_wait3A_219 = tpu.memref_slice %arg13[%run_scoped3A_207, %dma_wait3A_218] : memref<2x128xf32, #tpu.memory_space<vmem>> -> memref<1x128xf32, #tpu.memory_space<vmem>>
        %dma_wait3A_220 = tpu.memref_squeeze %dma_wait3A_219 : memref<1x128xf32, #tpu.memory_space<vmem>> -> memref<128xf32, #tpu.memory_space<vmem>>
        %dma_wait3A_221 = arith.constant 0 : i32
        %dma_wait3A_222 = tpu.memref_slice %arg11[%run_scoped3A_208, %dma_wait3A_221] : memref<2x128xi32, #tpu.memory_space<vmem>> -> memref<1x128xi32, #tpu.memory_space<vmem>>
        %dma_wait3A_223 = tpu.memref_squeeze %dma_wait3A_222 : memref<1x128xi32, #tpu.memory_space<vmem>> -> memref<128xi32, #tpu.memory_space<vmem>>
        %dma_wait3A_224 = arith.constant 0 : i32
        %dma_wait3A_225 = tpu.memref_slice %arg15[%dma_wait3A_224] : memref<10240xf32, #tpu.memory_space<vmem_shared>> -> memref<10240xf32, #tpu.memory_space<vmem_shared>>
        tpu.wait_indirect_dma semaphore(%run_scoped3A_209 : memref<!tpu.dma_semaphore, #tpu.memory_space<semaphore_mem>>) src(%dma_wait3A_220 : memref<128xf32, #tpu.memory_space<vmem>>) dst(%dma_wait3A_225 : memref<10240xf32, #tpu.memory_space<vmem_shared>>)
        tpu.yield
      }) : () -> ()
    }
    %scan3A_106 = arith.constant 40 : i32
    %barrier3A_107 = arith.constant 0 : index
    tpu.barrier barrier_id(%barrier3A_107)
    %mul3A_108 = arith.constant 640 : i32
    %mul3A_109 = arith.muli %arg1, %mul3A_108 : i32
    %mul3A_110 = arith.constant 640 : i32
    %mul3A_111 = arith.muli %arg1, %mul3A_110 : i32
    "tpu.region"() ({
      %run_scoped3A = tpu.sem_alloc : memref<!tpu.dma_semaphore, #tpu.memory_space<semaphore_mem>>
      %dma_start3A_116 = arith.constant 0 : i32
      %dma_start3A_117 = tpu.memref_slice %arg8[%arg0, %mul3A_111, %dma_start3A_116] : memref<2x10240x128xf32, #tpu.memory_space<hbm>> -> memref<1x640x128xf32, #tpu.memory_space<hbm>>
      %dma_start3A_118 = tpu.memref_squeeze %dma_start3A_117 : memref<1x640x128xf32, #tpu.memory_space<hbm>> -> memref<640x128xf32, #tpu.memory_space<hbm>>
      %dma_start3A_119 = arith.constant 0 : i32
      %dma_start3A_120 = tpu.memref_slice %arg14[%mul3A_109, %dma_start3A_119] : memref<10240x128xf32, #tpu.memory_space<vmem_shared>> -> memref<640x128xf32, #tpu.memory_space<vmem_shared>>
      tpu.enqueue_dma source(%dma_start3A_120 : memref<640x128xf32, #tpu.memory_space<vmem_shared>>) target(%dma_start3A_118 : memref<640x128xf32, #tpu.memory_space<hbm>>) target_semaphore(%run_scoped3A : memref<!tpu.dma_semaphore, #tpu.memory_space<semaphore_mem>>)
      %dma_wait3A_121 = arith.constant 0 : i32
      %dma_wait3A_122 = tpu.memref_slice %arg8[%arg0, %mul3A_111, %dma_wait3A_121] : memref<2x10240x128xf32, #tpu.memory_space<hbm>> -> memref<1x640x128xf32, #tpu.memory_space<hbm>>
      %dma_wait3A_123 = tpu.memref_squeeze %dma_wait3A_122 : memref<1x640x128xf32, #tpu.memory_space<hbm>> -> memref<640x128xf32, #tpu.memory_space<hbm>>
      %dma_wait3A_124 = arith.constant 0 : i32
      %dma_wait3A_125 = tpu.memref_slice %arg14[%mul3A_109, %dma_wait3A_124] : memref<10240x128xf32, #tpu.memory_space<vmem_shared>> -> memref<640x128xf32, #tpu.memory_space<vmem_shared>>
      tpu.wait_dma2 semaphore(%run_scoped3A : memref<!tpu.dma_semaphore, #tpu.memory_space<semaphore_mem>>) src(%dma_wait3A_125 : memref<640x128xf32, #tpu.memory_space<vmem_shared>>) dst(%dma_wait3A_123 : memref<640x128xf32, #tpu.memory_space<hbm>>)
      tpu.yield
    }) : () -> ()
    %mul3A_112 = arith.constant 640 : i32
    %mul3A_113 = arith.muli %arg1, %mul3A_112 : i32
    %mul3A_114 = arith.constant 640 : i32
    %mul3A_115 = arith.muli %arg1, %mul3A_114 : i32
    "tpu.region"() ({
      %run_scoped3A = tpu.sem_alloc : memref<!tpu.dma_semaphore, #tpu.memory_space<semaphore_mem>>
      %dma_start3A_116 = tpu.memref_slice %arg9[%arg0, %mul3A_115] : memref<2x10240xf32, #tpu.memory_space<hbm>> -> memref<1x640xf32, #tpu.memory_space<hbm>>
      %dma_start3A_117 = tpu.memref_squeeze %dma_start3A_116 : memref<1x640xf32, #tpu.memory_space<hbm>> -> memref<640xf32, #tpu.memory_space<hbm>>
      %dma_start3A_118 = tpu.memref_slice %arg15[%mul3A_113] : memref<10240xf32, #tpu.memory_space<vmem_shared>> -> memref<640xf32, #tpu.memory_space<vmem_shared>>
      tpu.enqueue_dma source(%dma_start3A_118 : memref<640xf32, #tpu.memory_space<vmem_shared>>) target(%dma_start3A_117 : memref<640xf32, #tpu.memory_space<hbm>>) target_semaphore(%run_scoped3A : memref<!tpu.dma_semaphore, #tpu.memory_space<semaphore_mem>>)
      %dma_wait3A_119 = tpu.memref_slice %arg9[%arg0, %mul3A_115] : memref<2x10240xf32, #tpu.memory_space<hbm>> -> memref<1x640xf32, #tpu.memory_space<hbm>>
      %dma_wait3A_120 = tpu.memref_squeeze %dma_wait3A_119 : memref<1x640xf32, #tpu.memory_space<hbm>> -> memref<640xf32, #tpu.memory_space<hbm>>
      %dma_wait3A_121 = tpu.memref_slice %arg15[%mul3A_113] : memref<10240xf32, #tpu.memory_space<vmem_shared>> -> memref<640xf32, #tpu.memory_space<vmem_shared>>
      tpu.wait_dma2 semaphore(%run_scoped3A : memref<!tpu.dma_semaphore, #tpu.memory_space<semaphore_mem>>) src(%dma_wait3A_121 : memref<640xf32, #tpu.memory_space<vmem_shared>>) dst(%dma_wait3A_120 : memref<640xf32, #tpu.memory_space<hbm>>)
      tpu.yield
    }) : () -> ()
    return
  }
}

#map = affine_map<(d0, d1) -> (0, 0)>
#map1 = affine_map<(d0, d1) -> (0)>
#map2 = affine_map<(d0, d1) -> (0, 0, 0)>
module attributes {stable_mosaic.version = 14 : i64} {
  func.func @agg_kernel(%arg0: i32, %arg1: i32, %arg2: memref<10240x128xf32, #tpu.memory_space<hbm>>, %arg3: memref<10240xf32, #tpu.memory_space<hbm>>, %arg4: memref<32x80x128xi32, #tpu.memory_space<hbm>>, %arg5: memref<32x80x128xi32, #tpu.memory_space<hbm>>, %arg6: memref<10240x128xf32, #tpu.memory_space<hbm>>, %arg7: memref<10240xf32, #tpu.memory_space<hbm>>, %arg8: memref<2x10240x128xf32, #tpu.memory_space<hbm>>, %arg9: memref<2x10240xf32, #tpu.memory_space<hbm>>, %arg10: memref<2x128xi32, #tpu.memory_space<vmem>>, %arg11: memref<2x128xi32, #tpu.memory_space<vmem>>, %arg12: memref<2x128x128xf32, #tpu.memory_space<vmem>>, %arg13: memref<2x128xf32, #tpu.memory_space<vmem>>, %arg14: memref<10240x128xf32, #tpu.memory_space<vmem_shared>>, %arg15: memref<10240xf32, #tpu.memory_space<vmem_shared>>, %arg16: memref<2x!tpu.dma_semaphore, #tpu.memory_space<semaphore_mem>>, %arg17: memref<2x!tpu.dma_semaphore, #tpu.memory_space<semaphore_mem>>, %arg18: memref<2x!tpu.dma_semaphore, #tpu.memory_space<semaphore_mem>>) attributes {dimension_semantics = [#tpu.dimension_semantics<core_parallel>, #tpu.dimension_semantics<subcore_parallel>], iteration_bounds = array<i64: 2, 16>, scalar_prefetch = 0 : i64, scratch_operands = 9 : i64, tpu.core_type = #tpu.core_type<sc_vector_subcore>, window_params = [{transform_indices = #map}, {transform_indices = #map1}, {transform_indices = #map2}, {transform_indices = #map2}, {transform_indices = #map}, {transform_indices = #map1}, {transform_indices = #map2}, {transform_indices = #map}]} {
    %mul3A = arith.constant 16 : i32
    %mul3A_0 = arith.muli %arg0, %mul3A : i32
    %add3A = arith.addi %mul3A_0, %arg1 : i32
    %mul3A_1 = arith.constant 640 : i32
    %mul3A_2 = arith.muli %arg1, %mul3A_1 : i32
    %mul3A_3 = arith.constant 640 : i32
    %mul3A_4 = arith.muli %arg1, %mul3A_3 : i32
    "tpu.region"() ({
      %run_scoped3A = tpu.sem_alloc : memref<!tpu.dma_semaphore, #tpu.memory_space<semaphore_mem>>
      %dma_start3A_116 = arith.constant 0 : i32
      %dma_start3A_117 = tpu.memref_slice %arg14[%mul3A_4, %dma_start3A_116] : memref<10240x128xf32, #tpu.memory_space<vmem_shared>> -> memref<640x128xf32, #tpu.memory_space<vmem_shared>>
      %dma_start3A_118 = arith.constant 0 : i32
      %dma_start3A_119 = tpu.memref_slice %arg6[%mul3A_2, %dma_start3A_118] : memref<10240x128xf32, #tpu.memory_space<hbm>> -> memref<640x128xf32, #tpu.memory_space<hbm>>
      tpu.enqueue_dma source(%dma_start3A_119 : memref<640x128xf32, #tpu.memory_space<hbm>>) target(%dma_start3A_117 : memref<640x128xf32, #tpu.memory_space<vmem_shared>>) target_semaphore(%run_scoped3A : memref<!tpu.dma_semaphore, #tpu.memory_space<semaphore_mem>>)
      %dma_wait3A_120 = arith.constant 0 : i32
      %dma_wait3A_121 = tpu.memref_slice %arg14[%mul3A_4, %dma_wait3A_120] : memref<10240x128xf32, #tpu.memory_space<vmem_shared>> -> memref<640x128xf32, #tpu.memory_space<vmem_shared>>
      %dma_wait3A_122 = arith.constant 0 : i32
      %dma_wait3A_123 = tpu.memref_slice %arg6[%mul3A_2, %dma_wait3A_122] : memref<10240x128xf32, #tpu.memory_space<hbm>> -> memref<640x128xf32, #tpu.memory_space<hbm>>
      tpu.wait_dma2 semaphore(%run_scoped3A : memref<!tpu.dma_semaphore, #tpu.memory_space<semaphore_mem>>) src(%dma_wait3A_123 : memref<640x128xf32, #tpu.memory_space<hbm>>) dst(%dma_wait3A_121 : memref<640x128xf32, #tpu.memory_space<vmem_shared>>)
      tpu.yield
    }) : () -> ()
    %mul3A_5 = arith.constant 640 : i32
    %mul3A_6 = arith.muli %arg1, %mul3A_5 : i32
    %mul3A_7 = arith.constant 640 : i32
    %mul3A_8 = arith.muli %arg1, %mul3A_7 : i32
    "tpu.region"() ({
      %run_scoped3A = tpu.sem_alloc : memref<!tpu.dma_semaphore, #tpu.memory_space<semaphore_mem>>
      %dma_start3A_116 = tpu.memref_slice %arg15[%mul3A_8] : memref<10240xf32, #tpu.memory_space<vmem_shared>> -> memref<640xf32, #tpu.memory_space<vmem_shared>>
      %dma_start3A_117 = tpu.memref_slice %arg7[%mul3A_6] : memref<10240xf32, #tpu.memory_space<hbm>> -> memref<640xf32, #tpu.memory_space<hbm>>
      tpu.enqueue_dma source(%dma_start3A_117 : memref<640xf32, #tpu.memory_space<hbm>>) target(%dma_start3A_116 : memref<640xf32, #tpu.memory_space<vmem_shared>>) target_semaphore(%run_scoped3A : memref<!tpu.dma_semaphore, #tpu.memory_space<semaphore_mem>>)
      %dma_wait3A_118 = tpu.memref_slice %arg15[%mul3A_8] : memref<10240xf32, #tpu.memory_space<vmem_shared>> -> memref<640xf32, #tpu.memory_space<vmem_shared>>
      %dma_wait3A_119 = tpu.memref_slice %arg7[%mul3A_6] : memref<10240xf32, #tpu.memory_space<hbm>> -> memref<640xf32, #tpu.memory_space<hbm>>
      tpu.wait_dma2 semaphore(%run_scoped3A : memref<!tpu.dma_semaphore, #tpu.memory_space<semaphore_mem>>) src(%dma_wait3A_119 : memref<640xf32, #tpu.memory_space<hbm>>) dst(%dma_wait3A_118 : memref<640xf32, #tpu.memory_space<vmem_shared>>)
      tpu.yield
    }) : () -> ()
    %barrier3A = arith.constant 0 : index
    tpu.barrier barrier_id(%barrier3A)
    %dma_start3A = arith.constant 0 : i32
    %dma_start3A_9 = arith.constant 0 : i32
    %dma_start3A_10 = arith.constant 0 : i32
    %dma_start3A_11 = arith.constant 0 : i32
    %dma_start3A_12 = tpu.memref_slice %arg10[%dma_start3A_9, %dma_start3A_11] : memref<2x128xi32, #tpu.memory_space<vmem>> -> memref<1x128xi32, #tpu.memory_space<vmem>>
    %dma_start3A_13 = tpu.memref_squeeze %dma_start3A_12 : memref<1x128xi32, #tpu.memory_space<vmem>> -> memref<128xi32, #tpu.memory_space<vmem>>
    %dma_start3A_14 = arith.constant 0 : i32
    %dma_start3A_15 = tpu.memref_slice %arg4[%add3A, %dma_start3A, %dma_start3A_14] : memref<32x80x128xi32, #tpu.memory_space<hbm>> -> memref<1x1x128xi32, #tpu.memory_space<hbm>>
    %dma_start3A_16 = tpu.memref_squeeze %dma_start3A_15 : memref<1x1x128xi32, #tpu.memory_space<hbm>> -> memref<128xi32, #tpu.memory_space<hbm>>
    %dma_start3A_17 = tpu.memref_slice %arg18[%dma_start3A_10] : memref<2x!tpu.dma_semaphore, #tpu.memory_space<semaphore_mem>> -> memref<1x!tpu.dma_semaphore, #tpu.memory_space<semaphore_mem>>
    %dma_start3A_18 = tpu.memref_squeeze %dma_start3A_17 : memref<1x!tpu.dma_semaphore, #tpu.memory_space<semaphore_mem>> -> memref<!tpu.dma_semaphore, #tpu.memory_space<semaphore_mem>>
    %dma_start3A_19 = arith.constant 0 : i32
    %dma_start3A_20 = tpu.memref_slice %arg10[%dma_start3A_9, %dma_start3A_19] : memref<2x128xi32, #tpu.memory_space<vmem>> -> memref<1x128xi32, #tpu.memory_space<vmem>>
    %dma_start3A_21 = tpu.memref_squeeze %dma_start3A_20 : memref<1x128xi32, #tpu.memory_space<vmem>> -> memref<128xi32, #tpu.memory_space<vmem>>
    %dma_start3A_22 = arith.constant 0 : i32
    %dma_start3A_23 = tpu.memref_slice %arg4[%add3A, %dma_start3A, %dma_start3A_22] : memref<32x80x128xi32, #tpu.memory_space<hbm>> -> memref<1x1x128xi32, #tpu.memory_space<hbm>>
    %dma_start3A_24 = tpu.memref_squeeze %dma_start3A_23 : memref<1x1x128xi32, #tpu.memory_space<hbm>> -> memref<128xi32, #tpu.memory_space<hbm>>
    tpu.enqueue_dma source(%dma_start3A_24 : memref<128xi32, #tpu.memory_space<hbm>>) target(%dma_start3A_21 : memref<128xi32, #tpu.memory_space<vmem>>) target_semaphore(%dma_start3A_18 : memref<!tpu.dma_semaphore, #tpu.memory_space<semaphore_mem>>)
    %dma_start3A_25 = arith.constant 0 : i32
    %dma_start3A_26 = arith.constant 0 : i32
    %dma_start3A_27 = arith.constant 0 : i32
    %dma_start3A_28 = arith.constant 0 : i32
    %dma_start3A_29 = tpu.memref_slice %arg11[%dma_start3A_26, %dma_start3A_28] : memref<2x128xi32, #tpu.memory_space<vmem>> -> memref<1x128xi32, #tpu.memory_space<vmem>>
    %dma_start3A_30 = tpu.memref_squeeze %dma_start3A_29 : memref<1x128xi32, #tpu.memory_space<vmem>> -> memref<128xi32, #tpu.memory_space<vmem>>
    %dma_start3A_31 = arith.constant 0 : i32
    %dma_start3A_32 = tpu.memref_slice %arg5[%add3A, %dma_start3A_25, %dma_start3A_31] : memref<32x80x128xi32, #tpu.memory_space<hbm>> -> memref<1x1x128xi32, #tpu.memory_space<hbm>>
    %dma_start3A_33 = tpu.memref_squeeze %dma_start3A_32 : memref<1x1x128xi32, #tpu.memory_space<hbm>> -> memref<128xi32, #tpu.memory_space<hbm>>
    %dma_start3A_34 = tpu.memref_slice %arg18[%dma_start3A_27] : memref<2x!tpu.dma_semaphore, #tpu.memory_space<semaphore_mem>> -> memref<1x!tpu.dma_semaphore, #tpu.memory_space<semaphore_mem>>
    %dma_start3A_35 = tpu.memref_squeeze %dma_start3A_34 : memref<1x!tpu.dma_semaphore, #tpu.memory_space<semaphore_mem>> -> memref<!tpu.dma_semaphore, #tpu.memory_space<semaphore_mem>>
    %dma_start3A_36 = arith.constant 0 : i32
    %dma_start3A_37 = tpu.memref_slice %arg11[%dma_start3A_26, %dma_start3A_36] : memref<2x128xi32, #tpu.memory_space<vmem>> -> memref<1x128xi32, #tpu.memory_space<vmem>>
    %dma_start3A_38 = tpu.memref_squeeze %dma_start3A_37 : memref<1x128xi32, #tpu.memory_space<vmem>> -> memref<128xi32, #tpu.memory_space<vmem>>
    %dma_start3A_39 = arith.constant 0 : i32
    %dma_start3A_40 = tpu.memref_slice %arg5[%add3A, %dma_start3A_25, %dma_start3A_39] : memref<32x80x128xi32, #tpu.memory_space<hbm>> -> memref<1x1x128xi32, #tpu.memory_space<hbm>>
    %dma_start3A_41 = tpu.memref_squeeze %dma_start3A_40 : memref<1x1x128xi32, #tpu.memory_space<hbm>> -> memref<128xi32, #tpu.memory_space<hbm>>
    tpu.enqueue_dma source(%dma_start3A_41 : memref<128xi32, #tpu.memory_space<hbm>>) target(%dma_start3A_38 : memref<128xi32, #tpu.memory_space<vmem>>) target_semaphore(%dma_start3A_35 : memref<!tpu.dma_semaphore, #tpu.memory_space<semaphore_mem>>)
    %dma_wait3A = arith.constant 0 : i32
    %dma_wait3A_42 = arith.constant 0 : i32
    %dma_wait3A_43 = arith.constant 0 : i32
    %dma_wait3A_44 = arith.constant 0 : i32
    %dma_wait3A_45 = tpu.memref_slice %arg10[%dma_wait3A_42, %dma_wait3A_44] : memref<2x128xi32, #tpu.memory_space<vmem>> -> memref<1x128xi32, #tpu.memory_space<vmem>>
    %dma_wait3A_46 = tpu.memref_squeeze %dma_wait3A_45 : memref<1x128xi32, #tpu.memory_space<vmem>> -> memref<128xi32, #tpu.memory_space<vmem>>
    %dma_wait3A_47 = arith.constant 0 : i32
    %dma_wait3A_48 = tpu.memref_slice %arg4[%add3A, %dma_wait3A, %dma_wait3A_47] : memref<32x80x128xi32, #tpu.memory_space<hbm>> -> memref<1x1x128xi32, #tpu.memory_space<hbm>>
    %dma_wait3A_49 = tpu.memref_squeeze %dma_wait3A_48 : memref<1x1x128xi32, #tpu.memory_space<hbm>> -> memref<128xi32, #tpu.memory_space<hbm>>
    %dma_wait3A_50 = tpu.memref_slice %arg18[%dma_wait3A_43] : memref<2x!tpu.dma_semaphore, #tpu.memory_space<semaphore_mem>> -> memref<1x!tpu.dma_semaphore, #tpu.memory_space<semaphore_mem>>
    %dma_wait3A_51 = tpu.memref_squeeze %dma_wait3A_50 : memref<1x!tpu.dma_semaphore, #tpu.memory_space<semaphore_mem>> -> memref<!tpu.dma_semaphore, #tpu.memory_space<semaphore_mem>>
    %dma_wait3A_52 = arith.constant 0 : i32
    %dma_wait3A_53 = tpu.memref_slice %arg10[%dma_wait3A_42, %dma_wait3A_52] : memref<2x128xi32, #tpu.memory_space<vmem>> -> memref<1x128xi32, #tpu.memory_space<vmem>>
    %dma_wait3A_54 = tpu.memref_squeeze %dma_wait3A_53 : memref<1x128xi32, #tpu.memory_space<vmem>> -> memref<128xi32, #tpu.memory_space<vmem>>
    %dma_wait3A_55 = arith.constant 0 : i32
    %dma_wait3A_56 = tpu.memref_slice %arg4[%add3A, %dma_wait3A, %dma_wait3A_55] : memref<32x80x128xi32, #tpu.memory_space<hbm>> -> memref<1x1x128xi32, #tpu.memory_space<hbm>>
    %dma_wait3A_57 = tpu.memref_squeeze %dma_wait3A_56 : memref<1x1x128xi32, #tpu.memory_space<hbm>> -> memref<128xi32, #tpu.memory_space<hbm>>
    tpu.wait_dma2 semaphore(%dma_wait3A_51 : memref<!tpu.dma_semaphore, #tpu.memory_space<semaphore_mem>>) src(%dma_wait3A_57 : memref<128xi32, #tpu.memory_space<hbm>>) dst(%dma_wait3A_54 : memref<128xi32, #tpu.memory_space<vmem>>)
    %dma_wait3A_58 = arith.constant 0 : i32
    %dma_wait3A_59 = arith.constant 0 : i32
    %dma_wait3A_60 = arith.constant 0 : i32
    %dma_wait3A_61 = arith.constant 0 : i32
    %dma_wait3A_62 = tpu.memref_slice %arg11[%dma_wait3A_59, %dma_wait3A_61] : memref<2x128xi32, #tpu.memory_space<vmem>> -> memref<1x128xi32, #tpu.memory_space<vmem>>
    %dma_wait3A_63 = tpu.memref_squeeze %dma_wait3A_62 : memref<1x128xi32, #tpu.memory_space<vmem>> -> memref<128xi32, #tpu.memory_space<vmem>>
    %dma_wait3A_64 = arith.constant 0 : i32
    %dma_wait3A_65 = tpu.memref_slice %arg5[%add3A, %dma_wait3A_58, %dma_wait3A_64] : memref<32x80x128xi32, #tpu.memory_space<hbm>> -> memref<1x1x128xi32, #tpu.memory_space<hbm>>
    %dma_wait3A_66 = tpu.memref_squeeze %dma_wait3A_65 : memref<1x1x128xi32, #tpu.memory_space<hbm>> -> memref<128xi32, #tpu.memory_space<hbm>>
    %dma_wait3A_67 = tpu.memref_slice %arg18[%dma_wait3A_60] : memref<2x!tpu.dma_semaphore, #tpu.memory_space<semaphore_mem>> -> memref<1x!tpu.dma_semaphore, #tpu.memory_space<semaphore_mem>>
    %dma_wait3A_68 = tpu.memref_squeeze %dma_wait3A_67 : memref<1x!tpu.dma_semaphore, #tpu.memory_space<semaphore_mem>> -> memref<!tpu.dma_semaphore, #tpu.memory_space<semaphore_mem>>
    %dma_wait3A_69 = arith.constant 0 : i32
    %dma_wait3A_70 = tpu.memref_slice %arg11[%dma_wait3A_59, %dma_wait3A_69] : memref<2x128xi32, #tpu.memory_space<vmem>> -> memref<1x128xi32, #tpu.memory_space<vmem>>
    %dma_wait3A_71 = tpu.memref_squeeze %dma_wait3A_70 : memref<1x128xi32, #tpu.memory_space<vmem>> -> memref<128xi32, #tpu.memory_space<vmem>>
    %dma_wait3A_72 = arith.constant 0 : i32
    %dma_wait3A_73 = tpu.memref_slice %arg5[%add3A, %dma_wait3A_58, %dma_wait3A_72] : memref<32x80x128xi32, #tpu.memory_space<hbm>> -> memref<1x1x128xi32, #tpu.memory_space<hbm>>
    %dma_wait3A_74 = tpu.memref_squeeze %dma_wait3A_73 : memref<1x1x128xi32, #tpu.memory_space<hbm>> -> memref<128xi32, #tpu.memory_space<hbm>>
    tpu.wait_dma2 semaphore(%dma_wait3A_68 : memref<!tpu.dma_semaphore, #tpu.memory_space<semaphore_mem>>) src(%dma_wait3A_74 : memref<128xi32, #tpu.memory_space<hbm>>) dst(%dma_wait3A_71 : memref<128xi32, #tpu.memory_space<vmem>>)
    %dma_start3A_75 = arith.constant 0 : i32
    %dma_start3A_76 = arith.constant 0 : i32
    %dma_start3A_77 = arith.constant 0 : i32
    %dma_start3A_78 = arith.constant 0 : i32
    %dma_start3A_79 = arith.constant 0 : i32
    %dma_start3A_80 = tpu.memref_slice %arg12[%dma_start3A_76, %dma_start3A_78, %dma_start3A_79] : memref<2x128x128xf32, #tpu.memory_space<vmem>> -> memref<1x128x128xf32, #tpu.memory_space<vmem>>
    %dma_start3A_81 = tpu.memref_squeeze %dma_start3A_80 : memref<1x128x128xf32, #tpu.memory_space<vmem>> -> memref<128x128xf32, #tpu.memory_space<vmem>>
    %dma_start3A_82 = arith.constant 0 : i32
    %dma_start3A_83 = tpu.memref_slice %arg10[%dma_start3A_75, %dma_start3A_82] : memref<2x128xi32, #tpu.memory_space<vmem>> -> memref<1x128xi32, #tpu.memory_space<vmem>>
    %dma_start3A_84 = tpu.memref_squeeze %dma_start3A_83 : memref<1x128xi32, #tpu.memory_space<vmem>> -> memref<128xi32, #tpu.memory_space<vmem>>
    %dma_start3A_85 = arith.constant 0 : i32
    %dma_start3A_86 = arith.constant 0 : i32
    %dma_start3A_87 = tpu.memref_slice %arg2[%dma_start3A_85, %dma_start3A_86] : memref<10240x128xf32, #tpu.memory_space<hbm>> -> memref<10240x128xf32, #tpu.memory_space<hbm>>
    %dma_start3A_88 = tpu.memref_slice %arg16[%dma_start3A_77] : memref<2x!tpu.dma_semaphore, #tpu.memory_space<semaphore_mem>> -> memref<1x!tpu.dma_semaphore, #tpu.memory_space<semaphore_mem>>
    %dma_start3A_89 = tpu.memref_squeeze %dma_start3A_88 : memref<1x!tpu.dma_semaphore, #tpu.memory_space<semaphore_mem>> -> memref<!tpu.dma_semaphore, #tpu.memory_space<semaphore_mem>>
    tpu.enqueue_indirect_dma source(%dma_start3A_87 : memref<10240x128xf32, #tpu.memory_space<hbm>>) target(%dma_start3A_81 : memref<128x128xf32, #tpu.memory_space<vmem>>) offsets(%dma_start3A_84 : memref<128xi32, #tpu.memory_space<vmem>>) semaphore(%dma_start3A_89 : memref<!tpu.dma_semaphore, #tpu.memory_space<semaphore_mem>>)
    %dma_start3A_90 = arith.constant 0 : i32
    %dma_start3A_91 = arith.constant 0 : i32
    %dma_start3A_92 = arith.constant 0 : i32
    %dma_start3A_93 = arith.constant 0 : i32
    %dma_start3A_94 = tpu.memref_slice %arg13[%dma_start3A_91, %dma_start3A_93] : memref<2x128xf32, #tpu.memory_space<vmem>> -> memref<1x128xf32, #tpu.memory_space<vmem>>
    %dma_start3A_95 = tpu.memref_squeeze %dma_start3A_94 : memref<1x128xf32, #tpu.memory_space<vmem>> -> memref<128xf32, #tpu.memory_space<vmem>>
    %dma_start3A_96 = arith.constant 0 : i32
    %dma_start3A_97 = tpu.memref_slice %arg10[%dma_start3A_90, %dma_start3A_96] : memref<2x128xi32, #tpu.memory_space<vmem>> -> memref<1x128xi32, #tpu.memory_space<vmem>>
    %dma_start3A_98 = tpu.memref_squeeze %dma_start3A_97 : memref<1x128xi32, #tpu.memory_space<vmem>> -> memref<128xi32, #tpu.memory_space<vmem>>
    %dma_start3A_99 = arith.constant 0 : i32
    %dma_start3A_100 = tpu.memref_slice %arg3[%dma_start3A_99] : memref<10240xf32, #tpu.memory_space<hbm>> -> memref<10240xf32, #tpu.memory_space<hbm>>
    %dma_start3A_101 = tpu.memref_slice %arg17[%dma_start3A_92] : memref<2x!tpu.dma_semaphore, #tpu.memory_space<semaphore_mem>> -> memref<1x!tpu.dma_semaphore, #tpu.memory_space<semaphore_mem>>
    %dma_start3A_102 = tpu.memref_squeeze %dma_start3A_101 : memref<1x!tpu.dma_semaphore, #tpu.memory_space<semaphore_mem>> -> memref<!tpu.dma_semaphore, #tpu.memory_space<semaphore_mem>>
    tpu.enqueue_indirect_dma source(%dma_start3A_100 : memref<10240xf32, #tpu.memory_space<hbm>>) target(%dma_start3A_95 : memref<128xf32, #tpu.memory_space<vmem>>) offsets(%dma_start3A_98 : memref<128xi32, #tpu.memory_space<vmem>>) semaphore(%dma_start3A_102 : memref<!tpu.dma_semaphore, #tpu.memory_space<semaphore_mem>>)
    %scan3A = arith.constant 0 : i32
    %scan3A_103 = arith.constant 40 : i32
    %scan3A_104 = arith.addi %scan3A, %scan3A_103 : i32
    %scan3A_105 = arith.constant 1 : i32
    scf.for %scan3A_116 = %scan3A to %scan3A_104 step %scan3A_105  : i32 {
      %mul3A_117 = arith.constant 1 : i32
      %mul3A_118 = arith.muli %scan3A_116, %mul3A_117 : i32
      %add3A_119 = arith.constant 0 : i32
      %add3A_120 = arith.addi %add3A_119, %mul3A_118 : i32
      %mul3A_121 = arith.constant 2 : i32
      %mul3A_122 = arith.muli %add3A_120, %mul3A_121 : i32
      %add3A_123 = arith.constant 0 : i32
      %add3A_124 = arith.addi %mul3A_122, %add3A_123 : i32
      %lt3A = arith.constant 79 : i32
      %lt3A_125 = arith.cmpi slt, %add3A_124, %lt3A : i32
      %convert_element_type3A = arith.extui %lt3A_125 : i1 to i32
      %cond3A = arith.constant 0 : i32
      %cond3A_126 = arith.cmpi ne, %convert_element_type3A, %cond3A : i32
      scf.if %cond3A_126 {
        %add3A_209 = arith.constant 1 : i32
        %add3A_210 = arith.addi %add3A_124, %add3A_209 : i32
        %dma_start3A_211 = arith.constant 1 : i32
        %dma_start3A_212 = arith.constant 1 : i32
        %dma_start3A_213 = arith.constant 0 : i32
        %dma_start3A_214 = tpu.memref_slice %arg10[%dma_start3A_211, %dma_start3A_213] : memref<2x128xi32, #tpu.memory_space<vmem>> -> memref<1x128xi32, #tpu.memory_space<vmem>>
        %dma_start3A_215 = tpu.memref_squeeze %dma_start3A_214 : memref<1x128xi32, #tpu.memory_space<vmem>> -> memref<128xi32, #tpu.memory_space<vmem>>
        %dma_start3A_216 = arith.constant 0 : i32
        %dma_start3A_217 = tpu.memref_slice %arg4[%add3A, %add3A_210, %dma_start3A_216] : memref<32x80x128xi32, #tpu.memory_space<hbm>> -> memref<1x1x128xi32, #tpu.memory_space<hbm>>
        %dma_start3A_218 = tpu.memref_squeeze %dma_start3A_217 : memref<1x1x128xi32, #tpu.memory_space<hbm>> -> memref<128xi32, #tpu.memory_space<hbm>>
        %dma_start3A_219 = tpu.memref_slice %arg18[%dma_start3A_212] : memref<2x!tpu.dma_semaphore, #tpu.memory_space<semaphore_mem>> -> memref<1x!tpu.dma_semaphore, #tpu.memory_space<semaphore_mem>>
        %dma_start3A_220 = tpu.memref_squeeze %dma_start3A_219 : memref<1x!tpu.dma_semaphore, #tpu.memory_space<semaphore_mem>> -> memref<!tpu.dma_semaphore, #tpu.memory_space<semaphore_mem>>
        %dma_start3A_221 = arith.constant 0 : i32
        %dma_start3A_222 = tpu.memref_slice %arg10[%dma_start3A_211, %dma_start3A_221] : memref<2x128xi32, #tpu.memory_space<vmem>> -> memref<1x128xi32, #tpu.memory_space<vmem>>
        %dma_start3A_223 = tpu.memref_squeeze %dma_start3A_222 : memref<1x128xi32, #tpu.memory_space<vmem>> -> memref<128xi32, #tpu.memory_space<vmem>>
        %dma_start3A_224 = arith.constant 0 : i32
        %dma_start3A_225 = tpu.memref_slice %arg4[%add3A, %add3A_210, %dma_start3A_224] : memref<32x80x128xi32, #tpu.memory_space<hbm>> -> memref<1x1x128xi32, #tpu.memory_space<hbm>>
        %dma_start3A_226 = tpu.memref_squeeze %dma_start3A_225 : memref<1x1x128xi32, #tpu.memory_space<hbm>> -> memref<128xi32, #tpu.memory_space<hbm>>
        tpu.enqueue_dma source(%dma_start3A_226 : memref<128xi32, #tpu.memory_space<hbm>>) target(%dma_start3A_223 : memref<128xi32, #tpu.memory_space<vmem>>) target_semaphore(%dma_start3A_220 : memref<!tpu.dma_semaphore, #tpu.memory_space<semaphore_mem>>)
        %dma_start3A_227 = arith.constant 1 : i32
        %dma_start3A_228 = arith.constant 1 : i32
        %dma_start3A_229 = arith.constant 0 : i32
        %dma_start3A_230 = tpu.memref_slice %arg11[%dma_start3A_227, %dma_start3A_229] : memref<2x128xi32, #tpu.memory_space<vmem>> -> memref<1x128xi32, #tpu.memory_space<vmem>>
        %dma_start3A_231 = tpu.memref_squeeze %dma_start3A_230 : memref<1x128xi32, #tpu.memory_space<vmem>> -> memref<128xi32, #tpu.memory_space<vmem>>
        %dma_start3A_232 = arith.constant 0 : i32
        %dma_start3A_233 = tpu.memref_slice %arg5[%add3A, %add3A_210, %dma_start3A_232] : memref<32x80x128xi32, #tpu.memory_space<hbm>> -> memref<1x1x128xi32, #tpu.memory_space<hbm>>
        %dma_start3A_234 = tpu.memref_squeeze %dma_start3A_233 : memref<1x1x128xi32, #tpu.memory_space<hbm>> -> memref<128xi32, #tpu.memory_space<hbm>>
        %dma_start3A_235 = tpu.memref_slice %arg18[%dma_start3A_228] : memref<2x!tpu.dma_semaphore, #tpu.memory_space<semaphore_mem>> -> memref<1x!tpu.dma_semaphore, #tpu.memory_space<semaphore_mem>>
        %dma_start3A_236 = tpu.memref_squeeze %dma_start3A_235 : memref<1x!tpu.dma_semaphore, #tpu.memory_space<semaphore_mem>> -> memref<!tpu.dma_semaphore, #tpu.memory_space<semaphore_mem>>
        %dma_start3A_237 = arith.constant 0 : i32
        %dma_start3A_238 = tpu.memref_slice %arg11[%dma_start3A_227, %dma_start3A_237] : memref<2x128xi32, #tpu.memory_space<vmem>> -> memref<1x128xi32, #tpu.memory_space<vmem>>
        %dma_start3A_239 = tpu.memref_squeeze %dma_start3A_238 : memref<1x128xi32, #tpu.memory_space<vmem>> -> memref<128xi32, #tpu.memory_space<vmem>>
        %dma_start3A_240 = arith.constant 0 : i32
        %dma_start3A_241 = tpu.memref_slice %arg5[%add3A, %add3A_210, %dma_start3A_240] : memref<32x80x128xi32, #tpu.memory_space<hbm>> -> memref<1x1x128xi32, #tpu.memory_space<hbm>>
        %dma_start3A_242 = tpu.memref_squeeze %dma_start3A_241 : memref<1x1x128xi32, #tpu.memory_space<hbm>> -> memref<128xi32, #tpu.memory_space<hbm>>
        tpu.enqueue_dma source(%dma_start3A_242 : memref<128xi32, #tpu.memory_space<hbm>>) target(%dma_start3A_239 : memref<128xi32, #tpu.memory_space<vmem>>) target_semaphore(%dma_start3A_236 : memref<!tpu.dma_semaphore, #tpu.memory_space<semaphore_mem>>)
      } else {
      }
      %dma_wait3A_127 = arith.constant 0 : i32
      %dma_wait3A_128 = arith.constant 0 : i32
      %dma_wait3A_129 = arith.constant 0 : i32
      %dma_wait3A_130 = arith.constant 0 : i32
      %dma_wait3A_131 = arith.constant 0 : i32
      %dma_wait3A_132 = tpu.memref_slice %arg12[%dma_wait3A_128, %dma_wait3A_130, %dma_wait3A_131] : memref<2x128x128xf32, #tpu.memory_space<vmem>> -> memref<1x128x128xf32, #tpu.memory_space<vmem>>
      %dma_wait3A_133 = tpu.memref_squeeze %dma_wait3A_132 : memref<1x128x128xf32, #tpu.memory_space<vmem>> -> memref<128x128xf32, #tpu.memory_space<vmem>>
      %dma_wait3A_134 = arith.constant 0 : i32
      %dma_wait3A_135 = tpu.memref_slice %arg10[%dma_wait3A_127, %dma_wait3A_134] : memref<2x128xi32, #tpu.memory_space<vmem>> -> memref<1x128xi32, #tpu.memory_space<vmem>>
      %dma_wait3A_136 = tpu.memref_squeeze %dma_wait3A_135 : memref<1x128xi32, #tpu.memory_space<vmem>> -> memref<128xi32, #tpu.memory_space<vmem>>
      %dma_wait3A_137 = arith.constant 0 : i32
      %dma_wait3A_138 = arith.constant 0 : i32
      %dma_wait3A_139 = tpu.memref_slice %arg2[%dma_wait3A_137, %dma_wait3A_138] : memref<10240x128xf32, #tpu.memory_space<hbm>> -> memref<10240x128xf32, #tpu.memory_space<hbm>>
      %dma_wait3A_140 = tpu.memref_slice %arg16[%dma_wait3A_129] : memref<2x!tpu.dma_semaphore, #tpu.memory_space<semaphore_mem>> -> memref<1x!tpu.dma_semaphore, #tpu.memory_space<semaphore_mem>>
      %dma_wait3A_141 = tpu.memref_squeeze %dma_wait3A_140 : memref<1x!tpu.dma_semaphore, #tpu.memory_space<semaphore_mem>> -> memref<!tpu.dma_semaphore, #tpu.memory_space<semaphore_mem>>
      tpu.wait_indirect_dma semaphore(%dma_wait3A_141 : memref<!tpu.dma_semaphore, #tpu.memory_space<semaphore_mem>>) src(%dma_wait3A_139 : memref<10240x128xf32, #tpu.memory_space<hbm>>) dst(%dma_wait3A_133 : memref<128x128xf32, #tpu.memory_space<vmem>>)
      %dma_wait3A_142 = arith.constant 0 : i32
      %dma_wait3A_143 = arith.constant 0 : i32
      %dma_wait3A_144 = arith.constant 0 : i32
      %dma_wait3A_145 = arith.constant 0 : i32
      %dma_wait3A_146 = tpu.memref_slice %arg13[%dma_wait3A_143, %dma_wait3A_145] : memref<2x128xf32, #tpu.memory_space<vmem>> -> memref<1x128xf32, #tpu.memory_space<vmem>>
      %dma_wait3A_147 = tpu.memref_squeeze %dma_wait3A_146 : memref<1x128xf32, #tpu.memory_space<vmem>> -> memref<128xf32, #tpu.memory_space<vmem>>
      %dma_wait3A_148 = arith.constant 0 : i32
      %dma_wait3A_149 = tpu.memref_slice %arg10[%dma_wait3A_142, %dma_wait3A_148] : memref<2x128xi32, #tpu.memory_space<vmem>> -> memref<1x128xi32, #tpu.memory_space<vmem>>
      %dma_wait3A_150 = tpu.memref_squeeze %dma_wait3A_149 : memref<1x128xi32, #tpu.memory_space<vmem>> -> memref<128xi32, #tpu.memory_space<vmem>>
      %dma_wait3A_151 = arith.constant 0 : i32
      %dma_wait3A_152 = tpu.memref_slice %arg3[%dma_wait3A_151] : memref<10240xf32, #tpu.memory_space<hbm>> -> memref<10240xf32, #tpu.memory_space<hbm>>
      %dma_wait3A_153 = tpu.memref_slice %arg17[%dma_wait3A_144] : memref<2x!tpu.dma_semaphore, #tpu.memory_space<semaphore_mem>> -> memref<1x!tpu.dma_semaphore, #tpu.memory_space<semaphore_mem>>
      %dma_wait3A_154 = tpu.memref_squeeze %dma_wait3A_153 : memref<1x!tpu.dma_semaphore, #tpu.memory_space<semaphore_mem>> -> memref<!tpu.dma_semaphore, #tpu.memory_space<semaphore_mem>>
      tpu.wait_indirect_dma semaphore(%dma_wait3A_154 : memref<!tpu.dma_semaphore, #tpu.memory_space<semaphore_mem>>) src(%dma_wait3A_152 : memref<10240xf32, #tpu.memory_space<hbm>>) dst(%dma_wait3A_147 : memref<128xf32, #tpu.memory_space<vmem>>)
      %lt3A_155 = arith.constant 79 : i32
      %lt3A_156 = arith.cmpi slt, %add3A_124, %lt3A_155 : i32
      %convert_element_type3A_157 = arith.extui %lt3A_156 : i1 to i32
      %cond3A_158 = arith.constant 0 : i32
      %cond3A_159 = arith.cmpi ne, %convert_element_type3A_157, %cond3A_158 : i32
      scf.if %cond3A_159 {
        %add3A_209 = arith.constant 1 : i32
        %add3A_210 = arith.addi %add3A_124, %add3A_209 : i32
        %dma_wait3A_211 = arith.constant 1 : i32
        %dma_wait3A_212 = arith.constant 1 : i32
        %dma_wait3A_213 = arith.constant 0 : i32
        %dma_wait3A_214 = tpu.memref_slice %arg10[%dma_wait3A_211, %dma_wait3A_213] : memref<2x128xi32, #tpu.memory_space<vmem>> -> memref<1x128xi32, #tpu.memory_space<vmem>>
        %dma_wait3A_215 = tpu.memref_squeeze %dma_wait3A_214 : memref<1x128xi32, #tpu.memory_space<vmem>> -> memref<128xi32, #tpu.memory_space<vmem>>
        %dma_wait3A_216 = arith.constant 0 : i32
        %dma_wait3A_217 = tpu.memref_slice %arg4[%add3A, %add3A_210, %dma_wait3A_216] : memref<32x80x128xi32, #tpu.memory_space<hbm>> -> memref<1x1x128xi32, #tpu.memory_space<hbm>>
        %dma_wait3A_218 = tpu.memref_squeeze %dma_wait3A_217 : memref<1x1x128xi32, #tpu.memory_space<hbm>> -> memref<128xi32, #tpu.memory_space<hbm>>
        %dma_wait3A_219 = tpu.memref_slice %arg18[%dma_wait3A_212] : memref<2x!tpu.dma_semaphore, #tpu.memory_space<semaphore_mem>> -> memref<1x!tpu.dma_semaphore, #tpu.memory_space<semaphore_mem>>
        %dma_wait3A_220 = tpu.memref_squeeze %dma_wait3A_219 : memref<1x!tpu.dma_semaphore, #tpu.memory_space<semaphore_mem>> -> memref<!tpu.dma_semaphore, #tpu.memory_space<semaphore_mem>>
        %dma_wait3A_221 = arith.constant 0 : i32
        %dma_wait3A_222 = tpu.memref_slice %arg10[%dma_wait3A_211, %dma_wait3A_221] : memref<2x128xi32, #tpu.memory_space<vmem>> -> memref<1x128xi32, #tpu.memory_space<vmem>>
        %dma_wait3A_223 = tpu.memref_squeeze %dma_wait3A_222 : memref<1x128xi32, #tpu.memory_space<vmem>> -> memref<128xi32, #tpu.memory_space<vmem>>
        %dma_wait3A_224 = arith.constant 0 : i32
        %dma_wait3A_225 = tpu.memref_slice %arg4[%add3A, %add3A_210, %dma_wait3A_224] : memref<32x80x128xi32, #tpu.memory_space<hbm>> -> memref<1x1x128xi32, #tpu.memory_space<hbm>>
        %dma_wait3A_226 = tpu.memref_squeeze %dma_wait3A_225 : memref<1x1x128xi32, #tpu.memory_space<hbm>> -> memref<128xi32, #tpu.memory_space<hbm>>
        tpu.wait_dma2 semaphore(%dma_wait3A_220 : memref<!tpu.dma_semaphore, #tpu.memory_space<semaphore_mem>>) src(%dma_wait3A_226 : memref<128xi32, #tpu.memory_space<hbm>>) dst(%dma_wait3A_223 : memref<128xi32, #tpu.memory_space<vmem>>)
        %dma_wait3A_227 = arith.constant 1 : i32
        %dma_wait3A_228 = arith.constant 1 : i32
        %dma_wait3A_229 = arith.constant 0 : i32
        %dma_wait3A_230 = tpu.memref_slice %arg11[%dma_wait3A_227, %dma_wait3A_229] : memref<2x128xi32, #tpu.memory_space<vmem>> -> memref<1x128xi32, #tpu.memory_space<vmem>>
        %dma_wait3A_231 = tpu.memref_squeeze %dma_wait3A_230 : memref<1x128xi32, #tpu.memory_space<vmem>> -> memref<128xi32, #tpu.memory_space<vmem>>
        %dma_wait3A_232 = arith.constant 0 : i32
        %dma_wait3A_233 = tpu.memref_slice %arg5[%add3A, %add3A_210, %dma_wait3A_232] : memref<32x80x128xi32, #tpu.memory_space<hbm>> -> memref<1x1x128xi32, #tpu.memory_space<hbm>>
        %dma_wait3A_234 = tpu.memref_squeeze %dma_wait3A_233 : memref<1x1x128xi32, #tpu.memory_space<hbm>> -> memref<128xi32, #tpu.memory_space<hbm>>
        %dma_wait3A_235 = tpu.memref_slice %arg18[%dma_wait3A_228] : memref<2x!tpu.dma_semaphore, #tpu.memory_space<semaphore_mem>> -> memref<1x!tpu.dma_semaphore, #tpu.memory_space<semaphore_mem>>
        %dma_wait3A_236 = tpu.memref_squeeze %dma_wait3A_235 : memref<1x!tpu.dma_semaphore, #tpu.memory_space<semaphore_mem>> -> memref<!tpu.dma_semaphore, #tpu.memory_space<semaphore_mem>>
        %dma_wait3A_237 = arith.constant 0 : i32
        %dma_wait3A_238 = tpu.memref_slice %arg11[%dma_wait3A_227, %dma_wait3A_237] : memref<2x128xi32, #tpu.memory_space<vmem>> -> memref<1x128xi32, #tpu.memory_space<vmem>>
        %dma_wait3A_239 = tpu.memref_squeeze %dma_wait3A_238 : memref<1x128xi32, #tpu.memory_space<vmem>> -> memref<128xi32, #tpu.memory_space<vmem>>
        %dma_wait3A_240 = arith.constant 0 : i32
        %dma_wait3A_241 = tpu.memref_slice %arg5[%add3A, %add3A_210, %dma_wait3A_240] : memref<32x80x128xi32, #tpu.memory_space<hbm>> -> memref<1x1x128xi32, #tpu.memory_space<hbm>>
        %dma_wait3A_242 = tpu.memref_squeeze %dma_wait3A_241 : memref<1x1x128xi32, #tpu.memory_space<hbm>> -> memref<128xi32, #tpu.memory_space<hbm>>
        tpu.wait_dma2 semaphore(%dma_wait3A_236 : memref<!tpu.dma_semaphore, #tpu.memory_space<semaphore_mem>>) src(%dma_wait3A_242 : memref<128xi32, #tpu.memory_space<hbm>>) dst(%dma_wait3A_239 : memref<128xi32, #tpu.memory_space<vmem>>)
        %add3A_243 = arith.constant 1 : i32
        %add3A_244 = arith.addi %add3A_124, %add3A_243 : i32
        %dma_start3A_245 = arith.constant 1 : i32
        %dma_start3A_246 = arith.constant 1 : i32
        %dma_start3A_247 = arith.constant 1 : i32
        %dma_start3A_248 = arith.constant 0 : i32
        %dma_start3A_249 = arith.constant 0 : i32
        %dma_start3A_250 = tpu.memref_slice %arg12[%dma_start3A_246, %dma_start3A_248, %dma_start3A_249] : memref<2x128x128xf32, #tpu.memory_space<vmem>> -> memref<1x128x128xf32, #tpu.memory_space<vmem>>
        %dma_start3A_251 = tpu.memref_squeeze %dma_start3A_250 : memref<1x128x128xf32, #tpu.memory_space<vmem>> -> memref<128x128xf32, #tpu.memory_space<vmem>>
        %dma_start3A_252 = arith.constant 0 : i32
        %dma_start3A_253 = tpu.memref_slice %arg10[%dma_start3A_245, %dma_start3A_252] : memref<2x128xi32, #tpu.memory_space<vmem>> -> memref<1x128xi32, #tpu.memory_space<vmem>>
        %dma_start3A_254 = tpu.memref_squeeze %dma_start3A_253 : memref<1x128xi32, #tpu.memory_space<vmem>> -> memref<128xi32, #tpu.memory_space<vmem>>
        %dma_start3A_255 = arith.constant 0 : i32
        %dma_start3A_256 = arith.constant 0 : i32
        %dma_start3A_257 = tpu.memref_slice %arg2[%dma_start3A_255, %dma_start3A_256] : memref<10240x128xf32, #tpu.memory_space<hbm>> -> memref<10240x128xf32, #tpu.memory_space<hbm>>
        %dma_start3A_258 = tpu.memref_slice %arg16[%dma_start3A_247] : memref<2x!tpu.dma_semaphore, #tpu.memory_space<semaphore_mem>> -> memref<1x!tpu.dma_semaphore, #tpu.memory_space<semaphore_mem>>
        %dma_start3A_259 = tpu.memref_squeeze %dma_start3A_258 : memref<1x!tpu.dma_semaphore, #tpu.memory_space<semaphore_mem>> -> memref<!tpu.dma_semaphore, #tpu.memory_space<semaphore_mem>>
        tpu.enqueue_indirect_dma source(%dma_start3A_257 : memref<10240x128xf32, #tpu.memory_space<hbm>>) target(%dma_start3A_251 : memref<128x128xf32, #tpu.memory_space<vmem>>) offsets(%dma_start3A_254 : memref<128xi32, #tpu.memory_space<vmem>>) semaphore(%dma_start3A_259 : memref<!tpu.dma_semaphore, #tpu.memory_space<semaphore_mem>>)
        %dma_start3A_260 = arith.constant 1 : i32
        %dma_start3A_261 = arith.constant 1 : i32
        %dma_start3A_262 = arith.constant 1 : i32
        %dma_start3A_263 = arith.constant 0 : i32
        %dma_start3A_264 = tpu.memref_slice %arg13[%dma_start3A_261, %dma_start3A_263] : memref<2x128xf32, #tpu.memory_space<vmem>> -> memref<1x128xf32, #tpu.memory_space<vmem>>
        %dma_start3A_265 = tpu.memref_squeeze %dma_start3A_264 : memref<1x128xf32, #tpu.memory_space<vmem>> -> memref<128xf32, #tpu.memory_space<vmem>>
        %dma_start3A_266 = arith.constant 0 : i32
        %dma_start3A_267 = tpu.memref_slice %arg10[%dma_start3A_260, %dma_start3A_266] : memref<2x128xi32, #tpu.memory_space<vmem>> -> memref<1x128xi32, #tpu.memory_space<vmem>>
        %dma_start3A_268 = tpu.memref_squeeze %dma_start3A_267 : memref<1x128xi32, #tpu.memory_space<vmem>> -> memref<128xi32, #tpu.memory_space<vmem>>
        %dma_start3A_269 = arith.constant 0 : i32
        %dma_start3A_270 = tpu.memref_slice %arg3[%dma_start3A_269] : memref<10240xf32, #tpu.memory_space<hbm>> -> memref<10240xf32, #tpu.memory_space<hbm>>
        %dma_start3A_271 = tpu.memref_slice %arg17[%dma_start3A_262] : memref<2x!tpu.dma_semaphore, #tpu.memory_space<semaphore_mem>> -> memref<1x!tpu.dma_semaphore, #tpu.memory_space<semaphore_mem>>
        %dma_start3A_272 = tpu.memref_squeeze %dma_start3A_271 : memref<1x!tpu.dma_semaphore, #tpu.memory_space<semaphore_mem>> -> memref<!tpu.dma_semaphore, #tpu.memory_space<semaphore_mem>>
        tpu.enqueue_indirect_dma source(%dma_start3A_270 : memref<10240xf32, #tpu.memory_space<hbm>>) target(%dma_start3A_265 : memref<128xf32, #tpu.memory_space<vmem>>) offsets(%dma_start3A_268 : memref<128xi32, #tpu.memory_space<vmem>>) semaphore(%dma_start3A_272 : memref<!tpu.dma_semaphore, #tpu.memory_space<semaphore_mem>>)
      } else {
      }
      %run_scoped3A = arith.constant 0 : i32
      %run_scoped3A_160 = arith.constant 0 : i32
      "tpu.region"() ({
        %run_scoped3A_209 = tpu.sem_alloc : memref<!tpu.dma_semaphore, #tpu.memory_space<semaphore_mem>>
        %dma_start3A_210 = arith.constant 0 : i32
        %dma_start3A_211 = arith.constant 0 : i32
        %dma_start3A_212 = tpu.memref_slice %arg12[%run_scoped3A, %dma_start3A_210, %dma_start3A_211] : memref<2x128x128xf32, #tpu.memory_space<vmem>> -> memref<1x128x128xf32, #tpu.memory_space<vmem>>
        %dma_start3A_213 = tpu.memref_squeeze %dma_start3A_212 : memref<1x128x128xf32, #tpu.memory_space<vmem>> -> memref<128x128xf32, #tpu.memory_space<vmem>>
        %dma_start3A_214 = arith.constant 0 : i32
        %dma_start3A_215 = tpu.memref_slice %arg11[%run_scoped3A_160, %dma_start3A_214] : memref<2x128xi32, #tpu.memory_space<vmem>> -> memref<1x128xi32, #tpu.memory_space<vmem>>
        %dma_start3A_216 = tpu.memref_squeeze %dma_start3A_215 : memref<1x128xi32, #tpu.memory_space<vmem>> -> memref<128xi32, #tpu.memory_space<vmem>>
        %dma_start3A_217 = arith.constant 0 : i32
        %dma_start3A_218 = arith.constant 0 : i32
        %dma_start3A_219 = tpu.memref_slice %arg14[%dma_start3A_217, %dma_start3A_218] : memref<10240x128xf32, #tpu.memory_space<vmem_shared>> -> memref<10240x128xf32, #tpu.memory_space<vmem_shared>>
        tpu.enqueue_indirect_dma source(%dma_start3A_213 : memref<128x128xf32, #tpu.memory_space<vmem>>) target(%dma_start3A_219 : memref<10240x128xf32, #tpu.memory_space<vmem_shared>>) offsets(%dma_start3A_216 : memref<128xi32, #tpu.memory_space<vmem>>) semaphore(%run_scoped3A_209 : memref<!tpu.dma_semaphore, #tpu.memory_space<semaphore_mem>>) {add = true}
        %dma_wait3A_220 = arith.constant 0 : i32
        %dma_wait3A_221 = arith.constant 0 : i32
        %dma_wait3A_222 = tpu.memref_slice %arg12[%run_scoped3A, %dma_wait3A_220, %dma_wait3A_221] : memref<2x128x128xf32, #tpu.memory_space<vmem>> -> memref<1x128x128xf32, #tpu.memory_space<vmem>>
        %dma_wait3A_223 = tpu.memref_squeeze %dma_wait3A_222 : memref<1x128x128xf32, #tpu.memory_space<vmem>> -> memref<128x128xf32, #tpu.memory_space<vmem>>
        %dma_wait3A_224 = arith.constant 0 : i32
        %dma_wait3A_225 = tpu.memref_slice %arg11[%run_scoped3A_160, %dma_wait3A_224] : memref<2x128xi32, #tpu.memory_space<vmem>> -> memref<1x128xi32, #tpu.memory_space<vmem>>
        %dma_wait3A_226 = tpu.memref_squeeze %dma_wait3A_225 : memref<1x128xi32, #tpu.memory_space<vmem>> -> memref<128xi32, #tpu.memory_space<vmem>>
        %dma_wait3A_227 = arith.constant 0 : i32
        %dma_wait3A_228 = arith.constant 0 : i32
        %dma_wait3A_229 = tpu.memref_slice %arg14[%dma_wait3A_227, %dma_wait3A_228] : memref<10240x128xf32, #tpu.memory_space<vmem_shared>> -> memref<10240x128xf32, #tpu.memory_space<vmem_shared>>
        tpu.wait_indirect_dma semaphore(%run_scoped3A_209 : memref<!tpu.dma_semaphore, #tpu.memory_space<semaphore_mem>>) src(%dma_wait3A_223 : memref<128x128xf32, #tpu.memory_space<vmem>>) dst(%dma_wait3A_229 : memref<10240x128xf32, #tpu.memory_space<vmem_shared>>)
        tpu.yield
      }) : () -> ()
      %run_scoped3A_161 = arith.constant 0 : i32
      %run_scoped3A_162 = arith.constant 0 : i32
      "tpu.region"() ({
        %run_scoped3A_209 = tpu.sem_alloc : memref<!tpu.dma_semaphore, #tpu.memory_space<semaphore_mem>>
        %dma_start3A_210 = arith.constant 0 : i32
        %dma_start3A_211 = tpu.memref_slice %arg13[%run_scoped3A_161, %dma_start3A_210] : memref<2x128xf32, #tpu.memory_space<vmem>> -> memref<1x128xf32, #tpu.memory_space<vmem>>
        %dma_start3A_212 = tpu.memref_squeeze %dma_start3A_211 : memref<1x128xf32, #tpu.memory_space<vmem>> -> memref<128xf32, #tpu.memory_space<vmem>>
        %dma_start3A_213 = arith.constant 0 : i32
        %dma_start3A_214 = tpu.memref_slice %arg11[%run_scoped3A_162, %dma_start3A_213] : memref<2x128xi32, #tpu.memory_space<vmem>> -> memref<1x128xi32, #tpu.memory_space<vmem>>
        %dma_start3A_215 = tpu.memref_squeeze %dma_start3A_214 : memref<1x128xi32, #tpu.memory_space<vmem>> -> memref<128xi32, #tpu.memory_space<vmem>>
        %dma_start3A_216 = arith.constant 0 : i32
        %dma_start3A_217 = tpu.memref_slice %arg15[%dma_start3A_216] : memref<10240xf32, #tpu.memory_space<vmem_shared>> -> memref<10240xf32, #tpu.memory_space<vmem_shared>>
        tpu.enqueue_indirect_dma source(%dma_start3A_212 : memref<128xf32, #tpu.memory_space<vmem>>) target(%dma_start3A_217 : memref<10240xf32, #tpu.memory_space<vmem_shared>>) offsets(%dma_start3A_215 : memref<128xi32, #tpu.memory_space<vmem>>) semaphore(%run_scoped3A_209 : memref<!tpu.dma_semaphore, #tpu.memory_space<semaphore_mem>>) {add = true}
        %dma_wait3A_218 = arith.constant 0 : i32
        %dma_wait3A_219 = tpu.memref_slice %arg13[%run_scoped3A_161, %dma_wait3A_218] : memref<2x128xf32, #tpu.memory_space<vmem>> -> memref<1x128xf32, #tpu.memory_space<vmem>>
        %dma_wait3A_220 = tpu.memref_squeeze %dma_wait3A_219 : memref<1x128xf32, #tpu.memory_space<vmem>> -> memref<128xf32, #tpu.memory_space<vmem>>
        %dma_wait3A_221 = arith.constant 0 : i32
        %dma_wait3A_222 = tpu.memref_slice %arg11[%run_scoped3A_162, %dma_wait3A_221] : memref<2x128xi32, #tpu.memory_space<vmem>> -> memref<1x128xi32, #tpu.memory_space<vmem>>
        %dma_wait3A_223 = tpu.memref_squeeze %dma_wait3A_222 : memref<1x128xi32, #tpu.memory_space<vmem>> -> memref<128xi32, #tpu.memory_space<vmem>>
        %dma_wait3A_224 = arith.constant 0 : i32
        %dma_wait3A_225 = tpu.memref_slice %arg15[%dma_wait3A_224] : memref<10240xf32, #tpu.memory_space<vmem_shared>> -> memref<10240xf32, #tpu.memory_space<vmem_shared>>
        tpu.wait_indirect_dma semaphore(%run_scoped3A_209 : memref<!tpu.dma_semaphore, #tpu.memory_space<semaphore_mem>>) src(%dma_wait3A_220 : memref<128xf32, #tpu.memory_space<vmem>>) dst(%dma_wait3A_225 : memref<10240xf32, #tpu.memory_space<vmem_shared>>)
        tpu.yield
      }) : () -> ()
      %mul3A_163 = arith.constant 2 : i32
      %mul3A_164 = arith.muli %add3A_120, %mul3A_163 : i32
      %add3A_165 = arith.constant 1 : i32
      %add3A_166 = arith.addi %mul3A_164, %add3A_165 : i32
      %lt3A_167 = arith.constant 79 : i32
      %lt3A_168 = arith.cmpi slt, %add3A_166, %lt3A_167 : i32
      %convert_element_type3A_169 = arith.extui %lt3A_168 : i1 to i32
      %cond3A_170 = arith.constant 0 : i32
      %cond3A_171 = arith.cmpi ne, %convert_element_type3A_169, %cond3A_170 : i32
      scf.if %cond3A_171 {
        %add3A_209 = arith.constant 1 : i32
        %add3A_210 = arith.addi %add3A_166, %add3A_209 : i32
        %dma_start3A_211 = arith.constant 0 : i32
        %dma_start3A_212 = arith.constant 0 : i32
        %dma_start3A_213 = arith.constant 0 : i32
        %dma_start3A_214 = tpu.memref_slice %arg10[%dma_start3A_211, %dma_start3A_213] : memref<2x128xi32, #tpu.memory_space<vmem>> -> memref<1x128xi32, #tpu.memory_space<vmem>>
        %dma_start3A_215 = tpu.memref_squeeze %dma_start3A_214 : memref<1x128xi32, #tpu.memory_space<vmem>> -> memref<128xi32, #tpu.memory_space<vmem>>
        %dma_start3A_216 = arith.constant 0 : i32
        %dma_start3A_217 = tpu.memref_slice %arg4[%add3A, %add3A_210, %dma_start3A_216] : memref<32x80x128xi32, #tpu.memory_space<hbm>> -> memref<1x1x128xi32, #tpu.memory_space<hbm>>
        %dma_start3A_218 = tpu.memref_squeeze %dma_start3A_217 : memref<1x1x128xi32, #tpu.memory_space<hbm>> -> memref<128xi32, #tpu.memory_space<hbm>>
        %dma_start3A_219 = tpu.memref_slice %arg18[%dma_start3A_212] : memref<2x!tpu.dma_semaphore, #tpu.memory_space<semaphore_mem>> -> memref<1x!tpu.dma_semaphore, #tpu.memory_space<semaphore_mem>>
        %dma_start3A_220 = tpu.memref_squeeze %dma_start3A_219 : memref<1x!tpu.dma_semaphore, #tpu.memory_space<semaphore_mem>> -> memref<!tpu.dma_semaphore, #tpu.memory_space<semaphore_mem>>
        %dma_start3A_221 = arith.constant 0 : i32
        %dma_start3A_222 = tpu.memref_slice %arg10[%dma_start3A_211, %dma_start3A_221] : memref<2x128xi32, #tpu.memory_space<vmem>> -> memref<1x128xi32, #tpu.memory_space<vmem>>
        %dma_start3A_223 = tpu.memref_squeeze %dma_start3A_222 : memref<1x128xi32, #tpu.memory_space<vmem>> -> memref<128xi32, #tpu.memory_space<vmem>>
        %dma_start3A_224 = arith.constant 0 : i32
        %dma_start3A_225 = tpu.memref_slice %arg4[%add3A, %add3A_210, %dma_start3A_224] : memref<32x80x128xi32, #tpu.memory_space<hbm>> -> memref<1x1x128xi32, #tpu.memory_space<hbm>>
        %dma_start3A_226 = tpu.memref_squeeze %dma_start3A_225 : memref<1x1x128xi32, #tpu.memory_space<hbm>> -> memref<128xi32, #tpu.memory_space<hbm>>
        tpu.enqueue_dma source(%dma_start3A_226 : memref<128xi32, #tpu.memory_space<hbm>>) target(%dma_start3A_223 : memref<128xi32, #tpu.memory_space<vmem>>) target_semaphore(%dma_start3A_220 : memref<!tpu.dma_semaphore, #tpu.memory_space<semaphore_mem>>)
        %dma_start3A_227 = arith.constant 0 : i32
        %dma_start3A_228 = arith.constant 0 : i32
        %dma_start3A_229 = arith.constant 0 : i32
        %dma_start3A_230 = tpu.memref_slice %arg11[%dma_start3A_227, %dma_start3A_229] : memref<2x128xi32, #tpu.memory_space<vmem>> -> memref<1x128xi32, #tpu.memory_space<vmem>>
        %dma_start3A_231 = tpu.memref_squeeze %dma_start3A_230 : memref<1x128xi32, #tpu.memory_space<vmem>> -> memref<128xi32, #tpu.memory_space<vmem>>
        %dma_start3A_232 = arith.constant 0 : i32
        %dma_start3A_233 = tpu.memref_slice %arg5[%add3A, %add3A_210, %dma_start3A_232] : memref<32x80x128xi32, #tpu.memory_space<hbm>> -> memref<1x1x128xi32, #tpu.memory_space<hbm>>
        %dma_start3A_234 = tpu.memref_squeeze %dma_start3A_233 : memref<1x1x128xi32, #tpu.memory_space<hbm>> -> memref<128xi32, #tpu.memory_space<hbm>>
        %dma_start3A_235 = tpu.memref_slice %arg18[%dma_start3A_228] : memref<2x!tpu.dma_semaphore, #tpu.memory_space<semaphore_mem>> -> memref<1x!tpu.dma_semaphore, #tpu.memory_space<semaphore_mem>>
        %dma_start3A_236 = tpu.memref_squeeze %dma_start3A_235 : memref<1x!tpu.dma_semaphore, #tpu.memory_space<semaphore_mem>> -> memref<!tpu.dma_semaphore, #tpu.memory_space<semaphore_mem>>
        %dma_start3A_237 = arith.constant 0 : i32
        %dma_start3A_238 = tpu.memref_slice %arg11[%dma_start3A_227, %dma_start3A_237] : memref<2x128xi32, #tpu.memory_space<vmem>> -> memref<1x128xi32, #tpu.memory_space<vmem>>
        %dma_start3A_239 = tpu.memref_squeeze %dma_start3A_238 : memref<1x128xi32, #tpu.memory_space<vmem>> -> memref<128xi32, #tpu.memory_space<vmem>>
        %dma_start3A_240 = arith.constant 0 : i32
        %dma_start3A_241 = tpu.memref_slice %arg5[%add3A, %add3A_210, %dma_start3A_240] : memref<32x80x128xi32, #tpu.memory_space<hbm>> -> memref<1x1x128xi32, #tpu.memory_space<hbm>>
        %dma_start3A_242 = tpu.memref_squeeze %dma_start3A_241 : memref<1x1x128xi32, #tpu.memory_space<hbm>> -> memref<128xi32, #tpu.memory_space<hbm>>
        tpu.enqueue_dma source(%dma_start3A_242 : memref<128xi32, #tpu.memory_space<hbm>>) target(%dma_start3A_239 : memref<128xi32, #tpu.memory_space<vmem>>) target_semaphore(%dma_start3A_236 : memref<!tpu.dma_semaphore, #tpu.memory_space<semaphore_mem>>)
      } else {
      }
      %dma_wait3A_172 = arith.constant 1 : i32
      %dma_wait3A_173 = arith.constant 1 : i32
      %dma_wait3A_174 = arith.constant 1 : i32
      %dma_wait3A_175 = arith.constant 0 : i32
      %dma_wait3A_176 = arith.constant 0 : i32
      %dma_wait3A_177 = tpu.memref_slice %arg12[%dma_wait3A_173, %dma_wait3A_175, %dma_wait3A_176] : memref<2x128x128xf32, #tpu.memory_space<vmem>> -> memref<1x128x128xf32, #tpu.memory_space<vmem>>
      %dma_wait3A_178 = tpu.memref_squeeze %dma_wait3A_177 : memref<1x128x128xf32, #tpu.memory_space<vmem>> -> memref<128x128xf32, #tpu.memory_space<vmem>>
      %dma_wait3A_179 = arith.constant 0 : i32
      %dma_wait3A_180 = tpu.memref_slice %arg10[%dma_wait3A_172, %dma_wait3A_179] : memref<2x128xi32, #tpu.memory_space<vmem>> -> memref<1x128xi32, #tpu.memory_space<vmem>>
      %dma_wait3A_181 = tpu.memref_squeeze %dma_wait3A_180 : memref<1x128xi32, #tpu.memory_space<vmem>> -> memref<128xi32, #tpu.memory_space<vmem>>
      %dma_wait3A_182 = arith.constant 0 : i32
      %dma_wait3A_183 = arith.constant 0 : i32
      %dma_wait3A_184 = tpu.memref_slice %arg2[%dma_wait3A_182, %dma_wait3A_183] : memref<10240x128xf32, #tpu.memory_space<hbm>> -> memref<10240x128xf32, #tpu.memory_space<hbm>>
      %dma_wait3A_185 = tpu.memref_slice %arg16[%dma_wait3A_174] : memref<2x!tpu.dma_semaphore, #tpu.memory_space<semaphore_mem>> -> memref<1x!tpu.dma_semaphore, #tpu.memory_space<semaphore_mem>>
      %dma_wait3A_186 = tpu.memref_squeeze %dma_wait3A_185 : memref<1x!tpu.dma_semaphore, #tpu.memory_space<semaphore_mem>> -> memref<!tpu.dma_semaphore, #tpu.memory_space<semaphore_mem>>
      tpu.wait_indirect_dma semaphore(%dma_wait3A_186 : memref<!tpu.dma_semaphore, #tpu.memory_space<semaphore_mem>>) src(%dma_wait3A_184 : memref<10240x128xf32, #tpu.memory_space<hbm>>) dst(%dma_wait3A_178 : memref<128x128xf32, #tpu.memory_space<vmem>>)
      %dma_wait3A_187 = arith.constant 1 : i32
      %dma_wait3A_188 = arith.constant 1 : i32
      %dma_wait3A_189 = arith.constant 1 : i32
      %dma_wait3A_190 = arith.constant 0 : i32
      %dma_wait3A_191 = tpu.memref_slice %arg13[%dma_wait3A_188, %dma_wait3A_190] : memref<2x128xf32, #tpu.memory_space<vmem>> -> memref<1x128xf32, #tpu.memory_space<vmem>>
      %dma_wait3A_192 = tpu.memref_squeeze %dma_wait3A_191 : memref<1x128xf32, #tpu.memory_space<vmem>> -> memref<128xf32, #tpu.memory_space<vmem>>
      %dma_wait3A_193 = arith.constant 0 : i32
      %dma_wait3A_194 = tpu.memref_slice %arg10[%dma_wait3A_187, %dma_wait3A_193] : memref<2x128xi32, #tpu.memory_space<vmem>> -> memref<1x128xi32, #tpu.memory_space<vmem>>
      %dma_wait3A_195 = tpu.memref_squeeze %dma_wait3A_194 : memref<1x128xi32, #tpu.memory_space<vmem>> -> memref<128xi32, #tpu.memory_space<vmem>>
      %dma_wait3A_196 = arith.constant 0 : i32
      %dma_wait3A_197 = tpu.memref_slice %arg3[%dma_wait3A_196] : memref<10240xf32, #tpu.memory_space<hbm>> -> memref<10240xf32, #tpu.memory_space<hbm>>
      %dma_wait3A_198 = tpu.memref_slice %arg17[%dma_wait3A_189] : memref<2x!tpu.dma_semaphore, #tpu.memory_space<semaphore_mem>> -> memref<1x!tpu.dma_semaphore, #tpu.memory_space<semaphore_mem>>
      %dma_wait3A_199 = tpu.memref_squeeze %dma_wait3A_198 : memref<1x!tpu.dma_semaphore, #tpu.memory_space<semaphore_mem>> -> memref<!tpu.dma_semaphore, #tpu.memory_space<semaphore_mem>>
      tpu.wait_indirect_dma semaphore(%dma_wait3A_199 : memref<!tpu.dma_semaphore, #tpu.memory_space<semaphore_mem>>) src(%dma_wait3A_197 : memref<10240xf32, #tpu.memory_space<hbm>>) dst(%dma_wait3A_192 : memref<128xf32, #tpu.memory_space<vmem>>)
      %lt3A_200 = arith.constant 79 : i32
      %lt3A_201 = arith.cmpi slt, %add3A_166, %lt3A_200 : i32
      %convert_element_type3A_202 = arith.extui %lt3A_201 : i1 to i32
      %cond3A_203 = arith.constant 0 : i32
      %cond3A_204 = arith.cmpi ne, %convert_element_type3A_202, %cond3A_203 : i32
      scf.if %cond3A_204 {
        %add3A_209 = arith.constant 1 : i32
        %add3A_210 = arith.addi %add3A_166, %add3A_209 : i32
        %dma_wait3A_211 = arith.constant 0 : i32
        %dma_wait3A_212 = arith.constant 0 : i32
        %dma_wait3A_213 = arith.constant 0 : i32
        %dma_wait3A_214 = tpu.memref_slice %arg10[%dma_wait3A_211, %dma_wait3A_213] : memref<2x128xi32, #tpu.memory_space<vmem>> -> memref<1x128xi32, #tpu.memory_space<vmem>>
        %dma_wait3A_215 = tpu.memref_squeeze %dma_wait3A_214 : memref<1x128xi32, #tpu.memory_space<vmem>> -> memref<128xi32, #tpu.memory_space<vmem>>
        %dma_wait3A_216 = arith.constant 0 : i32
        %dma_wait3A_217 = tpu.memref_slice %arg4[%add3A, %add3A_210, %dma_wait3A_216] : memref<32x80x128xi32, #tpu.memory_space<hbm>> -> memref<1x1x128xi32, #tpu.memory_space<hbm>>
        %dma_wait3A_218 = tpu.memref_squeeze %dma_wait3A_217 : memref<1x1x128xi32, #tpu.memory_space<hbm>> -> memref<128xi32, #tpu.memory_space<hbm>>
        %dma_wait3A_219 = tpu.memref_slice %arg18[%dma_wait3A_212] : memref<2x!tpu.dma_semaphore, #tpu.memory_space<semaphore_mem>> -> memref<1x!tpu.dma_semaphore, #tpu.memory_space<semaphore_mem>>
        %dma_wait3A_220 = tpu.memref_squeeze %dma_wait3A_219 : memref<1x!tpu.dma_semaphore, #tpu.memory_space<semaphore_mem>> -> memref<!tpu.dma_semaphore, #tpu.memory_space<semaphore_mem>>
        %dma_wait3A_221 = arith.constant 0 : i32
        %dma_wait3A_222 = tpu.memref_slice %arg10[%dma_wait3A_211, %dma_wait3A_221] : memref<2x128xi32, #tpu.memory_space<vmem>> -> memref<1x128xi32, #tpu.memory_space<vmem>>
        %dma_wait3A_223 = tpu.memref_squeeze %dma_wait3A_222 : memref<1x128xi32, #tpu.memory_space<vmem>> -> memref<128xi32, #tpu.memory_space<vmem>>
        %dma_wait3A_224 = arith.constant 0 : i32
        %dma_wait3A_225 = tpu.memref_slice %arg4[%add3A, %add3A_210, %dma_wait3A_224] : memref<32x80x128xi32, #tpu.memory_space<hbm>> -> memref<1x1x128xi32, #tpu.memory_space<hbm>>
        %dma_wait3A_226 = tpu.memref_squeeze %dma_wait3A_225 : memref<1x1x128xi32, #tpu.memory_space<hbm>> -> memref<128xi32, #tpu.memory_space<hbm>>
        tpu.wait_dma2 semaphore(%dma_wait3A_220 : memref<!tpu.dma_semaphore, #tpu.memory_space<semaphore_mem>>) src(%dma_wait3A_226 : memref<128xi32, #tpu.memory_space<hbm>>) dst(%dma_wait3A_223 : memref<128xi32, #tpu.memory_space<vmem>>)
        %dma_wait3A_227 = arith.constant 0 : i32
        %dma_wait3A_228 = arith.constant 0 : i32
        %dma_wait3A_229 = arith.constant 0 : i32
        %dma_wait3A_230 = tpu.memref_slice %arg11[%dma_wait3A_227, %dma_wait3A_229] : memref<2x128xi32, #tpu.memory_space<vmem>> -> memref<1x128xi32, #tpu.memory_space<vmem>>
        %dma_wait3A_231 = tpu.memref_squeeze %dma_wait3A_230 : memref<1x128xi32, #tpu.memory_space<vmem>> -> memref<128xi32, #tpu.memory_space<vmem>>
        %dma_wait3A_232 = arith.constant 0 : i32
        %dma_wait3A_233 = tpu.memref_slice %arg5[%add3A, %add3A_210, %dma_wait3A_232] : memref<32x80x128xi32, #tpu.memory_space<hbm>> -> memref<1x1x128xi32, #tpu.memory_space<hbm>>
        %dma_wait3A_234 = tpu.memref_squeeze %dma_wait3A_233 : memref<1x1x128xi32, #tpu.memory_space<hbm>> -> memref<128xi32, #tpu.memory_space<hbm>>
        %dma_wait3A_235 = tpu.memref_slice %arg18[%dma_wait3A_228] : memref<2x!tpu.dma_semaphore, #tpu.memory_space<semaphore_mem>> -> memref<1x!tpu.dma_semaphore, #tpu.memory_space<semaphore_mem>>
        %dma_wait3A_236 = tpu.memref_squeeze %dma_wait3A_235 : memref<1x!tpu.dma_semaphore, #tpu.memory_space<semaphore_mem>> -> memref<!tpu.dma_semaphore, #tpu.memory_space<semaphore_mem>>
        %dma_wait3A_237 = arith.constant 0 : i32
        %dma_wait3A_238 = tpu.memref_slice %arg11[%dma_wait3A_227, %dma_wait3A_237] : memref<2x128xi32, #tpu.memory_space<vmem>> -> memref<1x128xi32, #tpu.memory_space<vmem>>
        %dma_wait3A_239 = tpu.memref_squeeze %dma_wait3A_238 : memref<1x128xi32, #tpu.memory_space<vmem>> -> memref<128xi32, #tpu.memory_space<vmem>>
        %dma_wait3A_240 = arith.constant 0 : i32
        %dma_wait3A_241 = tpu.memref_slice %arg5[%add3A, %add3A_210, %dma_wait3A_240] : memref<32x80x128xi32, #tpu.memory_space<hbm>> -> memref<1x1x128xi32, #tpu.memory_space<hbm>>
        %dma_wait3A_242 = tpu.memref_squeeze %dma_wait3A_241 : memref<1x1x128xi32, #tpu.memory_space<hbm>> -> memref<128xi32, #tpu.memory_space<hbm>>
        tpu.wait_dma2 semaphore(%dma_wait3A_236 : memref<!tpu.dma_semaphore, #tpu.memory_space<semaphore_mem>>) src(%dma_wait3A_242 : memref<128xi32, #tpu.memory_space<hbm>>) dst(%dma_wait3A_239 : memref<128xi32, #tpu.memory_space<vmem>>)
        %add3A_243 = arith.constant 1 : i32
        %add3A_244 = arith.addi %add3A_166, %add3A_243 : i32
        %dma_start3A_245 = arith.constant 0 : i32
        %dma_start3A_246 = arith.constant 0 : i32
        %dma_start3A_247 = arith.constant 0 : i32
        %dma_start3A_248 = arith.constant 0 : i32
        %dma_start3A_249 = arith.constant 0 : i32
        %dma_start3A_250 = tpu.memref_slice %arg12[%dma_start3A_246, %dma_start3A_248, %dma_start3A_249] : memref<2x128x128xf32, #tpu.memory_space<vmem>> -> memref<1x128x128xf32, #tpu.memory_space<vmem>>
        %dma_start3A_251 = tpu.memref_squeeze %dma_start3A_250 : memref<1x128x128xf32, #tpu.memory_space<vmem>> -> memref<128x128xf32, #tpu.memory_space<vmem>>
        %dma_start3A_252 = arith.constant 0 : i32
        %dma_start3A_253 = tpu.memref_slice %arg10[%dma_start3A_245, %dma_start3A_252] : memref<2x128xi32, #tpu.memory_space<vmem>> -> memref<1x128xi32, #tpu.memory_space<vmem>>
        %dma_start3A_254 = tpu.memref_squeeze %dma_start3A_253 : memref<1x128xi32, #tpu.memory_space<vmem>> -> memref<128xi32, #tpu.memory_space<vmem>>
        %dma_start3A_255 = arith.constant 0 : i32
        %dma_start3A_256 = arith.constant 0 : i32
        %dma_start3A_257 = tpu.memref_slice %arg2[%dma_start3A_255, %dma_start3A_256] : memref<10240x128xf32, #tpu.memory_space<hbm>> -> memref<10240x128xf32, #tpu.memory_space<hbm>>
        %dma_start3A_258 = tpu.memref_slice %arg16[%dma_start3A_247] : memref<2x!tpu.dma_semaphore, #tpu.memory_space<semaphore_mem>> -> memref<1x!tpu.dma_semaphore, #tpu.memory_space<semaphore_mem>>
        %dma_start3A_259 = tpu.memref_squeeze %dma_start3A_258 : memref<1x!tpu.dma_semaphore, #tpu.memory_space<semaphore_mem>> -> memref<!tpu.dma_semaphore, #tpu.memory_space<semaphore_mem>>
        tpu.enqueue_indirect_dma source(%dma_start3A_257 : memref<10240x128xf32, #tpu.memory_space<hbm>>) target(%dma_start3A_251 : memref<128x128xf32, #tpu.memory_space<vmem>>) offsets(%dma_start3A_254 : memref<128xi32, #tpu.memory_space<vmem>>) semaphore(%dma_start3A_259 : memref<!tpu.dma_semaphore, #tpu.memory_space<semaphore_mem>>)
        %dma_start3A_260 = arith.constant 0 : i32
        %dma_start3A_261 = arith.constant 0 : i32
        %dma_start3A_262 = arith.constant 0 : i32
        %dma_start3A_263 = arith.constant 0 : i32
        %dma_start3A_264 = tpu.memref_slice %arg13[%dma_start3A_261, %dma_start3A_263] : memref<2x128xf32, #tpu.memory_space<vmem>> -> memref<1x128xf32, #tpu.memory_space<vmem>>
        %dma_start3A_265 = tpu.memref_squeeze %dma_start3A_264 : memref<1x128xf32, #tpu.memory_space<vmem>> -> memref<128xf32, #tpu.memory_space<vmem>>
        %dma_start3A_266 = arith.constant 0 : i32
        %dma_start3A_267 = tpu.memref_slice %arg10[%dma_start3A_260, %dma_start3A_266] : memref<2x128xi32, #tpu.memory_space<vmem>> -> memref<1x128xi32, #tpu.memory_space<vmem>>
        %dma_start3A_268 = tpu.memref_squeeze %dma_start3A_267 : memref<1x128xi32, #tpu.memory_space<vmem>> -> memref<128xi32, #tpu.memory_space<vmem>>
        %dma_start3A_269 = arith.constant 0 : i32
        %dma_start3A_270 = tpu.memref_slice %arg3[%dma_start3A_269] : memref<10240xf32, #tpu.memory_space<hbm>> -> memref<10240xf32, #tpu.memory_space<hbm>>
        %dma_start3A_271 = tpu.memref_slice %arg17[%dma_start3A_262] : memref<2x!tpu.dma_semaphore, #tpu.memory_space<semaphore_mem>> -> memref<1x!tpu.dma_semaphore, #tpu.memory_space<semaphore_mem>>
        %dma_start3A_272 = tpu.memref_squeeze %dma_start3A_271 : memref<1x!tpu.dma_semaphore, #tpu.memory_space<semaphore_mem>> -> memref<!tpu.dma_semaphore, #tpu.memory_space<semaphore_mem>>
        tpu.enqueue_indirect_dma source(%dma_start3A_270 : memref<10240xf32, #tpu.memory_space<hbm>>) target(%dma_start3A_265 : memref<128xf32, #tpu.memory_space<vmem>>) offsets(%dma_start3A_268 : memref<128xi32, #tpu.memory_space<vmem>>) semaphore(%dma_start3A_272 : memref<!tpu.dma_semaphore, #tpu.memory_space<semaphore_mem>>)
      } else {
      }
      %run_scoped3A_205 = arith.constant 1 : i32
      %run_scoped3A_206 = arith.constant 1 : i32
      "tpu.region"() ({
        %run_scoped3A_209 = tpu.sem_alloc : memref<!tpu.dma_semaphore, #tpu.memory_space<semaphore_mem>>
        %dma_start3A_210 = arith.constant 0 : i32
        %dma_start3A_211 = arith.constant 0 : i32
        %dma_start3A_212 = tpu.memref_slice %arg12[%run_scoped3A_205, %dma_start3A_210, %dma_start3A_211] : memref<2x128x128xf32, #tpu.memory_space<vmem>> -> memref<1x128x128xf32, #tpu.memory_space<vmem>>
        %dma_start3A_213 = tpu.memref_squeeze %dma_start3A_212 : memref<1x128x128xf32, #tpu.memory_space<vmem>> -> memref<128x128xf32, #tpu.memory_space<vmem>>
        %dma_start3A_214 = arith.constant 0 : i32
        %dma_start3A_215 = tpu.memref_slice %arg11[%run_scoped3A_206, %dma_start3A_214] : memref<2x128xi32, #tpu.memory_space<vmem>> -> memref<1x128xi32, #tpu.memory_space<vmem>>
        %dma_start3A_216 = tpu.memref_squeeze %dma_start3A_215 : memref<1x128xi32, #tpu.memory_space<vmem>> -> memref<128xi32, #tpu.memory_space<vmem>>
        %dma_start3A_217 = arith.constant 0 : i32
        %dma_start3A_218 = arith.constant 0 : i32
        %dma_start3A_219 = tpu.memref_slice %arg14[%dma_start3A_217, %dma_start3A_218] : memref<10240x128xf32, #tpu.memory_space<vmem_shared>> -> memref<10240x128xf32, #tpu.memory_space<vmem_shared>>
        tpu.enqueue_indirect_dma source(%dma_start3A_213 : memref<128x128xf32, #tpu.memory_space<vmem>>) target(%dma_start3A_219 : memref<10240x128xf32, #tpu.memory_space<vmem_shared>>) offsets(%dma_start3A_216 : memref<128xi32, #tpu.memory_space<vmem>>) semaphore(%run_scoped3A_209 : memref<!tpu.dma_semaphore, #tpu.memory_space<semaphore_mem>>) {add = true}
        %dma_wait3A_220 = arith.constant 0 : i32
        %dma_wait3A_221 = arith.constant 0 : i32
        %dma_wait3A_222 = tpu.memref_slice %arg12[%run_scoped3A_205, %dma_wait3A_220, %dma_wait3A_221] : memref<2x128x128xf32, #tpu.memory_space<vmem>> -> memref<1x128x128xf32, #tpu.memory_space<vmem>>
        %dma_wait3A_223 = tpu.memref_squeeze %dma_wait3A_222 : memref<1x128x128xf32, #tpu.memory_space<vmem>> -> memref<128x128xf32, #tpu.memory_space<vmem>>
        %dma_wait3A_224 = arith.constant 0 : i32
        %dma_wait3A_225 = tpu.memref_slice %arg11[%run_scoped3A_206, %dma_wait3A_224] : memref<2x128xi32, #tpu.memory_space<vmem>> -> memref<1x128xi32, #tpu.memory_space<vmem>>
        %dma_wait3A_226 = tpu.memref_squeeze %dma_wait3A_225 : memref<1x128xi32, #tpu.memory_space<vmem>> -> memref<128xi32, #tpu.memory_space<vmem>>
        %dma_wait3A_227 = arith.constant 0 : i32
        %dma_wait3A_228 = arith.constant 0 : i32
        %dma_wait3A_229 = tpu.memref_slice %arg14[%dma_wait3A_227, %dma_wait3A_228] : memref<10240x128xf32, #tpu.memory_space<vmem_shared>> -> memref<10240x128xf32, #tpu.memory_space<vmem_shared>>
        tpu.wait_indirect_dma semaphore(%run_scoped3A_209 : memref<!tpu.dma_semaphore, #tpu.memory_space<semaphore_mem>>) src(%dma_wait3A_223 : memref<128x128xf32, #tpu.memory_space<vmem>>) dst(%dma_wait3A_229 : memref<10240x128xf32, #tpu.memory_space<vmem_shared>>)
        tpu.yield
      }) : () -> ()
      %run_scoped3A_207 = arith.constant 1 : i32
      %run_scoped3A_208 = arith.constant 1 : i32
      "tpu.region"() ({
        %run_scoped3A_209 = tpu.sem_alloc : memref<!tpu.dma_semaphore, #tpu.memory_space<semaphore_mem>>
        %dma_start3A_210 = arith.constant 0 : i32
        %dma_start3A_211 = tpu.memref_slice %arg13[%run_scoped3A_207, %dma_start3A_210] : memref<2x128xf32, #tpu.memory_space<vmem>> -> memref<1x128xf32, #tpu.memory_space<vmem>>
        %dma_start3A_212 = tpu.memref_squeeze %dma_start3A_211 : memref<1x128xf32, #tpu.memory_space<vmem>> -> memref<128xf32, #tpu.memory_space<vmem>>
        %dma_start3A_213 = arith.constant 0 : i32
        %dma_start3A_214 = tpu.memref_slice %arg11[%run_scoped3A_208, %dma_start3A_213] : memref<2x128xi32, #tpu.memory_space<vmem>> -> memref<1x128xi32, #tpu.memory_space<vmem>>
        %dma_start3A_215 = tpu.memref_squeeze %dma_start3A_214 : memref<1x128xi32, #tpu.memory_space<vmem>> -> memref<128xi32, #tpu.memory_space<vmem>>
        %dma_start3A_216 = arith.constant 0 : i32
        %dma_start3A_217 = tpu.memref_slice %arg15[%dma_start3A_216] : memref<10240xf32, #tpu.memory_space<vmem_shared>> -> memref<10240xf32, #tpu.memory_space<vmem_shared>>
        tpu.enqueue_indirect_dma source(%dma_start3A_212 : memref<128xf32, #tpu.memory_space<vmem>>) target(%dma_start3A_217 : memref<10240xf32, #tpu.memory_space<vmem_shared>>) offsets(%dma_start3A_215 : memref<128xi32, #tpu.memory_space<vmem>>) semaphore(%run_scoped3A_209 : memref<!tpu.dma_semaphore, #tpu.memory_space<semaphore_mem>>) {add = true}
        %dma_wait3A_218 = arith.constant 0 : i32
        %dma_wait3A_219 = tpu.memref_slice %arg13[%run_scoped3A_207, %dma_wait3A_218] : memref<2x128xf32, #tpu.memory_space<vmem>> -> memref<1x128xf32, #tpu.memory_space<vmem>>
        %dma_wait3A_220 = tpu.memref_squeeze %dma_wait3A_219 : memref<1x128xf32, #tpu.memory_space<vmem>> -> memref<128xf32, #tpu.memory_space<vmem>>
        %dma_wait3A_221 = arith.constant 0 : i32
        %dma_wait3A_222 = tpu.memref_slice %arg11[%run_scoped3A_208, %dma_wait3A_221] : memref<2x128xi32, #tpu.memory_space<vmem>> -> memref<1x128xi32, #tpu.memory_space<vmem>>
        %dma_wait3A_223 = tpu.memref_squeeze %dma_wait3A_222 : memref<1x128xi32, #tpu.memory_space<vmem>> -> memref<128xi32, #tpu.memory_space<vmem>>
        %dma_wait3A_224 = arith.constant 0 : i32
        %dma_wait3A_225 = tpu.memref_slice %arg15[%dma_wait3A_224] : memref<10240xf32, #tpu.memory_space<vmem_shared>> -> memref<10240xf32, #tpu.memory_space<vmem_shared>>
        tpu.wait_indirect_dma semaphore(%run_scoped3A_209 : memref<!tpu.dma_semaphore, #tpu.memory_space<semaphore_mem>>) src(%dma_wait3A_220 : memref<128xf32, #tpu.memory_space<vmem>>) dst(%dma_wait3A_225 : memref<10240xf32, #tpu.memory_space<vmem_shared>>)
        tpu.yield
      }) : () -> ()
    }
    %scan3A_106 = arith.constant 40 : i32
    %barrier3A_107 = arith.constant 0 : index
    tpu.barrier barrier_id(%barrier3A_107)
    %mul3A_108 = arith.constant 640 : i32
    %mul3A_109 = arith.muli %arg1, %mul3A_108 : i32
    %mul3A_110 = arith.constant 640 : i32
    %mul3A_111 = arith.muli %arg1, %mul3A_110 : i32
    "tpu.region"() ({
      %run_scoped3A = tpu.sem_alloc : memref<!tpu.dma_semaphore, #tpu.memory_space<semaphore_mem>>
      %dma_start3A_116 = arith.constant 0 : i32
      %dma_start3A_117 = tpu.memref_slice %arg8[%arg0, %mul3A_111, %dma_start3A_116] : memref<2x10240x128xf32, #tpu.memory_space<hbm>> -> memref<1x640x128xf32, #tpu.memory_space<hbm>>
      %dma_start3A_118 = tpu.memref_squeeze %dma_start3A_117 : memref<1x640x128xf32, #tpu.memory_space<hbm>> -> memref<640x128xf32, #tpu.memory_space<hbm>>
      %dma_start3A_119 = arith.constant 0 : i32
      %dma_start3A_120 = tpu.memref_slice %arg14[%mul3A_109, %dma_start3A_119] : memref<10240x128xf32, #tpu.memory_space<vmem_shared>> -> memref<640x128xf32, #tpu.memory_space<vmem_shared>>
      tpu.enqueue_dma source(%dma_start3A_120 : memref<640x128xf32, #tpu.memory_space<vmem_shared>>) target(%dma_start3A_118 : memref<640x128xf32, #tpu.memory_space<hbm>>) target_semaphore(%run_scoped3A : memref<!tpu.dma_semaphore, #tpu.memory_space<semaphore_mem>>)
      %dma_wait3A_121 = arith.constant 0 : i32
      %dma_wait3A_122 = tpu.memref_slice %arg8[%arg0, %mul3A_111, %dma_wait3A_121] : memref<2x10240x128xf32, #tpu.memory_space<hbm>> -> memref<1x640x128xf32, #tpu.memory_space<hbm>>
      %dma_wait3A_123 = tpu.memref_squeeze %dma_wait3A_122 : memref<1x640x128xf32, #tpu.memory_space<hbm>> -> memref<640x128xf32, #tpu.memory_space<hbm>>
      %dma_wait3A_124 = arith.constant 0 : i32
      %dma_wait3A_125 = tpu.memref_slice %arg14[%mul3A_109, %dma_wait3A_124] : memref<10240x128xf32, #tpu.memory_space<vmem_shared>> -> memref<640x128xf32, #tpu.memory_space<vmem_shared>>
      tpu.wait_dma2 semaphore(%run_scoped3A : memref<!tpu.dma_semaphore, #tpu.memory_space<semaphore_mem>>) src(%dma_wait3A_125 : memref<640x128xf32, #tpu.memory_space<vmem_shared>>) dst(%dma_wait3A_123 : memref<640x128xf32, #tpu.memory_space<hbm>>)
      tpu.yield
    }) : () -> ()
    %mul3A_112 = arith.constant 640 : i32
    %mul3A_113 = arith.muli %arg1, %mul3A_112 : i32
    %mul3A_114 = arith.constant 640 : i32
    %mul3A_115 = arith.muli %arg1, %mul3A_114 : i32
    "tpu.region"() ({
      %run_scoped3A = tpu.sem_alloc : memref<!tpu.dma_semaphore, #tpu.memory_space<semaphore_mem>>
      %dma_start3A_116 = tpu.memref_slice %arg9[%arg0, %mul3A_115] : memref<2x10240xf32, #tpu.memory_space<hbm>> -> memref<1x640xf32, #tpu.memory_space<hbm>>
      %dma_start3A_117 = tpu.memref_squeeze %dma_start3A_116 : memref<1x640xf32, #tpu.memory_space<hbm>> -> memref<640xf32, #tpu.memory_space<hbm>>
      %dma_start3A_118 = tpu.memref_slice %arg15[%mul3A_113] : memref<10240xf32, #tpu.memory_space<vmem_shared>> -> memref<640xf32, #tpu.memory_space<vmem_shared>>
      tpu.enqueue_dma source(%dma_start3A_118 : memref<640xf32, #tpu.memory_space<vmem_shared>>) target(%dma_start3A_117 : memref<640xf32, #tpu.memory_space<hbm>>) target_semaphore(%run_scoped3A : memref<!tpu.dma_semaphore, #tpu.memory_space<semaphore_mem>>)
      %dma_wait3A_119 = tpu.memref_slice %arg9[%arg0, %mul3A_115] : memref<2x10240xf32, #tpu.memory_space<hbm>> -> memref<1x640xf32, #tpu.memory_space<hbm>>
      %dma_wait3A_120 = tpu.memref_squeeze %dma_wait3A_119 : memref<1x640xf32, #tpu.memory_space<hbm>> -> memref<640xf32, #tpu.memory_space<hbm>>
      %dma_wait3A_121 = tpu.memref_slice %arg15[%mul3A_113] : memref<10240xf32, #tpu.memory_space<vmem_shared>> -> memref<640xf32, #tpu.memory_space<vmem_shared>>
      tpu.wait_dma2 semaphore(%run_scoped3A : memref<!tpu.dma_semaphore, #tpu.memory_space<semaphore_mem>>) src(%dma_wait3A_121 : memref<640xf32, #tpu.memory_space<vmem_shared>>) dst(%dma_wait3A_120 : memref<640xf32, #tpu.memory_space<hbm>>)
      tpu.yield
    }) : () -> ()
    return
  }
}

#map = affine_map<(d0, d1) -> (0, 0)>
#map1 = affine_map<(d0, d1) -> (0)>
#map2 = affine_map<(d0, d1) -> (0, 0, 0)>
module attributes {stable_mosaic.version = 14 : i64} {
  func.func @agg_kernel(%arg0: i32, %arg1: i32, %arg2: memref<10240x128xf32, #tpu.memory_space<hbm>>, %arg3: memref<10240xf32, #tpu.memory_space<hbm>>, %arg4: memref<32x80x128xi32, #tpu.memory_space<hbm>>, %arg5: memref<32x80x128xi32, #tpu.memory_space<hbm>>, %arg6: memref<10240x128xf32, #tpu.memory_space<hbm>>, %arg7: memref<10240xf32, #tpu.memory_space<hbm>>, %arg8: memref<2x10240x128xf32, #tpu.memory_space<hbm>>, %arg9: memref<2x10240xf32, #tpu.memory_space<hbm>>, %arg10: memref<2x128xi32, #tpu.memory_space<vmem>>, %arg11: memref<2x128xi32, #tpu.memory_space<vmem>>, %arg12: memref<2x128x128xf32, #tpu.memory_space<vmem>>, %arg13: memref<2x128xf32, #tpu.memory_space<vmem>>, %arg14: memref<10240x128xf32, #tpu.memory_space<vmem_shared>>, %arg15: memref<10240xf32, #tpu.memory_space<vmem_shared>>, %arg16: memref<2x!tpu.dma_semaphore, #tpu.memory_space<semaphore_mem>>, %arg17: memref<2x!tpu.dma_semaphore, #tpu.memory_space<semaphore_mem>>, %arg18: memref<2x!tpu.dma_semaphore, #tpu.memory_space<semaphore_mem>>) attributes {dimension_semantics = [#tpu.dimension_semantics<core_parallel>, #tpu.dimension_semantics<subcore_parallel>], iteration_bounds = array<i64: 2, 16>, scalar_prefetch = 0 : i64, scratch_operands = 9 : i64, tpu.core_type = #tpu.core_type<sc_vector_subcore>, window_params = [{transform_indices = #map}, {transform_indices = #map1}, {transform_indices = #map2}, {transform_indices = #map2}, {transform_indices = #map}, {transform_indices = #map1}, {transform_indices = #map2}, {transform_indices = #map}]} {
    %mul3A = arith.constant 16 : i32
    %mul3A_0 = arith.muli %arg0, %mul3A : i32
    %add3A = arith.addi %mul3A_0, %arg1 : i32
    %mul3A_1 = arith.constant 640 : i32
    %mul3A_2 = arith.muli %arg1, %mul3A_1 : i32
    %mul3A_3 = arith.constant 640 : i32
    %mul3A_4 = arith.muli %arg1, %mul3A_3 : i32
    "tpu.region"() ({
      %run_scoped3A = tpu.sem_alloc : memref<!tpu.dma_semaphore, #tpu.memory_space<semaphore_mem>>
      %dma_start3A_116 = arith.constant 0 : i32
      %dma_start3A_117 = tpu.memref_slice %arg14[%mul3A_4, %dma_start3A_116] : memref<10240x128xf32, #tpu.memory_space<vmem_shared>> -> memref<640x128xf32, #tpu.memory_space<vmem_shared>>
      %dma_start3A_118 = arith.constant 0 : i32
      %dma_start3A_119 = tpu.memref_slice %arg6[%mul3A_2, %dma_start3A_118] : memref<10240x128xf32, #tpu.memory_space<hbm>> -> memref<640x128xf32, #tpu.memory_space<hbm>>
      tpu.enqueue_dma source(%dma_start3A_119 : memref<640x128xf32, #tpu.memory_space<hbm>>) target(%dma_start3A_117 : memref<640x128xf32, #tpu.memory_space<vmem_shared>>) target_semaphore(%run_scoped3A : memref<!tpu.dma_semaphore, #tpu.memory_space<semaphore_mem>>)
      %dma_wait3A_120 = arith.constant 0 : i32
      %dma_wait3A_121 = tpu.memref_slice %arg14[%mul3A_4, %dma_wait3A_120] : memref<10240x128xf32, #tpu.memory_space<vmem_shared>> -> memref<640x128xf32, #tpu.memory_space<vmem_shared>>
      %dma_wait3A_122 = arith.constant 0 : i32
      %dma_wait3A_123 = tpu.memref_slice %arg6[%mul3A_2, %dma_wait3A_122] : memref<10240x128xf32, #tpu.memory_space<hbm>> -> memref<640x128xf32, #tpu.memory_space<hbm>>
      tpu.wait_dma2 semaphore(%run_scoped3A : memref<!tpu.dma_semaphore, #tpu.memory_space<semaphore_mem>>) src(%dma_wait3A_123 : memref<640x128xf32, #tpu.memory_space<hbm>>) dst(%dma_wait3A_121 : memref<640x128xf32, #tpu.memory_space<vmem_shared>>)
      tpu.yield
    }) : () -> ()
    %mul3A_5 = arith.constant 640 : i32
    %mul3A_6 = arith.muli %arg1, %mul3A_5 : i32
    %mul3A_7 = arith.constant 640 : i32
    %mul3A_8 = arith.muli %arg1, %mul3A_7 : i32
    "tpu.region"() ({
      %run_scoped3A = tpu.sem_alloc : memref<!tpu.dma_semaphore, #tpu.memory_space<semaphore_mem>>
      %dma_start3A_116 = tpu.memref_slice %arg15[%mul3A_8] : memref<10240xf32, #tpu.memory_space<vmem_shared>> -> memref<640xf32, #tpu.memory_space<vmem_shared>>
      %dma_start3A_117 = tpu.memref_slice %arg7[%mul3A_6] : memref<10240xf32, #tpu.memory_space<hbm>> -> memref<640xf32, #tpu.memory_space<hbm>>
      tpu.enqueue_dma source(%dma_start3A_117 : memref<640xf32, #tpu.memory_space<hbm>>) target(%dma_start3A_116 : memref<640xf32, #tpu.memory_space<vmem_shared>>) target_semaphore(%run_scoped3A : memref<!tpu.dma_semaphore, #tpu.memory_space<semaphore_mem>>)
      %dma_wait3A_118 = tpu.memref_slice %arg15[%mul3A_8] : memref<10240xf32, #tpu.memory_space<vmem_shared>> -> memref<640xf32, #tpu.memory_space<vmem_shared>>
      %dma_wait3A_119 = tpu.memref_slice %arg7[%mul3A_6] : memref<10240xf32, #tpu.memory_space<hbm>> -> memref<640xf32, #tpu.memory_space<hbm>>
      tpu.wait_dma2 semaphore(%run_scoped3A : memref<!tpu.dma_semaphore, #tpu.memory_space<semaphore_mem>>) src(%dma_wait3A_119 : memref<640xf32, #tpu.memory_space<hbm>>) dst(%dma_wait3A_118 : memref<640xf32, #tpu.memory_space<vmem_shared>>)
      tpu.yield
    }) : () -> ()
    %barrier3A = arith.constant 0 : index
    tpu.barrier barrier_id(%barrier3A)
    %dma_start3A = arith.constant 0 : i32
    %dma_start3A_9 = arith.constant 0 : i32
    %dma_start3A_10 = arith.constant 0 : i32
    %dma_start3A_11 = arith.constant 0 : i32
    %dma_start3A_12 = tpu.memref_slice %arg10[%dma_start3A_9, %dma_start3A_11] : memref<2x128xi32, #tpu.memory_space<vmem>> -> memref<1x128xi32, #tpu.memory_space<vmem>>
    %dma_start3A_13 = tpu.memref_squeeze %dma_start3A_12 : memref<1x128xi32, #tpu.memory_space<vmem>> -> memref<128xi32, #tpu.memory_space<vmem>>
    %dma_start3A_14 = arith.constant 0 : i32
    %dma_start3A_15 = tpu.memref_slice %arg4[%add3A, %dma_start3A, %dma_start3A_14] : memref<32x80x128xi32, #tpu.memory_space<hbm>> -> memref<1x1x128xi32, #tpu.memory_space<hbm>>
    %dma_start3A_16 = tpu.memref_squeeze %dma_start3A_15 : memref<1x1x128xi32, #tpu.memory_space<hbm>> -> memref<128xi32, #tpu.memory_space<hbm>>
    %dma_start3A_17 = tpu.memref_slice %arg18[%dma_start3A_10] : memref<2x!tpu.dma_semaphore, #tpu.memory_space<semaphore_mem>> -> memref<1x!tpu.dma_semaphore, #tpu.memory_space<semaphore_mem>>
    %dma_start3A_18 = tpu.memref_squeeze %dma_start3A_17 : memref<1x!tpu.dma_semaphore, #tpu.memory_space<semaphore_mem>> -> memref<!tpu.dma_semaphore, #tpu.memory_space<semaphore_mem>>
    %dma_start3A_19 = arith.constant 0 : i32
    %dma_start3A_20 = tpu.memref_slice %arg10[%dma_start3A_9, %dma_start3A_19] : memref<2x128xi32, #tpu.memory_space<vmem>> -> memref<1x128xi32, #tpu.memory_space<vmem>>
    %dma_start3A_21 = tpu.memref_squeeze %dma_start3A_20 : memref<1x128xi32, #tpu.memory_space<vmem>> -> memref<128xi32, #tpu.memory_space<vmem>>
    %dma_start3A_22 = arith.constant 0 : i32
    %dma_start3A_23 = tpu.memref_slice %arg4[%add3A, %dma_start3A, %dma_start3A_22] : memref<32x80x128xi32, #tpu.memory_space<hbm>> -> memref<1x1x128xi32, #tpu.memory_space<hbm>>
    %dma_start3A_24 = tpu.memref_squeeze %dma_start3A_23 : memref<1x1x128xi32, #tpu.memory_space<hbm>> -> memref<128xi32, #tpu.memory_space<hbm>>
    tpu.enqueue_dma source(%dma_start3A_24 : memref<128xi32, #tpu.memory_space<hbm>>) target(%dma_start3A_21 : memref<128xi32, #tpu.memory_space<vmem>>) target_semaphore(%dma_start3A_18 : memref<!tpu.dma_semaphore, #tpu.memory_space<semaphore_mem>>)
    %dma_start3A_25 = arith.constant 0 : i32
    %dma_start3A_26 = arith.constant 0 : i32
    %dma_start3A_27 = arith.constant 0 : i32
    %dma_start3A_28 = arith.constant 0 : i32
    %dma_start3A_29 = tpu.memref_slice %arg11[%dma_start3A_26, %dma_start3A_28] : memref<2x128xi32, #tpu.memory_space<vmem>> -> memref<1x128xi32, #tpu.memory_space<vmem>>
    %dma_start3A_30 = tpu.memref_squeeze %dma_start3A_29 : memref<1x128xi32, #tpu.memory_space<vmem>> -> memref<128xi32, #tpu.memory_space<vmem>>
    %dma_start3A_31 = arith.constant 0 : i32
    %dma_start3A_32 = tpu.memref_slice %arg5[%add3A, %dma_start3A_25, %dma_start3A_31] : memref<32x80x128xi32, #tpu.memory_space<hbm>> -> memref<1x1x128xi32, #tpu.memory_space<hbm>>
    %dma_start3A_33 = tpu.memref_squeeze %dma_start3A_32 : memref<1x1x128xi32, #tpu.memory_space<hbm>> -> memref<128xi32, #tpu.memory_space<hbm>>
    %dma_start3A_34 = tpu.memref_slice %arg18[%dma_start3A_27] : memref<2x!tpu.dma_semaphore, #tpu.memory_space<semaphore_mem>> -> memref<1x!tpu.dma_semaphore, #tpu.memory_space<semaphore_mem>>
    %dma_start3A_35 = tpu.memref_squeeze %dma_start3A_34 : memref<1x!tpu.dma_semaphore, #tpu.memory_space<semaphore_mem>> -> memref<!tpu.dma_semaphore, #tpu.memory_space<semaphore_mem>>
    %dma_start3A_36 = arith.constant 0 : i32
    %dma_start3A_37 = tpu.memref_slice %arg11[%dma_start3A_26, %dma_start3A_36] : memref<2x128xi32, #tpu.memory_space<vmem>> -> memref<1x128xi32, #tpu.memory_space<vmem>>
    %dma_start3A_38 = tpu.memref_squeeze %dma_start3A_37 : memref<1x128xi32, #tpu.memory_space<vmem>> -> memref<128xi32, #tpu.memory_space<vmem>>
    %dma_start3A_39 = arith.constant 0 : i32
    %dma_start3A_40 = tpu.memref_slice %arg5[%add3A, %dma_start3A_25, %dma_start3A_39] : memref<32x80x128xi32, #tpu.memory_space<hbm>> -> memref<1x1x128xi32, #tpu.memory_space<hbm>>
    %dma_start3A_41 = tpu.memref_squeeze %dma_start3A_40 : memref<1x1x128xi32, #tpu.memory_space<hbm>> -> memref<128xi32, #tpu.memory_space<hbm>>
    tpu.enqueue_dma source(%dma_start3A_41 : memref<128xi32, #tpu.memory_space<hbm>>) target(%dma_start3A_38 : memref<128xi32, #tpu.memory_space<vmem>>) target_semaphore(%dma_start3A_35 : memref<!tpu.dma_semaphore, #tpu.memory_space<semaphore_mem>>)
    %dma_wait3A = arith.constant 0 : i32
    %dma_wait3A_42 = arith.constant 0 : i32
    %dma_wait3A_43 = arith.constant 0 : i32
    %dma_wait3A_44 = arith.constant 0 : i32
    %dma_wait3A_45 = tpu.memref_slice %arg10[%dma_wait3A_42, %dma_wait3A_44] : memref<2x128xi32, #tpu.memory_space<vmem>> -> memref<1x128xi32, #tpu.memory_space<vmem>>
    %dma_wait3A_46 = tpu.memref_squeeze %dma_wait3A_45 : memref<1x128xi32, #tpu.memory_space<vmem>> -> memref<128xi32, #tpu.memory_space<vmem>>
    %dma_wait3A_47 = arith.constant 0 : i32
    %dma_wait3A_48 = tpu.memref_slice %arg4[%add3A, %dma_wait3A, %dma_wait3A_47] : memref<32x80x128xi32, #tpu.memory_space<hbm>> -> memref<1x1x128xi32, #tpu.memory_space<hbm>>
    %dma_wait3A_49 = tpu.memref_squeeze %dma_wait3A_48 : memref<1x1x128xi32, #tpu.memory_space<hbm>> -> memref<128xi32, #tpu.memory_space<hbm>>
    %dma_wait3A_50 = tpu.memref_slice %arg18[%dma_wait3A_43] : memref<2x!tpu.dma_semaphore, #tpu.memory_space<semaphore_mem>> -> memref<1x!tpu.dma_semaphore, #tpu.memory_space<semaphore_mem>>
    %dma_wait3A_51 = tpu.memref_squeeze %dma_wait3A_50 : memref<1x!tpu.dma_semaphore, #tpu.memory_space<semaphore_mem>> -> memref<!tpu.dma_semaphore, #tpu.memory_space<semaphore_mem>>
    %dma_wait3A_52 = arith.constant 0 : i32
    %dma_wait3A_53 = tpu.memref_slice %arg10[%dma_wait3A_42, %dma_wait3A_52] : memref<2x128xi32, #tpu.memory_space<vmem>> -> memref<1x128xi32, #tpu.memory_space<vmem>>
    %dma_wait3A_54 = tpu.memref_squeeze %dma_wait3A_53 : memref<1x128xi32, #tpu.memory_space<vmem>> -> memref<128xi32, #tpu.memory_space<vmem>>
    %dma_wait3A_55 = arith.constant 0 : i32
    %dma_wait3A_56 = tpu.memref_slice %arg4[%add3A, %dma_wait3A, %dma_wait3A_55] : memref<32x80x128xi32, #tpu.memory_space<hbm>> -> memref<1x1x128xi32, #tpu.memory_space<hbm>>
    %dma_wait3A_57 = tpu.memref_squeeze %dma_wait3A_56 : memref<1x1x128xi32, #tpu.memory_space<hbm>> -> memref<128xi32, #tpu.memory_space<hbm>>
    tpu.wait_dma2 semaphore(%dma_wait3A_51 : memref<!tpu.dma_semaphore, #tpu.memory_space<semaphore_mem>>) src(%dma_wait3A_57 : memref<128xi32, #tpu.memory_space<hbm>>) dst(%dma_wait3A_54 : memref<128xi32, #tpu.memory_space<vmem>>)
    %dma_wait3A_58 = arith.constant 0 : i32
    %dma_wait3A_59 = arith.constant 0 : i32
    %dma_wait3A_60 = arith.constant 0 : i32
    %dma_wait3A_61 = arith.constant 0 : i32
    %dma_wait3A_62 = tpu.memref_slice %arg11[%dma_wait3A_59, %dma_wait3A_61] : memref<2x128xi32, #tpu.memory_space<vmem>> -> memref<1x128xi32, #tpu.memory_space<vmem>>
    %dma_wait3A_63 = tpu.memref_squeeze %dma_wait3A_62 : memref<1x128xi32, #tpu.memory_space<vmem>> -> memref<128xi32, #tpu.memory_space<vmem>>
    %dma_wait3A_64 = arith.constant 0 : i32
    %dma_wait3A_65 = tpu.memref_slice %arg5[%add3A, %dma_wait3A_58, %dma_wait3A_64] : memref<32x80x128xi32, #tpu.memory_space<hbm>> -> memref<1x1x128xi32, #tpu.memory_space<hbm>>
    %dma_wait3A_66 = tpu.memref_squeeze %dma_wait3A_65 : memref<1x1x128xi32, #tpu.memory_space<hbm>> -> memref<128xi32, #tpu.memory_space<hbm>>
    %dma_wait3A_67 = tpu.memref_slice %arg18[%dma_wait3A_60] : memref<2x!tpu.dma_semaphore, #tpu.memory_space<semaphore_mem>> -> memref<1x!tpu.dma_semaphore, #tpu.memory_space<semaphore_mem>>
    %dma_wait3A_68 = tpu.memref_squeeze %dma_wait3A_67 : memref<1x!tpu.dma_semaphore, #tpu.memory_space<semaphore_mem>> -> memref<!tpu.dma_semaphore, #tpu.memory_space<semaphore_mem>>
    %dma_wait3A_69 = arith.constant 0 : i32
    %dma_wait3A_70 = tpu.memref_slice %arg11[%dma_wait3A_59, %dma_wait3A_69] : memref<2x128xi32, #tpu.memory_space<vmem>> -> memref<1x128xi32, #tpu.memory_space<vmem>>
    %dma_wait3A_71 = tpu.memref_squeeze %dma_wait3A_70 : memref<1x128xi32, #tpu.memory_space<vmem>> -> memref<128xi32, #tpu.memory_space<vmem>>
    %dma_wait3A_72 = arith.constant 0 : i32
    %dma_wait3A_73 = tpu.memref_slice %arg5[%add3A, %dma_wait3A_58, %dma_wait3A_72] : memref<32x80x128xi32, #tpu.memory_space<hbm>> -> memref<1x1x128xi32, #tpu.memory_space<hbm>>
    %dma_wait3A_74 = tpu.memref_squeeze %dma_wait3A_73 : memref<1x1x128xi32, #tpu.memory_space<hbm>> -> memref<128xi32, #tpu.memory_space<hbm>>
    tpu.wait_dma2 semaphore(%dma_wait3A_68 : memref<!tpu.dma_semaphore, #tpu.memory_space<semaphore_mem>>) src(%dma_wait3A_74 : memref<128xi32, #tpu.memory_space<hbm>>) dst(%dma_wait3A_71 : memref<128xi32, #tpu.memory_space<vmem>>)
    %dma_start3A_75 = arith.constant 0 : i32
    %dma_start3A_76 = arith.constant 0 : i32
    %dma_start3A_77 = arith.constant 0 : i32
    %dma_start3A_78 = arith.constant 0 : i32
    %dma_start3A_79 = arith.constant 0 : i32
    %dma_start3A_80 = tpu.memref_slice %arg12[%dma_start3A_76, %dma_start3A_78, %dma_start3A_79] : memref<2x128x128xf32, #tpu.memory_space<vmem>> -> memref<1x128x128xf32, #tpu.memory_space<vmem>>
    %dma_start3A_81 = tpu.memref_squeeze %dma_start3A_80 : memref<1x128x128xf32, #tpu.memory_space<vmem>> -> memref<128x128xf32, #tpu.memory_space<vmem>>
    %dma_start3A_82 = arith.constant 0 : i32
    %dma_start3A_83 = tpu.memref_slice %arg10[%dma_start3A_75, %dma_start3A_82] : memref<2x128xi32, #tpu.memory_space<vmem>> -> memref<1x128xi32, #tpu.memory_space<vmem>>
    %dma_start3A_84 = tpu.memref_squeeze %dma_start3A_83 : memref<1x128xi32, #tpu.memory_space<vmem>> -> memref<128xi32, #tpu.memory_space<vmem>>
    %dma_start3A_85 = arith.constant 0 : i32
    %dma_start3A_86 = arith.constant 0 : i32
    %dma_start3A_87 = tpu.memref_slice %arg2[%dma_start3A_85, %dma_start3A_86] : memref<10240x128xf32, #tpu.memory_space<hbm>> -> memref<10240x128xf32, #tpu.memory_space<hbm>>
    %dma_start3A_88 = tpu.memref_slice %arg16[%dma_start3A_77] : memref<2x!tpu.dma_semaphore, #tpu.memory_space<semaphore_mem>> -> memref<1x!tpu.dma_semaphore, #tpu.memory_space<semaphore_mem>>
    %dma_start3A_89 = tpu.memref_squeeze %dma_start3A_88 : memref<1x!tpu.dma_semaphore, #tpu.memory_space<semaphore_mem>> -> memref<!tpu.dma_semaphore, #tpu.memory_space<semaphore_mem>>
    tpu.enqueue_indirect_dma source(%dma_start3A_87 : memref<10240x128xf32, #tpu.memory_space<hbm>>) target(%dma_start3A_81 : memref<128x128xf32, #tpu.memory_space<vmem>>) offsets(%dma_start3A_84 : memref<128xi32, #tpu.memory_space<vmem>>) semaphore(%dma_start3A_89 : memref<!tpu.dma_semaphore, #tpu.memory_space<semaphore_mem>>)
    %dma_start3A_90 = arith.constant 0 : i32
    %dma_start3A_91 = arith.constant 0 : i32
    %dma_start3A_92 = arith.constant 0 : i32
    %dma_start3A_93 = arith.constant 0 : i32
    %dma_start3A_94 = tpu.memref_slice %arg13[%dma_start3A_91, %dma_start3A_93] : memref<2x128xf32, #tpu.memory_space<vmem>> -> memref<1x128xf32, #tpu.memory_space<vmem>>
    %dma_start3A_95 = tpu.memref_squeeze %dma_start3A_94 : memref<1x128xf32, #tpu.memory_space<vmem>> -> memref<128xf32, #tpu.memory_space<vmem>>
    %dma_start3A_96 = arith.constant 0 : i32
    %dma_start3A_97 = tpu.memref_slice %arg10[%dma_start3A_90, %dma_start3A_96] : memref<2x128xi32, #tpu.memory_space<vmem>> -> memref<1x128xi32, #tpu.memory_space<vmem>>
    %dma_start3A_98 = tpu.memref_squeeze %dma_start3A_97 : memref<1x128xi32, #tpu.memory_space<vmem>> -> memref<128xi32, #tpu.memory_space<vmem>>
    %dma_start3A_99 = arith.constant 0 : i32
    %dma_start3A_100 = tpu.memref_slice %arg3[%dma_start3A_99] : memref<10240xf32, #tpu.memory_space<hbm>> -> memref<10240xf32, #tpu.memory_space<hbm>>
    %dma_start3A_101 = tpu.memref_slice %arg17[%dma_start3A_92] : memref<2x!tpu.dma_semaphore, #tpu.memory_space<semaphore_mem>> -> memref<1x!tpu.dma_semaphore, #tpu.memory_space<semaphore_mem>>
    %dma_start3A_102 = tpu.memref_squeeze %dma_start3A_101 : memref<1x!tpu.dma_semaphore, #tpu.memory_space<semaphore_mem>> -> memref<!tpu.dma_semaphore, #tpu.memory_space<semaphore_mem>>
    tpu.enqueue_indirect_dma source(%dma_start3A_100 : memref<10240xf32, #tpu.memory_space<hbm>>) target(%dma_start3A_95 : memref<128xf32, #tpu.memory_space<vmem>>) offsets(%dma_start3A_98 : memref<128xi32, #tpu.memory_space<vmem>>) semaphore(%dma_start3A_102 : memref<!tpu.dma_semaphore, #tpu.memory_space<semaphore_mem>>)
    %scan3A = arith.constant 0 : i32
    %scan3A_103 = arith.constant 40 : i32
    %scan3A_104 = arith.addi %scan3A, %scan3A_103 : i32
    %scan3A_105 = arith.constant 1 : i32
    scf.for %scan3A_116 = %scan3A to %scan3A_104 step %scan3A_105  : i32 {
      %mul3A_117 = arith.constant 1 : i32
      %mul3A_118 = arith.muli %scan3A_116, %mul3A_117 : i32
      %add3A_119 = arith.constant 0 : i32
      %add3A_120 = arith.addi %add3A_119, %mul3A_118 : i32
      %mul3A_121 = arith.constant 2 : i32
      %mul3A_122 = arith.muli %add3A_120, %mul3A_121 : i32
      %add3A_123 = arith.constant 0 : i32
      %add3A_124 = arith.addi %mul3A_122, %add3A_123 : i32
      %lt3A = arith.constant 79 : i32
      %lt3A_125 = arith.cmpi slt, %add3A_124, %lt3A : i32
      %convert_element_type3A = arith.extui %lt3A_125 : i1 to i32
      %cond3A = arith.constant 0 : i32
      %cond3A_126 = arith.cmpi ne, %convert_element_type3A, %cond3A : i32
      scf.if %cond3A_126 {
        %add3A_209 = arith.constant 1 : i32
        %add3A_210 = arith.addi %add3A_124, %add3A_209 : i32
        %dma_start3A_211 = arith.constant 1 : i32
        %dma_start3A_212 = arith.constant 1 : i32
        %dma_start3A_213 = arith.constant 0 : i32
        %dma_start3A_214 = tpu.memref_slice %arg10[%dma_start3A_211, %dma_start3A_213] : memref<2x128xi32, #tpu.memory_space<vmem>> -> memref<1x128xi32, #tpu.memory_space<vmem>>
        %dma_start3A_215 = tpu.memref_squeeze %dma_start3A_214 : memref<1x128xi32, #tpu.memory_space<vmem>> -> memref<128xi32, #tpu.memory_space<vmem>>
        %dma_start3A_216 = arith.constant 0 : i32
        %dma_start3A_217 = tpu.memref_slice %arg4[%add3A, %add3A_210, %dma_start3A_216] : memref<32x80x128xi32, #tpu.memory_space<hbm>> -> memref<1x1x128xi32, #tpu.memory_space<hbm>>
        %dma_start3A_218 = tpu.memref_squeeze %dma_start3A_217 : memref<1x1x128xi32, #tpu.memory_space<hbm>> -> memref<128xi32, #tpu.memory_space<hbm>>
        %dma_start3A_219 = tpu.memref_slice %arg18[%dma_start3A_212] : memref<2x!tpu.dma_semaphore, #tpu.memory_space<semaphore_mem>> -> memref<1x!tpu.dma_semaphore, #tpu.memory_space<semaphore_mem>>
        %dma_start3A_220 = tpu.memref_squeeze %dma_start3A_219 : memref<1x!tpu.dma_semaphore, #tpu.memory_space<semaphore_mem>> -> memref<!tpu.dma_semaphore, #tpu.memory_space<semaphore_mem>>
        %dma_start3A_221 = arith.constant 0 : i32
        %dma_start3A_222 = tpu.memref_slice %arg10[%dma_start3A_211, %dma_start3A_221] : memref<2x128xi32, #tpu.memory_space<vmem>> -> memref<1x128xi32, #tpu.memory_space<vmem>>
        %dma_start3A_223 = tpu.memref_squeeze %dma_start3A_222 : memref<1x128xi32, #tpu.memory_space<vmem>> -> memref<128xi32, #tpu.memory_space<vmem>>
        %dma_start3A_224 = arith.constant 0 : i32
        %dma_start3A_225 = tpu.memref_slice %arg4[%add3A, %add3A_210, %dma_start3A_224] : memref<32x80x128xi32, #tpu.memory_space<hbm>> -> memref<1x1x128xi32, #tpu.memory_space<hbm>>
        %dma_start3A_226 = tpu.memref_squeeze %dma_start3A_225 : memref<1x1x128xi32, #tpu.memory_space<hbm>> -> memref<128xi32, #tpu.memory_space<hbm>>
        tpu.enqueue_dma source(%dma_start3A_226 : memref<128xi32, #tpu.memory_space<hbm>>) target(%dma_start3A_223 : memref<128xi32, #tpu.memory_space<vmem>>) target_semaphore(%dma_start3A_220 : memref<!tpu.dma_semaphore, #tpu.memory_space<semaphore_mem>>)
        %dma_start3A_227 = arith.constant 1 : i32
        %dma_start3A_228 = arith.constant 1 : i32
        %dma_start3A_229 = arith.constant 0 : i32
        %dma_start3A_230 = tpu.memref_slice %arg11[%dma_start3A_227, %dma_start3A_229] : memref<2x128xi32, #tpu.memory_space<vmem>> -> memref<1x128xi32, #tpu.memory_space<vmem>>
        %dma_start3A_231 = tpu.memref_squeeze %dma_start3A_230 : memref<1x128xi32, #tpu.memory_space<vmem>> -> memref<128xi32, #tpu.memory_space<vmem>>
        %dma_start3A_232 = arith.constant 0 : i32
        %dma_start3A_233 = tpu.memref_slice %arg5[%add3A, %add3A_210, %dma_start3A_232] : memref<32x80x128xi32, #tpu.memory_space<hbm>> -> memref<1x1x128xi32, #tpu.memory_space<hbm>>
        %dma_start3A_234 = tpu.memref_squeeze %dma_start3A_233 : memref<1x1x128xi32, #tpu.memory_space<hbm>> -> memref<128xi32, #tpu.memory_space<hbm>>
        %dma_start3A_235 = tpu.memref_slice %arg18[%dma_start3A_228] : memref<2x!tpu.dma_semaphore, #tpu.memory_space<semaphore_mem>> -> memref<1x!tpu.dma_semaphore, #tpu.memory_space<semaphore_mem>>
        %dma_start3A_236 = tpu.memref_squeeze %dma_start3A_235 : memref<1x!tpu.dma_semaphore, #tpu.memory_space<semaphore_mem>> -> memref<!tpu.dma_semaphore, #tpu.memory_space<semaphore_mem>>
        %dma_start3A_237 = arith.constant 0 : i32
        %dma_start3A_238 = tpu.memref_slice %arg11[%dma_start3A_227, %dma_start3A_237] : memref<2x128xi32, #tpu.memory_space<vmem>> -> memref<1x128xi32, #tpu.memory_space<vmem>>
        %dma_start3A_239 = tpu.memref_squeeze %dma_start3A_238 : memref<1x128xi32, #tpu.memory_space<vmem>> -> memref<128xi32, #tpu.memory_space<vmem>>
        %dma_start3A_240 = arith.constant 0 : i32
        %dma_start3A_241 = tpu.memref_slice %arg5[%add3A, %add3A_210, %dma_start3A_240] : memref<32x80x128xi32, #tpu.memory_space<hbm>> -> memref<1x1x128xi32, #tpu.memory_space<hbm>>
        %dma_start3A_242 = tpu.memref_squeeze %dma_start3A_241 : memref<1x1x128xi32, #tpu.memory_space<hbm>> -> memref<128xi32, #tpu.memory_space<hbm>>
        tpu.enqueue_dma source(%dma_start3A_242 : memref<128xi32, #tpu.memory_space<hbm>>) target(%dma_start3A_239 : memref<128xi32, #tpu.memory_space<vmem>>) target_semaphore(%dma_start3A_236 : memref<!tpu.dma_semaphore, #tpu.memory_space<semaphore_mem>>)
      } else {
      }
      %dma_wait3A_127 = arith.constant 0 : i32
      %dma_wait3A_128 = arith.constant 0 : i32
      %dma_wait3A_129 = arith.constant 0 : i32
      %dma_wait3A_130 = arith.constant 0 : i32
      %dma_wait3A_131 = arith.constant 0 : i32
      %dma_wait3A_132 = tpu.memref_slice %arg12[%dma_wait3A_128, %dma_wait3A_130, %dma_wait3A_131] : memref<2x128x128xf32, #tpu.memory_space<vmem>> -> memref<1x128x128xf32, #tpu.memory_space<vmem>>
      %dma_wait3A_133 = tpu.memref_squeeze %dma_wait3A_132 : memref<1x128x128xf32, #tpu.memory_space<vmem>> -> memref<128x128xf32, #tpu.memory_space<vmem>>
      %dma_wait3A_134 = arith.constant 0 : i32
      %dma_wait3A_135 = tpu.memref_slice %arg10[%dma_wait3A_127, %dma_wait3A_134] : memref<2x128xi32, #tpu.memory_space<vmem>> -> memref<1x128xi32, #tpu.memory_space<vmem>>
      %dma_wait3A_136 = tpu.memref_squeeze %dma_wait3A_135 : memref<1x128xi32, #tpu.memory_space<vmem>> -> memref<128xi32, #tpu.memory_space<vmem>>
      %dma_wait3A_137 = arith.constant 0 : i32
      %dma_wait3A_138 = arith.constant 0 : i32
      %dma_wait3A_139 = tpu.memref_slice %arg2[%dma_wait3A_137, %dma_wait3A_138] : memref<10240x128xf32, #tpu.memory_space<hbm>> -> memref<10240x128xf32, #tpu.memory_space<hbm>>
      %dma_wait3A_140 = tpu.memref_slice %arg16[%dma_wait3A_129] : memref<2x!tpu.dma_semaphore, #tpu.memory_space<semaphore_mem>> -> memref<1x!tpu.dma_semaphore, #tpu.memory_space<semaphore_mem>>
      %dma_wait3A_141 = tpu.memref_squeeze %dma_wait3A_140 : memref<1x!tpu.dma_semaphore, #tpu.memory_space<semaphore_mem>> -> memref<!tpu.dma_semaphore, #tpu.memory_space<semaphore_mem>>
      tpu.wait_indirect_dma semaphore(%dma_wait3A_141 : memref<!tpu.dma_semaphore, #tpu.memory_space<semaphore_mem>>) src(%dma_wait3A_139 : memref<10240x128xf32, #tpu.memory_space<hbm>>) dst(%dma_wait3A_133 : memref<128x128xf32, #tpu.memory_space<vmem>>)
      %dma_wait3A_142 = arith.constant 0 : i32
      %dma_wait3A_143 = arith.constant 0 : i32
      %dma_wait3A_144 = arith.constant 0 : i32
      %dma_wait3A_145 = arith.constant 0 : i32
      %dma_wait3A_146 = tpu.memref_slice %arg13[%dma_wait3A_143, %dma_wait3A_145] : memref<2x128xf32, #tpu.memory_space<vmem>> -> memref<1x128xf32, #tpu.memory_space<vmem>>
      %dma_wait3A_147 = tpu.memref_squeeze %dma_wait3A_146 : memref<1x128xf32, #tpu.memory_space<vmem>> -> memref<128xf32, #tpu.memory_space<vmem>>
      %dma_wait3A_148 = arith.constant 0 : i32
      %dma_wait3A_149 = tpu.memref_slice %arg10[%dma_wait3A_142, %dma_wait3A_148] : memref<2x128xi32, #tpu.memory_space<vmem>> -> memref<1x128xi32, #tpu.memory_space<vmem>>
      %dma_wait3A_150 = tpu.memref_squeeze %dma_wait3A_149 : memref<1x128xi32, #tpu.memory_space<vmem>> -> memref<128xi32, #tpu.memory_space<vmem>>
      %dma_wait3A_151 = arith.constant 0 : i32
      %dma_wait3A_152 = tpu.memref_slice %arg3[%dma_wait3A_151] : memref<10240xf32, #tpu.memory_space<hbm>> -> memref<10240xf32, #tpu.memory_space<hbm>>
      %dma_wait3A_153 = tpu.memref_slice %arg17[%dma_wait3A_144] : memref<2x!tpu.dma_semaphore, #tpu.memory_space<semaphore_mem>> -> memref<1x!tpu.dma_semaphore, #tpu.memory_space<semaphore_mem>>
      %dma_wait3A_154 = tpu.memref_squeeze %dma_wait3A_153 : memref<1x!tpu.dma_semaphore, #tpu.memory_space<semaphore_mem>> -> memref<!tpu.dma_semaphore, #tpu.memory_space<semaphore_mem>>
      tpu.wait_indirect_dma semaphore(%dma_wait3A_154 : memref<!tpu.dma_semaphore, #tpu.memory_space<semaphore_mem>>) src(%dma_wait3A_152 : memref<10240xf32, #tpu.memory_space<hbm>>) dst(%dma_wait3A_147 : memref<128xf32, #tpu.memory_space<vmem>>)
      %lt3A_155 = arith.constant 79 : i32
      %lt3A_156 = arith.cmpi slt, %add3A_124, %lt3A_155 : i32
      %convert_element_type3A_157 = arith.extui %lt3A_156 : i1 to i32
      %cond3A_158 = arith.constant 0 : i32
      %cond3A_159 = arith.cmpi ne, %convert_element_type3A_157, %cond3A_158 : i32
      scf.if %cond3A_159 {
        %add3A_209 = arith.constant 1 : i32
        %add3A_210 = arith.addi %add3A_124, %add3A_209 : i32
        %dma_wait3A_211 = arith.constant 1 : i32
        %dma_wait3A_212 = arith.constant 1 : i32
        %dma_wait3A_213 = arith.constant 0 : i32
        %dma_wait3A_214 = tpu.memref_slice %arg10[%dma_wait3A_211, %dma_wait3A_213] : memref<2x128xi32, #tpu.memory_space<vmem>> -> memref<1x128xi32, #tpu.memory_space<vmem>>
        %dma_wait3A_215 = tpu.memref_squeeze %dma_wait3A_214 : memref<1x128xi32, #tpu.memory_space<vmem>> -> memref<128xi32, #tpu.memory_space<vmem>>
        %dma_wait3A_216 = arith.constant 0 : i32
        %dma_wait3A_217 = tpu.memref_slice %arg4[%add3A, %add3A_210, %dma_wait3A_216] : memref<32x80x128xi32, #tpu.memory_space<hbm>> -> memref<1x1x128xi32, #tpu.memory_space<hbm>>
        %dma_wait3A_218 = tpu.memref_squeeze %dma_wait3A_217 : memref<1x1x128xi32, #tpu.memory_space<hbm>> -> memref<128xi32, #tpu.memory_space<hbm>>
        %dma_wait3A_219 = tpu.memref_slice %arg18[%dma_wait3A_212] : memref<2x!tpu.dma_semaphore, #tpu.memory_space<semaphore_mem>> -> memref<1x!tpu.dma_semaphore, #tpu.memory_space<semaphore_mem>>
        %dma_wait3A_220 = tpu.memref_squeeze %dma_wait3A_219 : memref<1x!tpu.dma_semaphore, #tpu.memory_space<semaphore_mem>> -> memref<!tpu.dma_semaphore, #tpu.memory_space<semaphore_mem>>
        %dma_wait3A_221 = arith.constant 0 : i32
        %dma_wait3A_222 = tpu.memref_slice %arg10[%dma_wait3A_211, %dma_wait3A_221] : memref<2x128xi32, #tpu.memory_space<vmem>> -> memref<1x128xi32, #tpu.memory_space<vmem>>
        %dma_wait3A_223 = tpu.memref_squeeze %dma_wait3A_222 : memref<1x128xi32, #tpu.memory_space<vmem>> -> memref<128xi32, #tpu.memory_space<vmem>>
        %dma_wait3A_224 = arith.constant 0 : i32
        %dma_wait3A_225 = tpu.memref_slice %arg4[%add3A, %add3A_210, %dma_wait3A_224] : memref<32x80x128xi32, #tpu.memory_space<hbm>> -> memref<1x1x128xi32, #tpu.memory_space<hbm>>
        %dma_wait3A_226 = tpu.memref_squeeze %dma_wait3A_225 : memref<1x1x128xi32, #tpu.memory_space<hbm>> -> memref<128xi32, #tpu.memory_space<hbm>>
        tpu.wait_dma2 semaphore(%dma_wait3A_220 : memref<!tpu.dma_semaphore, #tpu.memory_space<semaphore_mem>>) src(%dma_wait3A_226 : memref<128xi32, #tpu.memory_space<hbm>>) dst(%dma_wait3A_223 : memref<128xi32, #tpu.memory_space<vmem>>)
        %dma_wait3A_227 = arith.constant 1 : i32
        %dma_wait3A_228 = arith.constant 1 : i32
        %dma_wait3A_229 = arith.constant 0 : i32
        %dma_wait3A_230 = tpu.memref_slice %arg11[%dma_wait3A_227, %dma_wait3A_229] : memref<2x128xi32, #tpu.memory_space<vmem>> -> memref<1x128xi32, #tpu.memory_space<vmem>>
        %dma_wait3A_231 = tpu.memref_squeeze %dma_wait3A_230 : memref<1x128xi32, #tpu.memory_space<vmem>> -> memref<128xi32, #tpu.memory_space<vmem>>
        %dma_wait3A_232 = arith.constant 0 : i32
        %dma_wait3A_233 = tpu.memref_slice %arg5[%add3A, %add3A_210, %dma_wait3A_232] : memref<32x80x128xi32, #tpu.memory_space<hbm>> -> memref<1x1x128xi32, #tpu.memory_space<hbm>>
        %dma_wait3A_234 = tpu.memref_squeeze %dma_wait3A_233 : memref<1x1x128xi32, #tpu.memory_space<hbm>> -> memref<128xi32, #tpu.memory_space<hbm>>
        %dma_wait3A_235 = tpu.memref_slice %arg18[%dma_wait3A_228] : memref<2x!tpu.dma_semaphore, #tpu.memory_space<semaphore_mem>> -> memref<1x!tpu.dma_semaphore, #tpu.memory_space<semaphore_mem>>
        %dma_wait3A_236 = tpu.memref_squeeze %dma_wait3A_235 : memref<1x!tpu.dma_semaphore, #tpu.memory_space<semaphore_mem>> -> memref<!tpu.dma_semaphore, #tpu.memory_space<semaphore_mem>>
        %dma_wait3A_237 = arith.constant 0 : i32
        %dma_wait3A_238 = tpu.memref_slice %arg11[%dma_wait3A_227, %dma_wait3A_237] : memref<2x128xi32, #tpu.memory_space<vmem>> -> memref<1x128xi32, #tpu.memory_space<vmem>>
        %dma_wait3A_239 = tpu.memref_squeeze %dma_wait3A_238 : memref<1x128xi32, #tpu.memory_space<vmem>> -> memref<128xi32, #tpu.memory_space<vmem>>
        %dma_wait3A_240 = arith.constant 0 : i32
        %dma_wait3A_241 = tpu.memref_slice %arg5[%add3A, %add3A_210, %dma_wait3A_240] : memref<32x80x128xi32, #tpu.memory_space<hbm>> -> memref<1x1x128xi32, #tpu.memory_space<hbm>>
        %dma_wait3A_242 = tpu.memref_squeeze %dma_wait3A_241 : memref<1x1x128xi32, #tpu.memory_space<hbm>> -> memref<128xi32, #tpu.memory_space<hbm>>
        tpu.wait_dma2 semaphore(%dma_wait3A_236 : memref<!tpu.dma_semaphore, #tpu.memory_space<semaphore_mem>>) src(%dma_wait3A_242 : memref<128xi32, #tpu.memory_space<hbm>>) dst(%dma_wait3A_239 : memref<128xi32, #tpu.memory_space<vmem>>)
        %add3A_243 = arith.constant 1 : i32
        %add3A_244 = arith.addi %add3A_124, %add3A_243 : i32
        %dma_start3A_245 = arith.constant 1 : i32
        %dma_start3A_246 = arith.constant 1 : i32
        %dma_start3A_247 = arith.constant 1 : i32
        %dma_start3A_248 = arith.constant 0 : i32
        %dma_start3A_249 = arith.constant 0 : i32
        %dma_start3A_250 = tpu.memref_slice %arg12[%dma_start3A_246, %dma_start3A_248, %dma_start3A_249] : memref<2x128x128xf32, #tpu.memory_space<vmem>> -> memref<1x128x128xf32, #tpu.memory_space<vmem>>
        %dma_start3A_251 = tpu.memref_squeeze %dma_start3A_250 : memref<1x128x128xf32, #tpu.memory_space<vmem>> -> memref<128x128xf32, #tpu.memory_space<vmem>>
        %dma_start3A_252 = arith.constant 0 : i32
        %dma_start3A_253 = tpu.memref_slice %arg10[%dma_start3A_245, %dma_start3A_252] : memref<2x128xi32, #tpu.memory_space<vmem>> -> memref<1x128xi32, #tpu.memory_space<vmem>>
        %dma_start3A_254 = tpu.memref_squeeze %dma_start3A_253 : memref<1x128xi32, #tpu.memory_space<vmem>> -> memref<128xi32, #tpu.memory_space<vmem>>
        %dma_start3A_255 = arith.constant 0 : i32
        %dma_start3A_256 = arith.constant 0 : i32
        %dma_start3A_257 = tpu.memref_slice %arg2[%dma_start3A_255, %dma_start3A_256] : memref<10240x128xf32, #tpu.memory_space<hbm>> -> memref<10240x128xf32, #tpu.memory_space<hbm>>
        %dma_start3A_258 = tpu.memref_slice %arg16[%dma_start3A_247] : memref<2x!tpu.dma_semaphore, #tpu.memory_space<semaphore_mem>> -> memref<1x!tpu.dma_semaphore, #tpu.memory_space<semaphore_mem>>
        %dma_start3A_259 = tpu.memref_squeeze %dma_start3A_258 : memref<1x!tpu.dma_semaphore, #tpu.memory_space<semaphore_mem>> -> memref<!tpu.dma_semaphore, #tpu.memory_space<semaphore_mem>>
        tpu.enqueue_indirect_dma source(%dma_start3A_257 : memref<10240x128xf32, #tpu.memory_space<hbm>>) target(%dma_start3A_251 : memref<128x128xf32, #tpu.memory_space<vmem>>) offsets(%dma_start3A_254 : memref<128xi32, #tpu.memory_space<vmem>>) semaphore(%dma_start3A_259 : memref<!tpu.dma_semaphore, #tpu.memory_space<semaphore_mem>>)
        %dma_start3A_260 = arith.constant 1 : i32
        %dma_start3A_261 = arith.constant 1 : i32
        %dma_start3A_262 = arith.constant 1 : i32
        %dma_start3A_263 = arith.constant 0 : i32
        %dma_start3A_264 = tpu.memref_slice %arg13[%dma_start3A_261, %dma_start3A_263] : memref<2x128xf32, #tpu.memory_space<vmem>> -> memref<1x128xf32, #tpu.memory_space<vmem>>
        %dma_start3A_265 = tpu.memref_squeeze %dma_start3A_264 : memref<1x128xf32, #tpu.memory_space<vmem>> -> memref<128xf32, #tpu.memory_space<vmem>>
        %dma_start3A_266 = arith.constant 0 : i32
        %dma_start3A_267 = tpu.memref_slice %arg10[%dma_start3A_260, %dma_start3A_266] : memref<2x128xi32, #tpu.memory_space<vmem>> -> memref<1x128xi32, #tpu.memory_space<vmem>>
        %dma_start3A_268 = tpu.memref_squeeze %dma_start3A_267 : memref<1x128xi32, #tpu.memory_space<vmem>> -> memref<128xi32, #tpu.memory_space<vmem>>
        %dma_start3A_269 = arith.constant 0 : i32
        %dma_start3A_270 = tpu.memref_slice %arg3[%dma_start3A_269] : memref<10240xf32, #tpu.memory_space<hbm>> -> memref<10240xf32, #tpu.memory_space<hbm>>
        %dma_start3A_271 = tpu.memref_slice %arg17[%dma_start3A_262] : memref<2x!tpu.dma_semaphore, #tpu.memory_space<semaphore_mem>> -> memref<1x!tpu.dma_semaphore, #tpu.memory_space<semaphore_mem>>
        %dma_start3A_272 = tpu.memref_squeeze %dma_start3A_271 : memref<1x!tpu.dma_semaphore, #tpu.memory_space<semaphore_mem>> -> memref<!tpu.dma_semaphore, #tpu.memory_space<semaphore_mem>>
        tpu.enqueue_indirect_dma source(%dma_start3A_270 : memref<10240xf32, #tpu.memory_space<hbm>>) target(%dma_start3A_265 : memref<128xf32, #tpu.memory_space<vmem>>) offsets(%dma_start3A_268 : memref<128xi32, #tpu.memory_space<vmem>>) semaphore(%dma_start3A_272 : memref<!tpu.dma_semaphore, #tpu.memory_space<semaphore_mem>>)
      } else {
      }
      %run_scoped3A = arith.constant 0 : i32
      %run_scoped3A_160 = arith.constant 0 : i32
      "tpu.region"() ({
        %run_scoped3A_209 = tpu.sem_alloc : memref<!tpu.dma_semaphore, #tpu.memory_space<semaphore_mem>>
        %dma_start3A_210 = arith.constant 0 : i32
        %dma_start3A_211 = arith.constant 0 : i32
        %dma_start3A_212 = tpu.memref_slice %arg12[%run_scoped3A, %dma_start3A_210, %dma_start3A_211] : memref<2x128x128xf32, #tpu.memory_space<vmem>> -> memref<1x128x128xf32, #tpu.memory_space<vmem>>
        %dma_start3A_213 = tpu.memref_squeeze %dma_start3A_212 : memref<1x128x128xf32, #tpu.memory_space<vmem>> -> memref<128x128xf32, #tpu.memory_space<vmem>>
        %dma_start3A_214 = arith.constant 0 : i32
        %dma_start3A_215 = tpu.memref_slice %arg11[%run_scoped3A_160, %dma_start3A_214] : memref<2x128xi32, #tpu.memory_space<vmem>> -> memref<1x128xi32, #tpu.memory_space<vmem>>
        %dma_start3A_216 = tpu.memref_squeeze %dma_start3A_215 : memref<1x128xi32, #tpu.memory_space<vmem>> -> memref<128xi32, #tpu.memory_space<vmem>>
        %dma_start3A_217 = arith.constant 0 : i32
        %dma_start3A_218 = arith.constant 0 : i32
        %dma_start3A_219 = tpu.memref_slice %arg14[%dma_start3A_217, %dma_start3A_218] : memref<10240x128xf32, #tpu.memory_space<vmem_shared>> -> memref<10240x128xf32, #tpu.memory_space<vmem_shared>>
        tpu.enqueue_indirect_dma source(%dma_start3A_213 : memref<128x128xf32, #tpu.memory_space<vmem>>) target(%dma_start3A_219 : memref<10240x128xf32, #tpu.memory_space<vmem_shared>>) offsets(%dma_start3A_216 : memref<128xi32, #tpu.memory_space<vmem>>) semaphore(%run_scoped3A_209 : memref<!tpu.dma_semaphore, #tpu.memory_space<semaphore_mem>>) {add = true}
        %dma_wait3A_220 = arith.constant 0 : i32
        %dma_wait3A_221 = arith.constant 0 : i32
        %dma_wait3A_222 = tpu.memref_slice %arg12[%run_scoped3A, %dma_wait3A_220, %dma_wait3A_221] : memref<2x128x128xf32, #tpu.memory_space<vmem>> -> memref<1x128x128xf32, #tpu.memory_space<vmem>>
        %dma_wait3A_223 = tpu.memref_squeeze %dma_wait3A_222 : memref<1x128x128xf32, #tpu.memory_space<vmem>> -> memref<128x128xf32, #tpu.memory_space<vmem>>
        %dma_wait3A_224 = arith.constant 0 : i32
        %dma_wait3A_225 = tpu.memref_slice %arg11[%run_scoped3A_160, %dma_wait3A_224] : memref<2x128xi32, #tpu.memory_space<vmem>> -> memref<1x128xi32, #tpu.memory_space<vmem>>
        %dma_wait3A_226 = tpu.memref_squeeze %dma_wait3A_225 : memref<1x128xi32, #tpu.memory_space<vmem>> -> memref<128xi32, #tpu.memory_space<vmem>>
        %dma_wait3A_227 = arith.constant 0 : i32
        %dma_wait3A_228 = arith.constant 0 : i32
        %dma_wait3A_229 = tpu.memref_slice %arg14[%dma_wait3A_227, %dma_wait3A_228] : memref<10240x128xf32, #tpu.memory_space<vmem_shared>> -> memref<10240x128xf32, #tpu.memory_space<vmem_shared>>
        tpu.wait_indirect_dma semaphore(%run_scoped3A_209 : memref<!tpu.dma_semaphore, #tpu.memory_space<semaphore_mem>>) src(%dma_wait3A_223 : memref<128x128xf32, #tpu.memory_space<vmem>>) dst(%dma_wait3A_229 : memref<10240x128xf32, #tpu.memory_space<vmem_shared>>)
        tpu.yield
      }) : () -> ()
      %run_scoped3A_161 = arith.constant 0 : i32
      %run_scoped3A_162 = arith.constant 0 : i32
      "tpu.region"() ({
        %run_scoped3A_209 = tpu.sem_alloc : memref<!tpu.dma_semaphore, #tpu.memory_space<semaphore_mem>>
        %dma_start3A_210 = arith.constant 0 : i32
        %dma_start3A_211 = tpu.memref_slice %arg13[%run_scoped3A_161, %dma_start3A_210] : memref<2x128xf32, #tpu.memory_space<vmem>> -> memref<1x128xf32, #tpu.memory_space<vmem>>
        %dma_start3A_212 = tpu.memref_squeeze %dma_start3A_211 : memref<1x128xf32, #tpu.memory_space<vmem>> -> memref<128xf32, #tpu.memory_space<vmem>>
        %dma_start3A_213 = arith.constant 0 : i32
        %dma_start3A_214 = tpu.memref_slice %arg11[%run_scoped3A_162, %dma_start3A_213] : memref<2x128xi32, #tpu.memory_space<vmem>> -> memref<1x128xi32, #tpu.memory_space<vmem>>
        %dma_start3A_215 = tpu.memref_squeeze %dma_start3A_214 : memref<1x128xi32, #tpu.memory_space<vmem>> -> memref<128xi32, #tpu.memory_space<vmem>>
        %dma_start3A_216 = arith.constant 0 : i32
        %dma_start3A_217 = tpu.memref_slice %arg15[%dma_start3A_216] : memref<10240xf32, #tpu.memory_space<vmem_shared>> -> memref<10240xf32, #tpu.memory_space<vmem_shared>>
        tpu.enqueue_indirect_dma source(%dma_start3A_212 : memref<128xf32, #tpu.memory_space<vmem>>) target(%dma_start3A_217 : memref<10240xf32, #tpu.memory_space<vmem_shared>>) offsets(%dma_start3A_215 : memref<128xi32, #tpu.memory_space<vmem>>) semaphore(%run_scoped3A_209 : memref<!tpu.dma_semaphore, #tpu.memory_space<semaphore_mem>>) {add = true}
        %dma_wait3A_218 = arith.constant 0 : i32
        %dma_wait3A_219 = tpu.memref_slice %arg13[%run_scoped3A_161, %dma_wait3A_218] : memref<2x128xf32, #tpu.memory_space<vmem>> -> memref<1x128xf32, #tpu.memory_space<vmem>>
        %dma_wait3A_220 = tpu.memref_squeeze %dma_wait3A_219 : memref<1x128xf32, #tpu.memory_space<vmem>> -> memref<128xf32, #tpu.memory_space<vmem>>
        %dma_wait3A_221 = arith.constant 0 : i32
        %dma_wait3A_222 = tpu.memref_slice %arg11[%run_scoped3A_162, %dma_wait3A_221] : memref<2x128xi32, #tpu.memory_space<vmem>> -> memref<1x128xi32, #tpu.memory_space<vmem>>
        %dma_wait3A_223 = tpu.memref_squeeze %dma_wait3A_222 : memref<1x128xi32, #tpu.memory_space<vmem>> -> memref<128xi32, #tpu.memory_space<vmem>>
        %dma_wait3A_224 = arith.constant 0 : i32
        %dma_wait3A_225 = tpu.memref_slice %arg15[%dma_wait3A_224] : memref<10240xf32, #tpu.memory_space<vmem_shared>> -> memref<10240xf32, #tpu.memory_space<vmem_shared>>
        tpu.wait_indirect_dma semaphore(%run_scoped3A_209 : memref<!tpu.dma_semaphore, #tpu.memory_space<semaphore_mem>>) src(%dma_wait3A_220 : memref<128xf32, #tpu.memory_space<vmem>>) dst(%dma_wait3A_225 : memref<10240xf32, #tpu.memory_space<vmem_shared>>)
        tpu.yield
      }) : () -> ()
      %mul3A_163 = arith.constant 2 : i32
      %mul3A_164 = arith.muli %add3A_120, %mul3A_163 : i32
      %add3A_165 = arith.constant 1 : i32
      %add3A_166 = arith.addi %mul3A_164, %add3A_165 : i32
      %lt3A_167 = arith.constant 79 : i32
      %lt3A_168 = arith.cmpi slt, %add3A_166, %lt3A_167 : i32
      %convert_element_type3A_169 = arith.extui %lt3A_168 : i1 to i32
      %cond3A_170 = arith.constant 0 : i32
      %cond3A_171 = arith.cmpi ne, %convert_element_type3A_169, %cond3A_170 : i32
      scf.if %cond3A_171 {
        %add3A_209 = arith.constant 1 : i32
        %add3A_210 = arith.addi %add3A_166, %add3A_209 : i32
        %dma_start3A_211 = arith.constant 0 : i32
        %dma_start3A_212 = arith.constant 0 : i32
        %dma_start3A_213 = arith.constant 0 : i32
        %dma_start3A_214 = tpu.memref_slice %arg10[%dma_start3A_211, %dma_start3A_213] : memref<2x128xi32, #tpu.memory_space<vmem>> -> memref<1x128xi32, #tpu.memory_space<vmem>>
        %dma_start3A_215 = tpu.memref_squeeze %dma_start3A_214 : memref<1x128xi32, #tpu.memory_space<vmem>> -> memref<128xi32, #tpu.memory_space<vmem>>
        %dma_start3A_216 = arith.constant 0 : i32
        %dma_start3A_217 = tpu.memref_slice %arg4[%add3A, %add3A_210, %dma_start3A_216] : memref<32x80x128xi32, #tpu.memory_space<hbm>> -> memref<1x1x128xi32, #tpu.memory_space<hbm>>
        %dma_start3A_218 = tpu.memref_squeeze %dma_start3A_217 : memref<1x1x128xi32, #tpu.memory_space<hbm>> -> memref<128xi32, #tpu.memory_space<hbm>>
        %dma_start3A_219 = tpu.memref_slice %arg18[%dma_start3A_212] : memref<2x!tpu.dma_semaphore, #tpu.memory_space<semaphore_mem>> -> memref<1x!tpu.dma_semaphore, #tpu.memory_space<semaphore_mem>>
        %dma_start3A_220 = tpu.memref_squeeze %dma_start3A_219 : memref<1x!tpu.dma_semaphore, #tpu.memory_space<semaphore_mem>> -> memref<!tpu.dma_semaphore, #tpu.memory_space<semaphore_mem>>
        %dma_start3A_221 = arith.constant 0 : i32
        %dma_start3A_222 = tpu.memref_slice %arg10[%dma_start3A_211, %dma_start3A_221] : memref<2x128xi32, #tpu.memory_space<vmem>> -> memref<1x128xi32, #tpu.memory_space<vmem>>
        %dma_start3A_223 = tpu.memref_squeeze %dma_start3A_222 : memref<1x128xi32, #tpu.memory_space<vmem>> -> memref<128xi32, #tpu.memory_space<vmem>>
        %dma_start3A_224 = arith.constant 0 : i32
        %dma_start3A_225 = tpu.memref_slice %arg4[%add3A, %add3A_210, %dma_start3A_224] : memref<32x80x128xi32, #tpu.memory_space<hbm>> -> memref<1x1x128xi32, #tpu.memory_space<hbm>>
        %dma_start3A_226 = tpu.memref_squeeze %dma_start3A_225 : memref<1x1x128xi32, #tpu.memory_space<hbm>> -> memref<128xi32, #tpu.memory_space<hbm>>
        tpu.enqueue_dma source(%dma_start3A_226 : memref<128xi32, #tpu.memory_space<hbm>>) target(%dma_start3A_223 : memref<128xi32, #tpu.memory_space<vmem>>) target_semaphore(%dma_start3A_220 : memref<!tpu.dma_semaphore, #tpu.memory_space<semaphore_mem>>)
        %dma_start3A_227 = arith.constant 0 : i32
        %dma_start3A_228 = arith.constant 0 : i32
        %dma_start3A_229 = arith.constant 0 : i32
        %dma_start3A_230 = tpu.memref_slice %arg11[%dma_start3A_227, %dma_start3A_229] : memref<2x128xi32, #tpu.memory_space<vmem>> -> memref<1x128xi32, #tpu.memory_space<vmem>>
        %dma_start3A_231 = tpu.memref_squeeze %dma_start3A_230 : memref<1x128xi32, #tpu.memory_space<vmem>> -> memref<128xi32, #tpu.memory_space<vmem>>
        %dma_start3A_232 = arith.constant 0 : i32
        %dma_start3A_233 = tpu.memref_slice %arg5[%add3A, %add3A_210, %dma_start3A_232] : memref<32x80x128xi32, #tpu.memory_space<hbm>> -> memref<1x1x128xi32, #tpu.memory_space<hbm>>
        %dma_start3A_234 = tpu.memref_squeeze %dma_start3A_233 : memref<1x1x128xi32, #tpu.memory_space<hbm>> -> memref<128xi32, #tpu.memory_space<hbm>>
        %dma_start3A_235 = tpu.memref_slice %arg18[%dma_start3A_228] : memref<2x!tpu.dma_semaphore, #tpu.memory_space<semaphore_mem>> -> memref<1x!tpu.dma_semaphore, #tpu.memory_space<semaphore_mem>>
        %dma_start3A_236 = tpu.memref_squeeze %dma_start3A_235 : memref<1x!tpu.dma_semaphore, #tpu.memory_space<semaphore_mem>> -> memref<!tpu.dma_semaphore, #tpu.memory_space<semaphore_mem>>
        %dma_start3A_237 = arith.constant 0 : i32
        %dma_start3A_238 = tpu.memref_slice %arg11[%dma_start3A_227, %dma_start3A_237] : memref<2x128xi32, #tpu.memory_space<vmem>> -> memref<1x128xi32, #tpu.memory_space<vmem>>
        %dma_start3A_239 = tpu.memref_squeeze %dma_start3A_238 : memref<1x128xi32, #tpu.memory_space<vmem>> -> memref<128xi32, #tpu.memory_space<vmem>>
        %dma_start3A_240 = arith.constant 0 : i32
        %dma_start3A_241 = tpu.memref_slice %arg5[%add3A, %add3A_210, %dma_start3A_240] : memref<32x80x128xi32, #tpu.memory_space<hbm>> -> memref<1x1x128xi32, #tpu.memory_space<hbm>>
        %dma_start3A_242 = tpu.memref_squeeze %dma_start3A_241 : memref<1x1x128xi32, #tpu.memory_space<hbm>> -> memref<128xi32, #tpu.memory_space<hbm>>
        tpu.enqueue_dma source(%dma_start3A_242 : memref<128xi32, #tpu.memory_space<hbm>>) target(%dma_start3A_239 : memref<128xi32, #tpu.memory_space<vmem>>) target_semaphore(%dma_start3A_236 : memref<!tpu.dma_semaphore, #tpu.memory_space<semaphore_mem>>)
      } else {
      }
      %dma_wait3A_172 = arith.constant 1 : i32
      %dma_wait3A_173 = arith.constant 1 : i32
      %dma_wait3A_174 = arith.constant 1 : i32
      %dma_wait3A_175 = arith.constant 0 : i32
      %dma_wait3A_176 = arith.constant 0 : i32
      %dma_wait3A_177 = tpu.memref_slice %arg12[%dma_wait3A_173, %dma_wait3A_175, %dma_wait3A_176] : memref<2x128x128xf32, #tpu.memory_space<vmem>> -> memref<1x128x128xf32, #tpu.memory_space<vmem>>
      %dma_wait3A_178 = tpu.memref_squeeze %dma_wait3A_177 : memref<1x128x128xf32, #tpu.memory_space<vmem>> -> memref<128x128xf32, #tpu.memory_space<vmem>>
      %dma_wait3A_179 = arith.constant 0 : i32
      %dma_wait3A_180 = tpu.memref_slice %arg10[%dma_wait3A_172, %dma_wait3A_179] : memref<2x128xi32, #tpu.memory_space<vmem>> -> memref<1x128xi32, #tpu.memory_space<vmem>>
      %dma_wait3A_181 = tpu.memref_squeeze %dma_wait3A_180 : memref<1x128xi32, #tpu.memory_space<vmem>> -> memref<128xi32, #tpu.memory_space<vmem>>
      %dma_wait3A_182 = arith.constant 0 : i32
      %dma_wait3A_183 = arith.constant 0 : i32
      %dma_wait3A_184 = tpu.memref_slice %arg2[%dma_wait3A_182, %dma_wait3A_183] : memref<10240x128xf32, #tpu.memory_space<hbm>> -> memref<10240x128xf32, #tpu.memory_space<hbm>>
      %dma_wait3A_185 = tpu.memref_slice %arg16[%dma_wait3A_174] : memref<2x!tpu.dma_semaphore, #tpu.memory_space<semaphore_mem>> -> memref<1x!tpu.dma_semaphore, #tpu.memory_space<semaphore_mem>>
      %dma_wait3A_186 = tpu.memref_squeeze %dma_wait3A_185 : memref<1x!tpu.dma_semaphore, #tpu.memory_space<semaphore_mem>> -> memref<!tpu.dma_semaphore, #tpu.memory_space<semaphore_mem>>
      tpu.wait_indirect_dma semaphore(%dma_wait3A_186 : memref<!tpu.dma_semaphore, #tpu.memory_space<semaphore_mem>>) src(%dma_wait3A_184 : memref<10240x128xf32, #tpu.memory_space<hbm>>) dst(%dma_wait3A_178 : memref<128x128xf32, #tpu.memory_space<vmem>>)
      %dma_wait3A_187 = arith.constant 1 : i32
      %dma_wait3A_188 = arith.constant 1 : i32
      %dma_wait3A_189 = arith.constant 1 : i32
      %dma_wait3A_190 = arith.constant 0 : i32
      %dma_wait3A_191 = tpu.memref_slice %arg13[%dma_wait3A_188, %dma_wait3A_190] : memref<2x128xf32, #tpu.memory_space<vmem>> -> memref<1x128xf32, #tpu.memory_space<vmem>>
      %dma_wait3A_192 = tpu.memref_squeeze %dma_wait3A_191 : memref<1x128xf32, #tpu.memory_space<vmem>> -> memref<128xf32, #tpu.memory_space<vmem>>
      %dma_wait3A_193 = arith.constant 0 : i32
      %dma_wait3A_194 = tpu.memref_slice %arg10[%dma_wait3A_187, %dma_wait3A_193] : memref<2x128xi32, #tpu.memory_space<vmem>> -> memref<1x128xi32, #tpu.memory_space<vmem>>
      %dma_wait3A_195 = tpu.memref_squeeze %dma_wait3A_194 : memref<1x128xi32, #tpu.memory_space<vmem>> -> memref<128xi32, #tpu.memory_space<vmem>>
      %dma_wait3A_196 = arith.constant 0 : i32
      %dma_wait3A_197 = tpu.memref_slice %arg3[%dma_wait3A_196] : memref<10240xf32, #tpu.memory_space<hbm>> -> memref<10240xf32, #tpu.memory_space<hbm>>
      %dma_wait3A_198 = tpu.memref_slice %arg17[%dma_wait3A_189] : memref<2x!tpu.dma_semaphore, #tpu.memory_space<semaphore_mem>> -> memref<1x!tpu.dma_semaphore, #tpu.memory_space<semaphore_mem>>
      %dma_wait3A_199 = tpu.memref_squeeze %dma_wait3A_198 : memref<1x!tpu.dma_semaphore, #tpu.memory_space<semaphore_mem>> -> memref<!tpu.dma_semaphore, #tpu.memory_space<semaphore_mem>>
      tpu.wait_indirect_dma semaphore(%dma_wait3A_199 : memref<!tpu.dma_semaphore, #tpu.memory_space<semaphore_mem>>) src(%dma_wait3A_197 : memref<10240xf32, #tpu.memory_space<hbm>>) dst(%dma_wait3A_192 : memref<128xf32, #tpu.memory_space<vmem>>)
      %lt3A_200 = arith.constant 79 : i32
      %lt3A_201 = arith.cmpi slt, %add3A_166, %lt3A_200 : i32
      %convert_element_type3A_202 = arith.extui %lt3A_201 : i1 to i32
      %cond3A_203 = arith.constant 0 : i32
      %cond3A_204 = arith.cmpi ne, %convert_element_type3A_202, %cond3A_203 : i32
      scf.if %cond3A_204 {
        %add3A_209 = arith.constant 1 : i32
        %add3A_210 = arith.addi %add3A_166, %add3A_209 : i32
        %dma_wait3A_211 = arith.constant 0 : i32
        %dma_wait3A_212 = arith.constant 0 : i32
        %dma_wait3A_213 = arith.constant 0 : i32
        %dma_wait3A_214 = tpu.memref_slice %arg10[%dma_wait3A_211, %dma_wait3A_213] : memref<2x128xi32, #tpu.memory_space<vmem>> -> memref<1x128xi32, #tpu.memory_space<vmem>>
        %dma_wait3A_215 = tpu.memref_squeeze %dma_wait3A_214 : memref<1x128xi32, #tpu.memory_space<vmem>> -> memref<128xi32, #tpu.memory_space<vmem>>
        %dma_wait3A_216 = arith.constant 0 : i32
        %dma_wait3A_217 = tpu.memref_slice %arg4[%add3A, %add3A_210, %dma_wait3A_216] : memref<32x80x128xi32, #tpu.memory_space<hbm>> -> memref<1x1x128xi32, #tpu.memory_space<hbm>>
        %dma_wait3A_218 = tpu.memref_squeeze %dma_wait3A_217 : memref<1x1x128xi32, #tpu.memory_space<hbm>> -> memref<128xi32, #tpu.memory_space<hbm>>
        %dma_wait3A_219 = tpu.memref_slice %arg18[%dma_wait3A_212] : memref<2x!tpu.dma_semaphore, #tpu.memory_space<semaphore_mem>> -> memref<1x!tpu.dma_semaphore, #tpu.memory_space<semaphore_mem>>
        %dma_wait3A_220 = tpu.memref_squeeze %dma_wait3A_219 : memref<1x!tpu.dma_semaphore, #tpu.memory_space<semaphore_mem>> -> memref<!tpu.dma_semaphore, #tpu.memory_space<semaphore_mem>>
        %dma_wait3A_221 = arith.constant 0 : i32
        %dma_wait3A_222 = tpu.memref_slice %arg10[%dma_wait3A_211, %dma_wait3A_221] : memref<2x128xi32, #tpu.memory_space<vmem>> -> memref<1x128xi32, #tpu.memory_space<vmem>>
        %dma_wait3A_223 = tpu.memref_squeeze %dma_wait3A_222 : memref<1x128xi32, #tpu.memory_space<vmem>> -> memref<128xi32, #tpu.memory_space<vmem>>
        %dma_wait3A_224 = arith.constant 0 : i32
        %dma_wait3A_225 = tpu.memref_slice %arg4[%add3A, %add3A_210, %dma_wait3A_224] : memref<32x80x128xi32, #tpu.memory_space<hbm>> -> memref<1x1x128xi32, #tpu.memory_space<hbm>>
        %dma_wait3A_226 = tpu.memref_squeeze %dma_wait3A_225 : memref<1x1x128xi32, #tpu.memory_space<hbm>> -> memref<128xi32, #tpu.memory_space<hbm>>
        tpu.wait_dma2 semaphore(%dma_wait3A_220 : memref<!tpu.dma_semaphore, #tpu.memory_space<semaphore_mem>>) src(%dma_wait3A_226 : memref<128xi32, #tpu.memory_space<hbm>>) dst(%dma_wait3A_223 : memref<128xi32, #tpu.memory_space<vmem>>)
        %dma_wait3A_227 = arith.constant 0 : i32
        %dma_wait3A_228 = arith.constant 0 : i32
        %dma_wait3A_229 = arith.constant 0 : i32
        %dma_wait3A_230 = tpu.memref_slice %arg11[%dma_wait3A_227, %dma_wait3A_229] : memref<2x128xi32, #tpu.memory_space<vmem>> -> memref<1x128xi32, #tpu.memory_space<vmem>>
        %dma_wait3A_231 = tpu.memref_squeeze %dma_wait3A_230 : memref<1x128xi32, #tpu.memory_space<vmem>> -> memref<128xi32, #tpu.memory_space<vmem>>
        %dma_wait3A_232 = arith.constant 0 : i32
        %dma_wait3A_233 = tpu.memref_slice %arg5[%add3A, %add3A_210, %dma_wait3A_232] : memref<32x80x128xi32, #tpu.memory_space<hbm>> -> memref<1x1x128xi32, #tpu.memory_space<hbm>>
        %dma_wait3A_234 = tpu.memref_squeeze %dma_wait3A_233 : memref<1x1x128xi32, #tpu.memory_space<hbm>> -> memref<128xi32, #tpu.memory_space<hbm>>
        %dma_wait3A_235 = tpu.memref_slice %arg18[%dma_wait3A_228] : memref<2x!tpu.dma_semaphore, #tpu.memory_space<semaphore_mem>> -> memref<1x!tpu.dma_semaphore, #tpu.memory_space<semaphore_mem>>
        %dma_wait3A_236 = tpu.memref_squeeze %dma_wait3A_235 : memref<1x!tpu.dma_semaphore, #tpu.memory_space<semaphore_mem>> -> memref<!tpu.dma_semaphore, #tpu.memory_space<semaphore_mem>>
        %dma_wait3A_237 = arith.constant 0 : i32
        %dma_wait3A_238 = tpu.memref_slice %arg11[%dma_wait3A_227, %dma_wait3A_237] : memref<2x128xi32, #tpu.memory_space<vmem>> -> memref<1x128xi32, #tpu.memory_space<vmem>>
        %dma_wait3A_239 = tpu.memref_squeeze %dma_wait3A_238 : memref<1x128xi32, #tpu.memory_space<vmem>> -> memref<128xi32, #tpu.memory_space<vmem>>
        %dma_wait3A_240 = arith.constant 0 : i32
        %dma_wait3A_241 = tpu.memref_slice %arg5[%add3A, %add3A_210, %dma_wait3A_240] : memref<32x80x128xi32, #tpu.memory_space<hbm>> -> memref<1x1x128xi32, #tpu.memory_space<hbm>>
        %dma_wait3A_242 = tpu.memref_squeeze %dma_wait3A_241 : memref<1x1x128xi32, #tpu.memory_space<hbm>> -> memref<128xi32, #tpu.memory_space<hbm>>
        tpu.wait_dma2 semaphore(%dma_wait3A_236 : memref<!tpu.dma_semaphore, #tpu.memory_space<semaphore_mem>>) src(%dma_wait3A_242 : memref<128xi32, #tpu.memory_space<hbm>>) dst(%dma_wait3A_239 : memref<128xi32, #tpu.memory_space<vmem>>)
        %add3A_243 = arith.constant 1 : i32
        %add3A_244 = arith.addi %add3A_166, %add3A_243 : i32
        %dma_start3A_245 = arith.constant 0 : i32
        %dma_start3A_246 = arith.constant 0 : i32
        %dma_start3A_247 = arith.constant 0 : i32
        %dma_start3A_248 = arith.constant 0 : i32
        %dma_start3A_249 = arith.constant 0 : i32
        %dma_start3A_250 = tpu.memref_slice %arg12[%dma_start3A_246, %dma_start3A_248, %dma_start3A_249] : memref<2x128x128xf32, #tpu.memory_space<vmem>> -> memref<1x128x128xf32, #tpu.memory_space<vmem>>
        %dma_start3A_251 = tpu.memref_squeeze %dma_start3A_250 : memref<1x128x128xf32, #tpu.memory_space<vmem>> -> memref<128x128xf32, #tpu.memory_space<vmem>>
        %dma_start3A_252 = arith.constant 0 : i32
        %dma_start3A_253 = tpu.memref_slice %arg10[%dma_start3A_245, %dma_start3A_252] : memref<2x128xi32, #tpu.memory_space<vmem>> -> memref<1x128xi32, #tpu.memory_space<vmem>>
        %dma_start3A_254 = tpu.memref_squeeze %dma_start3A_253 : memref<1x128xi32, #tpu.memory_space<vmem>> -> memref<128xi32, #tpu.memory_space<vmem>>
        %dma_start3A_255 = arith.constant 0 : i32
        %dma_start3A_256 = arith.constant 0 : i32
        %dma_start3A_257 = tpu.memref_slice %arg2[%dma_start3A_255, %dma_start3A_256] : memref<10240x128xf32, #tpu.memory_space<hbm>> -> memref<10240x128xf32, #tpu.memory_space<hbm>>
        %dma_start3A_258 = tpu.memref_slice %arg16[%dma_start3A_247] : memref<2x!tpu.dma_semaphore, #tpu.memory_space<semaphore_mem>> -> memref<1x!tpu.dma_semaphore, #tpu.memory_space<semaphore_mem>>
        %dma_start3A_259 = tpu.memref_squeeze %dma_start3A_258 : memref<1x!tpu.dma_semaphore, #tpu.memory_space<semaphore_mem>> -> memref<!tpu.dma_semaphore, #tpu.memory_space<semaphore_mem>>
        tpu.enqueue_indirect_dma source(%dma_start3A_257 : memref<10240x128xf32, #tpu.memory_space<hbm>>) target(%dma_start3A_251 : memref<128x128xf32, #tpu.memory_space<vmem>>) offsets(%dma_start3A_254 : memref<128xi32, #tpu.memory_space<vmem>>) semaphore(%dma_start3A_259 : memref<!tpu.dma_semaphore, #tpu.memory_space<semaphore_mem>>)
        %dma_start3A_260 = arith.constant 0 : i32
        %dma_start3A_261 = arith.constant 0 : i32
        %dma_start3A_262 = arith.constant 0 : i32
        %dma_start3A_263 = arith.constant 0 : i32
        %dma_start3A_264 = tpu.memref_slice %arg13[%dma_start3A_261, %dma_start3A_263] : memref<2x128xf32, #tpu.memory_space<vmem>> -> memref<1x128xf32, #tpu.memory_space<vmem>>
        %dma_start3A_265 = tpu.memref_squeeze %dma_start3A_264 : memref<1x128xf32, #tpu.memory_space<vmem>> -> memref<128xf32, #tpu.memory_space<vmem>>
        %dma_start3A_266 = arith.constant 0 : i32
        %dma_start3A_267 = tpu.memref_slice %arg10[%dma_start3A_260, %dma_start3A_266] : memref<2x128xi32, #tpu.memory_space<vmem>> -> memref<1x128xi32, #tpu.memory_space<vmem>>
        %dma_start3A_268 = tpu.memref_squeeze %dma_start3A_267 : memref<1x128xi32, #tpu.memory_space<vmem>> -> memref<128xi32, #tpu.memory_space<vmem>>
        %dma_start3A_269 = arith.constant 0 : i32
        %dma_start3A_270 = tpu.memref_slice %arg3[%dma_start3A_269] : memref<10240xf32, #tpu.memory_space<hbm>> -> memref<10240xf32, #tpu.memory_space<hbm>>
        %dma_start3A_271 = tpu.memref_slice %arg17[%dma_start3A_262] : memref<2x!tpu.dma_semaphore, #tpu.memory_space<semaphore_mem>> -> memref<1x!tpu.dma_semaphore, #tpu.memory_space<semaphore_mem>>
        %dma_start3A_272 = tpu.memref_squeeze %dma_start3A_271 : memref<1x!tpu.dma_semaphore, #tpu.memory_space<semaphore_mem>> -> memref<!tpu.dma_semaphore, #tpu.memory_space<semaphore_mem>>
        tpu.enqueue_indirect_dma source(%dma_start3A_270 : memref<10240xf32, #tpu.memory_space<hbm>>) target(%dma_start3A_265 : memref<128xf32, #tpu.memory_space<vmem>>) offsets(%dma_start3A_268 : memref<128xi32, #tpu.memory_space<vmem>>) semaphore(%dma_start3A_272 : memref<!tpu.dma_semaphore, #tpu.memory_space<semaphore_mem>>)
      } else {
      }
      %run_scoped3A_205 = arith.constant 1 : i32
      %run_scoped3A_206 = arith.constant 1 : i32
      "tpu.region"() ({
        %run_scoped3A_209 = tpu.sem_alloc : memref<!tpu.dma_semaphore, #tpu.memory_space<semaphore_mem>>
        %dma_start3A_210 = arith.constant 0 : i32
        %dma_start3A_211 = arith.constant 0 : i32
        %dma_start3A_212 = tpu.memref_slice %arg12[%run_scoped3A_205, %dma_start3A_210, %dma_start3A_211] : memref<2x128x128xf32, #tpu.memory_space<vmem>> -> memref<1x128x128xf32, #tpu.memory_space<vmem>>
        %dma_start3A_213 = tpu.memref_squeeze %dma_start3A_212 : memref<1x128x128xf32, #tpu.memory_space<vmem>> -> memref<128x128xf32, #tpu.memory_space<vmem>>
        %dma_start3A_214 = arith.constant 0 : i32
        %dma_start3A_215 = tpu.memref_slice %arg11[%run_scoped3A_206, %dma_start3A_214] : memref<2x128xi32, #tpu.memory_space<vmem>> -> memref<1x128xi32, #tpu.memory_space<vmem>>
        %dma_start3A_216 = tpu.memref_squeeze %dma_start3A_215 : memref<1x128xi32, #tpu.memory_space<vmem>> -> memref<128xi32, #tpu.memory_space<vmem>>
        %dma_start3A_217 = arith.constant 0 : i32
        %dma_start3A_218 = arith.constant 0 : i32
        %dma_start3A_219 = tpu.memref_slice %arg14[%dma_start3A_217, %dma_start3A_218] : memref<10240x128xf32, #tpu.memory_space<vmem_shared>> -> memref<10240x128xf32, #tpu.memory_space<vmem_shared>>
        tpu.enqueue_indirect_dma source(%dma_start3A_213 : memref<128x128xf32, #tpu.memory_space<vmem>>) target(%dma_start3A_219 : memref<10240x128xf32, #tpu.memory_space<vmem_shared>>) offsets(%dma_start3A_216 : memref<128xi32, #tpu.memory_space<vmem>>) semaphore(%run_scoped3A_209 : memref<!tpu.dma_semaphore, #tpu.memory_space<semaphore_mem>>) {add = true}
        %dma_wait3A_220 = arith.constant 0 : i32
        %dma_wait3A_221 = arith.constant 0 : i32
        %dma_wait3A_222 = tpu.memref_slice %arg12[%run_scoped3A_205, %dma_wait3A_220, %dma_wait3A_221] : memref<2x128x128xf32, #tpu.memory_space<vmem>> -> memref<1x128x128xf32, #tpu.memory_space<vmem>>
        %dma_wait3A_223 = tpu.memref_squeeze %dma_wait3A_222 : memref<1x128x128xf32, #tpu.memory_space<vmem>> -> memref<128x128xf32, #tpu.memory_space<vmem>>
        %dma_wait3A_224 = arith.constant 0 : i32
        %dma_wait3A_225 = tpu.memref_slice %arg11[%run_scoped3A_206, %dma_wait3A_224] : memref<2x128xi32, #tpu.memory_space<vmem>> -> memref<1x128xi32, #tpu.memory_space<vmem>>
        %dma_wait3A_226 = tpu.memref_squeeze %dma_wait3A_225 : memref<1x128xi32, #tpu.memory_space<vmem>> -> memref<128xi32, #tpu.memory_space<vmem>>
        %dma_wait3A_227 = arith.constant 0 : i32
        %dma_wait3A_228 = arith.constant 0 : i32
        %dma_wait3A_229 = tpu.memref_slice %arg14[%dma_wait3A_227, %dma_wait3A_228] : memref<10240x128xf32, #tpu.memory_space<vmem_shared>> -> memref<10240x128xf32, #tpu.memory_space<vmem_shared>>
        tpu.wait_indirect_dma semaphore(%run_scoped3A_209 : memref<!tpu.dma_semaphore, #tpu.memory_space<semaphore_mem>>) src(%dma_wait3A_223 : memref<128x128xf32, #tpu.memory_space<vmem>>) dst(%dma_wait3A_229 : memref<10240x128xf32, #tpu.memory_space<vmem_shared>>)
        tpu.yield
      }) : () -> ()
      %run_scoped3A_207 = arith.constant 1 : i32
      %run_scoped3A_208 = arith.constant 1 : i32
      "tpu.region"() ({
        %run_scoped3A_209 = tpu.sem_alloc : memref<!tpu.dma_semaphore, #tpu.memory_space<semaphore_mem>>
        %dma_start3A_210 = arith.constant 0 : i32
        %dma_start3A_211 = tpu.memref_slice %arg13[%run_scoped3A_207, %dma_start3A_210] : memref<2x128xf32, #tpu.memory_space<vmem>> -> memref<1x128xf32, #tpu.memory_space<vmem>>
        %dma_start3A_212 = tpu.memref_squeeze %dma_start3A_211 : memref<1x128xf32, #tpu.memory_space<vmem>> -> memref<128xf32, #tpu.memory_space<vmem>>
        %dma_start3A_213 = arith.constant 0 : i32
        %dma_start3A_214 = tpu.memref_slice %arg11[%run_scoped3A_208, %dma_start3A_213] : memref<2x128xi32, #tpu.memory_space<vmem>> -> memref<1x128xi32, #tpu.memory_space<vmem>>
        %dma_start3A_215 = tpu.memref_squeeze %dma_start3A_214 : memref<1x128xi32, #tpu.memory_space<vmem>> -> memref<128xi32, #tpu.memory_space<vmem>>
        %dma_start3A_216 = arith.constant 0 : i32
        %dma_start3A_217 = tpu.memref_slice %arg15[%dma_start3A_216] : memref<10240xf32, #tpu.memory_space<vmem_shared>> -> memref<10240xf32, #tpu.memory_space<vmem_shared>>
        tpu.enqueue_indirect_dma source(%dma_start3A_212 : memref<128xf32, #tpu.memory_space<vmem>>) target(%dma_start3A_217 : memref<10240xf32, #tpu.memory_space<vmem_shared>>) offsets(%dma_start3A_215 : memref<128xi32, #tpu.memory_space<vmem>>) semaphore(%run_scoped3A_209 : memref<!tpu.dma_semaphore, #tpu.memory_space<semaphore_mem>>) {add = true}
        %dma_wait3A_218 = arith.constant 0 : i32
        %dma_wait3A_219 = tpu.memref_slice %arg13[%run_scoped3A_207, %dma_wait3A_218] : memref<2x128xf32, #tpu.memory_space<vmem>> -> memref<1x128xf32, #tpu.memory_space<vmem>>
        %dma_wait3A_220 = tpu.memref_squeeze %dma_wait3A_219 : memref<1x128xf32, #tpu.memory_space<vmem>> -> memref<128xf32, #tpu.memory_space<vmem>>
        %dma_wait3A_221 = arith.constant 0 : i32
        %dma_wait3A_222 = tpu.memref_slice %arg11[%run_scoped3A_208, %dma_wait3A_221] : memref<2x128xi32, #tpu.memory_space<vmem>> -> memref<1x128xi32, #tpu.memory_space<vmem>>
        %dma_wait3A_223 = tpu.memref_squeeze %dma_wait3A_222 : memref<1x128xi32, #tpu.memory_space<vmem>> -> memref<128xi32, #tpu.memory_space<vmem>>
        %dma_wait3A_224 = arith.constant 0 : i32
        %dma_wait3A_225 = tpu.memref_slice %arg15[%dma_wait3A_224] : memref<10240xf32, #tpu.memory_space<vmem_shared>> -> memref<10240xf32, #tpu.memory_space<vmem_shared>>
        tpu.wait_indirect_dma semaphore(%run_scoped3A_209 : memref<!tpu.dma_semaphore, #tpu.memory_space<semaphore_mem>>) src(%dma_wait3A_220 : memref<128xf32, #tpu.memory_space<vmem>>) dst(%dma_wait3A_225 : memref<10240xf32, #tpu.memory_space<vmem_shared>>)
        tpu.yield
      }) : () -> ()
    }
    %scan3A_106 = arith.constant 40 : i32
    %barrier3A_107 = arith.constant 0 : index
    tpu.barrier barrier_id(%barrier3A_107)
    %mul3A_108 = arith.constant 640 : i32
    %mul3A_109 = arith.muli %arg1, %mul3A_108 : i32
    %mul3A_110 = arith.constant 640 : i32
    %mul3A_111 = arith.muli %arg1, %mul3A_110 : i32
    "tpu.region"() ({
      %run_scoped3A = tpu.sem_alloc : memref<!tpu.dma_semaphore, #tpu.memory_space<semaphore_mem>>
      %dma_start3A_116 = arith.constant 0 : i32
      %dma_start3A_117 = tpu.memref_slice %arg8[%arg0, %mul3A_111, %dma_start3A_116] : memref<2x10240x128xf32, #tpu.memory_space<hbm>> -> memref<1x640x128xf32, #tpu.memory_space<hbm>>
      %dma_start3A_118 = tpu.memref_squeeze %dma_start3A_117 : memref<1x640x128xf32, #tpu.memory_space<hbm>> -> memref<640x128xf32, #tpu.memory_space<hbm>>
      %dma_start3A_119 = arith.constant 0 : i32
      %dma_start3A_120 = tpu.memref_slice %arg14[%mul3A_109, %dma_start3A_119] : memref<10240x128xf32, #tpu.memory_space<vmem_shared>> -> memref<640x128xf32, #tpu.memory_space<vmem_shared>>
      tpu.enqueue_dma source(%dma_start3A_120 : memref<640x128xf32, #tpu.memory_space<vmem_shared>>) target(%dma_start3A_118 : memref<640x128xf32, #tpu.memory_space<hbm>>) target_semaphore(%run_scoped3A : memref<!tpu.dma_semaphore, #tpu.memory_space<semaphore_mem>>)
      %dma_wait3A_121 = arith.constant 0 : i32
      %dma_wait3A_122 = tpu.memref_slice %arg8[%arg0, %mul3A_111, %dma_wait3A_121] : memref<2x10240x128xf32, #tpu.memory_space<hbm>> -> memref<1x640x128xf32, #tpu.memory_space<hbm>>
      %dma_wait3A_123 = tpu.memref_squeeze %dma_wait3A_122 : memref<1x640x128xf32, #tpu.memory_space<hbm>> -> memref<640x128xf32, #tpu.memory_space<hbm>>
      %dma_wait3A_124 = arith.constant 0 : i32
      %dma_wait3A_125 = tpu.memref_slice %arg14[%mul3A_109, %dma_wait3A_124] : memref<10240x128xf32, #tpu.memory_space<vmem_shared>> -> memref<640x128xf32, #tpu.memory_space<vmem_shared>>
      tpu.wait_dma2 semaphore(%run_scoped3A : memref<!tpu.dma_semaphore, #tpu.memory_space<semaphore_mem>>) src(%dma_wait3A_125 : memref<640x128xf32, #tpu.memory_space<vmem_shared>>) dst(%dma_wait3A_123 : memref<640x128xf32, #tpu.memory_space<hbm>>)
      tpu.yield
    }) : () -> ()
    %mul3A_112 = arith.constant 640 : i32
    %mul3A_113 = arith.muli %arg1, %mul3A_112 : i32
    %mul3A_114 = arith.constant 640 : i32
    %mul3A_115 = arith.muli %arg1, %mul3A_114 : i32
    "tpu.region"() ({
      %run_scoped3A = tpu.sem_alloc : memref<!tpu.dma_semaphore, #tpu.memory_space<semaphore_mem>>
      %dma_start3A_116 = tpu.memref_slice %arg9[%arg0, %mul3A_115] : memref<2x10240xf32, #tpu.memory_space<hbm>> -> memref<1x640xf32, #tpu.memory_space<hbm>>
      %dma_start3A_117 = tpu.memref_squeeze %dma_start3A_116 : memref<1x640xf32, #tpu.memory_space<hbm>> -> memref<640xf32, #tpu.memory_space<hbm>>
      %dma_start3A_118 = tpu.memref_slice %arg15[%mul3A_113] : memref<10240xf32, #tpu.memory_space<vmem_shared>> -> memref<640xf32, #tpu.memory_space<vmem_shared>>
      tpu.enqueue_dma source(%dma_start3A_118 : memref<640xf32, #tpu.memory_space<vmem_shared>>) target(%dma_start3A_117 : memref<640xf32, #tpu.memory_space<hbm>>) target_semaphore(%run_scoped3A : memref<!tpu.dma_semaphore, #tpu.memory_space<semaphore_mem>>)
      %dma_wait3A_119 = tpu.memref_slice %arg9[%arg0, %mul3A_115] : memref<2x10240xf32, #tpu.memory_space<hbm>> -> memref<1x640xf32, #tpu.memory_space<hbm>>
      %dma_wait3A_120 = tpu.memref_squeeze %dma_wait3A_119 : memref<1x640xf32, #tpu.memory_space<hbm>> -> memref<640xf32, #tpu.memory_space<hbm>>
      %dma_wait3A_121 = tpu.memref_slice %arg15[%mul3A_113] : memref<10240xf32, #tpu.memory_space<vmem_shared>> -> memref<640xf32, #tpu.memory_space<vmem_shared>>
      tpu.wait_dma2 semaphore(%run_scoped3A : memref<!tpu.dma_semaphore, #tpu.memory_space<semaphore_mem>>) src(%dma_wait3A_121 : memref<640xf32, #tpu.memory_space<vmem_shared>>) dst(%dma_wait3A_120 : memref<640xf32, #tpu.memory_space<hbm>>)
      tpu.yield
    }) : () -> ()
    return
  }
}

module attributes {stable_mosaic.version = 14 : i64} {
  func.func @_linear_block(%arg0: i32, %arg1: memref<1x1024x128xf32, #tpu.memory_space<vmem>>, %arg2: memref<1x1024x128xf32, #tpu.memory_space<vmem>>, %arg3: memref<1x1024x1xf32, #tpu.memory_space<vmem>>, %arg4: memref<1x1024x1xf32, #tpu.memory_space<vmem>>, %arg5: memref<1024x128xf32, #tpu.memory_space<vmem>>, %arg6: memref<128x128xf32, #tpu.memory_space<vmem>>, %arg7: memref<1x128xf32, #tpu.memory_space<vmem>>, %arg8: memref<128x128xf32, #tpu.memory_space<vmem>>, %arg9: memref<128x1xf32, #tpu.memory_space<vmem>>, %arg10: memref<1024x128xf32, #tpu.memory_space<vmem>>, %arg11: memref<1024x1xf32, #tpu.memory_space<vmem>>) attributes {dimension_semantics = [#tpu.dimension_semantics<arbitrary>], iteration_bounds = array<i64: 10>, scalar_prefetch = 0 : i64, scratch_operands = 0 : i64, tpu.core_type = #tpu.core_type<tc>, window_params = [{transform_indices = @transform_0, window_bounds = array<i64: 1, 1024, 128>}, {transform_indices = @transform_1, window_bounds = array<i64: 1, 1024, 128>}, {transform_indices = @transform_2, window_bounds = array<i64: 1, 1024, 1>}, {transform_indices = @transform_3, window_bounds = array<i64: 1, 1024, 1>}, {transform_indices = @transform_4, window_bounds = array<i64: 1024, 128>}, {pipeline_mode = #tpu.pipeline_mode<synchronous>, transform_indices = @transform_5, window_bounds = array<i64: 128, 128>}, {pipeline_mode = #tpu.pipeline_mode<synchronous>, transform_indices = @transform_6, window_bounds = array<i64: 1, 128>}, {pipeline_mode = #tpu.pipeline_mode<synchronous>, transform_indices = @transform_7, window_bounds = array<i64: 128, 128>}, {pipeline_mode = #tpu.pipeline_mode<synchronous>, transform_indices = @transform_8, window_bounds = array<i64: 128, 1>}, {transform_indices = @transform_9, window_bounds = array<i64: 1024, 128>}, {transform_indices = @transform_10, window_bounds = array<i64: 1024, 1>}]} {
    %get3A = arith.constant 0 : index
    %get3A_0 = arith.constant 0 : index
    %get3A_1 = arith.constant 0 : index
    %get3A_2 = vector.load %arg3[%get3A, %get3A_0, %get3A_1] : memref<1x1024x1xf32, #tpu.memory_space<vmem>>, vector<1x1024x1xf32>
    %get3A_3 = vector.shape_cast %get3A_2 : vector<1x1024x1xf32> to vector<1024x1xf32>
    %get3A_4 = arith.constant 0 : index
    %get3A_5 = arith.constant 0 : index
    %get3A_6 = arith.constant 0 : index
    %get3A_7 = vector.load %arg4[%get3A_4, %get3A_5, %get3A_6] : memref<1x1024x1xf32, #tpu.memory_space<vmem>>, vector<1x1024x1xf32>
    %get3A_8 = vector.shape_cast %get3A_7 : vector<1x1024x1xf32> to vector<1024x1xf32>
    %add3A = arith.addf %get3A_3, %get3A_8 : vector<1024x1xf32>
    %max3A = arith.constant 1.000000e+00 : f32
    %max3A_9 = vector.broadcast %max3A : f32 to vector<1024x1xf32>
    %max3A_10 = arith.maximumf %add3A, %max3A_9 : vector<1024x1xf32>
    %get3A_11 = arith.constant 0 : index
    %get3A_12 = arith.constant 0 : index
    %get3A_13 = arith.constant 0 : index
    %get3A_14 = vector.load %arg1[%get3A_11, %get3A_12, %get3A_13] : memref<1x1024x128xf32, #tpu.memory_space<vmem>>, vector<1x1024x128xf32>
    %get3A_15 = vector.shape_cast %get3A_14 : vector<1x1024x128xf32> to vector<1024x128xf32>
    %get3A_16 = arith.constant 0 : index
    %get3A_17 = arith.constant 0 : index
    %get3A_18 = arith.constant 0 : index
    %get3A_19 = vector.load %arg2[%get3A_16, %get3A_17, %get3A_18] : memref<1x1024x128xf32, #tpu.memory_space<vmem>>, vector<1x1024x128xf32>
    %get3A_20 = vector.shape_cast %get3A_19 : vector<1x1024x128xf32> to vector<1024x128xf32>
    %add3A_21 = arith.addf %get3A_15, %get3A_20 : vector<1024x128xf32>
    %div3A = vector.broadcast %max3A_10 : vector<1024x1xf32> to vector<1024x128xf32>
    %div3A_22 = arith.divf %add3A_21, %div3A : vector<1024x128xf32>
    %get3A_23 = arith.constant 0 : index
    %get3A_24 = arith.constant 0 : index
    %get3A_25 = vector.load %arg6[%get3A_23, %get3A_24] : memref<128x128xf32, #tpu.memory_space<vmem>>, vector<128x128xf32>
    %dot_general3A = arith.constant dense<0.000000e+00> : vector<1024x128xf32>
    %dot_general3A_26 = tpu.matmul %div3A_22, %get3A_25, %dot_general3A {dimension_numbers = #tpu.dot_dimension_numbers<[1], [0], [0], [1], [0, 0, 1, 1], [], []>, transpose_lhs_hint = false} : vector<1024x128xf32>, vector<128x128xf32>, vector<1024x128xf32> -> vector<1024x128xf32>
    %get3A_27 = arith.constant 0 : index
    %get3A_28 = arith.constant 0 : index
    %get3A_29 = vector.load %arg7[%get3A_27, %get3A_28] : memref<1x128xf32, #tpu.memory_space<vmem>>, vector<1x128xf32>
    %add3A_30 = vector.broadcast %get3A_29 : vector<1x128xf32> to vector<1024x128xf32>
    %add3A_31 = arith.addf %dot_general3A_26, %add3A_30 : vector<1024x128xf32>
    %get3A_32 = arith.constant 0 : index
    %get3A_33 = arith.constant 0 : index
    %get3A_34 = vector.load %arg5[%get3A_32, %get3A_33] : memref<1024x128xf32, #tpu.memory_space<vmem>>, vector<1024x128xf32>
    %get3A_35 = arith.constant 0 : index
    %get3A_36 = arith.constant 0 : index
    %get3A_37 = vector.load %arg8[%get3A_35, %get3A_36] : memref<128x128xf32, #tpu.memory_space<vmem>>, vector<128x128xf32>
    %dot_general3A_38 = arith.constant dense<0.000000e+00> : vector<1024x128xf32>
    %dot_general3A_39 = tpu.matmul %get3A_34, %get3A_37, %dot_general3A_38 {dimension_numbers = #tpu.dot_dimension_numbers<[1], [0], [0], [1], [0, 0, 1, 1], [], []>, transpose_lhs_hint = false} : vector<1024x128xf32>, vector<128x128xf32>, vector<1024x128xf32> -> vector<1024x128xf32>
    %add3A_40 = arith.addf %add3A_31, %dot_general3A_39 : vector<1024x128xf32>
    %max3A_41 = arith.constant 0.000000e+00 : f32
    %max3A_42 = vector.broadcast %max3A_41 : f32 to vector<1024x128xf32>
    %max3A_43 = arith.maximumf %add3A_40, %max3A_42 : vector<1024x128xf32>
    %swap3A = arith.constant 0 : index
    %swap3A_44 = arith.constant 0 : index
    %swap3A_45 = vector.load %arg10[%swap3A, %swap3A_44] : memref<1024x128xf32, #tpu.memory_space<vmem>>, vector<1024x128xf32>
    tpu.vector_store %arg10[%swap3A, %swap3A_44], %max3A_43 {strides = array<i32>} : memref<1024x128xf32, #tpu.memory_space<vmem>>, vector<1024x128xf32>,
    %get3A_46 = arith.constant 0 : index
    %get3A_47 = arith.constant 0 : index
    %get3A_48 = vector.load %arg9[%get3A_46, %get3A_47] : memref<128x1xf32, #tpu.memory_space<vmem>>, vector<128x1xf32>
    %dot_general3A_49 = arith.constant dense<0.000000e+00> : vector<1024x1xf32>
    %dot_general3A_50 = tpu.matmul %max3A_43, %get3A_48, %dot_general3A_49 {dimension_numbers = #tpu.dot_dimension_numbers<[1], [0], [0], [1], [0, 0, 1, 1], [], []>, transpose_lhs_hint = false} : vector<1024x128xf32>, vector<128x1xf32>, vector<1024x1xf32> -> vector<1024x1xf32>
    %tanh3A = math.tanh %dot_general3A_50 : vector<1024x1xf32>
    %swap3A_51 = arith.constant 0 : index
    %swap3A_52 = arith.constant 0 : index
    %swap3A_53 = vector.load %arg11[%swap3A_51, %swap3A_52] : memref<1024x1xf32, #tpu.memory_space<vmem>>, vector<1024x1xf32>
    tpu.vector_store %arg11[%swap3A_51, %swap3A_52], %tanh3A {strides = array<i32>} : memref<1024x1xf32, #tpu.memory_space<vmem>>, vector<1024x1xf32>,
    return
  }
  func.func @transform_0(%arg0: i32) -> (i32, i32, i32) {
    %c0_i32 = arith.constant 0 : i32
    %c0_i32_0 = arith.constant 0 : i32
    %c0_i32_1 = arith.constant 0 : i32
    return %c0_i32, %arg0, %c0_i32_0 : i32, i32, i32
  }
  func.func @transform_1(%arg0: i32) -> (i32, i32, i32) {
    %c1_i32 = arith.constant 1 : i32
    %c0_i32 = arith.constant 0 : i32
    %c0_i32_0 = arith.constant 0 : i32
    return %c1_i32, %arg0, %c0_i32 : i32, i32, i32
  }
  func.func @transform_2(%arg0: i32) -> (i32, i32, i32) {
    %c0_i32 = arith.constant 0 : i32
    %c0_i32_0 = arith.constant 0 : i32
    %c0_i32_1 = arith.constant 0 : i32
    return %c0_i32, %arg0, %c0_i32_0 : i32, i32, i32
  }
  func.func @transform_3(%arg0: i32) -> (i32, i32, i32) {
    %c1_i32 = arith.constant 1 : i32
    %c0_i32 = arith.constant 0 : i32
    %c0_i32_0 = arith.constant 0 : i32
    return %c1_i32, %arg0, %c0_i32 : i32, i32, i32
  }
  func.func @transform_4(%arg0: i32) -> (i32, i32) {
    %c0_i32 = arith.constant 0 : i32
    %c0_i32_0 = arith.constant 0 : i32
    return %arg0, %c0_i32 : i32, i32
  }
  func.func @transform_5(%arg0: i32) -> (i32, i32) {
    %c0_i32 = arith.constant 0 : i32
    %c0_i32_0 = arith.constant 0 : i32
    %c0_i32_1 = arith.constant 0 : i32
    return %c0_i32, %c0_i32_0 : i32, i32
  }
  func.func @transform_6(%arg0: i32) -> (i32, i32) {
    %c0_i32 = arith.constant 0 : i32
    %c0_i32_0 = arith.constant 0 : i32
    %c0_i32_1 = arith.constant 0 : i32
    return %c0_i32, %c0_i32_0 : i32, i32
  }
  func.func @transform_7(%arg0: i32) -> (i32, i32) {
    %c0_i32 = arith.constant 0 : i32
    %c0_i32_0 = arith.constant 0 : i32
    %c0_i32_1 = arith.constant 0 : i32
    return %c0_i32, %c0_i32_0 : i32, i32
  }
  func.func @transform_8(%arg0: i32) -> (i32, i32) {
    %c0_i32 = arith.constant 0 : i32
    %c0_i32_0 = arith.constant 0 : i32
    %c0_i32_1 = arith.constant 0 : i32
    return %c0_i32, %c0_i32_0 : i32, i32
  }
  func.func @transform_9(%arg0: i32) -> (i32, i32) {
    %c0_i32 = arith.constant 0 : i32
    %c0_i32_0 = arith.constant 0 : i32
    return %arg0, %c0_i32 : i32, i32
  }
  func.func @transform_10(%arg0: i32) -> (i32, i32) {
    %c0_i32 = arith.constant 0 : i32
    %c0_i32_0 = arith.constant 0 : i32
    return %arg0, %c0_i32 : i32, i32
  }
}

module attributes {stable_mosaic.version = 14 : i64} {
  func.func @_rankro_block(%arg0: i32, %arg1: i32, %arg2: memref<1024x1xf32, #tpu.memory_space<vmem>>, %arg3: memref<1024x1xi32, #tpu.memory_space<vmem>>, %arg4: memref<1024x1xf32, #tpu.memory_space<vmem>>, %arg5: memref<1x2048xf32, #tpu.memory_space<vmem>>, %arg6: memref<1x2048xi32, #tpu.memory_space<vmem>>, %arg7: memref<1x2048xf32, #tpu.memory_space<vmem>>, %arg8: memref<1024x128xf32, #tpu.memory_space<vmem>>, %arg9: memref<1024x1xf32, #tpu.memory_space<vmem>>, %arg10: memref<1024x128xf32, #tpu.memory_space<vmem>>, %arg11: memref<64x256xf32, #tpu.memory_space<vmem>>, %arg12: memref<1024x1xf32, #tpu.memory_space<vmem>>, %arg13: memref<1024x1xf32, #tpu.memory_space<vmem>>, %arg14: memref<64x128xf32, #tpu.memory_space<vmem>>, %arg15: memref<64x128xf32, #tpu.memory_space<vmem>>, %arg16: memref<64x1xf32, #tpu.memory_space<vmem>>) attributes {dimension_semantics = [#tpu.dimension_semantics<arbitrary>, #tpu.dimension_semantics<arbitrary>], iteration_bounds = array<i64: 10, 5>, scalar_prefetch = 0 : i64, scratch_operands = 5 : i64, tpu.core_type = #tpu.core_type<tc>, window_params = [{transform_indices = @transform_0, window_bounds = array<i64: 1024, 1>}, {transform_indices = @transform_1, window_bounds = array<i64: 1024, 1>}, {transform_indices = @transform_2, window_bounds = array<i64: 1024, 1>}, {transform_indices = @transform_3, window_bounds = array<i64: 1, 2048>}, {transform_indices = @transform_4, window_bounds = array<i64: 1, 2048>}, {transform_indices = @transform_5, window_bounds = array<i64: 1, 2048>}, {transform_indices = @transform_6, window_bounds = array<i64: 1024, 128>}, {transform_indices = @transform_7, window_bounds = array<i64: 1024, 1>}, {transform_indices = @transform_8, window_bounds = array<i64: 1024, 128>}, {pipeline_mode = #tpu.pipeline_mode<synchronous>, transform_indices = @transform_9, window_bounds = array<i64: 64, 256>}]} {
    %eq3A = arith.constant 0 : i32
    %eq3A_0 = arith.cmpi eq, %arg1, %eq3A : i32
    %convert_element_type3A = arith.extui %eq3A_0 : i1 to i32
    %cond3A = arith.constant 0 : i32
    %cond3A_1 = arith.cmpi ne, %convert_element_type3A, %cond3A : i32
    scf.if %cond3A_1 {
      %broadcast_in_dim3A = arith.constant 0.000000e+00 : f32
      %broadcast_in_dim3A_49 = vector.broadcast %broadcast_in_dim3A : f32 to vector<1024x1xf32>
      %swap3A = arith.constant 0 : index
      %swap3A_50 = arith.constant 0 : index
      %swap3A_51 = vector.load %arg12[%swap3A, %swap3A_50] : memref<1024x1xf32, #tpu.memory_space<vmem>>, vector<1024x1xf32>
      tpu.vector_store %arg12[%swap3A, %swap3A_50], %broadcast_in_dim3A_49 {strides = array<i32>} : memref<1024x1xf32, #tpu.memory_space<vmem>>, vector<1024x1xf32>,
      %broadcast_in_dim3A_52 = arith.constant 0.000000e+00 : f32
      %broadcast_in_dim3A_53 = vector.broadcast %broadcast_in_dim3A_52 : f32 to vector<1024x1xf32>
      %swap3A_54 = arith.constant 0 : index
      %swap3A_55 = arith.constant 0 : index
      %swap3A_56 = vector.load %arg13[%swap3A_54, %swap3A_55] : memref<1024x1xf32, #tpu.memory_space<vmem>>, vector<1024x1xf32>
      tpu.vector_store %arg13[%swap3A_54, %swap3A_55], %broadcast_in_dim3A_53 {strides = array<i32>} : memref<1024x1xf32, #tpu.memory_space<vmem>>, vector<1024x1xf32>,
    } else {
    }
    %eq3A_2 = arith.constant 0 : i32
    %eq3A_3 = arith.cmpi eq, %arg0, %eq3A_2 : i32
    %eq3A_4 = arith.constant 0 : i32
    %eq3A_5 = arith.cmpi eq, %arg1, %eq3A_4 : i32
    %and3A = arith.andi %eq3A_3, %eq3A_5 : i1
    %convert_element_type3A_6 = arith.extui %and3A : i1 to i32
    %cond3A_7 = arith.constant 0 : i32
    %cond3A_8 = arith.cmpi ne, %convert_element_type3A_6, %cond3A_7 : i32
    scf.if %cond3A_8 {
      %broadcast_in_dim3A = arith.constant 0xFF800000 : f32
      %broadcast_in_dim3A_49 = vector.broadcast %broadcast_in_dim3A : f32 to vector<64x128xf32>
      %swap3A = arith.constant 0 : index
      %swap3A_50 = arith.constant 0 : index
      %swap3A_51 = vector.load %arg14[%swap3A, %swap3A_50] : memref<64x128xf32, #tpu.memory_space<vmem>>, vector<64x128xf32>
      tpu.vector_store %arg14[%swap3A, %swap3A_50], %broadcast_in_dim3A_49 {strides = array<i32>} : memref<64x128xf32, #tpu.memory_space<vmem>>, vector<64x128xf32>,
      %broadcast_in_dim3A_52 = arith.constant 0.000000e+00 : f32
      %broadcast_in_dim3A_53 = vector.broadcast %broadcast_in_dim3A_52 : f32 to vector<64x128xf32>
      %swap3A_54 = arith.constant 0 : index
      %swap3A_55 = arith.constant 0 : index
      %swap3A_56 = vector.load %arg15[%swap3A_54, %swap3A_55] : memref<64x128xf32, #tpu.memory_space<vmem>>, vector<64x128xf32>
      tpu.vector_store %arg15[%swap3A_54, %swap3A_55], %broadcast_in_dim3A_53 {strides = array<i32>} : memref<64x128xf32, #tpu.memory_space<vmem>>, vector<64x128xf32>,
      %broadcast_in_dim3A_57 = arith.constant 0.000000e+00 : f32
      %broadcast_in_dim3A_58 = vector.broadcast %broadcast_in_dim3A_57 : f32 to vector<64x1xf32>
      %swap3A_59 = arith.constant 0 : index
      %swap3A_60 = arith.constant 0 : index
      %swap3A_61 = vector.load %arg16[%swap3A_59, %swap3A_60] : memref<64x1xf32, #tpu.memory_space<vmem>>, vector<64x1xf32>
      tpu.vector_store %arg16[%swap3A_59, %swap3A_60], %broadcast_in_dim3A_58 {strides = array<i32>} : memref<64x1xf32, #tpu.memory_space<vmem>>, vector<64x1xf32>,
    } else {
    }
    %get3A = arith.constant 0 : index
    %get3A_9 = arith.constant 0 : index
    %get3A_10 = vector.load %arg3[%get3A, %get3A_9] : memref<1024x1xi32, #tpu.memory_space<vmem>>, vector<1024x1xi32>
    %get3A_11 = arith.constant 0 : index
    %get3A_12 = arith.constant 0 : index
    %get3A_13 = vector.load %arg6[%get3A_11, %get3A_12] : memref<1x2048xi32, #tpu.memory_space<vmem>>, vector<1x2048xi32>
    %reduce_min3A = vector.shape_cast %get3A_13 : vector<1x2048xi32> to vector<1x1x2048xi32>
    %reduce_min3A_14 = arith.constant dense<2147483647> : vector<1xi32>
    %reduce_min3A_15 = vector.multi_reduction <minsi>, %reduce_min3A, %reduce_min3A_14 [1, 2] : vector<1x1x2048xi32> to vector<1xi32>
    %reduce_min3A_16 = vector.shape_cast %reduce_min3A_15 : vector<1xi32> to vector<1x1x1xi32>
    %reduce_min3A_17 = vector.extract %reduce_min3A_16[0, 0, 0] : i32 from vector<1x1x1xi32>
    %reduce_max3A = vector.shape_cast %get3A_10 : vector<1024x1xi32> to vector<1x1024x1xi32>
    %reduce_max3A_18 = arith.constant dense<-2147483648> : vector<1xi32>
    %reduce_max3A_19 = vector.multi_reduction <maxsi>, %reduce_max3A, %reduce_max3A_18 [1, 2] : vector<1x1024x1xi32> to vector<1xi32>
    %reduce_max3A_20 = vector.shape_cast %reduce_max3A_19 : vector<1xi32> to vector<1x1x1xi32>
    %reduce_max3A_21 = vector.extract %reduce_max3A_20[0, 0, 0] : i32 from vector<1x1x1xi32>
    %le3A = arith.cmpi sle, %reduce_min3A_17, %reduce_max3A_21 : i32
    %reduce_max3A_22 = vector.shape_cast %get3A_13 : vector<1x2048xi32> to vector<1x1x2048xi32>
    %reduce_max3A_23 = arith.constant dense<-2147483648> : vector<1xi32>
    %reduce_max3A_24 = vector.multi_reduction <maxsi>, %reduce_max3A_22, %reduce_max3A_23 [1, 2] : vector<1x1x2048xi32> to vector<1xi32>
    %reduce_max3A_25 = vector.shape_cast %reduce_max3A_24 : vector<1xi32> to vector<1x1x1xi32>
    %reduce_max3A_26 = vector.extract %reduce_max3A_25[0, 0, 0] : i32 from vector<1x1x1xi32>
    %reduce_min3A_27 = vector.shape_cast %get3A_10 : vector<1024x1xi32> to vector<1x1024x1xi32>
    %reduce_min3A_28 = arith.constant dense<2147483647> : vector<1xi32>
    %reduce_min3A_29 = vector.multi_reduction <minsi>, %reduce_min3A_27, %reduce_min3A_28 [1, 2] : vector<1x1024x1xi32> to vector<1xi32>
    %reduce_min3A_30 = vector.shape_cast %reduce_min3A_29 : vector<1xi32> to vector<1x1x1xi32>
    %reduce_min3A_31 = vector.extract %reduce_min3A_30[0, 0, 0] : i32 from vector<1x1x1xi32>
    %ge3A = arith.cmpi sge, %reduce_max3A_26, %reduce_min3A_31 : i32
    %and3A_32 = arith.andi %le3A, %ge3A : i1
    %convert_element_type3A_33 = arith.extui %and3A_32 : i1 to i32
    %cond3A_34 = arith.constant 0 : i32
    %cond3A_35 = arith.cmpi ne, %convert_element_type3A_33, %cond3A_34 : i32
    scf.if %cond3A_35 {
      %get3A_49 = arith.constant 0 : index
      %get3A_50 = arith.constant 0 : index
      %get3A_51 = vector.load %arg2[%get3A_49, %get3A_50] : memref<1024x1xf32, #tpu.memory_space<vmem>>, vector<1024x1xf32>
      %get3A_52 = arith.constant 0 : index
      %get3A_53 = arith.constant 0 : index
      %get3A_54 = vector.load %arg5[%get3A_52, %get3A_53] : memref<1x2048xf32, #tpu.memory_space<vmem>>, vector<1x2048xf32>
      %get3A_55 = arith.constant 0 : index
      %get3A_56 = arith.constant 0 : index
      %get3A_57 = vector.load %arg7[%get3A_55, %get3A_56] : memref<1x2048xf32, #tpu.memory_space<vmem>>, vector<1x2048xf32>
      %gt3A = arith.constant 0.000000e+00 : f32
      %gt3A_58 = vector.broadcast %gt3A : f32 to vector<1x2048xf32>
      %gt3A_59 = arith.cmpf ogt, %get3A_57, %gt3A_58 : vector<1x2048xf32>
      %mul3A = arith.constant 1024 : i32
      %mul3A_60 = arith.muli %arg0, %mul3A : i32
      %iota3A = tpu.iota {dimensions = array<i32: 0>} : vector<1024x1xi32>
      %add3A = vector.broadcast %mul3A_60 : i32 to vector<1024x1xi32>
      %add3A_61 = arith.addi %add3A, %iota3A : vector<1024x1xi32>
      %mul3A_62 = arith.constant 2048 : i32
      %mul3A_63 = arith.muli %arg1, %mul3A_62 : i32
      %iota3A_64 = tpu.iota {dimensions = array<i32: 1>} : vector<1x2048xi32>
      %add3A_65 = vector.broadcast %mul3A_63 : i32 to vector<1x2048xi32>
      %add3A_66 = arith.addi %add3A_65, %iota3A_64 : vector<1x2048xi32>
      %eq3A_67 = vector.broadcast %get3A_13 : vector<1x2048xi32> to vector<1024x2048xi32>
      %eq3A_68 = vector.broadcast %get3A_10 : vector<1024x1xi32> to vector<1024x2048xi32>
      %eq3A_69 = arith.cmpi eq, %eq3A_67, %eq3A_68 : vector<1024x2048xi32>
      %and3A_70 = vector.broadcast %gt3A_59 : vector<1x2048xi1> to vector<1024x2048xi1>
      %and3A_71 = arith.andi %eq3A_69, %and3A_70 : vector<1024x2048xi1>
      %gt3A_72 = vector.broadcast %get3A_54 : vector<1x2048xf32> to vector<1024x2048xf32>
      %gt3A_73 = vector.broadcast %get3A_51 : vector<1024x1xf32> to vector<1024x2048xf32>
      %gt3A_74 = arith.cmpf ogt, %gt3A_72, %gt3A_73 : vector<1024x2048xf32>
      %eq3A_75 = vector.broadcast %get3A_54 : vector<1x2048xf32> to vector<1024x2048xf32>
      %eq3A_76 = vector.broadcast %get3A_51 : vector<1024x1xf32> to vector<1024x2048xf32>
      %eq3A_77 = arith.cmpf oeq, %eq3A_75, %eq3A_76 : vector<1024x2048xf32>
      %lt3A = vector.broadcast %add3A_66 : vector<1x2048xi32> to vector<1024x2048xi32>
      %lt3A_78 = vector.broadcast %add3A_61 : vector<1024x1xi32> to vector<1024x2048xi32>
      %lt3A_79 = arith.cmpi slt, %lt3A, %lt3A_78 : vector<1024x2048xi32>
      %and3A_80 = arith.andi %eq3A_77, %lt3A_79 : vector<1024x2048xi1>
      %or3A = arith.ori %gt3A_74, %and3A_80 : vector<1024x2048xi1>
      %get3A_81 = arith.constant 0 : index
      %get3A_82 = arith.constant 0 : index
      %get3A_83 = vector.load %arg12[%get3A_81, %get3A_82] : memref<1024x1xf32, #tpu.memory_space<vmem>>, vector<1024x1xf32>
      %and3A_84 = arith.andi %and3A_71, %or3A : vector<1024x2048xi1>
      %convert_element_type3A_85 = arith.extui %and3A_84 : vector<1024x2048xi1> to vector<1024x2048xi32>
      %convert_element_type3A_86 = arith.sitofp %convert_element_type3A_85 : vector<1024x2048xi32> to vector<1024x2048xf32>
      %reduce_sum3A = arith.constant dense<0.000000e+00> : vector<1024xf32>
      %reduce_sum3A_87 = vector.multi_reduction <add>, %convert_element_type3A_86, %reduce_sum3A [1] : vector<1024x2048xf32> to vector<1024xf32>
      %broadcast_in_dim3A = vector.shape_cast %reduce_sum3A_87 : vector<1024xf32> to vector<1024x1xf32>
      %add3A_88 = arith.addf %get3A_83, %broadcast_in_dim3A : vector<1024x1xf32>
      %swap3A = arith.constant 0 : index
      %swap3A_89 = arith.constant 0 : index
      %swap3A_90 = vector.load %arg12[%swap3A, %swap3A_89] : memref<1024x1xf32, #tpu.memory_space<vmem>>, vector<1024x1xf32>
      tpu.vector_store %arg12[%swap3A, %swap3A_89], %add3A_88 {strides = array<i32>} : memref<1024x1xf32, #tpu.memory_space<vmem>>, vector<1024x1xf32>,
      %get3A_91 = arith.constant 0 : index
      %get3A_92 = arith.constant 0 : index
      %get3A_93 = vector.load %arg13[%get3A_91, %get3A_92] : memref<1024x1xf32, #tpu.memory_space<vmem>>, vector<1024x1xf32>
      %convert_element_type3A_94 = arith.extui %and3A_71 : vector<1024x2048xi1> to vector<1024x2048xi32>
      %convert_element_type3A_95 = arith.sitofp %convert_element_type3A_94 : vector<1024x2048xi32> to vector<1024x2048xf32>
      %reduce_sum3A_96 = arith.constant dense<0.000000e+00> : vector<1024xf32>
      %reduce_sum3A_97 = vector.multi_reduction <add>, %convert_element_type3A_95, %reduce_sum3A_96 [1] : vector<1024x2048xf32> to vector<1024xf32>
      %broadcast_in_dim3A_98 = vector.shape_cast %reduce_sum3A_97 : vector<1024xf32> to vector<1024x1xf32>
      %add3A_99 = arith.addf %get3A_93, %broadcast_in_dim3A_98 : vector<1024x1xf32>
      %swap3A_100 = arith.constant 0 : index
      %swap3A_101 = arith.constant 0 : index
      %swap3A_102 = vector.load %arg13[%swap3A_100, %swap3A_101] : memref<1024x1xf32, #tpu.memory_space<vmem>>, vector<1024x1xf32>
      tpu.vector_store %arg13[%swap3A_100, %swap3A_101], %add3A_99 {strides = array<i32>} : memref<1024x1xf32, #tpu.memory_space<vmem>>, vector<1024x1xf32>,
    } else {
    }
    %eq3A_36 = arith.constant 4 : i32
    %eq3A_37 = arith.cmpi eq, %arg1, %eq3A_36 : i32
    %convert_element_type3A_38 = arith.extui %eq3A_37 : i1 to i32
    %cond3A_39 = arith.constant 0 : i32
    %cond3A_40 = arith.cmpi ne, %convert_element_type3A_38, %cond3A_39 : i32
    scf.if %cond3A_40 {
      %get3A_49 = arith.constant 0 : index
      %get3A_50 = arith.constant 0 : index
      %get3A_51 = vector.load %arg13[%get3A_49, %get3A_50] : memref<1024x1xf32, #tpu.memory_space<vmem>>, vector<1024x1xf32>
      %mul3A = arith.constant 8.000000e-01 : f32
      %mul3A_52 = vector.broadcast %mul3A : f32 to vector<1024x1xf32>
      %mul3A_53 = arith.mulf %mul3A_52, %get3A_51 : vector<1024x1xf32>
      %ceil3A = math.ceil %mul3A_53 : vector<1024x1xf32>
      %get3A_54 = arith.constant 0 : index
      %get3A_55 = arith.constant 0 : index
      %get3A_56 = vector.load %arg4[%get3A_54, %get3A_55] : memref<1024x1xf32, #tpu.memory_space<vmem>>, vector<1024x1xf32>
      %gt3A = arith.constant 0.000000e+00 : f32
      %gt3A_57 = vector.broadcast %gt3A : f32 to vector<1024x1xf32>
      %gt3A_58 = arith.cmpf ogt, %get3A_56, %gt3A_57 : vector<1024x1xf32>
      %get3A_59 = arith.constant 0 : index
      %get3A_60 = arith.constant 0 : index
      %get3A_61 = vector.load %arg12[%get3A_59, %get3A_60] : memref<1024x1xf32, #tpu.memory_space<vmem>>, vector<1024x1xf32>
      %lt3A = arith.cmpf olt, %get3A_61, %ceil3A : vector<1024x1xf32>
      %and3A_62 = arith.andi %gt3A_58, %lt3A : vector<1024x1xi1>
      %convert_element_type3A_63 = arith.extui %and3A_62 : vector<1024x1xi1> to vector<1024x1xi32>
      %convert_element_type3A_64 = arith.sitofp %convert_element_type3A_63 : vector<1024x1xi32> to vector<1024x1xf32>
      %swap3A = arith.constant 0 : index
      %swap3A_65 = arith.constant 0 : index
      %swap3A_66 = vector.load %arg9[%swap3A, %swap3A_65] : memref<1024x1xf32, #tpu.memory_space<vmem>>, vector<1024x1xf32>
      tpu.vector_store %arg9[%swap3A, %swap3A_65], %convert_element_type3A_64 {strides = array<i32>} : memref<1024x1xf32, #tpu.memory_space<vmem>>, vector<1024x1xf32>,
      %get3A_67 = arith.constant 0 : index
      %get3A_68 = arith.constant 0 : index
      %get3A_69 = vector.load %arg8[%get3A_67, %get3A_68] : memref<1024x128xf32, #tpu.memory_space<vmem>>, vector<1024x128xf32>
      %get3A_70 = arith.constant 0 : index
      %get3A_71 = arith.constant 0 : index
      %get3A_72 = vector.load %arg2[%get3A_70, %get3A_71] : memref<1024x1xf32, #tpu.memory_space<vmem>>, vector<1024x1xf32>
      %mul3A_73 = vector.broadcast %get3A_72 : vector<1024x1xf32> to vector<1024x128xf32>
      %mul3A_74 = arith.mulf %get3A_69, %mul3A_73 : vector<1024x128xf32>
      %jit3A = arith.constant 0.000000e+00 : f32
      %broadcast_in_dim3A = vector.shape_cast %and3A_62 : vector<1024x1xi1> to vector<1024x1xi1>
      %broadcast_in_dim3A_75 = vector.broadcast %broadcast_in_dim3A : vector<1024x1xi1> to vector<1024x128xi1>
      %broadcast_in_dim3A_76 = vector.broadcast %jit3A : f32 to vector<1024x128xf32>
      %select_n3A = arith.select %broadcast_in_dim3A_75, %mul3A_74, %broadcast_in_dim3A_76 : vector<1024x128xi1>, vector<1024x128xf32>
      %swap3A_77 = arith.constant 0 : index
      %swap3A_78 = arith.constant 0 : index
      %swap3A_79 = vector.load %arg10[%swap3A_77, %swap3A_78] : memref<1024x128xf32, #tpu.memory_space<vmem>>, vector<1024x128xf32>
      tpu.vector_store %arg10[%swap3A_77, %swap3A_78], %select_n3A {strides = array<i32>} : memref<1024x128xf32, #tpu.memory_space<vmem>>, vector<1024x128xf32>,
      %iota3A = tpu.iota {dimensions = array<i32: 1>} : vector<1x64xi32>
      %eq3A_80 = vector.broadcast %get3A_10 : vector<1024x1xi32> to vector<1024x64xi32>
      %eq3A_81 = vector.broadcast %iota3A : vector<1x64xi32> to vector<1024x64xi32>
      %eq3A_82 = arith.cmpi eq, %eq3A_80, %eq3A_81 : vector<1024x64xi32>
      %and3A_83 = vector.broadcast %and3A_62 : vector<1024x1xi1> to vector<1024x64xi1>
      %and3A_84 = arith.andi %eq3A_82, %and3A_83 : vector<1024x64xi1>
      %convert_element_type3A_85 = arith.extui %and3A_84 : vector<1024x64xi1> to vector<1024x64xi32>
      %convert_element_type3A_86 = arith.sitofp %convert_element_type3A_85 : vector<1024x64xi32> to vector<1024x64xf32>
      %get3A_87 = arith.constant 0 : index
      %get3A_88 = arith.constant 0 : index
      %get3A_89 = vector.load %arg15[%get3A_87, %get3A_88] : memref<64x128xf32, #tpu.memory_space<vmem>>, vector<64x128xf32>
      %dot_general3A = arith.constant dense<0.000000e+00> : vector<64x128xf32>
      %dot_general3A_90 = tpu.matmul %convert_element_type3A_86, %select_n3A, %dot_general3A {dimension_numbers = #tpu.dot_dimension_numbers<[0], [0], [1], [1], [0, 1, 1, 1], [], []>, transpose_lhs_hint = false} : vector<1024x64xf32>, vector<1024x128xf32>, vector<64x128xf32> -> vector<64x128xf32>
      %add3A = arith.addf %get3A_89, %dot_general3A_90 : vector<64x128xf32>
      %swap3A_91 = arith.constant 0 : index
      %swap3A_92 = arith.constant 0 : index
      %swap3A_93 = vector.load %arg15[%swap3A_91, %swap3A_92] : memref<64x128xf32, #tpu.memory_space<vmem>>, vector<64x128xf32>
      tpu.vector_store %arg15[%swap3A_91, %swap3A_92], %add3A {strides = array<i32>} : memref<64x128xf32, #tpu.memory_space<vmem>>, vector<64x128xf32>,
      %get3A_94 = arith.constant 0 : index
      %get3A_95 = arith.constant 0 : index
      %get3A_96 = vector.load %arg16[%get3A_94, %get3A_95] : memref<64x1xf32, #tpu.memory_space<vmem>>, vector<64x1xf32>
      %convert_element_type3A_97 = arith.extui %and3A_62 : vector<1024x1xi1> to vector<1024x1xi32>
      %convert_element_type3A_98 = arith.sitofp %convert_element_type3A_97 : vector<1024x1xi32> to vector<1024x1xf32>
      %dot_general3A_99 = arith.constant dense<0.000000e+00> : vector<64x1xf32>
      %dot_general3A_100 = tpu.matmul %convert_element_type3A_86, %convert_element_type3A_98, %dot_general3A_99 {dimension_numbers = #tpu.dot_dimension_numbers<[0], [0], [1], [1], [0, 1, 1, 1], [], []>, transpose_lhs_hint = false} : vector<1024x64xf32>, vector<1024x1xf32>, vector<64x1xf32> -> vector<64x1xf32>
      %add3A_101 = arith.addf %get3A_96, %dot_general3A_100 : vector<64x1xf32>
      %swap3A_102 = arith.constant 0 : index
      %swap3A_103 = arith.constant 0 : index
      %swap3A_104 = vector.load %arg16[%swap3A_102, %swap3A_103] : memref<64x1xf32, #tpu.memory_space<vmem>>, vector<64x1xf32>
      tpu.vector_store %arg16[%swap3A_102, %swap3A_103], %add3A_101 {strides = array<i32>} : memref<64x1xf32, #tpu.memory_space<vmem>>, vector<64x1xf32>,
      %reduce_min3A_105 = vector.shape_cast %get3A_10 : vector<1024x1xi32> to vector<1x1024x1xi32>
      %reduce_min3A_106 = arith.constant dense<2147483647> : vector<1xi32>
      %reduce_min3A_107 = vector.multi_reduction <minsi>, %reduce_min3A_105, %reduce_min3A_106 [1, 2] : vector<1x1024x1xi32> to vector<1xi32>
      %reduce_min3A_108 = vector.shape_cast %reduce_min3A_107 : vector<1xi32> to vector<1x1x1xi32>
      %reduce_min3A_109 = vector.extract %reduce_min3A_108[0, 0, 0] : i32 from vector<1x1x1xi32>
      %reduce_max3A_110 = vector.shape_cast %get3A_10 : vector<1024x1xi32> to vector<1x1024x1xi32>
      %reduce_max3A_111 = arith.constant dense<-2147483648> : vector<1xi32>
      %reduce_max3A_112 = vector.multi_reduction <maxsi>, %reduce_max3A_110, %reduce_max3A_111 [1, 2] : vector<1x1024x1xi32> to vector<1xi32>
      %reduce_max3A_113 = vector.shape_cast %reduce_max3A_112 : vector<1xi32> to vector<1x1x1xi32>
      %reduce_max3A_114 = vector.extract %reduce_max3A_113[0, 0, 0] : i32 from vector<1x1x1xi32>
      %add3A_115 = arith.constant 1 : i32
      %add3A_116 = arith.addi %reduce_max3A_114, %add3A_115 : i32
      %while3A = arith.constant 0 : i32
      %while3A_117 = arith.subi %add3A_116, %reduce_min3A_109 : i32
      %while3A_118 = arith.addi %reduce_min3A_109, %while3A_117 : i32
      %while3A_119 = arith.constant 1 : i32
      %while3A_120 = arith.divsi %while3A_117, %while3A_119 : i32
      %while3A_121 = arith.muli %while3A_120, %while3A_119 : i32
      %while3A_122 = arith.addi %reduce_min3A_109, %while3A_121 : i32
      %while3A_123 = arith.constant 1 : i32
      scf.for %while3A_125 = %reduce_min3A_109 to %while3A_122 step %while3A_123  : i32 {
        %eq3A_126 = vector.broadcast %while3A_125 : i32 to vector<1024x1xi32>
        %eq3A_127 = arith.cmpi eq, %get3A_10, %eq3A_126 : vector<1024x1xi32>
        %and3A_128 = arith.andi %eq3A_127, %and3A_62 : vector<1024x1xi1>
        %jit3A_129 = arith.constant 0xFF800000 : f32
        %broadcast_in_dim3A_130 = vector.shape_cast %and3A_128 : vector<1024x1xi1> to vector<1024x1xi1>
        %broadcast_in_dim3A_131 = vector.broadcast %broadcast_in_dim3A_130 : vector<1024x1xi1> to vector<1024x128xi1>
        %broadcast_in_dim3A_132 = vector.broadcast %jit3A_129 : f32 to vector<1024x128xf32>
        %select_n3A_133 = arith.select %broadcast_in_dim3A_131, %select_n3A, %broadcast_in_dim3A_132 : vector<1024x128xi1>, vector<1024x128xf32>
        %reduce_max3A_134 = arith.constant dense<0xFF800000> : vector<128xf32>
        %reduce_max3A_135 = vector.multi_reduction <maximumf>, %select_n3A_133, %reduce_max3A_134 [0] : vector<1024x128xf32> to vector<128xf32>
        %broadcast_in_dim3A_136 = vector.shape_cast %reduce_max3A_135 : vector<128xf32> to vector<1x128xf32>
        %get3A_137 = arith.index_cast %while3A_125 : i32 to index
        %get3A_138 = arith.constant 0 : index
        %get3A_139 = vector.load %arg14[%get3A_137, %get3A_138] : memref<64x128xf32, #tpu.memory_space<vmem>>, vector<1x128xf32>
        %max3A = arith.maximumf %get3A_139, %broadcast_in_dim3A_136 : vector<1x128xf32>
        %swap3A_140 = arith.index_cast %while3A_125 : i32 to index
        %swap3A_141 = arith.constant 0 : index
        %swap3A_142 = vector.load %arg14[%swap3A_140, %swap3A_141] : memref<64x128xf32, #tpu.memory_space<vmem>>, vector<1x128xf32>
        tpu.vector_store %arg14[%swap3A_140, %swap3A_141], %max3A {strides = array<i32>} : memref<64x128xf32, #tpu.memory_space<vmem>>, vector<1x128xf32>,
      }
      %while3A_124 = arith.constant 1 : i32
      scf.for %while3A_125 = %while3A_122 to %while3A_118 step %while3A_124  : i32 {
        %eq3A_126 = vector.broadcast %while3A_125 : i32 to vector<1024x1xi32>
        %eq3A_127 = arith.cmpi eq, %get3A_10, %eq3A_126 : vector<1024x1xi32>
        %and3A_128 = arith.andi %eq3A_127, %and3A_62 : vector<1024x1xi1>
        %jit3A_129 = arith.constant 0xFF800000 : f32
        %broadcast_in_dim3A_130 = vector.shape_cast %and3A_128 : vector<1024x1xi1> to vector<1024x1xi1>
        %broadcast_in_dim3A_131 = vector.broadcast %broadcast_in_dim3A_130 : vector<1024x1xi1> to vector<1024x128xi1>
        %broadcast_in_dim3A_132 = vector.broadcast %jit3A_129 : f32 to vector<1024x128xf32>
        %select_n3A_133 = arith.select %broadcast_in_dim3A_131, %select_n3A, %broadcast_in_dim3A_132 : vector<1024x128xi1>, vector<1024x128xf32>
        %reduce_max3A_134 = arith.constant dense<0xFF800000> : vector<128xf32>
        %reduce_max3A_135 = vector.multi_reduction <maximumf>, %select_n3A_133, %reduce_max3A_134 [0] : vector<1024x128xf32> to vector<128xf32>
        %broadcast_in_dim3A_136 = vector.shape_cast %reduce_max3A_135 : vector<128xf32> to vector<1x128xf32>
        %get3A_137 = arith.index_cast %while3A_125 : i32 to index
        %get3A_138 = arith.constant 0 : index
        %get3A_139 = vector.load %arg14[%get3A_137, %get3A_138] : memref<64x128xf32, #tpu.memory_space<vmem>>, vector<1x128xf32>
        %max3A = arith.maximumf %get3A_139, %broadcast_in_dim3A_136 : vector<1x128xf32>
        %swap3A_140 = arith.index_cast %while3A_125 : i32 to index
        %swap3A_141 = arith.constant 0 : index
        %swap3A_142 = vector.load %arg14[%swap3A_140, %swap3A_141] : memref<64x128xf32, #tpu.memory_space<vmem>>, vector<1x128xf32>
        tpu.vector_store %arg14[%swap3A_140, %swap3A_141], %max3A {strides = array<i32>} : memref<64x128xf32, #tpu.memory_space<vmem>>, vector<1x128xf32>,
      }
    } else {
    }
    %eq3A_41 = arith.constant 9 : i32
    %eq3A_42 = arith.cmpi eq, %arg0, %eq3A_41 : i32
    %eq3A_43 = arith.constant 4 : i32
    %eq3A_44 = arith.cmpi eq, %arg1, %eq3A_43 : i32
    %and3A_45 = arith.andi %eq3A_42, %eq3A_44 : i1
    %convert_element_type3A_46 = arith.extui %and3A_45 : i1 to i32
    %cond3A_47 = arith.constant 0 : i32
    %cond3A_48 = arith.cmpi ne, %convert_element_type3A_46, %cond3A_47 : i32
    scf.if %cond3A_48 {
      %get3A_49 = arith.constant 0 : index
      %get3A_50 = arith.constant 0 : index
      %get3A_51 = vector.load %arg15[%get3A_49, %get3A_50] : memref<64x128xf32, #tpu.memory_space<vmem>>, vector<64x128xf32>
      %get3A_52 = arith.constant 0 : index
      %get3A_53 = arith.constant 0 : index
      %get3A_54 = vector.load %arg16[%get3A_52, %get3A_53] : memref<64x1xf32, #tpu.memory_space<vmem>>, vector<64x1xf32>
      %max3A = arith.constant 1.000000e+00 : f32
      %max3A_55 = vector.broadcast %max3A : f32 to vector<64x1xf32>
      %max3A_56 = arith.maximumf %get3A_54, %max3A_55 : vector<64x1xf32>
      %div3A = vector.broadcast %max3A_56 : vector<64x1xf32> to vector<64x128xf32>
      %div3A_57 = arith.divf %get3A_51, %div3A : vector<64x128xf32>
      %get3A_58 = arith.constant 0 : index
      %get3A_59 = arith.constant 0 : index
      %get3A_60 = vector.load %arg14[%get3A_58, %get3A_59] : memref<64x128xf32, #tpu.memory_space<vmem>>, vector<64x128xf32>
      %swap3A = arith.constant 0 : index
      %swap3A_61 = arith.constant 0 : index
      %swap3A_62 = vector.load %arg11[%swap3A, %swap3A_61] : memref<64x256xf32, #tpu.memory_space<vmem>>, vector<64x128xf32>
      tpu.vector_store %arg11[%swap3A, %swap3A_61], %get3A_60 {strides = array<i32>} : memref<64x256xf32, #tpu.memory_space<vmem>>, vector<64x128xf32>,
      %swap3A_63 = arith.constant 0 : index
      %swap3A_64 = arith.constant 128 : index
      %swap3A_65 = vector.load %arg11[%swap3A_63, %swap3A_64] : memref<64x256xf32, #tpu.memory_space<vmem>>, vector<64x128xf32>
      tpu.vector_store %arg11[%swap3A_63, %swap3A_64], %div3A_57 {strides = array<i32>} : memref<64x256xf32, #tpu.memory_space<vmem>>, vector<64x128xf32>,
    } else {
    }
    return
  }
  func.func @transform_0(%arg0: i32, %arg1: i32) -> (i32, i32) {
    %c0_i32 = arith.constant 0 : i32
    %c0_i32_0 = arith.constant 0 : i32
    return %arg0, %c0_i32 : i32, i32
  }
  func.func @transform_1(%arg0: i32, %arg1: i32) -> (i32, i32) {
    %c0_i32 = arith.constant 0 : i32
    %c0_i32_0 = arith.constant 0 : i32
    return %arg0, %c0_i32 : i32, i32
  }
  func.func @transform_2(%arg0: i32, %arg1: i32) -> (i32, i32) {
    %c0_i32 = arith.constant 0 : i32
    %c0_i32_0 = arith.constant 0 : i32
    return %arg0, %c0_i32 : i32, i32
  }
  func.func @transform_3(%arg0: i32, %arg1: i32) -> (i32, i32) {
    %c0_i32 = arith.constant 0 : i32
    %c0_i32_0 = arith.constant 0 : i32
    return %c0_i32, %arg1 : i32, i32
  }
  func.func @transform_4(%arg0: i32, %arg1: i32) -> (i32, i32) {
    %c0_i32 = arith.constant 0 : i32
    %c0_i32_0 = arith.constant 0 : i32
    return %c0_i32, %arg1 : i32, i32
  }
  func.func @transform_5(%arg0: i32, %arg1: i32) -> (i32, i32) {
    %c0_i32 = arith.constant 0 : i32
    %c0_i32_0 = arith.constant 0 : i32
    return %c0_i32, %arg1 : i32, i32
  }
  func.func @transform_6(%arg0: i32, %arg1: i32) -> (i32, i32) {
    %c0_i32 = arith.constant 0 : i32
    %c0_i32_0 = arith.constant 0 : i32
    return %arg0, %c0_i32 : i32, i32
  }
  func.func @transform_7(%arg0: i32, %arg1: i32) -> (i32, i32) {
    %c0_i32 = arith.constant 0 : i32
    %c0_i32_0 = arith.constant 0 : i32
    return %arg0, %c0_i32 : i32, i32
  }
  func.func @transform_8(%arg0: i32, %arg1: i32) -> (i32, i32) {
    %c0_i32 = arith.constant 0 : i32
    %c0_i32_0 = arith.constant 0 : i32
    return %arg0, %c0_i32 : i32, i32
  }
  func.func @transform_9(%arg0: i32, %arg1: i32) -> (i32, i32) {
    %c0_i32 = arith.constant 0 : i32
    %c0_i32_0 = arith.constant 0 : i32
    %c0_i32_1 = arith.constant 0 : i32
    return %c0_i32, %c0_i32_0 : i32, i32
  }
}

module attributes {stable_mosaic.version = 14 : i64} {
  func.func @_head_block(%arg0: memref<64x256xf32, #tpu.memory_space<vmem>>, %arg1: memref<64x256xf32, #tpu.memory_space<vmem>>, %arg2: memref<64x256xf32, #tpu.memory_space<vmem>>, %arg3: memref<256x128xf32, #tpu.memory_space<vmem>>, %arg4: memref<1x128xf32, #tpu.memory_space<vmem>>, %arg5: memref<128x64xf32, #tpu.memory_space<vmem>>, %arg6: memref<1x64xf32, #tpu.memory_space<vmem>>, %arg7: memref<64x4096xf32, #tpu.memory_space<vmem>>, %arg8: memref<1x4096xf32, #tpu.memory_space<vmem>>, %arg9: memref<64x4096xf32, #tpu.memory_space<vmem>>) attributes {dimension_semantics = [], scalar_prefetch = 0 : i64, scratch_operands = 0 : i64, tpu.core_type = #tpu.core_type<tc>} {
    %get3A = arith.constant 0 : index
    %get3A_0 = arith.constant 0 : index
    %get3A_1 = vector.load %arg0[%get3A, %get3A_0] : memref<64x256xf32, #tpu.memory_space<vmem>>, vector<64x256xf32>
    %get3A_2 = arith.constant 0 : index
    %get3A_3 = arith.constant 0 : index
    %get3A_4 = vector.load %arg1[%get3A_2, %get3A_3] : memref<64x256xf32, #tpu.memory_space<vmem>>, vector<64x256xf32>
    %add3A = arith.addf %get3A_1, %get3A_4 : vector<64x256xf32>
    %get3A_5 = arith.constant 0 : index
    %get3A_6 = arith.constant 0 : index
    %get3A_7 = vector.load %arg2[%get3A_5, %get3A_6] : memref<64x256xf32, #tpu.memory_space<vmem>>, vector<64x256xf32>
    %add3A_8 = arith.addf %add3A, %get3A_7 : vector<64x256xf32>
    %get3A_9 = arith.constant 0 : index
    %get3A_10 = arith.constant 0 : index
    %get3A_11 = vector.load %arg3[%get3A_9, %get3A_10] : memref<256x128xf32, #tpu.memory_space<vmem>>, vector<256x128xf32>
    %dot_general3A = arith.constant dense<0.000000e+00> : vector<64x128xf32>
    %dot_general3A_12 = tpu.matmul %add3A_8, %get3A_11, %dot_general3A {dimension_numbers = #tpu.dot_dimension_numbers<[1], [0], [0], [1], [0, 0, 1, 1], [], []>, transpose_lhs_hint = false} : vector<64x256xf32>, vector<256x128xf32>, vector<64x128xf32> -> vector<64x128xf32>
    %get3A_13 = arith.constant 0 : index
    %get3A_14 = arith.constant 0 : index
    %get3A_15 = vector.load %arg4[%get3A_13, %get3A_14] : memref<1x128xf32, #tpu.memory_space<vmem>>, vector<1x128xf32>
    %add3A_16 = vector.broadcast %get3A_15 : vector<1x128xf32> to vector<64x128xf32>
    %add3A_17 = arith.addf %dot_general3A_12, %add3A_16 : vector<64x128xf32>
    %max3A = arith.constant 0.000000e+00 : f32
    %max3A_18 = vector.broadcast %max3A : f32 to vector<64x128xf32>
    %max3A_19 = arith.maximumf %add3A_17, %max3A_18 : vector<64x128xf32>
    %get3A_20 = arith.constant 0 : index
    %get3A_21 = arith.constant 0 : index
    %get3A_22 = vector.load %arg5[%get3A_20, %get3A_21] : memref<128x64xf32, #tpu.memory_space<vmem>>, vector<128x64xf32>
    %dot_general3A_23 = arith.constant dense<0.000000e+00> : vector<64x64xf32>
    %dot_general3A_24 = tpu.matmul %max3A_19, %get3A_22, %dot_general3A_23 {dimension_numbers = #tpu.dot_dimension_numbers<[1], [0], [0], [1], [0, 0, 1, 1], [], []>, transpose_lhs_hint = false} : vector<64x128xf32>, vector<128x64xf32>, vector<64x64xf32> -> vector<64x64xf32>
    %get3A_25 = arith.constant 0 : index
    %get3A_26 = arith.constant 0 : index
    %get3A_27 = vector.load %arg6[%get3A_25, %get3A_26] : memref<1x64xf32, #tpu.memory_space<vmem>>, vector<1x64xf32>
    %add3A_28 = vector.broadcast %get3A_27 : vector<1x64xf32> to vector<64x64xf32>
    %add3A_29 = arith.addf %dot_general3A_24, %add3A_28 : vector<64x64xf32>
    %max3A_30 = arith.constant 0.000000e+00 : f32
    %max3A_31 = vector.broadcast %max3A_30 : f32 to vector<64x64xf32>
    %max3A_32 = arith.maximumf %add3A_29, %max3A_31 : vector<64x64xf32>
    %get3A_33 = arith.constant 0 : index
    %get3A_34 = arith.constant 0 : index
    %get3A_35 = vector.load %arg7[%get3A_33, %get3A_34] : memref<64x4096xf32, #tpu.memory_space<vmem>>, vector<64x4096xf32>
    %dot_general3A_36 = arith.constant dense<0.000000e+00> : vector<64x4096xf32>
    %dot_general3A_37 = tpu.matmul %max3A_32, %get3A_35, %dot_general3A_36 {dimension_numbers = #tpu.dot_dimension_numbers<[1], [0], [0], [1], [0, 0, 1, 1], [], []>, transpose_lhs_hint = false} : vector<64x64xf32>, vector<64x4096xf32>, vector<64x4096xf32> -> vector<64x4096xf32>
    %get3A_38 = arith.constant 0 : index
    %get3A_39 = arith.constant 0 : index
    %get3A_40 = vector.load %arg8[%get3A_38, %get3A_39] : memref<1x4096xf32, #tpu.memory_space<vmem>>, vector<1x4096xf32>
    %add3A_41 = vector.broadcast %get3A_40 : vector<1x4096xf32> to vector<64x4096xf32>
    %add3A_42 = arith.addf %dot_general3A_37, %add3A_41 : vector<64x4096xf32>
    %max3A_43 = arith.constant 0.000000e+00 : f32
    %max3A_44 = vector.broadcast %max3A_43 : f32 to vector<64x4096xf32>
    %max3A_45 = arith.maximumf %add3A_42, %max3A_44 : vector<64x4096xf32>
    %swap3A = arith.constant 0 : index
    %swap3A_46 = arith.constant 0 : index
    %swap3A_47 = vector.load %arg9[%swap3A, %swap3A_46] : memref<64x4096xf32, #tpu.memory_space<vmem>>, vector<64x4096xf32>
    tpu.vector_store %arg9[%swap3A, %swap3A_46], %max3A_45 {strides = array<i32>} : memref<64x4096xf32, #tpu.memory_space<vmem>>, vector<64x4096xf32>,
    return
  }
}

module attributes {stable_mosaic.version = 14 : i64} {
  func.func @_rankro_block(%arg0: i32, %arg1: i32, %arg2: memref<1024x1xf32, #tpu.memory_space<vmem>>, %arg3: memref<1024x1xi32, #tpu.memory_space<vmem>>, %arg4: memref<1024x1xf32, #tpu.memory_space<vmem>>, %arg5: memref<1x2048xf32, #tpu.memory_space<vmem>>, %arg6: memref<1x2048xi32, #tpu.memory_space<vmem>>, %arg7: memref<1x2048xf32, #tpu.memory_space<vmem>>, %arg8: memref<1024x128xf32, #tpu.memory_space<vmem>>, %arg9: memref<1024x1xf32, #tpu.memory_space<vmem>>, %arg10: memref<1024x128xf32, #tpu.memory_space<vmem>>, %arg11: memref<64x256xf32, #tpu.memory_space<vmem>>, %arg12: memref<1024x1xf32, #tpu.memory_space<vmem>>, %arg13: memref<1024x1xf32, #tpu.memory_space<vmem>>, %arg14: memref<64x128xf32, #tpu.memory_space<vmem>>, %arg15: memref<64x128xf32, #tpu.memory_space<vmem>>, %arg16: memref<64x1xf32, #tpu.memory_space<vmem>>) attributes {dimension_semantics = [#tpu.dimension_semantics<arbitrary>, #tpu.dimension_semantics<arbitrary>], iteration_bounds = array<i64: 10, 5>, scalar_prefetch = 0 : i64, scratch_operands = 5 : i64, tpu.core_type = #tpu.core_type<tc>, window_params = [{transform_indices = @transform_0, window_bounds = array<i64: 1024, 1>}, {transform_indices = @transform_1, window_bounds = array<i64: 1024, 1>}, {transform_indices = @transform_2, window_bounds = array<i64: 1024, 1>}, {transform_indices = @transform_3, window_bounds = array<i64: 1, 2048>}, {transform_indices = @transform_4, window_bounds = array<i64: 1, 2048>}, {transform_indices = @transform_5, window_bounds = array<i64: 1, 2048>}, {transform_indices = @transform_6, window_bounds = array<i64: 1024, 128>}, {transform_indices = @transform_7, window_bounds = array<i64: 1024, 1>}, {transform_indices = @transform_8, window_bounds = array<i64: 1024, 128>}, {pipeline_mode = #tpu.pipeline_mode<synchronous>, transform_indices = @transform_9, window_bounds = array<i64: 64, 256>}]} {
    %eq3A = arith.constant 0 : i32
    %eq3A_0 = arith.cmpi eq, %arg1, %eq3A : i32
    %convert_element_type3A = arith.extui %eq3A_0 : i1 to i32
    %cond3A = arith.constant 0 : i32
    %cond3A_1 = arith.cmpi ne, %convert_element_type3A, %cond3A : i32
    scf.if %cond3A_1 {
      %broadcast_in_dim3A = arith.constant 0.000000e+00 : f32
      %broadcast_in_dim3A_49 = vector.broadcast %broadcast_in_dim3A : f32 to vector<1024x1xf32>
      %swap3A = arith.constant 0 : index
      %swap3A_50 = arith.constant 0 : index
      %swap3A_51 = vector.load %arg12[%swap3A, %swap3A_50] : memref<1024x1xf32, #tpu.memory_space<vmem>>, vector<1024x1xf32>
      tpu.vector_store %arg12[%swap3A, %swap3A_50], %broadcast_in_dim3A_49 {strides = array<i32>} : memref<1024x1xf32, #tpu.memory_space<vmem>>, vector<1024x1xf32>,
      %broadcast_in_dim3A_52 = arith.constant 0.000000e+00 : f32
      %broadcast_in_dim3A_53 = vector.broadcast %broadcast_in_dim3A_52 : f32 to vector<1024x1xf32>
      %swap3A_54 = arith.constant 0 : index
      %swap3A_55 = arith.constant 0 : index
      %swap3A_56 = vector.load %arg13[%swap3A_54, %swap3A_55] : memref<1024x1xf32, #tpu.memory_space<vmem>>, vector<1024x1xf32>
      tpu.vector_store %arg13[%swap3A_54, %swap3A_55], %broadcast_in_dim3A_53 {strides = array<i32>} : memref<1024x1xf32, #tpu.memory_space<vmem>>, vector<1024x1xf32>,
    } else {
    }
    %eq3A_2 = arith.constant 0 : i32
    %eq3A_3 = arith.cmpi eq, %arg0, %eq3A_2 : i32
    %eq3A_4 = arith.constant 0 : i32
    %eq3A_5 = arith.cmpi eq, %arg1, %eq3A_4 : i32
    %and3A = arith.andi %eq3A_3, %eq3A_5 : i1
    %convert_element_type3A_6 = arith.extui %and3A : i1 to i32
    %cond3A_7 = arith.constant 0 : i32
    %cond3A_8 = arith.cmpi ne, %convert_element_type3A_6, %cond3A_7 : i32
    scf.if %cond3A_8 {
      %broadcast_in_dim3A = arith.constant 0xFF800000 : f32
      %broadcast_in_dim3A_49 = vector.broadcast %broadcast_in_dim3A : f32 to vector<64x128xf32>
      %swap3A = arith.constant 0 : index
      %swap3A_50 = arith.constant 0 : index
      %swap3A_51 = vector.load %arg14[%swap3A, %swap3A_50] : memref<64x128xf32, #tpu.memory_space<vmem>>, vector<64x128xf32>
      tpu.vector_store %arg14[%swap3A, %swap3A_50], %broadcast_in_dim3A_49 {strides = array<i32>} : memref<64x128xf32, #tpu.memory_space<vmem>>, vector<64x128xf32>,
      %broadcast_in_dim3A_52 = arith.constant 0.000000e+00 : f32
      %broadcast_in_dim3A_53 = vector.broadcast %broadcast_in_dim3A_52 : f32 to vector<64x128xf32>
      %swap3A_54 = arith.constant 0 : index
      %swap3A_55 = arith.constant 0 : index
      %swap3A_56 = vector.load %arg15[%swap3A_54, %swap3A_55] : memref<64x128xf32, #tpu.memory_space<vmem>>, vector<64x128xf32>
      tpu.vector_store %arg15[%swap3A_54, %swap3A_55], %broadcast_in_dim3A_53 {strides = array<i32>} : memref<64x128xf32, #tpu.memory_space<vmem>>, vector<64x128xf32>,
      %broadcast_in_dim3A_57 = arith.constant 0.000000e+00 : f32
      %broadcast_in_dim3A_58 = vector.broadcast %broadcast_in_dim3A_57 : f32 to vector<64x1xf32>
      %swap3A_59 = arith.constant 0 : index
      %swap3A_60 = arith.constant 0 : index
      %swap3A_61 = vector.load %arg16[%swap3A_59, %swap3A_60] : memref<64x1xf32, #tpu.memory_space<vmem>>, vector<64x1xf32>
      tpu.vector_store %arg16[%swap3A_59, %swap3A_60], %broadcast_in_dim3A_58 {strides = array<i32>} : memref<64x1xf32, #tpu.memory_space<vmem>>, vector<64x1xf32>,
    } else {
    }
    %get3A = arith.constant 0 : index
    %get3A_9 = arith.constant 0 : index
    %get3A_10 = vector.load %arg3[%get3A, %get3A_9] : memref<1024x1xi32, #tpu.memory_space<vmem>>, vector<1024x1xi32>
    %get3A_11 = arith.constant 0 : index
    %get3A_12 = arith.constant 0 : index
    %get3A_13 = vector.load %arg6[%get3A_11, %get3A_12] : memref<1x2048xi32, #tpu.memory_space<vmem>>, vector<1x2048xi32>
    %reduce_min3A = vector.shape_cast %get3A_13 : vector<1x2048xi32> to vector<1x1x2048xi32>
    %reduce_min3A_14 = arith.constant dense<2147483647> : vector<1xi32>
    %reduce_min3A_15 = vector.multi_reduction <minsi>, %reduce_min3A, %reduce_min3A_14 [1, 2] : vector<1x1x2048xi32> to vector<1xi32>
    %reduce_min3A_16 = vector.shape_cast %reduce_min3A_15 : vector<1xi32> to vector<1x1x1xi32>
    %reduce_min3A_17 = vector.extract %reduce_min3A_16[0, 0, 0] : i32 from vector<1x1x1xi32>
    %reduce_max3A = vector.shape_cast %get3A_10 : vector<1024x1xi32> to vector<1x1024x1xi32>
    %reduce_max3A_18 = arith.constant dense<-2147483648> : vector<1xi32>
    %reduce_max3A_19 = vector.multi_reduction <maxsi>, %reduce_max3A, %reduce_max3A_18 [1, 2] : vector<1x1024x1xi32> to vector<1xi32>
    %reduce_max3A_20 = vector.shape_cast %reduce_max3A_19 : vector<1xi32> to vector<1x1x1xi32>
    %reduce_max3A_21 = vector.extract %reduce_max3A_20[0, 0, 0] : i32 from vector<1x1x1xi32>
    %le3A = arith.cmpi sle, %reduce_min3A_17, %reduce_max3A_21 : i32
    %reduce_max3A_22 = vector.shape_cast %get3A_13 : vector<1x2048xi32> to vector<1x1x2048xi32>
    %reduce_max3A_23 = arith.constant dense<-2147483648> : vector<1xi32>
    %reduce_max3A_24 = vector.multi_reduction <maxsi>, %reduce_max3A_22, %reduce_max3A_23 [1, 2] : vector<1x1x2048xi32> to vector<1xi32>
    %reduce_max3A_25 = vector.shape_cast %reduce_max3A_24 : vector<1xi32> to vector<1x1x1xi32>
    %reduce_max3A_26 = vector.extract %reduce_max3A_25[0, 0, 0] : i32 from vector<1x1x1xi32>
    %reduce_min3A_27 = vector.shape_cast %get3A_10 : vector<1024x1xi32> to vector<1x1024x1xi32>
    %reduce_min3A_28 = arith.constant dense<2147483647> : vector<1xi32>
    %reduce_min3A_29 = vector.multi_reduction <minsi>, %reduce_min3A_27, %reduce_min3A_28 [1, 2] : vector<1x1024x1xi32> to vector<1xi32>
    %reduce_min3A_30 = vector.shape_cast %reduce_min3A_29 : vector<1xi32> to vector<1x1x1xi32>
    %reduce_min3A_31 = vector.extract %reduce_min3A_30[0, 0, 0] : i32 from vector<1x1x1xi32>
    %ge3A = arith.cmpi sge, %reduce_max3A_26, %reduce_min3A_31 : i32
    %and3A_32 = arith.andi %le3A, %ge3A : i1
    %convert_element_type3A_33 = arith.extui %and3A_32 : i1 to i32
    %cond3A_34 = arith.constant 0 : i32
    %cond3A_35 = arith.cmpi ne, %convert_element_type3A_33, %cond3A_34 : i32
    scf.if %cond3A_35 {
      %get3A_49 = arith.constant 0 : index
      %get3A_50 = arith.constant 0 : index
      %get3A_51 = vector.load %arg2[%get3A_49, %get3A_50] : memref<1024x1xf32, #tpu.memory_space<vmem>>, vector<1024x1xf32>
      %get3A_52 = arith.constant 0 : index
      %get3A_53 = arith.constant 0 : index
      %get3A_54 = vector.load %arg5[%get3A_52, %get3A_53] : memref<1x2048xf32, #tpu.memory_space<vmem>>, vector<1x2048xf32>
      %get3A_55 = arith.constant 0 : index
      %get3A_56 = arith.constant 0 : index
      %get3A_57 = vector.load %arg7[%get3A_55, %get3A_56] : memref<1x2048xf32, #tpu.memory_space<vmem>>, vector<1x2048xf32>
      %gt3A = arith.constant 0.000000e+00 : f32
      %gt3A_58 = vector.broadcast %gt3A : f32 to vector<1x2048xf32>
      %gt3A_59 = arith.cmpf ogt, %get3A_57, %gt3A_58 : vector<1x2048xf32>
      %mul3A = arith.constant 1024 : i32
      %mul3A_60 = arith.muli %arg0, %mul3A : i32
      %iota3A = tpu.iota {dimensions = array<i32: 0>} : vector<1024x1xi32>
      %add3A = vector.broadcast %mul3A_60 : i32 to vector<1024x1xi32>
      %add3A_61 = arith.addi %add3A, %iota3A : vector<1024x1xi32>
      %mul3A_62 = arith.constant 2048 : i32
      %mul3A_63 = arith.muli %arg1, %mul3A_62 : i32
      %iota3A_64 = tpu.iota {dimensions = array<i32: 1>} : vector<1x2048xi32>
      %add3A_65 = vector.broadcast %mul3A_63 : i32 to vector<1x2048xi32>
      %add3A_66 = arith.addi %add3A_65, %iota3A_64 : vector<1x2048xi32>
      %eq3A_67 = vector.broadcast %get3A_13 : vector<1x2048xi32> to vector<1024x2048xi32>
      %eq3A_68 = vector.broadcast %get3A_10 : vector<1024x1xi32> to vector<1024x2048xi32>
      %eq3A_69 = arith.cmpi eq, %eq3A_67, %eq3A_68 : vector<1024x2048xi32>
      %and3A_70 = vector.broadcast %gt3A_59 : vector<1x2048xi1> to vector<1024x2048xi1>
      %and3A_71 = arith.andi %eq3A_69, %and3A_70 : vector<1024x2048xi1>
      %gt3A_72 = vector.broadcast %get3A_54 : vector<1x2048xf32> to vector<1024x2048xf32>
      %gt3A_73 = vector.broadcast %get3A_51 : vector<1024x1xf32> to vector<1024x2048xf32>
      %gt3A_74 = arith.cmpf ogt, %gt3A_72, %gt3A_73 : vector<1024x2048xf32>
      %eq3A_75 = vector.broadcast %get3A_54 : vector<1x2048xf32> to vector<1024x2048xf32>
      %eq3A_76 = vector.broadcast %get3A_51 : vector<1024x1xf32> to vector<1024x2048xf32>
      %eq3A_77 = arith.cmpf oeq, %eq3A_75, %eq3A_76 : vector<1024x2048xf32>
      %lt3A = vector.broadcast %add3A_66 : vector<1x2048xi32> to vector<1024x2048xi32>
      %lt3A_78 = vector.broadcast %add3A_61 : vector<1024x1xi32> to vector<1024x2048xi32>
      %lt3A_79 = arith.cmpi slt, %lt3A, %lt3A_78 : vector<1024x2048xi32>
      %and3A_80 = arith.andi %eq3A_77, %lt3A_79 : vector<1024x2048xi1>
      %or3A = arith.ori %gt3A_74, %and3A_80 : vector<1024x2048xi1>
      %get3A_81 = arith.constant 0 : index
      %get3A_82 = arith.constant 0 : index
      %get3A_83 = vector.load %arg12[%get3A_81, %get3A_82] : memref<1024x1xf32, #tpu.memory_space<vmem>>, vector<1024x1xf32>
      %and3A_84 = arith.andi %and3A_71, %or3A : vector<1024x2048xi1>
      %convert_element_type3A_85 = arith.extui %and3A_84 : vector<1024x2048xi1> to vector<1024x2048xi32>
      %convert_element_type3A_86 = arith.sitofp %convert_element_type3A_85 : vector<1024x2048xi32> to vector<1024x2048xf32>
      %reduce_sum3A = arith.constant dense<0.000000e+00> : vector<1024xf32>
      %reduce_sum3A_87 = vector.multi_reduction <add>, %convert_element_type3A_86, %reduce_sum3A [1] : vector<1024x2048xf32> to vector<1024xf32>
      %broadcast_in_dim3A = vector.shape_cast %reduce_sum3A_87 : vector<1024xf32> to vector<1024x1xf32>
      %add3A_88 = arith.addf %get3A_83, %broadcast_in_dim3A : vector<1024x1xf32>
      %swap3A = arith.constant 0 : index
      %swap3A_89 = arith.constant 0 : index
      %swap3A_90 = vector.load %arg12[%swap3A, %swap3A_89] : memref<1024x1xf32, #tpu.memory_space<vmem>>, vector<1024x1xf32>
      tpu.vector_store %arg12[%swap3A, %swap3A_89], %add3A_88 {strides = array<i32>} : memref<1024x1xf32, #tpu.memory_space<vmem>>, vector<1024x1xf32>,
      %get3A_91 = arith.constant 0 : index
      %get3A_92 = arith.constant 0 : index
      %get3A_93 = vector.load %arg13[%get3A_91, %get3A_92] : memref<1024x1xf32, #tpu.memory_space<vmem>>, vector<1024x1xf32>
      %convert_element_type3A_94 = arith.extui %and3A_71 : vector<1024x2048xi1> to vector<1024x2048xi32>
      %convert_element_type3A_95 = arith.sitofp %convert_element_type3A_94 : vector<1024x2048xi32> to vector<1024x2048xf32>
      %reduce_sum3A_96 = arith.constant dense<0.000000e+00> : vector<1024xf32>
      %reduce_sum3A_97 = vector.multi_reduction <add>, %convert_element_type3A_95, %reduce_sum3A_96 [1] : vector<1024x2048xf32> to vector<1024xf32>
      %broadcast_in_dim3A_98 = vector.shape_cast %reduce_sum3A_97 : vector<1024xf32> to vector<1024x1xf32>
      %add3A_99 = arith.addf %get3A_93, %broadcast_in_dim3A_98 : vector<1024x1xf32>
      %swap3A_100 = arith.constant 0 : index
      %swap3A_101 = arith.constant 0 : index
      %swap3A_102 = vector.load %arg13[%swap3A_100, %swap3A_101] : memref<1024x1xf32, #tpu.memory_space<vmem>>, vector<1024x1xf32>
      tpu.vector_store %arg13[%swap3A_100, %swap3A_101], %add3A_99 {strides = array<i32>} : memref<1024x1xf32, #tpu.memory_space<vmem>>, vector<1024x1xf32>,
    } else {
    }
    %eq3A_36 = arith.constant 4 : i32
    %eq3A_37 = arith.cmpi eq, %arg1, %eq3A_36 : i32
    %convert_element_type3A_38 = arith.extui %eq3A_37 : i1 to i32
    %cond3A_39 = arith.constant 0 : i32
    %cond3A_40 = arith.cmpi ne, %convert_element_type3A_38, %cond3A_39 : i32
    scf.if %cond3A_40 {
      %get3A_49 = arith.constant 0 : index
      %get3A_50 = arith.constant 0 : index
      %get3A_51 = vector.load %arg13[%get3A_49, %get3A_50] : memref<1024x1xf32, #tpu.memory_space<vmem>>, vector<1024x1xf32>
      %mul3A = arith.constant 8.000000e-01 : f32
      %mul3A_52 = vector.broadcast %mul3A : f32 to vector<1024x1xf32>
      %mul3A_53 = arith.mulf %mul3A_52, %get3A_51 : vector<1024x1xf32>
      %ceil3A = math.ceil %mul3A_53 : vector<1024x1xf32>
      %get3A_54 = arith.constant 0 : index
      %get3A_55 = arith.constant 0 : index
      %get3A_56 = vector.load %arg4[%get3A_54, %get3A_55] : memref<1024x1xf32, #tpu.memory_space<vmem>>, vector<1024x1xf32>
      %gt3A = arith.constant 0.000000e+00 : f32
      %gt3A_57 = vector.broadcast %gt3A : f32 to vector<1024x1xf32>
      %gt3A_58 = arith.cmpf ogt, %get3A_56, %gt3A_57 : vector<1024x1xf32>
      %get3A_59 = arith.constant 0 : index
      %get3A_60 = arith.constant 0 : index
      %get3A_61 = vector.load %arg12[%get3A_59, %get3A_60] : memref<1024x1xf32, #tpu.memory_space<vmem>>, vector<1024x1xf32>
      %lt3A = arith.cmpf olt, %get3A_61, %ceil3A : vector<1024x1xf32>
      %and3A_62 = arith.andi %gt3A_58, %lt3A : vector<1024x1xi1>
      %convert_element_type3A_63 = arith.extui %and3A_62 : vector<1024x1xi1> to vector<1024x1xi32>
      %convert_element_type3A_64 = arith.sitofp %convert_element_type3A_63 : vector<1024x1xi32> to vector<1024x1xf32>
      %swap3A = arith.constant 0 : index
      %swap3A_65 = arith.constant 0 : index
      %swap3A_66 = vector.load %arg9[%swap3A, %swap3A_65] : memref<1024x1xf32, #tpu.memory_space<vmem>>, vector<1024x1xf32>
      tpu.vector_store %arg9[%swap3A, %swap3A_65], %convert_element_type3A_64 {strides = array<i32>} : memref<1024x1xf32, #tpu.memory_space<vmem>>, vector<1024x1xf32>,
      %get3A_67 = arith.constant 0 : index
      %get3A_68 = arith.constant 0 : index
      %get3A_69 = vector.load %arg8[%get3A_67, %get3A_68] : memref<1024x128xf32, #tpu.memory_space<vmem>>, vector<1024x128xf32>
      %get3A_70 = arith.constant 0 : index
      %get3A_71 = arith.constant 0 : index
      %get3A_72 = vector.load %arg2[%get3A_70, %get3A_71] : memref<1024x1xf32, #tpu.memory_space<vmem>>, vector<1024x1xf32>
      %mul3A_73 = vector.broadcast %get3A_72 : vector<1024x1xf32> to vector<1024x128xf32>
      %mul3A_74 = arith.mulf %get3A_69, %mul3A_73 : vector<1024x128xf32>
      %jit3A = arith.constant 0.000000e+00 : f32
      %broadcast_in_dim3A = vector.shape_cast %and3A_62 : vector<1024x1xi1> to vector<1024x1xi1>
      %broadcast_in_dim3A_75 = vector.broadcast %broadcast_in_dim3A : vector<1024x1xi1> to vector<1024x128xi1>
      %broadcast_in_dim3A_76 = vector.broadcast %jit3A : f32 to vector<1024x128xf32>
      %select_n3A = arith.select %broadcast_in_dim3A_75, %mul3A_74, %broadcast_in_dim3A_76 : vector<1024x128xi1>, vector<1024x128xf32>
      %swap3A_77 = arith.constant 0 : index
      %swap3A_78 = arith.constant 0 : index
      %swap3A_79 = vector.load %arg10[%swap3A_77, %swap3A_78] : memref<1024x128xf32, #tpu.memory_space<vmem>>, vector<1024x128xf32>
      tpu.vector_store %arg10[%swap3A_77, %swap3A_78], %select_n3A {strides = array<i32>} : memref<1024x128xf32, #tpu.memory_space<vmem>>, vector<1024x128xf32>,
      %iota3A = tpu.iota {dimensions = array<i32: 1>} : vector<1x64xi32>
      %eq3A_80 = vector.broadcast %get3A_10 : vector<1024x1xi32> to vector<1024x64xi32>
      %eq3A_81 = vector.broadcast %iota3A : vector<1x64xi32> to vector<1024x64xi32>
      %eq3A_82 = arith.cmpi eq, %eq3A_80, %eq3A_81 : vector<1024x64xi32>
      %and3A_83 = vector.broadcast %and3A_62 : vector<1024x1xi1> to vector<1024x64xi1>
      %and3A_84 = arith.andi %eq3A_82, %and3A_83 : vector<1024x64xi1>
      %convert_element_type3A_85 = arith.extui %and3A_84 : vector<1024x64xi1> to vector<1024x64xi32>
      %convert_element_type3A_86 = arith.sitofp %convert_element_type3A_85 : vector<1024x64xi32> to vector<1024x64xf32>
      %get3A_87 = arith.constant 0 : index
      %get3A_88 = arith.constant 0 : index
      %get3A_89 = vector.load %arg15[%get3A_87, %get3A_88] : memref<64x128xf32, #tpu.memory_space<vmem>>, vector<64x128xf32>
      %dot_general3A = arith.constant dense<0.000000e+00> : vector<64x128xf32>
      %dot_general3A_90 = tpu.matmul %convert_element_type3A_86, %select_n3A, %dot_general3A {dimension_numbers = #tpu.dot_dimension_numbers<[0], [0], [1], [1], [0, 1, 1, 1], [], []>, transpose_lhs_hint = false} : vector<1024x64xf32>, vector<1024x128xf32>, vector<64x128xf32> -> vector<64x128xf32>
      %add3A = arith.addf %get3A_89, %dot_general3A_90 : vector<64x128xf32>
      %swap3A_91 = arith.constant 0 : index
      %swap3A_92 = arith.constant 0 : index
      %swap3A_93 = vector.load %arg15[%swap3A_91, %swap3A_92] : memref<64x128xf32, #tpu.memory_space<vmem>>, vector<64x128xf32>
      tpu.vector_store %arg15[%swap3A_91, %swap3A_92], %add3A {strides = array<i32>} : memref<64x128xf32, #tpu.memory_space<vmem>>, vector<64x128xf32>,
      %get3A_94 = arith.constant 0 : index
      %get3A_95 = arith.constant 0 : index
      %get3A_96 = vector.load %arg16[%get3A_94, %get3A_95] : memref<64x1xf32, #tpu.memory_space<vmem>>, vector<64x1xf32>
      %convert_element_type3A_97 = arith.extui %and3A_62 : vector<1024x1xi1> to vector<1024x1xi32>
      %convert_element_type3A_98 = arith.sitofp %convert_element_type3A_97 : vector<1024x1xi32> to vector<1024x1xf32>
      %dot_general3A_99 = arith.constant dense<0.000000e+00> : vector<64x1xf32>
      %dot_general3A_100 = tpu.matmul %convert_element_type3A_86, %convert_element_type3A_98, %dot_general3A_99 {dimension_numbers = #tpu.dot_dimension_numbers<[0], [0], [1], [1], [0, 1, 1, 1], [], []>, transpose_lhs_hint = false} : vector<1024x64xf32>, vector<1024x1xf32>, vector<64x1xf32> -> vector<64x1xf32>
      %add3A_101 = arith.addf %get3A_96, %dot_general3A_100 : vector<64x1xf32>
      %swap3A_102 = arith.constant 0 : index
      %swap3A_103 = arith.constant 0 : index
      %swap3A_104 = vector.load %arg16[%swap3A_102, %swap3A_103] : memref<64x1xf32, #tpu.memory_space<vmem>>, vector<64x1xf32>
      tpu.vector_store %arg16[%swap3A_102, %swap3A_103], %add3A_101 {strides = array<i32>} : memref<64x1xf32, #tpu.memory_space<vmem>>, vector<64x1xf32>,
      %reduce_min3A_105 = vector.shape_cast %get3A_10 : vector<1024x1xi32> to vector<1x1024x1xi32>
      %reduce_min3A_106 = arith.constant dense<2147483647> : vector<1xi32>
      %reduce_min3A_107 = vector.multi_reduction <minsi>, %reduce_min3A_105, %reduce_min3A_106 [1, 2] : vector<1x1024x1xi32> to vector<1xi32>
      %reduce_min3A_108 = vector.shape_cast %reduce_min3A_107 : vector<1xi32> to vector<1x1x1xi32>
      %reduce_min3A_109 = vector.extract %reduce_min3A_108[0, 0, 0] : i32 from vector<1x1x1xi32>
      %reduce_max3A_110 = vector.shape_cast %get3A_10 : vector<1024x1xi32> to vector<1x1024x1xi32>
      %reduce_max3A_111 = arith.constant dense<-2147483648> : vector<1xi32>
      %reduce_max3A_112 = vector.multi_reduction <maxsi>, %reduce_max3A_110, %reduce_max3A_111 [1, 2] : vector<1x1024x1xi32> to vector<1xi32>
      %reduce_max3A_113 = vector.shape_cast %reduce_max3A_112 : vector<1xi32> to vector<1x1x1xi32>
      %reduce_max3A_114 = vector.extract %reduce_max3A_113[0, 0, 0] : i32 from vector<1x1x1xi32>
      %add3A_115 = arith.constant 1 : i32
      %add3A_116 = arith.addi %reduce_max3A_114, %add3A_115 : i32
      %while3A = arith.constant 0 : i32
      %while3A_117 = arith.subi %add3A_116, %reduce_min3A_109 : i32
      %while3A_118 = arith.addi %reduce_min3A_109, %while3A_117 : i32
      %while3A_119 = arith.constant 1 : i32
      %while3A_120 = arith.divsi %while3A_117, %while3A_119 : i32
      %while3A_121 = arith.muli %while3A_120, %while3A_119 : i32
      %while3A_122 = arith.addi %reduce_min3A_109, %while3A_121 : i32
      %while3A_123 = arith.constant 1 : i32
      scf.for %while3A_125 = %reduce_min3A_109 to %while3A_122 step %while3A_123  : i32 {
        %eq3A_126 = vector.broadcast %while3A_125 : i32 to vector<1024x1xi32>
        %eq3A_127 = arith.cmpi eq, %get3A_10, %eq3A_126 : vector<1024x1xi32>
        %and3A_128 = arith.andi %eq3A_127, %and3A_62 : vector<1024x1xi1>
        %jit3A_129 = arith.constant 0xFF800000 : f32
        %broadcast_in_dim3A_130 = vector.shape_cast %and3A_128 : vector<1024x1xi1> to vector<1024x1xi1>
        %broadcast_in_dim3A_131 = vector.broadcast %broadcast_in_dim3A_130 : vector<1024x1xi1> to vector<1024x128xi1>
        %broadcast_in_dim3A_132 = vector.broadcast %jit3A_129 : f32 to vector<1024x128xf32>
        %select_n3A_133 = arith.select %broadcast_in_dim3A_131, %select_n3A, %broadcast_in_dim3A_132 : vector<1024x128xi1>, vector<1024x128xf32>
        %reduce_max3A_134 = arith.constant dense<0xFF800000> : vector<128xf32>
        %reduce_max3A_135 = vector.multi_reduction <maximumf>, %select_n3A_133, %reduce_max3A_134 [0] : vector<1024x128xf32> to vector<128xf32>
        %broadcast_in_dim3A_136 = vector.shape_cast %reduce_max3A_135 : vector<128xf32> to vector<1x128xf32>
        %get3A_137 = arith.index_cast %while3A_125 : i32 to index
        %get3A_138 = arith.constant 0 : index
        %get3A_139 = vector.load %arg14[%get3A_137, %get3A_138] : memref<64x128xf32, #tpu.memory_space<vmem>>, vector<1x128xf32>
        %max3A = arith.maximumf %get3A_139, %broadcast_in_dim3A_136 : vector<1x128xf32>
        %swap3A_140 = arith.index_cast %while3A_125 : i32 to index
        %swap3A_141 = arith.constant 0 : index
        %swap3A_142 = vector.load %arg14[%swap3A_140, %swap3A_141] : memref<64x128xf32, #tpu.memory_space<vmem>>, vector<1x128xf32>
        tpu.vector_store %arg14[%swap3A_140, %swap3A_141], %max3A {strides = array<i32>} : memref<64x128xf32, #tpu.memory_space<vmem>>, vector<1x128xf32>,
      }
      %while3A_124 = arith.constant 1 : i32
      scf.for %while3A_125 = %while3A_122 to %while3A_118 step %while3A_124  : i32 {
        %eq3A_126 = vector.broadcast %while3A_125 : i32 to vector<1024x1xi32>
        %eq3A_127 = arith.cmpi eq, %get3A_10, %eq3A_126 : vector<1024x1xi32>
        %and3A_128 = arith.andi %eq3A_127, %and3A_62 : vector<1024x1xi1>
        %jit3A_129 = arith.constant 0xFF800000 : f32
        %broadcast_in_dim3A_130 = vector.shape_cast %and3A_128 : vector<1024x1xi1> to vector<1024x1xi1>
        %broadcast_in_dim3A_131 = vector.broadcast %broadcast_in_dim3A_130 : vector<1024x1xi1> to vector<1024x128xi1>
        %broadcast_in_dim3A_132 = vector.broadcast %jit3A_129 : f32 to vector<1024x128xf32>
        %select_n3A_133 = arith.select %broadcast_in_dim3A_131, %select_n3A, %broadcast_in_dim3A_132 : vector<1024x128xi1>, vector<1024x128xf32>
        %reduce_max3A_134 = arith.constant dense<0xFF800000> : vector<128xf32>
        %reduce_max3A_135 = vector.multi_reduction <maximumf>, %select_n3A_133, %reduce_max3A_134 [0] : vector<1024x128xf32> to vector<128xf32>
        %broadcast_in_dim3A_136 = vector.shape_cast %reduce_max3A_135 : vector<128xf32> to vector<1x128xf32>
        %get3A_137 = arith.index_cast %while3A_125 : i32 to index
        %get3A_138 = arith.constant 0 : index
        %get3A_139 = vector.load %arg14[%get3A_137, %get3A_138] : memref<64x128xf32, #tpu.memory_space<vmem>>, vector<1x128xf32>
        %max3A = arith.maximumf %get3A_139, %broadcast_in_dim3A_136 : vector<1x128xf32>
        %swap3A_140 = arith.index_cast %while3A_125 : i32 to index
        %swap3A_141 = arith.constant 0 : index
        %swap3A_142 = vector.load %arg14[%swap3A_140, %swap3A_141] : memref<64x128xf32, #tpu.memory_space<vmem>>, vector<1x128xf32>
        tpu.vector_store %arg14[%swap3A_140, %swap3A_141], %max3A {strides = array<i32>} : memref<64x128xf32, #tpu.memory_space<vmem>>, vector<1x128xf32>,
      }
    } else {
    }
    %eq3A_41 = arith.constant 9 : i32
    %eq3A_42 = arith.cmpi eq, %arg0, %eq3A_41 : i32
    %eq3A_43 = arith.constant 4 : i32
    %eq3A_44 = arith.cmpi eq, %arg1, %eq3A_43 : i32
    %and3A_45 = arith.andi %eq3A_42, %eq3A_44 : i1
    %convert_element_type3A_46 = arith.extui %and3A_45 : i1 to i32
    %cond3A_47 = arith.constant 0 : i32
    %cond3A_48 = arith.cmpi ne, %convert_element_type3A_46, %cond3A_47 : i32
    scf.if %cond3A_48 {
      %get3A_49 = arith.constant 0 : index
      %get3A_50 = arith.constant 0 : index
      %get3A_51 = vector.load %arg15[%get3A_49, %get3A_50] : memref<64x128xf32, #tpu.memory_space<vmem>>, vector<64x128xf32>
      %get3A_52 = arith.constant 0 : index
      %get3A_53 = arith.constant 0 : index
      %get3A_54 = vector.load %arg16[%get3A_52, %get3A_53] : memref<64x1xf32, #tpu.memory_space<vmem>>, vector<64x1xf32>
      %max3A = arith.constant 1.000000e+00 : f32
      %max3A_55 = vector.broadcast %max3A : f32 to vector<64x1xf32>
      %max3A_56 = arith.maximumf %get3A_54, %max3A_55 : vector<64x1xf32>
      %div3A = vector.broadcast %max3A_56 : vector<64x1xf32> to vector<64x128xf32>
      %div3A_57 = arith.divf %get3A_51, %div3A : vector<64x128xf32>
      %get3A_58 = arith.constant 0 : index
      %get3A_59 = arith.constant 0 : index
      %get3A_60 = vector.load %arg14[%get3A_58, %get3A_59] : memref<64x128xf32, #tpu.memory_space<vmem>>, vector<64x128xf32>
      %swap3A = arith.constant 0 : index
      %swap3A_61 = arith.constant 0 : index
      %swap3A_62 = vector.load %arg11[%swap3A, %swap3A_61] : memref<64x256xf32, #tpu.memory_space<vmem>>, vector<64x128xf32>
      tpu.vector_store %arg11[%swap3A, %swap3A_61], %get3A_60 {strides = array<i32>} : memref<64x256xf32, #tpu.memory_space<vmem>>, vector<64x128xf32>,
      %swap3A_63 = arith.constant 0 : index
      %swap3A_64 = arith.constant 128 : index
      %swap3A_65 = vector.load %arg11[%swap3A_63, %swap3A_64] : memref<64x256xf32, #tpu.memory_space<vmem>>, vector<64x128xf32>
      tpu.vector_store %arg11[%swap3A_63, %swap3A_64], %div3A_57 {strides = array<i32>} : memref<64x256xf32, #tpu.memory_space<vmem>>, vector<64x128xf32>,
    } else {
    }
    return
  }
  func.func @transform_0(%arg0: i32, %arg1: i32) -> (i32, i32) {
    %c0_i32 = arith.constant 0 : i32
    %c0_i32_0 = arith.constant 0 : i32
    return %arg0, %c0_i32 : i32, i32
  }
  func.func @transform_1(%arg0: i32, %arg1: i32) -> (i32, i32) {
    %c0_i32 = arith.constant 0 : i32
    %c0_i32_0 = arith.constant 0 : i32
    return %arg0, %c0_i32 : i32, i32
  }
  func.func @transform_2(%arg0: i32, %arg1: i32) -> (i32, i32) {
    %c0_i32 = arith.constant 0 : i32
    %c0_i32_0 = arith.constant 0 : i32
    return %arg0, %c0_i32 : i32, i32
  }
  func.func @transform_3(%arg0: i32, %arg1: i32) -> (i32, i32) {
    %c0_i32 = arith.constant 0 : i32
    %c0_i32_0 = arith.constant 0 : i32
    return %c0_i32, %arg1 : i32, i32
  }
  func.func @transform_4(%arg0: i32, %arg1: i32) -> (i32, i32) {
    %c0_i32 = arith.constant 0 : i32
    %c0_i32_0 = arith.constant 0 : i32
    return %c0_i32, %arg1 : i32, i32
  }
  func.func @transform_5(%arg0: i32, %arg1: i32) -> (i32, i32) {
    %c0_i32 = arith.constant 0 : i32
    %c0_i32_0 = arith.constant 0 : i32
    return %c0_i32, %arg1 : i32, i32
  }
  func.func @transform_6(%arg0: i32, %arg1: i32) -> (i32, i32) {
    %c0_i32 = arith.constant 0 : i32
    %c0_i32_0 = arith.constant 0 : i32
    return %arg0, %c0_i32 : i32, i32
  }
  func.func @transform_7(%arg0: i32, %arg1: i32) -> (i32, i32) {
    %c0_i32 = arith.constant 0 : i32
    %c0_i32_0 = arith.constant 0 : i32
    return %arg0, %c0_i32 : i32, i32
  }
  func.func @transform_8(%arg0: i32, %arg1: i32) -> (i32, i32) {
    %c0_i32 = arith.constant 0 : i32
    %c0_i32_0 = arith.constant 0 : i32
    return %arg0, %c0_i32 : i32, i32
  }
  func.func @transform_9(%arg0: i32, %arg1: i32) -> (i32, i32) {
    %c0_i32 = arith.constant 0 : i32
    %c0_i32_0 = arith.constant 0 : i32
    %c0_i32_1 = arith.constant 0 : i32
    return %c0_i32, %c0_i32_0 : i32, i32
  }
}

</mosaic_0001>

<sc_bundles>
// kernel: kernel.12.cloned.1.call-start
scs
__scs_entry_jumppad:
0x0: {  	(pc) =	sbr.rel $0x88, $3  }
0x1: {  	(tag) =	ssettag $0x0;
	lr =	simm.s32 $0x1  }
0x2: {  	[smem:$0x3F8C] =	sst lr;
	_ =	strace $0xD0000000  }
0x3: {  	_ = 	snop  }
0x4: {  	_ = 	snop  }
0x5: {  	_ = 	snop  }
0x6: {  	_ = 	snop  }
0x7: {  	_ = 	snop  }
__scs_overlays_trampoline_lowered:
0x8: {  	[smem:$0x3F9B] =	sst s0  }
0x9: {  	[smem:$0x3F9C] =	sst s1  }
0xa: {  	[smem:$0x3F9D] =	sst s2  }
0xb: {  	[smem:$0x3F9E] =	sst s3  }
0xc: {  	[smem:$0x3F9F] =	sst s4  }
0xd: {  	[smem:$0x3FA0] =	sst s5  }
0xe: {  	[smem:$0x3FA1] =	sst s6  }
0xf: {  	[smem:$0x3FA2] =	sst s7  }
0x10: {  	[smem:$0x3FA3] =	sst s8  }
0x11: {  	[smem:$0x3FA4] =	sst s9;
	s0 =	simm.s32 @!p0 $0x0  }
0x12: {  	s1 =	sld [smem:$0x3F8A];
	s0 =	simm.s32 @p0 $0x1  }
0x13: {  	[smem:$0x3FA5] =	sst s0;
	s0 =	simm.s32 @!p1 $0x0  }
0x14: {  	s2 =	sld [smem:$0x3F89];
	s0 =	simm.s32 @p1 $0x1  }
0x15: {  	[smem:$0x3FA6] =	sst s0;
	s0 =	simm.s32 @!p2 $0x0  }
0x16: {  	s3 =	sld [smem:$0x3FDB];
	s0 =	simm.s32 @p2 $0x1  }
0x17: {  	s4 =	simm.s32 $0x1BF5;
	[smem:$0x3FA8] =	sst s0  }
0x18: {  	s0 =	sld [smem:$0x3F8B];
	_ =	swait.ge [sflag:s4], $0x0  }
0x19: {  	s7 =	sld [smem:$0x3F8C]  }
0x1a: {  	s8 =	sadd.s32 $0xFFFFE003, lr  }
0x1b: {  	s9 =	sadd.s32 $0xFFFFFEF7, lr;
	s5 =	simm.s32 $0xFFFFFFFF;
	p2 =	slt.u32 s8, $0xFFFFF086  }
0x1c: {  	p1 =	slt.u32 s9, $0xF7A;
	s5 =	simm.s32 @!p2 $0x0  }
0x1d: {  	s5 =	simm.s32 @p1 $0x1;
	p0 =	seq.s32 s7, s2  }
0x1e: {  	s7 =	smul.u32 @!p0 $0xF7A, s2;
	p2 =	seq.s32 @!p0 s5, $0x0  }
0x1f: {  	s9 =	smul.u32 $0xF7A, s1;
	s8 =	simm.s32 @!p0 $0x1BF5;
	p2 =	por !p2, p0  }
0x20: {  	[sflag:s8] =	ssyncset.s32 @!p0 $0xFFFFF086;
	s6 =	sadd.s32 @!p0 s3, s7;
	s7 =	simm.s32 @!p0 $0x108  }
0x21: {  	s3 =	sadd.s32 s3, s9;
	s6 =	sadd.s32 @!p0 $0x88, s6;
	s7 =	simm.s32 @p2 $0x1082  }
0x22: {  	[simem:s7], [sflag:s8] =	dma.local @!p0 [hbm:s6], $0xF7A  }
0x23: {  	s9 =	sor.u32 $0xD0000000, s2;
	s6 =	simm.s32 $0x108;
	_ =	swait.ge @!p0 [sflag:s8], $0x0  }
0x24: {  	s3 =	sadd.s32 $0x88, s3;
	s6 =	simm.s32 @!p1 $0x1082;
	[sflag:s4] =	ssyncset.s32 $0xFFFFF086  }
0x25: {  	[simem:s6], [sflag:s4] =	dma.local [hbm:s3], $0xF7A  }
0x26: {  	[smem:$0x3F8C] =	sst s1;
	(tag) =	ssettag s2;
	_ =	strace s9  }
0x27: {  	s1 =	sld [smem:$0x3F9C]  }
0x28: {  	s2 =	sld [smem:$0x3F9D]  }
0x29: {  	s4 =	sld [smem:$0x3F9F]  }
0x2a: {  	p0 =	seq.s32 s5, $0x0;
	s5 =	sld [smem:$0x3FA0]  }
0x2b: {  	s6 =	sld [smem:$0x3FA1]  }
0x2c: {  	s7 =	sld [smem:$0x3FA2]  }
0x2d: {  	s3 =	simm.s32 $0x108;
	s8 =	sld [smem:$0x3FA3]  }
0x2e: {  	s3 =	simm.s32 @!p0 $0x1082;
	s9 =	sld [smem:$0x3FA4]  }
0x2f: {  	lr =	sadd.s32 s0, s3;
	s0 =	sld [smem:$0x3F9B]  }
0x30: {  	s3 =	sld [smem:$0x3F9E]  }
0x31: {  	[smem:$0x3FA7] =	sst s10  }
0x32: {  	s10 =	sld [smem:$0x3FA5];
	_ =	sdelay $0x3  }
0x33: {  	p0 =	seq.s32 s10, $0x1;
	s10 =	sld [smem:$0x3FA7];
	_ =	sdelay $0x3  }
0x34: {  	[smem:$0x3FA7] =	sst s10  }
0x35: {  	s10 =	sld [smem:$0x3FA6];
	_ =	sdelay $0x3  }
0x36: {  	p1 =	seq.s32 s10, $0x1;
	s10 =	sld [smem:$0x3FA7];
	_ =	sdelay $0x3  }
0x37: {  	[smem:$0x3FA7] =	sst s10  }
0x38: {  	s10 =	sld [smem:$0x3FA8]  }
0x39: {  	_ = 	snop;
	(pc) =	sbr.ind lr, $3  }
0x3a: {  	_ = 	snop  }
0x3b: {  	_ = 	snop  }
0x3c: {  	p2 =	seq.s32 s10, $0x1;
	s10 =	sld [smem:$0x3FA7]  }
0x3d: {  	_ =	shalt  }
0x3e: {  	_ =	shalt  }
0x3f: {  	_ =	shalt  }
0x40: {  	_ =	shalt  }
0x41: {  	_ =	shalt  }
0x42: {  	_ =	shalt  }
0x43: {  	_ =	shalt  }
0x44: {  	_ =	shalt  }
0x45: {  	_ =	shalt  }
0x46: {  	_ =	shalt  }
0x47: {  	_ =	shalt  }
0x48: {  	_ =	shalt  }
0x49: {  	_ =	shalt  }
0x4a: {  	_ =	shalt  }
0x4b: {  	_ =	shalt  }
0x4c: {  	_ =	shalt  }
0x4d: {  	_ =	shalt  }
0x4e: {  	_ =	shalt  }
0x4f: {  	_ =	shalt  }
0x50: {  	_ =	shalt  }
0x51: {  	_ =	shalt  }
0x52: {  	_ =	shalt  }
0x53: {  	_ =	shalt  }
0x54: {  	_ =	shalt  }
0x55: {  	_ =	shalt  }
0x56: {  	_ =	shalt  }
0x57: {  	_ =	shalt  }
0x58: {  	_ =	shalt  }
0x59: {  	_ =	shalt  }
0x5a: {  	_ =	shalt  }
0x5b: {  	_ =	shalt  }
0x5c: {  	_ =	shalt  }
0x5d: {  	_ =	shalt  }
0x5e: {  	_ =	shalt  }
0x5f: {  	_ =	shalt  }
0x60: {  	_ =	shalt  }
0x61: {  	_ =	shalt  }
0x62: {  	_ =	shalt  }
0x63: {  	_ =	shalt  }
0x64: {  	_ =	shalt  }
0x65: {  	_ =	shalt  }
0x66: {  	_ =	shalt  }
0x67: {  	_ =	shalt  }
0x68: {  	_ =	shalt  }
0x69: {  	_ =	shalt  }
0x6a: {  	_ =	shalt  }
0x6b: {  	_ =	shalt  }
0x6c: {  	_ =	shalt  }
0x6d: {  	_ =	shalt  }
0x6e: {  	_ =	shalt  }
0x6f: {  	_ =	shalt  }
0x70: {  	_ =	shalt  }
0x71: {  	_ =	shalt  }
0x72: {  	_ =	shalt  }
0x73: {  	_ =	shalt  }
0x74: {  	_ =	shalt  }
0x75: {  	_ =	shalt  }
0x76: {  	_ =	shalt  }
0x77: {  	_ =	shalt  }
0x78: {  	_ =	shalt  }
0x79: {  	_ =	shalt  }
0x7a: {  	_ =	shalt  }
0x7b: {  	_ =	shalt  }
0x7c: {  	_ =	shalt  }
0x7d: {  	_ =	shalt  }
0x7e: {  	_ =	shalt  }
0x7f: {  	_ =	shalt  }
0x80: {  	_ =	shalt  }
0x81: {  	_ =	shalt  }
0x82: {  	_ =	shalt  }
0x83: {  	_ =	shalt  }
0x84: {  	_ =	shalt  }
0x85: {  	_ =	shalt  }
0x86: {  	_ =	shalt  }
0x87: {  	_ =	shalt  }
.Lfunc_end0:
.L_simem_size_0:
called_computation_lowered:
.L_overlay_start_0:
0x88: {  	s2 =	sld [smem:$0x3FD9]  }
0x89: {  	s3 =	sld [smem:$0x3FFE];
	_ =	sdelay $0x1  }
0x8a: {  	s1 =	srdreg.scid  }
0x8b: {  	s0 =	sand.u32 $0x1, s1  }
0x8c: {  	s17 =	sshll.u32 s0, $0xA;
	s2 =	sadd.s32 s3, s2  }
0x8d: {  	s2 =	sadd.s32 s2, s17  }
0x8e: {  	[smem:$0x3FB3] =	sst s2  }
0x8f: {  	_ = 	snop  }
0x90: {  	s2 =	sld [smem:$0x3FD0];
	(tm) =	ssettm $0x1  }
0x91: {  	s18 =	sld [smem:$0x3FFB];
	_ =	sdelay $0x3  }
0x92: {  	_ =	strace s18  }
0x93: {  	s3 =	sld [smem:$0x3FFC];
	_ =	sdelay $0x3  }
0x94: {  	_ =	strace s3  }
0x95: {  	s3 =	sld [smem:$0x3FFD];
	_ =	sdelay $0x3  }
0x96: {  	_ =	strace s3  }
0x97: {  	_ =	strace $0x8FFFFFFF  }
0x98: {  	s19 =	sld [smem:$0x3FDB];
	_ =	sdelay $0x1  }
0x99: {  	s4 =	simm.s32 $_scs_section_size  }
0x9a: {  	s5 =	simm.s32 $_size__tile_overlayer_lowered;
	s6 =	simm.s32 $_tile_overlayer_lowered  }
0x9b: {  	s22 =	simm.s32 $0x1BFF;
	s21 =	sshll.u32 s6, $0x1;
	s3 =	sadd.s32 s4, s19  }
0x9c: {  	s7 =	simm.s32 $0x0;
	s20 =	sshll.u32 s5, $0x1;
	s5 =	sadd.s32 s21, s3  }
0x9d: {  	[timem:s7], [sflag:s22] =	dma.local [hbm:s5], s20  }
0x9e: {  	_ =	swait.ge [sflag:s22], s20  }
0x9f: {  	s4 =	ssub.s32 $0x0, s20;
	[sflag:s22] =	ssyncset.done $0x0  }
0xa0: {  	[sflag:s22] =	ssyncadd.s32 s4;
	_ =	sdelay $0x1  }
0xa1: {  	s23 =	simm.s32 $0x1B8B  }
0xa2: {  	_ =	swait.ge [sflag:s23], $0x1  }
0xa3: {  	[sflag:s23] =	ssyncset.done $0x0  }
0xa4: {  	s25 =	simm.s32 $0x1B8E;
	s24 =	sld [smem:$0x3FFE];
	[sflag:s23] =	ssyncadd.s32 $0xFFFFFFFF  }
0xa5: {  	s26 =	simm.s32 $execute0_lowered;
	[smem:$0x3FD2] =	sst s25  }
0xa6: {  	s5 =	sshll.u32 s26, $0x1;
	_ =	strace $0x80000046;
	[dreg:$0x1] =	wrdreg $0xFFFFFFFF  }
0xa7: {  	s28 =	simm.s32 $_size_execute0_lowered;
	s3 =	sadd.s32 s3, s5;
	[dreg:$0x0] =	wrdreg $0x0  }
0xa8: {  	s5 =	sshll.u32 s28, $0x1;
	[dreg:$0x2] =	wrdreg s3  }
0xa9: {  	[dreg:$0x3] =	wrdreg s5  }
0xaa: {  	[dreg:$0x4] =	wrdreg $0xC0  }
0xab: {  	_ =	task [dreg:s7], $0x5FFFF  }
0xac: {  	[dreg:$0x1] =	wrdreg $0xFFFFFFFF  }
0xad: {  	[dreg:$0x0] =	wrdreg $0x60  }
0xae: {  	[dreg:$0x2] =	wrdreg s24  }
0xaf: {  	[dreg:$0x3] =	wrdreg s2  }
0xb0: {  	[dreg:$0x4] =	wrdreg $0x83000  }
0xb1: {  	[dreg:$0x5] =	wrdreg $0x1C3000  }
0xb2: {  	[dreg:$0x6] =	wrdreg $0x9  }
0xb3: {  	_ =	task.clear_ibuf [dreg:s7], $0x7FFFF;
	_ =	strace $0x90000046  }
0xb4: {  	s29 =	simm.s32 $0x9;
	_ =	strace $0x80000048  }
0xb5: {  	_ =	swait.ge [sflag:s29], $0x1  }
0xb6: {  	[sflag:s29] =	ssyncadd.s32 $0xFFFFFFFF  }
0xb7: {  	_ =	strace $0x90000048  }
0xb8: {  	_ =	sfence  }
0xb9: {  	s30 =	sld [smem:$0x0];
	_ =	sdelay $0x2  }
0xba: {  	s31 =	sshll.u32 s1, $0xD;
	s1 =	sshrl.u32 s1, $0x2  }
0xbb: {  	s3 =	sand.u32 $0x4000, s31;
	s1 =	sadd.s32 s1, s30  }
0xbc: {  	s0 =	sor.u32 s3, s0;
	s1 =	sshll.u32 s1, $0x11  }
0xbd: {  	s0 =	sor.u32 s1, s0  }
0xbe: {  	s0 =	sadd.s32 $0x8F2B, s0  }
0xbf: {  	[sflag:s0] =	ssyncadd.remote.s32 $0x1  }
0xc0: {  	_ =	sfence.sel $0xFFFF  }
0xc1: {  	[dreg:$0x0] =	wrdreg $0xFFFFFFFF;
	(pc) =	sbr.abs _section_cstart, $3  }
0xc2: {  	[dreg:$0x1] =	wrdreg $0xFFFFFFFF  }
0xc3: {  	_ =	task.clear_ibuf [dreg:s7], $0x2FFFF;
	_ =	strace $0x9FFFFFFF  }
0xc4: {  	(tm) =	ssettm $0x7FFFFFFF  }
0xc5: {  	_ =	shalt  }
tec
execute0_lowered:
.L_overlay_start_1:
0x0: {  	(tag) =	ssettag $0x1  }
0x1: {  	s0 =	rddreg [dreg:$0x0]  }
0x2: {  	s1 =	rddreg [dreg:$0x1]  }
0x3: {  	s2 =	rddreg [dreg:$0x2]  }
0x4: {  	s3 =	rddreg [dreg:$0x3]  }
0x5: {  	s17 =	stileid.u32;
	s4 =	simm.s32 $0x0;
	s5 =	srdreg.scid  }
0x6: {  	s28 =	simm.s32 $0x3;
	s29 =	simm.s32 $0x6;
	s30 =	simm.s32 $0x4200  }
0x7: {  	s31 =	simm.s32 $0x8280;
	s9 =	smul.u32 $0x14000, s17;
	[smem:$0x7FF] =	sst s4  }
0x8: {  	s10 =	smul.u32 $0x280, s17;
	s12 =	sand.u32 $0x1, s5;
	s5 =	sadd.s32 $0x4000, s0  }
0x9: {  	s6 =	sadd.s32 $0x3A00, s0;
	s7 =	sadd.s32 $0x36000, s0;
	s8 =	sadd.s32 $0x2C000, s0  }
0xa: {  	s16 =	smul.u32 $0x50000, s17;
	s21 =	sshll.u32 s17, $0x6;
	_ =	strace $0x80000047  }
0xb: {  	s11 =	smul.u32 $0x140000, s12;
	s18 =	ssub.s32 $0x2, s12;
	s15 =	sshll.u32 s12, $0x4  }
0xc: {  	s12 =	sshll.u32 s12, $0x7;
	s13 =	sshrl.u32 s9, $0x3;
	s14 =	sshrl.u32 s10, $0x3  }
0xd: {  	s19 =	sshrl.u32 s18, $0x1;
	s15 =	sor.u32 s17, s15;
	s16 =	sshrl.u32 s16, $0x2  }
0xe: {  	s17 =	smul.u32 $0x500, s17;
	s10 =	sadd.s32 s10, s3;
	s9 =	sadd.s32 s9, s11  }
0xf: {  	s25 =	sadd.s32 s13, s0;
	s26 =	sadd.s32 s14, s0;
	s14 =	ssub.s32 s18, s19  }
0x10: {  	s20 =	sadd.s32 s16, s2;
	s19 =	simm.s32 $0x7;
	s9 =	sshrl.u32 s9, $0x3  }
0x11: {  	s11 =	sadd.s32 $0x40000, s25;
	s12 =	sor.u32 s12, s17;
	s13 =	sadd.s32 $0x68000, s26  }
0x12: {  	s26 =	smax.u32 s14, $0x1;
	s18 =	sshrl.u32 s20, $0x3;
	s20 =	sshrl.u32 s10, $0x3  }
0x13: {  	s0 =	sadd.s32 s9, s0;
	s9 =	smul.u32 $0x2800, s15;
	[dreg:$0x5] =	wrdreg s11  }
0x14: {  	s11 =	sor.u32 $0x1C07, s21;
	[dreg:$0x6] =	wrdreg s13;
	s12 =	sshrl.u32 s12, $0x3  }
0x15: {  	[dreg:$0xb] =	wrdreg s26;
	s21 =	simm.s32 $0x5;
	s0 =	sadd.s32 $0x68600, s0  }
0x16: {  	s26 =	simm.s32 $0x1;
	s25 =	sadd.s32 s1, s12;
	[dreg:$0x9] =	wrdreg s0  }
0x17: {  	s1 =	simm.s32 $0x0;
	s22 =	sshrl.u32 s9, $0x3;
	[dreg:$0xa] =	wrdreg s25  }
0x18: {  	s25 =	simm.s32 $0x180;
	s0 =	simm.s32 $0x100;
	s23 =	sadd.s32 s7, s22  }
0x19: {  	s24 =	sadd.s32 s8, s22;
	s22 =	simm.s32 $0x80;
	[dreg:$0x7] =	wrdreg s23  }
0x1a: {  	[dreg:$0x8] =	wrdreg s24;
	s23 =	simm.s32 $0x200;
	s24 =	simm.s32 $0x8200  }
.LBB2_1:
0x1b: {  	s10 =	rddreg [dreg:$0x5]  }
0x1c: {  	[spmem:s18], [sflag:s11] =	dma.local [hbm:s10], $0x2800  }
0x1d: {  	_ =	swait.ge [sflag:s19], $0x2800  }
0x1e: {  	[sflag:s19] =	ssyncset.done $0x0  }
0x1f: {  	s17 =	rddreg [dreg:$0x6];
	[sflag:s19] =	ssyncadd.s32 $0xFFFFD800  }
0x20: {  	[spmem:s20], [sflag:s11] =	dma.local [hbm:s17], $0x50  }
0x21: {  	_ =	swait.ge [sflag:s19], $0x50  }
0x22: {  	[sflag:s19] =	ssyncset.done $0x0  }
0x23: {  	[sflag:s19] =	ssyncadd.s32 $0xFFFFFFB0  }
0x24: {  	[bflag:$0x0] =	sbarrier.arrive $0xFFFF  }
0x25: {  	s12 =	rddreg [dreg:$0x7]  }
0x26: {  	[tilespmem:s4], [sflag:$0x5] =	stream.linear.gather [hbm4b:s12+s4], $0x80, $0x38;
	[tilespmem:$0x1C580] =	vst v63  }
0x27: {  	s13 =	rddreg [dreg:$0x8]  }
0x28: {  	[tilespmem:s0], [sflag:$0x5] =	stream.linear.gather [hbm4b:s13+s4], $0x80, $0x38;
	[tilespmem:$0x1C580] =	vst v63  }
0x29: {  	_ =	swait.ge [sflag:s21], $0x80  }
0x2a: {  	s14 =	simm.s32 $0x0;
	[sflag:s21] =	ssyncset.done $0x0  }
0x2b: {  	s12 =	sand.u32 $0x3C00, s14;
	[sflag:s21] =	ssyncadd.s32 $0xFFFFFF80  }
0x2c: {  	s10 =	sand.u32 $0x300, s14;
	s12 =	sadd.s32 s9, s12;
	_ =	swait.ge [sflag:s21], $0x80  }
0x2d: {  	s10 =	sor.u32 s12, s10;
	[sflag:s21] =	ssyncset.done $0x0  }
0x2e: {  	s10 =	sor.u32 $0x80, s10;
	[sflag:s21] =	ssyncadd.s32 $0xFFFFFF80  }
0x2f: {  	[tilespmem:s23], [sflag:$0x1] =	stream.indirect.gather [hbm4b:s5+s22], $0x80, s4, s22, $0xb8;
	[tilespmem:$0x1C580] =	vst v63  }
0x30: {  	s10 =	sshrl.u32 s10, $0x3  }
0x31: {  	[tilespmem:s24], [sflag:$0x3] =	stream.indirect.gather [hbm4b:s6+s22], $0x1, s4, s22, $0xb8;
	[tilespmem:$0x1C580] =	vst v63  }
0x32: {  	s15 =	sadd.s32 s7, s10  }
0x33: {  	[tilespmem:s22], [sflag:$0x6] =	stream.linear.gather [hbm4b:s15+s4], $0x80, $0x38;
	[tilespmem:$0x1C580] =	vst v63  }
0x34: {  	s10 =	sadd.s32 s8, s10  }
0x35: {  	[tilespmem:s25], [sflag:$0x6] =	stream.linear.gather [hbm4b:s10+s4], $0x80, $0x38;
	[tilespmem:$0x1C580] =	vst v63  }
0x36: {  	_ =	swait.ge [sflag:s26], $0x4000  }
0x37: {  	[sflag:s26] =	ssyncset.done $0x0  }
0x38: {  	[sflag:s26] =	ssyncadd.s32 $0xFFFFC000  }
0x39: {  	_ =	swait.ge [sflag:s28], $0x80  }
0x3a: {  	[sflag:s28] =	ssyncset.done $0x0  }
0x3b: {  	[sflag:s28] =	ssyncadd.s32 $0xFFFFFF80  }
0x3c: {  	_ =	swait.ge [sflag:s29], $0x80  }
0x3d: {  	[sflag:s29] =	ssyncset.done $0x0  }
0x3e: {  	[sflag:s29] =	ssyncadd.s32 $0xFFFFFF80  }
0x3f: {  	_ =	swait.ge [sflag:s29], $0x80  }
0x40: {  	[sflag:s29] =	ssyncset.done $0x0  }
0x41: {  	[sflag:s29] =	ssyncadd.s32 $0xFFFFFF80  }
0x42: {  	[tilespmem:s30], [sflag:$0x2] =	stream.indirect.gather [hbm4b:s5+s22], $0x80, s22, s22, $0xb8;
	[tilespmem:$0x1C580] =	vst v63  }
0x43: {  	_ = 	snop  }
0x44: {  	[tilespmem:s31], [sflag:$0x4] =	stream.indirect.gather [hbm4b:s6+s22], $0x1, s22, s22, $0xb8;
	[tilespmem:$0x1C580] =	vst v63  }
0x45: {  	_ = 	snop  }
0x46: {  	[spmem:s2] =	stream.indirect.scatter.add.f32 [tilespmem:s23], [sflag:$0x7], $0x80, s0, s22, $0xb8;
	[tilespmem:$0x1C580] =	vst v63  }
0x47: {  	_ =	swait.ge [sflag:s19], $0x4000  }
0x48: {  	[sflag:s19] =	ssyncset.done $0x0  }
0x49: {  	[sflag:s19] =	ssyncadd.s32 $0xFFFFC000  }
0x4a: {  	[spmem:s3] =	stream.indirect.scatter.add.f32 [tilespmem:s24], [sflag:$0x7], $0x1, s0, s22, $0xb8;
	[tilespmem:$0x1C580] =	vst v63  }
0x4b: {  	_ =	swait.ge [sflag:s19], $0x80  }
0x4c: {  	p0 =	por $0x0, $0x0;
	[sflag:s19] =	ssyncset.done $0x0  }
0x4d: {  	s10 =	simm.s32 @p0 $0x2;
	[sflag:s19] =	ssyncadd.s32 $0xFFFFFF80  }
0x4e: {  	_ =	swait.ge @p0 [sflag:s10], $0x4000  }
0x4f: {  	s12 =	sand.u32 @!p0 $0x7C00, s0;
	s13 =	sand.u32 @!p0 $0x300, s0;
	[sflag:s10] =	ssyncset.done @p0 $0x0  }
0x50: {  	s12 =	sadd.s32 @!p0 s9, s12;
	[sflag:s10] =	ssyncadd.s32 @p0 $0xFFFFC000;
	s10 =	simm.s32 @p0 $0x4  }
0x51: {  	s12 =	sor.u32 @!p0 s13, s12;
	_ =	swait.ge @p0 [sflag:s10], $0x80  }
0x52: {  	s12 =	sshrl.u32 @!p0 s12, $0x3;
	[sflag:s10] =	ssyncset.done @p0 $0x0  }
0x53: {  	s13 =	sadd.s32 @!p0 s7, s12;
	[sflag:s10] =	ssyncadd.s32 @p0 $0xFFFFFF80;
	s10 =	simm.s32 @!p0 $0x0  }
0x54: {  	[tilespmem:s10], [sflag:$0x5] =	stream.linear.gather @!p0 [hbm4b:s13+s10], $0x80, $0x38;
	[tilespmem:$0x1C580] =	vst v63  }
0x55: {  	s14 =	simm.s32 @!p0 $0x2;
	s12 =	sadd.s32 @!p0 s8, s12;
	s13 =	simm.s32 @!p0 $0x100  }
0x56: {  	[tilespmem:s13], [sflag:$0x5] =	stream.linear.gather @!p0 [hbm4b:s12+s10], $0x80, $0x38;
	[tilespmem:$0x1C580] =	vst v63  }
0x57: {  	_ =	swait.ge @!p0 [sflag:s14], $0x4000  }
0x58: {  	[sflag:s14] =	ssyncset.done @!p0 $0x0  }
0x59: {  	s12 =	simm.s32 @!p0 $0x4;
	[sflag:s14] =	ssyncadd.s32 @!p0 $0xFFFFC000  }
0x5a: {  	_ =	swait.ge @!p0 [sflag:s12], $0x80  }
0x5b: {  	[sflag:s12] =	ssyncset.done @!p0 $0x0  }
0x5c: {  	[sflag:s12] =	ssyncadd.s32 @!p0 $0xFFFFFF80;
	s12 =	simm.s32 @!p0 $0x5  }
0x5d: {  	_ =	swait.ge @!p0 [sflag:s12], $0x80  }
0x5e: {  	[sflag:s12] =	ssyncset.done @!p0 $0x0  }
0x5f: {  	[sflag:s12] =	ssyncadd.s32 @!p0 $0xFFFFFF80  }
0x60: {  	_ =	swait.ge @!p0 [sflag:s12], $0x80  }
0x61: {  	[sflag:s12] =	ssyncset.done @!p0 $0x0  }
0x62: {  	s13 =	simm.s32 @!p0 $0x200;
	[sflag:s12] =	ssyncadd.s32 @!p0 $0xFFFFFF80;
	s12 =	simm.s32 @!p0 $0x80  }
0x63: {  	[tilespmem:s13], [sflag:$0x1] =	stream.indirect.gather @!p0 [hbm4b:s5+s12], $0x80, s10, s12, $0xb8;
	[tilespmem:$0x1C580] =	vst v63  }
0x64: {  	s16 =	simm.s32 $0x100;
	s13 =	simm.s32 @!p0 $0x8200  }
0x65: {  	[tilespmem:s13], [sflag:$0x3] =	stream.indirect.gather @!p0 [hbm4b:s6+s12], $0x1, s10, s12, $0xb8;
	[tilespmem:$0x1C580] =	vst v63  }
0x66: {  	s17 =	sand.u32 $0x3C00, s16;
	s14 =	sand.u32 $0x300, s16;
	s10 =	simm.s32 $0x1  }
0x67: {  	[spmem:s2] =	stream.indirect.scatter.add.f32 [tilespmem:s30], [sflag:$0x7], $0x80, s25, s22, $0xb8;
	[tilespmem:$0x1C580] =	vst v63  }
0x68: {  	s13 =	simm.s32 $0x2;
	s12 =	sadd.s32 s9, s17;
	_ =	swait.ge [sflag:s19], $0x4000  }
0x69: {  	s15 =	sor.u32 s12, s14;
	s12 =	simm.s32 $0x200;
	[sflag:s19] =	ssyncset.done $0x0  }
.LBB2_2:
0x6a: {  	[sflag:s19] =	ssyncadd.s32 $0xFFFFC000;
	s14 =	smov.u32 s13;
	s13 =	sadd.s32 $0x1, s13  }
0x6b: {  	[spmem:s3] =	stream.indirect.scatter.add.f32 [tilespmem:s31], [sflag:$0x7], $0x1, s25, s22, $0xb8;
	[tilespmem:$0x1C580] =	vst v63  }
0x6c: {  	p0 =	sne.s32 s13, $0x28;
	_ =	swait.ge [sflag:s19], $0x80  }
0x6d: {  	s15 =	sor.u32 $0x80, s15;
	[sflag:s19] =	ssyncset.done $0x0  }
0x6e: {  	s15 =	sshrl.u32 s15, $0x3;
	[sflag:s19] =	ssyncadd.s32 $0xFFFFFF80  }
0x6f: {  	s16 =	sadd.s32 s7, s15  }
0x70: {  	[tilespmem:s22], [sflag:$0x6] =	stream.linear.gather [hbm4b:s16+s4], $0x80, $0x38;
	[tilespmem:$0x1C580] =	vst v63  }
0x71: {  	s15 =	sadd.s32 s8, s15  }
0x72: {  	[tilespmem:s25], [sflag:$0x6] =	stream.linear.gather [hbm4b:s15+s4], $0x80, $0x38;
	[tilespmem:$0x1C580] =	vst v63  }
0x73: {  	_ =	swait.ge [sflag:s26], $0x4000  }
0x74: {  	[sflag:s26] =	ssyncset.done $0x0  }
0x75: {  	[sflag:s26] =	ssyncadd.s32 $0xFFFFC000  }
0x76: {  	_ =	swait.ge [sflag:s28], $0x80  }
0x77: {  	[sflag:s28] =	ssyncset.done $0x0  }
0x78: {  	[sflag:s28] =	ssyncadd.s32 $0xFFFFFF80  }
0x79: {  	_ =	swait.ge [sflag:s29], $0x80  }
0x7a: {  	[sflag:s29] =	ssyncset.done $0x0  }
0x7b: {  	[sflag:s29] =	ssyncadd.s32 $0xFFFFFF80  }
0x7c: {  	_ =	swait.ge [sflag:s29], $0x80  }
0x7d: {  	[sflag:s29] =	ssyncset.done $0x0  }
0x7e: {  	[sflag:s29] =	ssyncadd.s32 $0xFFFFFF80  }
0x7f: {  	[tilespmem:s30], [sflag:$0x2] =	stream.indirect.gather [hbm4b:s5+s22], $0x80, s22, s22, $0xb8;
	[tilespmem:$0x1C580] =	vst v63  }
0x80: {  	_ = 	snop  }
0x81: {  	[tilespmem:s31], [sflag:$0x4] =	stream.indirect.gather [hbm4b:s6+s22], $0x1, s22, s22, $0xb8;
	[tilespmem:$0x1C580] =	vst v63  }
0x82: {  	_ = 	snop  }
0x83: {  	[spmem:s2] =	stream.indirect.scatter.add.f32 [tilespmem:s23], [sflag:$0x7], $0x80, s0, s22, $0xb8;
	[tilespmem:$0x1C580] =	vst v63  }
0x84: {  	_ =	swait.ge [sflag:s19], $0x4000  }
0x85: {  	[sflag:s19] =	ssyncset.done $0x0  }
0x86: {  	[sflag:s19] =	ssyncadd.s32 $0xFFFFC000  }
0x87: {  	[spmem:s3] =	stream.indirect.scatter.add.f32 [tilespmem:s24], [sflag:$0x7], $0x1, s0, s22, $0xb8;
	[tilespmem:$0x1C580] =	vst v63  }
0x88: {  	_ =	swait.ge [sflag:s19], $0x80  }
0x89: {  	p1 =	sgt.u32 s10, $0x26;
	s10 =	smov.u32 s14;
	[sflag:s19] =	ssyncset.done $0x0  }
0x8a: {  	s14 =	simm.s32 @p1 $0x2;
	s15 =	sand.u32 @!p1 $0x7C00, s12;
	[sflag:s19] =	ssyncadd.s32 $0xFFFFFF80  }
0x8b: {  	s16 =	sand.u32 @!p1 $0x300, s12;
	s15 =	sadd.s32 @!p1 s9, s15;
	_ =	swait.ge @p1 [sflag:s14], $0x4000  }
0x8c: {  	s15 =	sor.u32 @!p1 s16, s15;
	[sflag:s14] =	ssyncset.done @p1 $0x0  }
0x8d: {  	s15 =	sshrl.u32 @!p1 s15, $0x3;
	[sflag:s14] =	ssyncadd.s32 @p1 $0xFFFFC000;
	s14 =	simm.s32 @p1 $0x4  }
0x8e: {  	s16 =	sadd.s32 @!p1 s7, s15;
	s15 =	sadd.s32 @!p1 s8, s15;
	_ =	swait.ge @p1 [sflag:s14], $0x80  }
0x8f: {  	[sflag:s14] =	ssyncset.done @p1 $0x0  }
0x90: {  	[sflag:s14] =	ssyncadd.s32 @p1 $0xFFFFFF80;
	s14 =	simm.s32 @!p1 $0x0  }
0x91: {  	[tilespmem:s14], [sflag:$0x5] =	stream.linear.gather @!p1 [hbm4b:s16+s14], $0x80, $0x38;
	[tilespmem:$0x1C580] =	vst v63  }
0x92: {  	s17 =	simm.s32 @!p1 $0x2;
	s16 =	simm.s32 @!p1 $0x100  }
0x93: {  	[tilespmem:s16], [sflag:$0x5] =	stream.linear.gather @!p1 [hbm4b:s15+s14], $0x80, $0x38;
	[tilespmem:$0x1C580] =	vst v63  }
0x94: {  	_ =	swait.ge @!p1 [sflag:s17], $0x4000  }
0x95: {  	[sflag:s17] =	ssyncset.done @!p1 $0x0  }
0x96: {  	s15 =	simm.s32 @!p1 $0x4;
	[sflag:s17] =	ssyncadd.s32 @!p1 $0xFFFFC000  }
0x97: {  	_ =	swait.ge @!p1 [sflag:s15], $0x80  }
0x98: {  	[sflag:s15] =	ssyncset.done @!p1 $0x0  }
0x99: {  	[sflag:s15] =	ssyncadd.s32 @!p1 $0xFFFFFF80;
	s15 =	simm.s32 @!p1 $0x5  }
0x9a: {  	_ =	swait.ge @!p1 [sflag:s15], $0x80  }
0x9b: {  	[sflag:s15] =	ssyncset.done @!p1 $0x0  }
0x9c: {  	[sflag:s15] =	ssyncadd.s32 @!p1 $0xFFFFFF80  }
0x9d: {  	_ =	swait.ge @!p1 [sflag:s15], $0x80  }
0x9e: {  	s12 =	sadd.s32 $0x100, s12;
	[sflag:s15] =	ssyncset.done @!p1 $0x0  }
0x9f: {  	s16 =	simm.s32 @!p1 $0x200;
	[sflag:s15] =	ssyncadd.s32 @!p1 $0xFFFFFF80;
	s15 =	simm.s32 @!p1 $0x80  }
0xa0: {  	[tilespmem:s16], [sflag:$0x1] =	stream.indirect.gather @!p1 [hbm4b:s5+s15], $0x80, s14, s15, $0xb8;
	[tilespmem:$0x1C580] =	vst v63  }
0xa1: {  	s17 =	simm.s32 @!p1 $0x8200;
	s16 =	sadd.s32 $0xFFFFFF00, s12  }
0xa2: {  	[tilespmem:s17], [sflag:$0x3] =	stream.indirect.gather @!p1 [hbm4b:s6+s15], $0x1, s14, s15, $0xb8;
	[tilespmem:$0x1C580] =	vst v63  }
.Ltmp0:
0xa3: {  	_ = 	snop;
	(pc) =	sbr.rel @p0 .LBB2_2-.Ltmp0, $4  }
0xa4: {  	s14 =	sand.u32 $0x3C00, s16  }
0xa5: {  	[spmem:s2] =	stream.indirect.scatter.add.f32 [tilespmem:s30], [sflag:$0x7], $0x80, s25, s22, $0xb8;
	[tilespmem:$0x1C580] =	vst v63  }
0xa6: {  	s15 =	sand.u32 $0x300, s16;
	s14 =	sadd.s32 s9, s14;
	_ =	swait.ge [sflag:s19], $0x4000  }
0xa7: {  	s15 =	sor.u32 s14, s15;
	[sflag:s19] =	ssyncset.done $0x0  }
0xa8: {  	[sflag:s19] =	ssyncadd.s32 $0xFFFFC000  }
0xa9: {  	[spmem:s3] =	stream.indirect.scatter.add.f32 [tilespmem:s31], [sflag:$0x7], $0x1, s25, s22, $0xb8;
	[tilespmem:$0x1C580] =	vst v63  }
0xaa: {  	s13 =	sor.u32 $0x80, s15;
	_ =	swait.ge [sflag:s19], $0x80  }
0xab: {  	s13 =	sshrl.u32 s13, $0x3;
	[sflag:s19] =	ssyncset.done $0x0  }
0xac: {  	s14 =	sadd.s32 s7, s13;
	[sflag:s19] =	ssyncadd.s32 $0xFFFFFF80  }
0xad: {  	[tilespmem:s22], [sflag:$0x6] =	stream.linear.gather [hbm4b:s14+s4], $0x80, $0x38;
	[tilespmem:$0x1C580] =	vst v63  }
0xae: {  	s13 =	sadd.s32 s8, s13  }
0xaf: {  	[tilespmem:s25], [sflag:$0x6] =	stream.linear.gather [hbm4b:s13+s4], $0x80, $0x38;
	[tilespmem:$0x1C580] =	vst v63  }
0xb0: {  	_ =	swait.ge [sflag:s26], $0x4000  }
0xb1: {  	[sflag:s26] =	ssyncset.done $0x0  }
0xb2: {  	[sflag:s26] =	ssyncadd.s32 $0xFFFFC000  }
0xb3: {  	_ =	swait.ge [sflag:s28], $0x80  }
0xb4: {  	[sflag:s28] =	ssyncset.done $0x0  }
0xb5: {  	[sflag:s28] =	ssyncadd.s32 $0xFFFFFF80  }
0xb6: {  	_ =	swait.ge [sflag:s29], $0x80  }
0xb7: {  	[sflag:s29] =	ssyncset.done $0x0  }
0xb8: {  	[sflag:s29] =	ssyncadd.s32 $0xFFFFFF80  }
0xb9: {  	_ =	swait.ge [sflag:s29], $0x80  }
0xba: {  	[sflag:s29] =	ssyncset.done $0x0  }
0xbb: {  	[sflag:s29] =	ssyncadd.s32 $0xFFFFFF80  }
0xbc: {  	[tilespmem:s30], [sflag:$0x2] =	stream.indirect.gather [hbm4b:s5+s22], $0x80, s22, s22, $0xb8;
	[tilespmem:$0x1C580] =	vst v63  }
0xbd: {  	_ = 	snop  }
0xbe: {  	[tilespmem:s31], [sflag:$0x4] =	stream.indirect.gather [hbm4b:s6+s22], $0x1, s22, s22, $0xb8;
	[tilespmem:$0x1C580] =	vst v63  }
0xbf: {  	_ = 	snop  }
0xc0: {  	[spmem:s2] =	stream.indirect.scatter.add.f32 [tilespmem:s23], [sflag:$0x7], $0x80, s0, s22, $0xb8;
	[tilespmem:$0x1C580] =	vst v63  }
0xc1: {  	_ =	swait.ge [sflag:s19], $0x4000  }
0xc2: {  	[sflag:s19] =	ssyncset.done $0x0  }
0xc3: {  	[sflag:s19] =	ssyncadd.s32 $0xFFFFC000  }
0xc4: {  	[spmem:s3] =	stream.indirect.scatter.add.f32 [tilespmem:s24], [sflag:$0x7], $0x1, s0, s22, $0xb8;
	[tilespmem:$0x1C580] =	vst v63  }
0xc5: {  	_ =	swait.ge [sflag:s19], $0x80  }
0xc6: {  	p0 =	sgt.u32 s10, $0x26;
	[sflag:s19] =	ssyncset.done $0x0  }
0xc7: {  	s10 =	simm.s32 @p0 $0x2;
	[sflag:s19] =	ssyncadd.s32 $0xFFFFFF80  }
0xc8: {  	_ =	swait.ge @p0 [sflag:s10], $0x4000  }
0xc9: {  	s13 =	sand.u32 @!p0 $0x7C00, s12;
	s12 =	sand.u32 @!p0 $0x300, s12;
	[sflag:s10] =	ssyncset.done @p0 $0x0  }
0xca: {  	s13 =	sadd.s32 @!p0 s9, s13;
	[sflag:s10] =	ssyncadd.s32 @p0 $0xFFFFC000;
	s10 =	simm.s32 @p0 $0x4  }
0xcb: {  	s12 =	sor.u32 @!p0 s12, s13;
	_ =	swait.ge @p0 [sflag:s10], $0x80  }
0xcc: {  	s12 =	sshrl.u32 @!p0 s12, $0x3;
	[sflag:s10] =	ssyncset.done @p0 $0x0  }
0xcd: {  	s13 =	sadd.s32 @!p0 s7, s12;
	[sflag:s10] =	ssyncadd.s32 @p0 $0xFFFFFF80;
	s10 =	simm.s32 @!p0 $0x0  }
0xce: {  	[tilespmem:s10], [sflag:$0x5] =	stream.linear.gather @!p0 [hbm4b:s13+s10], $0x80, $0x38;
	[tilespmem:$0x1C580] =	vst v63  }
0xcf: {  	s12 =	sadd.s32 @!p0 s8, s12;
	s13 =	simm.s32 @!p0 $0x100  }
0xd0: {  	[tilespmem:s13], [sflag:$0x5] =	stream.linear.gather @!p0 [hbm4b:s12+s10], $0x80, $0x38;
	[tilespmem:$0x1C580] =	vst v63  }
0xd1: {  	s12 =	simm.s32 @!p0 $0x2  }
0xd2: {  	_ =	swait.ge @!p0 [sflag:s12], $0x4000  }
0xd3: {  	[sflag:s12] =	ssyncset.done @!p0 $0x0  }
0xd4: {  	[sflag:s12] =	ssyncadd.s32 @!p0 $0xFFFFC000;
	s12 =	simm.s32 @!p0 $0x4  }
0xd5: {  	_ =	swait.ge @!p0 [sflag:s12], $0x80  }
0xd6: {  	[sflag:s12] =	ssyncset.done @!p0 $0x0  }
0xd7: {  	[sflag:s12] =	ssyncadd.s32 @!p0 $0xFFFFFF80;
	s12 =	simm.s32 @!p0 $0x5  }
0xd8: {  	_ =	swait.ge @!p0 [sflag:s12], $0x80  }
0xd9: {  	[sflag:s12] =	ssyncset.done @!p0 $0x0  }
0xda: {  	[sflag:s12] =	ssyncadd.s32 @!p0 $0xFFFFFF80  }
0xdb: {  	_ =	swait.ge @!p0 [sflag:s12], $0x80  }
0xdc: {  	[sflag:s12] =	ssyncset.done @!p0 $0x0  }
0xdd: {  	s13 =	simm.s32 @!p0 $0x200;
	[sflag:s12] =	ssyncadd.s32 @!p0 $0xFFFFFF80;
	s12 =	simm.s32 @!p0 $0x80  }
0xde: {  	[tilespmem:s13], [sflag:$0x1] =	stream.indirect.gather @!p0 [hbm4b:s5+s12], $0x80, s10, s12, $0xb8;
	[tilespmem:$0x1C580] =	vst v63  }
0xdf: {  	s13 =	simm.s32 @!p0 $0x8200  }
0xe0: {  	[tilespmem:s13], [sflag:$0x3] =	stream.indirect.gather @!p0 [hbm4b:s6+s12], $0x1, s10, s12, $0xb8;
	[tilespmem:$0x1C580] =	vst v63  }
0xe1: {  	_ = 	snop  }
0xe2: {  	[spmem:s2] =	stream.indirect.scatter.add.f32 [tilespmem:s30], [sflag:$0x7], $0x80, s25, s22, $0xb8;
	[tilespmem:$0x1C580] =	vst v63  }
0xe3: {  	_ =	swait.ge [sflag:s19], $0x4000  }
0xe4: {  	[sflag:s19] =	ssyncset.done $0x0  }
0xe5: {  	[sflag:s19] =	ssyncadd.s32 $0xFFFFC000  }
0xe6: {  	[spmem:s3] =	stream.indirect.scatter.add.f32 [tilespmem:s31], [sflag:$0x7], $0x1, s25, s22, $0xb8;
	[tilespmem:$0x1C580] =	vst v63  }
0xe7: {  	_ =	swait.ge [sflag:s19], $0x80  }
0xe8: {  	[sflag:s19] =	ssyncset.done $0x0  }
0xe9: {  	[sflag:s19] =	ssyncadd.s32 $0xFFFFFF80  }
0xea: {  	[bflag:$0x0] =	sbarrier.arrive $0xFFFF  }
0xeb: {  	s13 =	rddreg [dreg:$0x9]  }
0xec: {  	[hbm:s13], [sflag:s11] =	dma.local [spmem:s18], $0x2800  }
0xed: {  	_ =	swait.ge [sflag:s19], $0x2800  }
0xee: {  	s15 =	simm.s32 $0x20;
	[sflag:s19] =	ssyncset.done $0x0  }
0xef: {  	s16 =	simm.s32 $0x10;
	s14 =	rddreg [dreg:$0xa];
	[sflag:s19] =	ssyncadd.s32 $0xFFFFD800  }
0xf0: {  	[hbm:s14@s15], [sflag:s11] =	dma.strided [spmem:s20@s16], $0x50, s26, $0x10   }
0xf1: {  	_ =	swait.ge [sflag:s19], $0x50  }
0xf2: {  	s1 =	sadd.s32 $0x1, s1;
	s17 =	rddreg [dreg:$0xb]  }
0xf3: {  	p0 =	sne.s32 s1, s17  }
.Ltmp1:
0xf4: {  	_ = 	snop;
	(pc) =	sbr.rel @p0 .LBB2_1-.Ltmp1, $3  }
0xf5: {  	_ =	sdelay $0x1  }
0xf6: {  	[sflag:s19] =	ssyncset.done $0x0  }
0xf7: {  	[sflag:s19] =	ssyncadd.s32 $0xFFFFFFB0  }
0xf8: {  	_ =	sfence.sel $0x180000  }
0xf9: {  	[bflag:$0x0] =	sbarrier.arrive $0xFFFF  }
0xfa: {  	_ =	strace $0x90000047  }
0xfb: {  	s0 =	stileid.u32;
	[bflag:$0x2] =	sbarrier.arrive $0xFFFF  }
0xfc: {  	p0 =	sne.s32 s0, $0x0;
	s0 =	rddreg [dreg:$0x4]  }
0xfd: {  	s0 =	sadd.s32 @!p0 $0x100000, s0  }
0xfe: {  	[sflag:s0] =	ssyncadd.tile.s32 @!p0 $0x1;
	_ =	shalt  }
.Lfunc_end2:
_tile_overlayer_lowered:
.L_overlay_start_2:
0xff: {  	(tag) =	ssettag $0x2  }
0x100: {  	s0 =	rddreg [dreg:$0x0];
	s2 =	stileid.u32  }
0x101: {  	s1 =	rddreg [dreg:$0x1];
	p0 =	sne.s32 s2, $0x0  }
0x102: {  	s3 =	rddreg [dreg:$0x2];
	[bflag:$0x3] =	sbarrier.arrive $0xFFFF;
	s2 =	simm.s32 @!p0 $0x1C07  }
0x103: {  	[timem:s3], [sflag:s2] =	dma.local @!p0 [hbm:s0], s1  }
0x104: {  	s0 =	simm.s32 @!p0 $0x7  }
0x105: {  	_ =	swait.ge @!p0 [sflag:s0], s1  }
0x106: {  	s1 =	ssub.s32 @!p0 $0x0, s1;
	[sflag:s0] =	ssyncset.done @!p0 $0x0  }
0x107: {  	[sflag:s0] =	ssyncadd.s32 @!p0 s1  }
0x108: {  	[bflag:$0x3] =	sbarrier.arrive $0xFFFF  }
0x109: {  	_ =	shalt  }

// kernel: kernel.15.cloned.1.call-start
scs
__scs_entry_jumppad:
0x0: {  	(pc) =	sbr.rel $0x88, $3  }
0x1: {  	(tag) =	ssettag $0x0;
	lr =	simm.s32 $0x1  }
0x2: {  	[smem:$0x3F8C] =	sst lr;
	_ =	strace $0xD0000000  }
0x3: {  	_ = 	snop  }
0x4: {  	_ = 	snop  }
0x5: {  	_ = 	snop  }
0x6: {  	_ = 	snop  }
0x7: {  	_ = 	snop  }
__scs_overlays_trampoline_lowered:
0x8: {  	[smem:$0x3F9B] =	sst s0  }
0x9: {  	[smem:$0x3F9C] =	sst s1  }
0xa: {  	[smem:$0x3F9D] =	sst s2  }
0xb: {  	[smem:$0x3F9E] =	sst s3  }
0xc: {  	[smem:$0x3F9F] =	sst s4  }
0xd: {  	[smem:$0x3FA0] =	sst s5  }
0xe: {  	[smem:$0x3FA1] =	sst s6  }
0xf: {  	[smem:$0x3FA2] =	sst s7  }
0x10: {  	[smem:$0x3FA3] =	sst s8  }
0x11: {  	[smem:$0x3FA4] =	sst s9;
	s0 =	simm.s32 @!p0 $0x0  }
0x12: {  	s1 =	sld [smem:$0x3F8A];
	s0 =	simm.s32 @p0 $0x1  }
0x13: {  	[smem:$0x3FA5] =	sst s0;
	s0 =	simm.s32 @!p1 $0x0  }
0x14: {  	s2 =	sld [smem:$0x3F89];
	s0 =	simm.s32 @p1 $0x1  }
0x15: {  	[smem:$0x3FA6] =	sst s0;
	s0 =	simm.s32 @!p2 $0x0  }
0x16: {  	s3 =	sld [smem:$0x3FDB];
	s0 =	simm.s32 @p2 $0x1  }
0x17: {  	s4 =	simm.s32 $0x1BF5;
	[smem:$0x3FA8] =	sst s0  }
0x18: {  	s0 =	sld [smem:$0x3F8B];
	_ =	swait.ge [sflag:s4], $0x0  }
0x19: {  	s7 =	sld [smem:$0x3F8C]  }
0x1a: {  	s8 =	sadd.s32 $0xFFFFE003, lr  }
0x1b: {  	s9 =	sadd.s32 $0xFFFFFEF7, lr;
	s5 =	simm.s32 $0xFFFFFFFF;
	p2 =	slt.u32 s8, $0xFFFFF086  }
0x1c: {  	p1 =	slt.u32 s9, $0xF7A;
	s5 =	simm.s32 @!p2 $0x0  }
0x1d: {  	s5 =	simm.s32 @p1 $0x1;
	p0 =	seq.s32 s7, s2  }
0x1e: {  	s7 =	smul.u32 @!p0 $0xF7A, s2;
	p2 =	seq.s32 @!p0 s5, $0x0  }
0x1f: {  	s9 =	smul.u32 $0xF7A, s1;
	s8 =	simm.s32 @!p0 $0x1BF5;
	p2 =	por !p2, p0  }
0x20: {  	[sflag:s8] =	ssyncset.s32 @!p0 $0xFFFFF086;
	s6 =	sadd.s32 @!p0 s3, s7;
	s7 =	simm.s32 @!p0 $0x108  }
0x21: {  	s3 =	sadd.s32 s3, s9;
	s6 =	sadd.s32 @!p0 $0x88, s6;
	s7 =	simm.s32 @p2 $0x1082  }
0x22: {  	[simem:s7], [sflag:s8] =	dma.local @!p0 [hbm:s6], $0xF7A  }
0x23: {  	s9 =	sor.u32 $0xD0000000, s2;
	s6 =	simm.s32 $0x108;
	_ =	swait.ge @!p0 [sflag:s8], $0x0  }
0x24: {  	s3 =	sadd.s32 $0x88, s3;
	s6 =	simm.s32 @!p1 $0x1082;
	[sflag:s4] =	ssyncset.s32 $0xFFFFF086  }
0x25: {  	[simem:s6], [sflag:s4] =	dma.local [hbm:s3], $0xF7A  }
0x26: {  	[smem:$0x3F8C] =	sst s1;
	(tag) =	ssettag s2;
	_ =	strace s9  }
0x27: {  	s1 =	sld [smem:$0x3F9C]  }
0x28: {  	s2 =	sld [smem:$0x3F9D]  }
0x29: {  	s4 =	sld [smem:$0x3F9F]  }
0x2a: {  	p0 =	seq.s32 s5, $0x0;
	s5 =	sld [smem:$0x3FA0]  }
0x2b: {  	s6 =	sld [smem:$0x3FA1]  }
0x2c: {  	s7 =	sld [smem:$0x3FA2]  }
0x2d: {  	s3 =	simm.s32 $0x108;
	s8 =	sld [smem:$0x3FA3]  }
0x2e: {  	s3 =	simm.s32 @!p0 $0x1082;
	s9 =	sld [smem:$0x3FA4]  }
0x2f: {  	lr =	sadd.s32 s0, s3;
	s0 =	sld [smem:$0x3F9B]  }
0x30: {  	s3 =	sld [smem:$0x3F9E]  }
0x31: {  	[smem:$0x3FA7] =	sst s10  }
0x32: {  	s10 =	sld [smem:$0x3FA5];
	_ =	sdelay $0x3  }
0x33: {  	p0 =	seq.s32 s10, $0x1;
	s10 =	sld [smem:$0x3FA7];
	_ =	sdelay $0x3  }
0x34: {  	[smem:$0x3FA7] =	sst s10  }
0x35: {  	s10 =	sld [smem:$0x3FA6];
	_ =	sdelay $0x3  }
0x36: {  	p1 =	seq.s32 s10, $0x1;
	s10 =	sld [smem:$0x3FA7];
	_ =	sdelay $0x3  }
0x37: {  	[smem:$0x3FA7] =	sst s10  }
0x38: {  	s10 =	sld [smem:$0x3FA8]  }
0x39: {  	_ = 	snop;
	(pc) =	sbr.ind lr, $3  }
0x3a: {  	_ = 	snop  }
0x3b: {  	_ = 	snop  }
0x3c: {  	p2 =	seq.s32 s10, $0x1;
	s10 =	sld [smem:$0x3FA7]  }
0x3d: {  	_ =	shalt  }
0x3e: {  	_ =	shalt  }
0x3f: {  	_ =	shalt  }
0x40: {  	_ =	shalt  }
0x41: {  	_ =	shalt  }
0x42: {  	_ =	shalt  }
0x43: {  	_ =	shalt  }
0x44: {  	_ =	shalt  }
0x45: {  	_ =	shalt  }
0x46: {  	_ =	shalt  }
0x47: {  	_ =	shalt  }
0x48: {  	_ =	shalt  }
0x49: {  	_ =	shalt  }
0x4a: {  	_ =	shalt  }
0x4b: {  	_ =	shalt  }
0x4c: {  	_ =	shalt  }
0x4d: {  	_ =	shalt  }
0x4e: {  	_ =	shalt  }
0x4f: {  	_ =	shalt  }
0x50: {  	_ =	shalt  }
0x51: {  	_ =	shalt  }
0x52: {  	_ =	shalt  }
0x53: {  	_ =	shalt  }
0x54: {  	_ =	shalt  }
0x55: {  	_ =	shalt  }
0x56: {  	_ =	shalt  }
0x57: {  	_ =	shalt  }
0x58: {  	_ =	shalt  }
0x59: {  	_ =	shalt  }
0x5a: {  	_ =	shalt  }
0x5b: {  	_ =	shalt  }
0x5c: {  	_ =	shalt  }
0x5d: {  	_ =	shalt  }
0x5e: {  	_ =	shalt  }
0x5f: {  	_ =	shalt  }
0x60: {  	_ =	shalt  }
0x61: {  	_ =	shalt  }
0x62: {  	_ =	shalt  }
0x63: {  	_ =	shalt  }
0x64: {  	_ =	shalt  }
0x65: {  	_ =	shalt  }
0x66: {  	_ =	shalt  }
0x67: {  	_ =	shalt  }
0x68: {  	_ =	shalt  }
0x69: {  	_ =	shalt  }
0x6a: {  	_ =	shalt  }
0x6b: {  	_ =	shalt  }
0x6c: {  	_ =	shalt  }
0x6d: {  	_ =	shalt  }
0x6e: {  	_ =	shalt  }
0x6f: {  	_ =	shalt  }
0x70: {  	_ =	shalt  }
0x71: {  	_ =	shalt  }
0x72: {  	_ =	shalt  }
0x73: {  	_ =	shalt  }
0x74: {  	_ =	shalt  }
0x75: {  	_ =	shalt  }
0x76: {  	_ =	shalt  }
0x77: {  	_ =	shalt  }
0x78: {  	_ =	shalt  }
0x79: {  	_ =	shalt  }
0x7a: {  	_ =	shalt  }
0x7b: {  	_ =	shalt  }
0x7c: {  	_ =	shalt  }
0x7d: {  	_ =	shalt  }
0x7e: {  	_ =	shalt  }
0x7f: {  	_ =	shalt  }
0x80: {  	_ =	shalt  }
0x81: {  	_ =	shalt  }
0x82: {  	_ =	shalt  }
0x83: {  	_ =	shalt  }
0x84: {  	_ =	shalt  }
0x85: {  	_ =	shalt  }
0x86: {  	_ =	shalt  }
0x87: {  	_ =	shalt  }
.Lfunc_end0:
.L_simem_size_0:
called_computation.1_lowered:
.L_overlay_start_0:
0x88: {  	s2 =	sld [smem:$0x3FD9]  }
0x89: {  	s3 =	sld [smem:$0x3FFE];
	_ =	sdelay $0x1  }
0x8a: {  	s1 =	srdreg.scid  }
0x8b: {  	s0 =	sand.u32 $0x1, s1  }
0x8c: {  	s17 =	sshll.u32 s0, $0xA;
	s2 =	sadd.s32 s3, s2  }
0x8d: {  	s2 =	sadd.s32 s2, s17  }
0x8e: {  	[smem:$0x3FB3] =	sst s2  }
0x8f: {  	_ = 	snop  }
0x90: {  	s2 =	sld [smem:$0x3FD0];
	(tm) =	ssettm $0x1  }
0x91: {  	s18 =	sld [smem:$0x3FFB];
	_ =	sdelay $0x3  }
0x92: {  	_ =	strace s18  }
0x93: {  	s3 =	sld [smem:$0x3FFC];
	_ =	sdelay $0x3  }
0x94: {  	_ =	strace s3  }
0x95: {  	s3 =	sld [smem:$0x3FFD];
	_ =	sdelay $0x3  }
0x96: {  	_ =	strace s3  }
0x97: {  	_ =	strace $0x8FFFFFFF  }
0x98: {  	s19 =	sld [smem:$0x3FDB];
	_ =	sdelay $0x1  }
0x99: {  	s4 =	simm.s32 $_scs_section_size  }
0x9a: {  	s5 =	simm.s32 $_size__tile_overlayer_lowered;
	s6 =	simm.s32 $_tile_overlayer_lowered  }
0x9b: {  	s22 =	simm.s32 $0x1BFF;
	s21 =	sshll.u32 s6, $0x1;
	s3 =	sadd.s32 s4, s19  }
0x9c: {  	s7 =	simm.s32 $0x0;
	s20 =	sshll.u32 s5, $0x1;
	s5 =	sadd.s32 s21, s3  }
0x9d: {  	[timem:s7], [sflag:s22] =	dma.local [hbm:s5], s20  }
0x9e: {  	_ =	swait.ge [sflag:s22], s20  }
0x9f: {  	s4 =	ssub.s32 $0x0, s20;
	[sflag:s22] =	ssyncset.done $0x0  }
0xa0: {  	[sflag:s22] =	ssyncadd.s32 s4;
	_ =	sdelay $0x1  }
0xa1: {  	s23 =	simm.s32 $0x1B8B  }
0xa2: {  	_ =	swait.ge [sflag:s23], $0x1  }
0xa3: {  	[sflag:s23] =	ssyncset.done $0x0  }
0xa4: {  	s25 =	simm.s32 $0x1B8E;
	s24 =	sld [smem:$0x3FFE];
	[sflag:s23] =	ssyncadd.s32 $0xFFFFFFFF  }
0xa5: {  	s26 =	simm.s32 $execute0_lowered;
	[smem:$0x3FD2] =	sst s25  }
0xa6: {  	s5 =	sshll.u32 s26, $0x1;
	_ =	strace $0x80000049;
	[dreg:$0x1] =	wrdreg $0xFFFFFFFF  }
0xa7: {  	s28 =	simm.s32 $_size_execute0_lowered;
	s3 =	sadd.s32 s3, s5;
	[dreg:$0x0] =	wrdreg $0x0  }
0xa8: {  	s5 =	sshll.u32 s28, $0x1;
	[dreg:$0x2] =	wrdreg s3  }
0xa9: {  	[dreg:$0x3] =	wrdreg s5  }
0xaa: {  	[dreg:$0x4] =	wrdreg $0xC0  }
0xab: {  	_ =	task [dreg:s7], $0x5FFFF  }
0xac: {  	[dreg:$0x1] =	wrdreg $0xFFFFFFFF  }
0xad: {  	[dreg:$0x0] =	wrdreg $0x60  }
0xae: {  	[dreg:$0x2] =	wrdreg s24  }
0xaf: {  	[dreg:$0x3] =	wrdreg s2  }
0xb0: {  	[dreg:$0x4] =	wrdreg $0x83000  }
0xb1: {  	[dreg:$0x5] =	wrdreg $0x1C3000  }
0xb2: {  	[dreg:$0x6] =	wrdreg $0x9  }
0xb3: {  	_ =	task.clear_ibuf [dreg:s7], $0x7FFFF;
	_ =	strace $0x90000049  }
0xb4: {  	s29 =	simm.s32 $0x9;
	_ =	strace $0x8000004B  }
0xb5: {  	_ =	swait.ge [sflag:s29], $0x1  }
0xb6: {  	[sflag:s29] =	ssyncadd.s32 $0xFFFFFFFF  }
0xb7: {  	_ =	strace $0x9000004B  }
0xb8: {  	_ =	sfence  }
0xb9: {  	s30 =	sld [smem:$0x0];
	_ =	sdelay $0x2  }
0xba: {  	s31 =	sshll.u32 s1, $0xD;
	s1 =	sshrl.u32 s1, $0x2  }
0xbb: {  	s3 =	sand.u32 $0x4000, s31;
	s1 =	sadd.s32 s1, s30  }
0xbc: {  	s0 =	sor.u32 s3, s0;
	s1 =	sshll.u32 s1, $0x11  }
0xbd: {  	s0 =	sor.u32 s1, s0  }
0xbe: {  	s0 =	sadd.s32 $0x8F2B, s0  }
0xbf: {  	[sflag:s0] =	ssyncadd.remote.s32 $0x1  }
0xc0: {  	_ =	sfence.sel $0xFFFF  }
0xc1: {  	[dreg:$0x0] =	wrdreg $0xFFFFFFFF;
	(pc) =	sbr.abs _section_cstart, $3  }
0xc2: {  	[dreg:$0x1] =	wrdreg $0xFFFFFFFF  }
0xc3: {  	_ =	task.clear_ibuf [dreg:s7], $0x2FFFF;
	_ =	strace $0x9FFFFFFF  }
0xc4: {  	(tm) =	ssettm $0x7FFFFFFF  }
0xc5: {  	_ =	shalt  }
tec
execute0_lowered:
.L_overlay_start_1:
0x0: {  	(tag) =	ssettag $0x1  }
0x1: {  	s0 =	rddreg [dreg:$0x0]  }
0x2: {  	s1 =	rddreg [dreg:$0x1]  }
0x3: {  	s2 =	rddreg [dreg:$0x2]  }
0x4: {  	s3 =	rddreg [dreg:$0x3]  }
0x5: {  	s17 =	stileid.u32;
	s4 =	simm.s32 $0x0;
	s5 =	srdreg.scid  }
0x6: {  	s28 =	simm.s32 $0x3;
	s29 =	simm.s32 $0x6;
	s30 =	simm.s32 $0x4200  }
0x7: {  	s31 =	simm.s32 $0x8280;
	s9 =	smul.u32 $0x14000, s17;
	[smem:$0x7FF] =	sst s4  }
0x8: {  	s10 =	smul.u32 $0x280, s17;
	s12 =	sand.u32 $0x1, s5;
	s5 =	sadd.s32 $0x3A00, s0  }
0x9: {  	s6 =	sadd.s32 $0x2BA00, s0;
	s7 =	sadd.s32 $0x36000, s0;
	s8 =	sadd.s32 $0x2C000, s0  }
0xa: {  	s16 =	smul.u32 $0x50000, s17;
	s21 =	sshll.u32 s17, $0x6;
	_ =	strace $0x8000004A  }
0xb: {  	s11 =	smul.u32 $0x140000, s12;
	s18 =	ssub.s32 $0x2, s12;
	s15 =	sshll.u32 s12, $0x4  }
0xc: {  	s12 =	sshll.u32 s12, $0x7;
	s13 =	sshrl.u32 s9, $0x3;
	s14 =	sshrl.u32 s10, $0x3  }
0xd: {  	s19 =	sshrl.u32 s18, $0x1;
	s15 =	sor.u32 s17, s15;
	s16 =	sshrl.u32 s16, $0x2  }
0xe: {  	s17 =	smul.u32 $0x500, s17;
	s10 =	sadd.s32 s10, s3;
	s9 =	sadd.s32 s9, s11  }
0xf: {  	s25 =	sadd.s32 s13, s0;
	s26 =	sadd.s32 s14, s0;
	s14 =	ssub.s32 s18, s19  }
0x10: {  	s20 =	sadd.s32 s16, s2;
	s19 =	simm.s32 $0x7;
	s9 =	sshrl.u32 s9, $0x3  }
0x11: {  	s11 =	sadd.s32 $0x40000, s25;
	s12 =	sor.u32 s12, s17;
	s13 =	sadd.s32 $0x68000, s26  }
0x12: {  	s26 =	smax.u32 s14, $0x1;
	s18 =	sshrl.u32 s20, $0x3;
	s20 =	sshrl.u32 s10, $0x3  }
0x13: {  	s0 =	sadd.s32 s9, s0;
	s9 =	smul.u32 $0x2800, s15;
	[dreg:$0x5] =	wrdreg s11  }
0x14: {  	s11 =	sor.u32 $0x1C07, s21;
	[dreg:$0x6] =	wrdreg s13;
	s12 =	sshrl.u32 s12, $0x3  }
0x15: {  	[dreg:$0xb] =	wrdreg s26;
	s21 =	simm.s32 $0x5;
	s0 =	sadd.s32 $0x90600, s0  }
0x16: {  	s26 =	simm.s32 $0x1;
	s25 =	sadd.s32 s1, s12;
	[dreg:$0x9] =	wrdreg s0  }
0x17: {  	s1 =	simm.s32 $0x0;
	s22 =	sshrl.u32 s9, $0x3;
	[dreg:$0xa] =	wrdreg s25  }
0x18: {  	s25 =	simm.s32 $0x180;
	s0 =	simm.s32 $0x100;
	s23 =	sadd.s32 s7, s22  }
0x19: {  	s24 =	sadd.s32 s8, s22;
	s22 =	simm.s32 $0x80;
	[dreg:$0x7] =	wrdreg s23  }
0x1a: {  	[dreg:$0x8] =	wrdreg s24;
	s23 =	simm.s32 $0x200;
	s24 =	simm.s32 $0x8200  }
.LBB2_1:
0x1b: {  	s10 =	rddreg [dreg:$0x5]  }
0x1c: {  	[spmem:s18], [sflag:s11] =	dma.local [hbm:s10], $0x2800  }
0x1d: {  	_ =	swait.ge [sflag:s19], $0x2800  }
0x1e: {  	[sflag:s19] =	ssyncset.done $0x0  }
0x1f: {  	s17 =	rddreg [dreg:$0x6];
	[sflag:s19] =	ssyncadd.s32 $0xFFFFD800  }
0x20: {  	[spmem:s20], [sflag:s11] =	dma.local [hbm:s17], $0x50  }
0x21: {  	_ =	swait.ge [sflag:s19], $0x50  }
0x22: {  	[sflag:s19] =	ssyncset.done $0x0  }
0x23: {  	[sflag:s19] =	ssyncadd.s32 $0xFFFFFFB0  }
0x24: {  	[bflag:$0x0] =	sbarrier.arrive $0xFFFF  }
0x25: {  	s12 =	rddreg [dreg:$0x7]  }
0x26: {  	[tilespmem:s4], [sflag:$0x5] =	stream.linear.gather [hbm4b:s12+s4], $0x80, $0x38;
	[tilespmem:$0x1C580] =	vst v63  }
0x27: {  	s13 =	rddreg [dreg:$0x8]  }
0x28: {  	[tilespmem:s0], [sflag:$0x5] =	stream.linear.gather [hbm4b:s13+s4], $0x80, $0x38;
	[tilespmem:$0x1C580] =	vst v63  }
0x29: {  	_ =	swait.ge [sflag:s21], $0x80  }
0x2a: {  	s14 =	simm.s32 $0x0;
	[sflag:s21] =	ssyncset.done $0x0  }
0x2b: {  	s12 =	sand.u32 $0x3C00, s14;
	[sflag:s21] =	ssyncadd.s32 $0xFFFFFF80  }
0x2c: {  	s10 =	sand.u32 $0x300, s14;
	s12 =	sadd.s32 s9, s12;
	_ =	swait.ge [sflag:s21], $0x80  }
0x2d: {  	s10 =	sor.u32 s12, s10;
	[sflag:s21] =	ssyncset.done $0x0  }
0x2e: {  	s10 =	sor.u32 $0x80, s10;
	[sflag:s21] =	ssyncadd.s32 $0xFFFFFF80  }
0x2f: {  	[tilespmem:s23], [sflag:$0x1] =	stream.indirect.gather [hbm4b:s5+s22], $0x80, s4, s22, $0xb8;
	[tilespmem:$0x1C580] =	vst v63  }
0x30: {  	s10 =	sshrl.u32 s10, $0x3  }
0x31: {  	[tilespmem:s24], [sflag:$0x3] =	stream.indirect.gather [hbm4b:s6+s22], $0x1, s4, s22, $0xb8;
	[tilespmem:$0x1C580] =	vst v63  }
0x32: {  	s15 =	sadd.s32 s7, s10  }
0x33: {  	[tilespmem:s22], [sflag:$0x6] =	stream.linear.gather [hbm4b:s15+s4], $0x80, $0x38;
	[tilespmem:$0x1C580] =	vst v63  }
0x34: {  	s10 =	sadd.s32 s8, s10  }
0x35: {  	[tilespmem:s25], [sflag:$0x6] =	stream.linear.gather [hbm4b:s10+s4], $0x80, $0x38;
	[tilespmem:$0x1C580] =	vst v63  }
0x36: {  	_ =	swait.ge [sflag:s26], $0x4000  }
0x37: {  	[sflag:s26] =	ssyncset.done $0x0  }
0x38: {  	[sflag:s26] =	ssyncadd.s32 $0xFFFFC000  }
0x39: {  	_ =	swait.ge [sflag:s28], $0x80  }
0x3a: {  	[sflag:s28] =	ssyncset.done $0x0  }
0x3b: {  	[sflag:s28] =	ssyncadd.s32 $0xFFFFFF80  }
0x3c: {  	_ =	swait.ge [sflag:s29], $0x80  }
0x3d: {  	[sflag:s29] =	ssyncset.done $0x0  }
0x3e: {  	[sflag:s29] =	ssyncadd.s32 $0xFFFFFF80  }
0x3f: {  	_ =	swait.ge [sflag:s29], $0x80  }
0x40: {  	[sflag:s29] =	ssyncset.done $0x0  }
0x41: {  	[sflag:s29] =	ssyncadd.s32 $0xFFFFFF80  }
0x42: {  	[tilespmem:s30], [sflag:$0x2] =	stream.indirect.gather [hbm4b:s5+s22], $0x80, s22, s22, $0xb8;
	[tilespmem:$0x1C580] =	vst v63  }
0x43: {  	_ = 	snop  }
0x44: {  	[tilespmem:s31], [sflag:$0x4] =	stream.indirect.gather [hbm4b:s6+s22], $0x1, s22, s22, $0xb8;
	[tilespmem:$0x1C580] =	vst v63  }
0x45: {  	_ = 	snop  }
0x46: {  	[spmem:s2] =	stream.indirect.scatter.add.f32 [tilespmem:s23], [sflag:$0x7], $0x80, s0, s22, $0xb8;
	[tilespmem:$0x1C580] =	vst v63  }
0x47: {  	_ =	swait.ge [sflag:s19], $0x4000  }
0x48: {  	[sflag:s19] =	ssyncset.done $0x0  }
0x49: {  	[sflag:s19] =	ssyncadd.s32 $0xFFFFC000  }
0x4a: {  	[spmem:s3] =	stream.indirect.scatter.add.f32 [tilespmem:s24], [sflag:$0x7], $0x1, s0, s22, $0xb8;
	[tilespmem:$0x1C580] =	vst v63  }
0x4b: {  	_ =	swait.ge [sflag:s19], $0x80  }
0x4c: {  	p0 =	por $0x0, $0x0;
	[sflag:s19] =	ssyncset.done $0x0  }
0x4d: {  	s10 =	simm.s32 @p0 $0x2;
	[sflag:s19] =	ssyncadd.s32 $0xFFFFFF80  }
0x4e: {  	_ =	swait.ge @p0 [sflag:s10], $0x4000  }
0x4f: {  	s12 =	sand.u32 @!p0 $0x7C00, s0;
	s13 =	sand.u32 @!p0 $0x300, s0;
	[sflag:s10] =	ssyncset.done @p0 $0x0  }
0x50: {  	s12 =	sadd.s32 @!p0 s9, s12;
	[sflag:s10] =	ssyncadd.s32 @p0 $0xFFFFC000;
	s10 =	simm.s32 @p0 $0x4  }
0x51: {  	s12 =	sor.u32 @!p0 s13, s12;
	_ =	swait.ge @p0 [sflag:s10], $0x80  }
0x52: {  	s12 =	sshrl.u32 @!p0 s12, $0x3;
	[sflag:s10] =	ssyncset.done @p0 $0x0  }
0x53: {  	s13 =	sadd.s32 @!p0 s7, s12;
	[sflag:s10] =	ssyncadd.s32 @p0 $0xFFFFFF80;
	s10 =	simm.s32 @!p0 $0x0  }
0x54: {  	[tilespmem:s10], [sflag:$0x5] =	stream.linear.gather @!p0 [hbm4b:s13+s10], $0x80, $0x38;
	[tilespmem:$0x1C580] =	vst v63  }
0x55: {  	s14 =	simm.s32 @!p0 $0x2;
	s12 =	sadd.s32 @!p0 s8, s12;
	s13 =	simm.s32 @!p0 $0x100  }
0x56: {  	[tilespmem:s13], [sflag:$0x5] =	stream.linear.gather @!p0 [hbm4b:s12+s10], $0x80, $0x38;
	[tilespmem:$0x1C580] =	vst v63  }
0x57: {  	_ =	swait.ge @!p0 [sflag:s14], $0x4000  }
0x58: {  	[sflag:s14] =	ssyncset.done @!p0 $0x0  }
0x59: {  	s12 =	simm.s32 @!p0 $0x4;
	[sflag:s14] =	ssyncadd.s32 @!p0 $0xFFFFC000  }
0x5a: {  	_ =	swait.ge @!p0 [sflag:s12], $0x80  }
0x5b: {  	[sflag:s12] =	ssyncset.done @!p0 $0x0  }
0x5c: {  	[sflag:s12] =	ssyncadd.s32 @!p0 $0xFFFFFF80;
	s12 =	simm.s32 @!p0 $0x5  }
0x5d: {  	_ =	swait.ge @!p0 [sflag:s12], $0x80  }
0x5e: {  	[sflag:s12] =	ssyncset.done @!p0 $0x0  }
0x5f: {  	[sflag:s12] =	ssyncadd.s32 @!p0 $0xFFFFFF80  }
0x60: {  	_ =	swait.ge @!p0 [sflag:s12], $0x80  }
0x61: {  	[sflag:s12] =	ssyncset.done @!p0 $0x0  }
0x62: {  	s13 =	simm.s32 @!p0 $0x200;
	[sflag:s12] =	ssyncadd.s32 @!p0 $0xFFFFFF80;
	s12 =	simm.s32 @!p0 $0x80  }
0x63: {  	[tilespmem:s13], [sflag:$0x1] =	stream.indirect.gather @!p0 [hbm4b:s5+s12], $0x80, s10, s12, $0xb8;
	[tilespmem:$0x1C580] =	vst v63  }
0x64: {  	s16 =	simm.s32 $0x100;
	s13 =	simm.s32 @!p0 $0x8200  }
0x65: {  	[tilespmem:s13], [sflag:$0x3] =	stream.indirect.gather @!p0 [hbm4b:s6+s12], $0x1, s10, s12, $0xb8;
	[tilespmem:$0x1C580] =	vst v63  }
0x66: {  	s17 =	sand.u32 $0x3C00, s16;
	s14 =	sand.u32 $0x300, s16;
	s10 =	simm.s32 $0x1  }
0x67: {  	[spmem:s2] =	stream.indirect.scatter.add.f32 [tilespmem:s30], [sflag:$0x7], $0x80, s25, s22, $0xb8;
	[tilespmem:$0x1C580] =	vst v63  }
0x68: {  	s13 =	simm.s32 $0x2;
	s12 =	sadd.s32 s9, s17;
	_ =	swait.ge [sflag:s19], $0x4000  }
0x69: {  	s15 =	sor.u32 s12, s14;
	s12 =	simm.s32 $0x200;
	[sflag:s19] =	ssyncset.done $0x0  }
.LBB2_2:
0x6a: {  	[sflag:s19] =	ssyncadd.s32 $0xFFFFC000;
	s14 =	smov.u32 s13;
	s13 =	sadd.s32 $0x1, s13  }
0x6b: {  	[spmem:s3] =	stream.indirect.scatter.add.f32 [tilespmem:s31], [sflag:$0x7], $0x1, s25, s22, $0xb8;
	[tilespmem:$0x1C580] =	vst v63  }
0x6c: {  	p0 =	sne.s32 s13, $0x28;
	_ =	swait.ge [sflag:s19], $0x80  }
0x6d: {  	s15 =	sor.u32 $0x80, s15;
	[sflag:s19] =	ssyncset.done $0x0  }
0x6e: {  	s15 =	sshrl.u32 s15, $0x3;
	[sflag:s19] =	ssyncadd.s32 $0xFFFFFF80  }
0x6f: {  	s16 =	sadd.s32 s7, s15  }
0x70: {  	[tilespmem:s22], [sflag:$0x6] =	stream.linear.gather [hbm4b:s16+s4], $0x80, $0x38;
	[tilespmem:$0x1C580] =	vst v63  }
0x71: {  	s15 =	sadd.s32 s8, s15  }
0x72: {  	[tilespmem:s25], [sflag:$0x6] =	stream.linear.gather [hbm4b:s15+s4], $0x80, $0x38;
	[tilespmem:$0x1C580] =	vst v63  }
0x73: {  	_ =	swait.ge [sflag:s26], $0x4000  }
0x74: {  	[sflag:s26] =	ssyncset.done $0x0  }
0x75: {  	[sflag:s26] =	ssyncadd.s32 $0xFFFFC000  }
0x76: {  	_ =	swait.ge [sflag:s28], $0x80  }
0x77: {  	[sflag:s28] =	ssyncset.done $0x0  }
0x78: {  	[sflag:s28] =	ssyncadd.s32 $0xFFFFFF80  }
0x79: {  	_ =	swait.ge [sflag:s29], $0x80  }
0x7a: {  	[sflag:s29] =	ssyncset.done $0x0  }
0x7b: {  	[sflag:s29] =	ssyncadd.s32 $0xFFFFFF80  }
0x7c: {  	_ =	swait.ge [sflag:s29], $0x80  }
0x7d: {  	[sflag:s29] =	ssyncset.done $0x0  }
0x7e: {  	[sflag:s29] =	ssyncadd.s32 $0xFFFFFF80  }
0x7f: {  	[tilespmem:s30], [sflag:$0x2] =	stream.indirect.gather [hbm4b:s5+s22], $0x80, s22, s22, $0xb8;
	[tilespmem:$0x1C580] =	vst v63  }
0x80: {  	_ = 	snop  }
0x81: {  	[tilespmem:s31], [sflag:$0x4] =	stream.indirect.gather [hbm4b:s6+s22], $0x1, s22, s22, $0xb8;
	[tilespmem:$0x1C580] =	vst v63  }
0x82: {  	_ = 	snop  }
0x83: {  	[spmem:s2] =	stream.indirect.scatter.add.f32 [tilespmem:s23], [sflag:$0x7], $0x80, s0, s22, $0xb8;
	[tilespmem:$0x1C580] =	vst v63  }
0x84: {  	_ =	swait.ge [sflag:s19], $0x4000  }
0x85: {  	[sflag:s19] =	ssyncset.done $0x0  }
0x86: {  	[sflag:s19] =	ssyncadd.s32 $0xFFFFC000  }
0x87: {  	[spmem:s3] =	stream.indirect.scatter.add.f32 [tilespmem:s24], [sflag:$0x7], $0x1, s0, s22, $0xb8;
	[tilespmem:$0x1C580] =	vst v63  }
0x88: {  	_ =	swait.ge [sflag:s19], $0x80  }
0x89: {  	p1 =	sgt.u32 s10, $0x26;
	s10 =	smov.u32 s14;
	[sflag:s19] =	ssyncset.done $0x0  }
0x8a: {  	s14 =	simm.s32 @p1 $0x2;
	s15 =	sand.u32 @!p1 $0x7C00, s12;
	[sflag:s19] =	ssyncadd.s32 $0xFFFFFF80  }
0x8b: {  	s16 =	sand.u32 @!p1 $0x300, s12;
	s15 =	sadd.s32 @!p1 s9, s15;
	_ =	swait.ge @p1 [sflag:s14], $0x4000  }
0x8c: {  	s15 =	sor.u32 @!p1 s16, s15;
	[sflag:s14] =	ssyncset.done @p1 $0x0  }
0x8d: {  	s15 =	sshrl.u32 @!p1 s15, $0x3;
	[sflag:s14] =	ssyncadd.s32 @p1 $0xFFFFC000;
	s14 =	simm.s32 @p1 $0x4  }
0x8e: {  	s16 =	sadd.s32 @!p1 s7, s15;
	s15 =	sadd.s32 @!p1 s8, s15;
	_ =	swait.ge @p1 [sflag:s14], $0x80  }
0x8f: {  	[sflag:s14] =	ssyncset.done @p1 $0x0  }
0x90: {  	[sflag:s14] =	ssyncadd.s32 @p1 $0xFFFFFF80;
	s14 =	simm.s32 @!p1 $0x0  }
0x91: {  	[tilespmem:s14], [sflag:$0x5] =	stream.linear.gather @!p1 [hbm4b:s16+s14], $0x80, $0x38;
	[tilespmem:$0x1C580] =	vst v63  }
0x92: {  	s17 =	simm.s32 @!p1 $0x2;
	s16 =	simm.s32 @!p1 $0x100  }
0x93: {  	[tilespmem:s16], [sflag:$0x5] =	stream.linear.gather @!p1 [hbm4b:s15+s14], $0x80, $0x38;
	[tilespmem:$0x1C580] =	vst v63  }
0x94: {  	_ =	swait.ge @!p1 [sflag:s17], $0x4000  }
0x95: {  	[sflag:s17] =	ssyncset.done @!p1 $0x0  }
0x96: {  	s15 =	simm.s32 @!p1 $0x4;
	[sflag:s17] =	ssyncadd.s32 @!p1 $0xFFFFC000  }
0x97: {  	_ =	swait.ge @!p1 [sflag:s15], $0x80  }
0x98: {  	[sflag:s15] =	ssyncset.done @!p1 $0x0  }
0x99: {  	[sflag:s15] =	ssyncadd.s32 @!p1 $0xFFFFFF80;
	s15 =	simm.s32 @!p1 $0x5  }
0x9a: {  	_ =	swait.ge @!p1 [sflag:s15], $0x80  }
0x9b: {  	[sflag:s15] =	ssyncset.done @!p1 $0x0  }
0x9c: {  	[sflag:s15] =	ssyncadd.s32 @!p1 $0xFFFFFF80  }
0x9d: {  	_ =	swait.ge @!p1 [sflag:s15], $0x80  }
0x9e: {  	s12 =	sadd.s32 $0x100, s12;
	[sflag:s15] =	ssyncset.done @!p1 $0x0  }
0x9f: {  	s16 =	simm.s32 @!p1 $0x200;
	[sflag:s15] =	ssyncadd.s32 @!p1 $0xFFFFFF80;
	s15 =	simm.s32 @!p1 $0x80  }
0xa0: {  	[tilespmem:s16], [sflag:$0x1] =	stream.indirect.gather @!p1 [hbm4b:s5+s15], $0x80, s14, s15, $0xb8;
	[tilespmem:$0x1C580] =	vst v63  }
0xa1: {  	s17 =	simm.s32 @!p1 $0x8200;
	s16 =	sadd.s32 $0xFFFFFF00, s12  }
0xa2: {  	[tilespmem:s17], [sflag:$0x3] =	stream.indirect.gather @!p1 [hbm4b:s6+s15], $0x1, s14, s15, $0xb8;
	[tilespmem:$0x1C580] =	vst v63  }
.Ltmp0:
0xa3: {  	_ = 	snop;
	(pc) =	sbr.rel @p0 .LBB2_2-.Ltmp0, $4  }
0xa4: {  	s14 =	sand.u32 $0x3C00, s16  }
0xa5: {  	[spmem:s2] =	stream.indirect.scatter.add.f32 [tilespmem:s30], [sflag:$0x7], $0x80, s25, s22, $0xb8;
	[tilespmem:$0x1C580] =	vst v63  }
0xa6: {  	s15 =	sand.u32 $0x300, s16;
	s14 =	sadd.s32 s9, s14;
	_ =	swait.ge [sflag:s19], $0x4000  }
0xa7: {  	s15 =	sor.u32 s14, s15;
	[sflag:s19] =	ssyncset.done $0x0  }
0xa8: {  	[sflag:s19] =	ssyncadd.s32 $0xFFFFC000  }
0xa9: {  	[spmem:s3] =	stream.indirect.scatter.add.f32 [tilespmem:s31], [sflag:$0x7], $0x1, s25, s22, $0xb8;
	[tilespmem:$0x1C580] =	vst v63  }
0xaa: {  	s13 =	sor.u32 $0x80, s15;
	_ =	swait.ge [sflag:s19], $0x80  }
0xab: {  	s13 =	sshrl.u32 s13, $0x3;
	[sflag:s19] =	ssyncset.done $0x0  }
0xac: {  	s14 =	sadd.s32 s7, s13;
	[sflag:s19] =	ssyncadd.s32 $0xFFFFFF80  }
0xad: {  	[tilespmem:s22], [sflag:$0x6] =	stream.linear.gather [hbm4b:s14+s4], $0x80, $0x38;
	[tilespmem:$0x1C580] =	vst v63  }
0xae: {  	s13 =	sadd.s32 s8, s13  }
0xaf: {  	[tilespmem:s25], [sflag:$0x6] =	stream.linear.gather [hbm4b:s13+s4], $0x80, $0x38;
	[tilespmem:$0x1C580] =	vst v63  }
0xb0: {  	_ =	swait.ge [sflag:s26], $0x4000  }
0xb1: {  	[sflag:s26] =	ssyncset.done $0x0  }
0xb2: {  	[sflag:s26] =	ssyncadd.s32 $0xFFFFC000  }
0xb3: {  	_ =	swait.ge [sflag:s28], $0x80  }
0xb4: {  	[sflag:s28] =	ssyncset.done $0x0  }
0xb5: {  	[sflag:s28] =	ssyncadd.s32 $0xFFFFFF80  }
0xb6: {  	_ =	swait.ge [sflag:s29], $0x80  }
0xb7: {  	[sflag:s29] =	ssyncset.done $0x0  }
0xb8: {  	[sflag:s29] =	ssyncadd.s32 $0xFFFFFF80  }
0xb9: {  	_ =	swait.ge [sflag:s29], $0x80  }
0xba: {  	[sflag:s29] =	ssyncset.done $0x0  }
0xbb: {  	[sflag:s29] =	ssyncadd.s32 $0xFFFFFF80  }
0xbc: {  	[tilespmem:s30], [sflag:$0x2] =	stream.indirect.gather [hbm4b:s5+s22], $0x80, s22, s22, $0xb8;
	[tilespmem:$0x1C580] =	vst v63  }
0xbd: {  	_ = 	snop  }
0xbe: {  	[tilespmem:s31], [sflag:$0x4] =	stream.indirect.gather [hbm4b:s6+s22], $0x1, s22, s22, $0xb8;
	[tilespmem:$0x1C580] =	vst v63  }
0xbf: {  	_ = 	snop  }
0xc0: {  	[spmem:s2] =	stream.indirect.scatter.add.f32 [tilespmem:s23], [sflag:$0x7], $0x80, s0, s22, $0xb8;
	[tilespmem:$0x1C580] =	vst v63  }
0xc1: {  	_ =	swait.ge [sflag:s19], $0x4000  }
0xc2: {  	[sflag:s19] =	ssyncset.done $0x0  }
0xc3: {  	[sflag:s19] =	ssyncadd.s32 $0xFFFFC000  }
0xc4: {  	[spmem:s3] =	stream.indirect.scatter.add.f32 [tilespmem:s24], [sflag:$0x7], $0x1, s0, s22, $0xb8;
	[tilespmem:$0x1C580] =	vst v63  }
0xc5: {  	_ =	swait.ge [sflag:s19], $0x80  }
0xc6: {  	p0 =	sgt.u32 s10, $0x26;
	[sflag:s19] =	ssyncset.done $0x0  }
0xc7: {  	s10 =	simm.s32 @p0 $0x2;
	[sflag:s19] =	ssyncadd.s32 $0xFFFFFF80  }
0xc8: {  	_ =	swait.ge @p0 [sflag:s10], $0x4000  }
0xc9: {  	s13 =	sand.u32 @!p0 $0x7C00, s12;
	s12 =	sand.u32 @!p0 $0x300, s12;
	[sflag:s10] =	ssyncset.done @p0 $0x0  }
0xca: {  	s13 =	sadd.s32 @!p0 s9, s13;
	[sflag:s10] =	ssyncadd.s32 @p0 $0xFFFFC000;
	s10 =	simm.s32 @p0 $0x4  }
0xcb: {  	s12 =	sor.u32 @!p0 s12, s13;
	_ =	swait.ge @p0 [sflag:s10], $0x80  }
0xcc: {  	s12 =	sshrl.u32 @!p0 s12, $0x3;
	[sflag:s10] =	ssyncset.done @p0 $0x0  }
0xcd: {  	s13 =	sadd.s32 @!p0 s7, s12;
	[sflag:s10] =	ssyncadd.s32 @p0 $0xFFFFFF80;
	s10 =	simm.s32 @!p0 $0x0  }
0xce: {  	[tilespmem:s10], [sflag:$0x5] =	stream.linear.gather @!p0 [hbm4b:s13+s10], $0x80, $0x38;
	[tilespmem:$0x1C580] =	vst v63  }
0xcf: {  	s12 =	sadd.s32 @!p0 s8, s12;
	s13 =	simm.s32 @!p0 $0x100  }
0xd0: {  	[tilespmem:s13], [sflag:$0x5] =	stream.linear.gather @!p0 [hbm4b:s12+s10], $0x80, $0x38;
	[tilespmem:$0x1C580] =	vst v63  }
0xd1: {  	s12 =	simm.s32 @!p0 $0x2  }
0xd2: {  	_ =	swait.ge @!p0 [sflag:s12], $0x4000  }
0xd3: {  	[sflag:s12] =	ssyncset.done @!p0 $0x0  }
0xd4: {  	[sflag:s12] =	ssyncadd.s32 @!p0 $0xFFFFC000;
	s12 =	simm.s32 @!p0 $0x4  }
0xd5: {  	_ =	swait.ge @!p0 [sflag:s12], $0x80  }
0xd6: {  	[sflag:s12] =	ssyncset.done @!p0 $0x0  }
0xd7: {  	[sflag:s12] =	ssyncadd.s32 @!p0 $0xFFFFFF80;
	s12 =	simm.s32 @!p0 $0x5  }
0xd8: {  	_ =	swait.ge @!p0 [sflag:s12], $0x80  }
0xd9: {  	[sflag:s12] =	ssyncset.done @!p0 $0x0  }
0xda: {  	[sflag:s12] =	ssyncadd.s32 @!p0 $0xFFFFFF80  }
0xdb: {  	_ =	swait.ge @!p0 [sflag:s12], $0x80  }
0xdc: {  	[sflag:s12] =	ssyncset.done @!p0 $0x0  }
0xdd: {  	s13 =	simm.s32 @!p0 $0x200;
	[sflag:s12] =	ssyncadd.s32 @!p0 $0xFFFFFF80;
	s12 =	simm.s32 @!p0 $0x80  }
0xde: {  	[tilespmem:s13], [sflag:$0x1] =	stream.indirect.gather @!p0 [hbm4b:s5+s12], $0x80, s10, s12, $0xb8;
	[tilespmem:$0x1C580] =	vst v63  }
0xdf: {  	s13 =	simm.s32 @!p0 $0x8200  }
0xe0: {  	[tilespmem:s13], [sflag:$0x3] =	stream.indirect.gather @!p0 [hbm4b:s6+s12], $0x1, s10, s12, $0xb8;
	[tilespmem:$0x1C580] =	vst v63  }
0xe1: {  	_ = 	snop  }
0xe2: {  	[spmem:s2] =	stream.indirect.scatter.add.f32 [tilespmem:s30], [sflag:$0x7], $0x80, s25, s22, $0xb8;
	[tilespmem:$0x1C580] =	vst v63  }
0xe3: {  	_ =	swait.ge [sflag:s19], $0x4000  }
0xe4: {  	[sflag:s19] =	ssyncset.done $0x0  }
0xe5: {  	[sflag:s19] =	ssyncadd.s32 $0xFFFFC000  }
0xe6: {  	[spmem:s3] =	stream.indirect.scatter.add.f32 [tilespmem:s31], [sflag:$0x7], $0x1, s25, s22, $0xb8;
	[tilespmem:$0x1C580] =	vst v63  }
0xe7: {  	_ =	swait.ge [sflag:s19], $0x80  }
0xe8: {  	[sflag:s19] =	ssyncset.done $0x0  }
0xe9: {  	[sflag:s19] =	ssyncadd.s32 $0xFFFFFF80  }
0xea: {  	[bflag:$0x0] =	sbarrier.arrive $0xFFFF  }
0xeb: {  	s13 =	rddreg [dreg:$0x9]  }
0xec: {  	[hbm:s13], [sflag:s11] =	dma.local [spmem:s18], $0x2800  }
0xed: {  	_ =	swait.ge [sflag:s19], $0x2800  }
0xee: {  	s15 =	simm.s32 $0x20;
	[sflag:s19] =	ssyncset.done $0x0  }
0xef: {  	s16 =	simm.s32 $0x10;
	s14 =	rddreg [dreg:$0xa];
	[sflag:s19] =	ssyncadd.s32 $0xFFFFD800  }
0xf0: {  	[hbm:s14@s15], [sflag:s11] =	dma.strided [spmem:s20@s16], $0x50, s26, $0x10   }
0xf1: {  	_ =	swait.ge [sflag:s19], $0x50  }
0xf2: {  	s1 =	sadd.s32 $0x1, s1;
	s17 =	rddreg [dreg:$0xb]  }
0xf3: {  	p0 =	sne.s32 s1, s17  }
.Ltmp1:
0xf4: {  	_ = 	snop;
	(pc) =	sbr.rel @p0 .LBB2_1-.Ltmp1, $3  }
0xf5: {  	_ =	sdelay $0x1  }
0xf6: {  	[sflag:s19] =	ssyncset.done $0x0  }
0xf7: {  	[sflag:s19] =	ssyncadd.s32 $0xFFFFFFB0  }
0xf8: {  	_ =	sfence.sel $0x180000  }
0xf9: {  	[bflag:$0x0] =	sbarrier.arrive $0xFFFF  }
0xfa: {  	_ =	strace $0x9000004A  }
0xfb: {  	s0 =	stileid.u32;
	[bflag:$0x2] =	sbarrier.arrive $0xFFFF  }
0xfc: {  	p0 =	sne.s32 s0, $0x0;
	s0 =	rddreg [dreg:$0x4]  }
0xfd: {  	s0 =	sadd.s32 @!p0 $0x100000, s0  }
0xfe: {  	[sflag:s0] =	ssyncadd.tile.s32 @!p0 $0x1;
	_ =	shalt  }
.Lfunc_end2:
_tile_overlayer_lowered:
.L_overlay_start_2:
0xff: {  	(tag) =	ssettag $0x2  }
0x100: {  	s0 =	rddreg [dreg:$0x0];
	s2 =	stileid.u32  }
0x101: {  	s1 =	rddreg [dreg:$0x1];
	p0 =	sne.s32 s2, $0x0  }
0x102: {  	s3 =	rddreg [dreg:$0x2];
	[bflag:$0x3] =	sbarrier.arrive $0xFFFF;
	s2 =	simm.s32 @!p0 $0x1C07  }
0x103: {  	[timem:s3], [sflag:s2] =	dma.local @!p0 [hbm:s0], s1  }
0x104: {  	s0 =	simm.s32 @!p0 $0x7  }
0x105: {  	_ =	swait.ge @!p0 [sflag:s0], s1  }
0x106: {  	s1 =	ssub.s32 @!p0 $0x0, s1;
	[sflag:s0] =	ssyncset.done @!p0 $0x0  }
0x107: {  	[sflag:s0] =	ssyncadd.s32 @!p0 s1  }
0x108: {  	[bflag:$0x3] =	sbarrier.arrive $0xFFFF  }
0x109: {  	_ =	shalt  }

// kernel: kernel.18.cloned.1.call-start
scs
__scs_entry_jumppad:
0x0: {  	(pc) =	sbr.rel $0x88, $3  }
0x1: {  	(tag) =	ssettag $0x0;
	lr =	simm.s32 $0x1  }
0x2: {  	[smem:$0x3F8C] =	sst lr;
	_ =	strace $0xD0000000  }
0x3: {  	_ = 	snop  }
0x4: {  	_ = 	snop  }
0x5: {  	_ = 	snop  }
0x6: {  	_ = 	snop  }
0x7: {  	_ = 	snop  }
__scs_overlays_trampoline_lowered:
0x8: {  	[smem:$0x3F9B] =	sst s0  }
0x9: {  	[smem:$0x3F9C] =	sst s1  }
0xa: {  	[smem:$0x3F9D] =	sst s2  }
0xb: {  	[smem:$0x3F9E] =	sst s3  }
0xc: {  	[smem:$0x3F9F] =	sst s4  }
0xd: {  	[smem:$0x3FA0] =	sst s5  }
0xe: {  	[smem:$0x3FA1] =	sst s6  }
0xf: {  	[smem:$0x3FA2] =	sst s7  }
0x10: {  	[smem:$0x3FA3] =	sst s8  }
0x11: {  	[smem:$0x3FA4] =	sst s9;
	s0 =	simm.s32 @!p0 $0x0  }
0x12: {  	s1 =	sld [smem:$0x3F8A];
	s0 =	simm.s32 @p0 $0x1  }
0x13: {  	[smem:$0x3FA5] =	sst s0;
	s0 =	simm.s32 @!p1 $0x0  }
0x14: {  	s2 =	sld [smem:$0x3F89];
	s0 =	simm.s32 @p1 $0x1  }
0x15: {  	[smem:$0x3FA6] =	sst s0;
	s0 =	simm.s32 @!p2 $0x0  }
0x16: {  	s3 =	sld [smem:$0x3FDB];
	s0 =	simm.s32 @p2 $0x1  }
0x17: {  	s4 =	simm.s32 $0x1BF5;
	[smem:$0x3FA8] =	sst s0  }
0x18: {  	s0 =	sld [smem:$0x3F8B];
	_ =	swait.ge [sflag:s4], $0x0  }
0x19: {  	s7 =	sld [smem:$0x3F8C]  }
0x1a: {  	s8 =	sadd.s32 $0xFFFFE003, lr  }
0x1b: {  	s9 =	sadd.s32 $0xFFFFFEF7, lr;
	s5 =	simm.s32 $0xFFFFFFFF;
	p2 =	slt.u32 s8, $0xFFFFF086  }
0x1c: {  	p1 =	slt.u32 s9, $0xF7A;
	s5 =	simm.s32 @!p2 $0x0  }
0x1d: {  	s5 =	simm.s32 @p1 $0x1;
	p0 =	seq.s32 s7, s2  }
0x1e: {  	s7 =	smul.u32 @!p0 $0xF7A, s2;
	p2 =	seq.s32 @!p0 s5, $0x0  }
0x1f: {  	s9 =	smul.u32 $0xF7A, s1;
	s8 =	simm.s32 @!p0 $0x1BF5;
	p2 =	por !p2, p0  }
0x20: {  	[sflag:s8] =	ssyncset.s32 @!p0 $0xFFFFF086;
	s6 =	sadd.s32 @!p0 s3, s7;
	s7 =	simm.s32 @!p0 $0x108  }
0x21: {  	s3 =	sadd.s32 s3, s9;
	s6 =	sadd.s32 @!p0 $0x88, s6;
	s7 =	simm.s32 @p2 $0x1082  }
0x22: {  	[simem:s7], [sflag:s8] =	dma.local @!p0 [hbm:s6], $0xF7A  }
0x23: {  	s9 =	sor.u32 $0xD0000000, s2;
	s6 =	simm.s32 $0x108;
	_ =	swait.ge @!p0 [sflag:s8], $0x0  }
0x24: {  	s3 =	sadd.s32 $0x88, s3;
	s6 =	simm.s32 @!p1 $0x1082;
	[sflag:s4] =	ssyncset.s32 $0xFFFFF086  }
0x25: {  	[simem:s6], [sflag:s4] =	dma.local [hbm:s3], $0xF7A  }
0x26: {  	[smem:$0x3F8C] =	sst s1;
	(tag) =	ssettag s2;
	_ =	strace s9  }
0x27: {  	s1 =	sld [smem:$0x3F9C]  }
0x28: {  	s2 =	sld [smem:$0x3F9D]  }
0x29: {  	s4 =	sld [smem:$0x3F9F]  }
0x2a: {  	p0 =	seq.s32 s5, $0x0;
	s5 =	sld [smem:$0x3FA0]  }
0x2b: {  	s6 =	sld [smem:$0x3FA1]  }
0x2c: {  	s7 =	sld [smem:$0x3FA2]  }
0x2d: {  	s3 =	simm.s32 $0x108;
	s8 =	sld [smem:$0x3FA3]  }
0x2e: {  	s3 =	simm.s32 @!p0 $0x1082;
	s9 =	sld [smem:$0x3FA4]  }
0x2f: {  	lr =	sadd.s32 s0, s3;
	s0 =	sld [smem:$0x3F9B]  }
0x30: {  	s3 =	sld [smem:$0x3F9E]  }
0x31: {  	[smem:$0x3FA7] =	sst s10  }
0x32: {  	s10 =	sld [smem:$0x3FA5];
	_ =	sdelay $0x3  }
0x33: {  	p0 =	seq.s32 s10, $0x1;
	s10 =	sld [smem:$0x3FA7];
	_ =	sdelay $0x3  }
0x34: {  	[smem:$0x3FA7] =	sst s10  }
0x35: {  	s10 =	sld [smem:$0x3FA6];
	_ =	sdelay $0x3  }
0x36: {  	p1 =	seq.s32 s10, $0x1;
	s10 =	sld [smem:$0x3FA7];
	_ =	sdelay $0x3  }
0x37: {  	[smem:$0x3FA7] =	sst s10  }
0x38: {  	s10 =	sld [smem:$0x3FA8]  }
0x39: {  	_ = 	snop;
	(pc) =	sbr.ind lr, $3  }
0x3a: {  	_ = 	snop  }
0x3b: {  	_ = 	snop  }
0x3c: {  	p2 =	seq.s32 s10, $0x1;
	s10 =	sld [smem:$0x3FA7]  }
0x3d: {  	_ =	shalt  }
0x3e: {  	_ =	shalt  }
0x3f: {  	_ =	shalt  }
0x40: {  	_ =	shalt  }
0x41: {  	_ =	shalt  }
0x42: {  	_ =	shalt  }
0x43: {  	_ =	shalt  }
0x44: {  	_ =	shalt  }
0x45: {  	_ =	shalt  }
0x46: {  	_ =	shalt  }
0x47: {  	_ =	shalt  }
0x48: {  	_ =	shalt  }
0x49: {  	_ =	shalt  }
0x4a: {  	_ =	shalt  }
0x4b: {  	_ =	shalt  }
0x4c: {  	_ =	shalt  }
0x4d: {  	_ =	shalt  }
0x4e: {  	_ =	shalt  }
0x4f: {  	_ =	shalt  }
0x50: {  	_ =	shalt  }
0x51: {  	_ =	shalt  }
0x52: {  	_ =	shalt  }
0x53: {  	_ =	shalt  }
0x54: {  	_ =	shalt  }
0x55: {  	_ =	shalt  }
0x56: {  	_ =	shalt  }
0x57: {  	_ =	shalt  }
0x58: {  	_ =	shalt  }
0x59: {  	_ =	shalt  }
0x5a: {  	_ =	shalt  }
0x5b: {  	_ =	shalt  }
0x5c: {  	_ =	shalt  }
0x5d: {  	_ =	shalt  }
0x5e: {  	_ =	shalt  }
0x5f: {  	_ =	shalt  }
0x60: {  	_ =	shalt  }
0x61: {  	_ =	shalt  }
0x62: {  	_ =	shalt  }
0x63: {  	_ =	shalt  }
0x64: {  	_ =	shalt  }
0x65: {  	_ =	shalt  }
0x66: {  	_ =	shalt  }
0x67: {  	_ =	shalt  }
0x68: {  	_ =	shalt  }
0x69: {  	_ =	shalt  }
0x6a: {  	_ =	shalt  }
0x6b: {  	_ =	shalt  }
0x6c: {  	_ =	shalt  }
0x6d: {  	_ =	shalt  }
0x6e: {  	_ =	shalt  }
0x6f: {  	_ =	shalt  }
0x70: {  	_ =	shalt  }
0x71: {  	_ =	shalt  }
0x72: {  	_ =	shalt  }
0x73: {  	_ =	shalt  }
0x74: {  	_ =	shalt  }
0x75: {  	_ =	shalt  }
0x76: {  	_ =	shalt  }
0x77: {  	_ =	shalt  }
0x78: {  	_ =	shalt  }
0x79: {  	_ =	shalt  }
0x7a: {  	_ =	shalt  }
0x7b: {  	_ =	shalt  }
0x7c: {  	_ =	shalt  }
0x7d: {  	_ =	shalt  }
0x7e: {  	_ =	shalt  }
0x7f: {  	_ =	shalt  }
0x80: {  	_ =	shalt  }
0x81: {  	_ =	shalt  }
0x82: {  	_ =	shalt  }
0x83: {  	_ =	shalt  }
0x84: {  	_ =	shalt  }
0x85: {  	_ =	shalt  }
0x86: {  	_ =	shalt  }
0x87: {  	_ =	shalt  }
.Lfunc_end0:
.L_simem_size_0:
called_computation.2_lowered:
.L_overlay_start_0:
0x88: {  	s2 =	sld [smem:$0x3FD9]  }
0x89: {  	s3 =	sld [smem:$0x3FFE];
	_ =	sdelay $0x1  }
0x8a: {  	s1 =	srdreg.scid  }
0x8b: {  	s0 =	sand.u32 $0x1, s1  }
0x8c: {  	s17 =	sshll.u32 s0, $0xA;
	s2 =	sadd.s32 s3, s2  }
0x8d: {  	s2 =	sadd.s32 s2, s17  }
0x8e: {  	[smem:$0x3FB3] =	sst s2  }
0x8f: {  	_ = 	snop  }
0x90: {  	s2 =	sld [smem:$0x3FD0];
	(tm) =	ssettm $0x1  }
0x91: {  	s18 =	sld [smem:$0x3FFB];
	_ =	sdelay $0x3  }
0x92: {  	_ =	strace s18  }
0x93: {  	s3 =	sld [smem:$0x3FFC];
	_ =	sdelay $0x3  }
0x94: {  	_ =	strace s3  }
0x95: {  	s3 =	sld [smem:$0x3FFD];
	_ =	sdelay $0x3  }
0x96: {  	_ =	strace s3  }
0x97: {  	_ =	strace $0x8FFFFFFF  }
0x98: {  	s19 =	sld [smem:$0x3FDB];
	_ =	sdelay $0x1  }
0x99: {  	s4 =	simm.s32 $_scs_section_size  }
0x9a: {  	s5 =	simm.s32 $_size__tile_overlayer_lowered;
	s6 =	simm.s32 $_tile_overlayer_lowered  }
0x9b: {  	s22 =	simm.s32 $0x1BFF;
	s21 =	sshll.u32 s6, $0x1;
	s3 =	sadd.s32 s4, s19  }
0x9c: {  	s7 =	simm.s32 $0x0;
	s20 =	sshll.u32 s5, $0x1;
	s5 =	sadd.s32 s21, s3  }
0x9d: {  	[timem:s7], [sflag:s22] =	dma.local [hbm:s5], s20  }
0x9e: {  	_ =	swait.ge [sflag:s22], s20  }
0x9f: {  	s4 =	ssub.s32 $0x0, s20;
	[sflag:s22] =	ssyncset.done $0x0  }
0xa0: {  	[sflag:s22] =	ssyncadd.s32 s4;
	_ =	sdelay $0x1  }
0xa1: {  	s23 =	simm.s32 $0x1B8B  }
0xa2: {  	_ =	swait.ge [sflag:s23], $0x1  }
0xa3: {  	[sflag:s23] =	ssyncset.done $0x0  }
0xa4: {  	s25 =	simm.s32 $0x1B8E;
	s24 =	sld [smem:$0x3FFE];
	[sflag:s23] =	ssyncadd.s32 $0xFFFFFFFF  }
0xa5: {  	s26 =	simm.s32 $execute0_lowered;
	[smem:$0x3FD2] =	sst s25  }
0xa6: {  	s5 =	sshll.u32 s26, $0x1;
	_ =	strace $0x8000004C;
	[dreg:$0x1] =	wrdreg $0xFFFFFFFF  }
0xa7: {  	s28 =	simm.s32 $_size_execute0_lowered;
	s3 =	sadd.s32 s3, s5;
	[dreg:$0x0] =	wrdreg $0x0  }
0xa8: {  	s5 =	sshll.u32 s28, $0x1;
	[dreg:$0x2] =	wrdreg s3  }
0xa9: {  	[dreg:$0x3] =	wrdreg s5  }
0xaa: {  	[dreg:$0x4] =	wrdreg $0xC0  }
0xab: {  	_ =	task [dreg:s7], $0x5FFFF  }
0xac: {  	[dreg:$0x1] =	wrdreg $0xFFFFFFFF  }
0xad: {  	[dreg:$0x0] =	wrdreg $0x60  }
0xae: {  	[dreg:$0x2] =	wrdreg s24  }
0xaf: {  	[dreg:$0x3] =	wrdreg s2  }
0xb0: {  	[dreg:$0x4] =	wrdreg $0x83000  }
0xb1: {  	[dreg:$0x5] =	wrdreg $0x1C3000  }
0xb2: {  	[dreg:$0x6] =	wrdreg $0x9  }
0xb3: {  	_ =	task.clear_ibuf [dreg:s7], $0x7FFFF;
	_ =	strace $0x9000004C  }
0xb4: {  	s29 =	simm.s32 $0x9;
	_ =	strace $0x8000004E  }
0xb5: {  	_ =	swait.ge [sflag:s29], $0x1  }
0xb6: {  	[sflag:s29] =	ssyncadd.s32 $0xFFFFFFFF  }
0xb7: {  	_ =	strace $0x9000004E  }
0xb8: {  	_ =	sfence  }
0xb9: {  	s30 =	sld [smem:$0x0];
	_ =	sdelay $0x2  }
0xba: {  	s31 =	sshll.u32 s1, $0xD;
	s1 =	sshrl.u32 s1, $0x2  }
0xbb: {  	s3 =	sand.u32 $0x4000, s31;
	s1 =	sadd.s32 s1, s30  }
0xbc: {  	s0 =	sor.u32 s3, s0;
	s1 =	sshll.u32 s1, $0x11  }
0xbd: {  	s0 =	sor.u32 s1, s0  }
0xbe: {  	s0 =	sadd.s32 $0x8F2B, s0  }
0xbf: {  	[sflag:s0] =	ssyncadd.remote.s32 $0x1  }
0xc0: {  	_ =	sfence.sel $0xFFFF  }
0xc1: {  	[dreg:$0x0] =	wrdreg $0xFFFFFFFF;
	(pc) =	sbr.abs _section_cstart, $3  }
0xc2: {  	[dreg:$0x1] =	wrdreg $0xFFFFFFFF  }
0xc3: {  	_ =	task.clear_ibuf [dreg:s7], $0x2FFFF;
	_ =	strace $0x9FFFFFFF  }
0xc4: {  	(tm) =	ssettm $0x7FFFFFFF  }
0xc5: {  	_ =	shalt  }
tec
execute0_lowered:
.L_overlay_start_1:
0x0: {  	(tag) =	ssettag $0x1  }
0x1: {  	s0 =	rddreg [dreg:$0x0]  }
0x2: {  	s1 =	rddreg [dreg:$0x1]  }
0x3: {  	s2 =	rddreg [dreg:$0x2]  }
0x4: {  	s3 =	rddreg [dreg:$0x3]  }
0x5: {  	s17 =	stileid.u32;
	s4 =	simm.s32 $0x0;
	s5 =	srdreg.scid  }
0x6: {  	s28 =	simm.s32 $0x3;
	s29 =	simm.s32 $0x6;
	s30 =	simm.s32 $0x4200  }
0x7: {  	s31 =	simm.s32 $0x8280;
	s9 =	smul.u32 $0x14000, s17;
	[smem:$0x7FF] =	sst s4  }
0x8: {  	s10 =	smul.u32 $0x280, s17;
	s12 =	sand.u32 $0x1, s5;
	s5 =	sadd.s32 $0x3A00, s0  }
0x9: {  	s6 =	sadd.s32 $0x2BA00, s0;
	s7 =	sadd.s32 $0x36000, s0;
	s8 =	sadd.s32 $0x2C000, s0  }
0xa: {  	s16 =	smul.u32 $0x50000, s17;
	s21 =	sshll.u32 s17, $0x6;
	_ =	strace $0x8000004D  }
0xb: {  	s11 =	smul.u32 $0x140000, s12;
	s18 =	ssub.s32 $0x2, s12;
	s15 =	sshll.u32 s12, $0x4  }
0xc: {  	s12 =	sshll.u32 s12, $0x7;
	s13 =	sshrl.u32 s9, $0x3;
	s14 =	sshrl.u32 s10, $0x3  }
0xd: {  	s19 =	sshrl.u32 s18, $0x1;
	s15 =	sor.u32 s17, s15;
	s16 =	sshrl.u32 s16, $0x2  }
0xe: {  	s17 =	smul.u32 $0x500, s17;
	s10 =	sadd.s32 s10, s3;
	s9 =	sadd.s32 s9, s11  }
0xf: {  	s25 =	sadd.s32 s13, s0;
	s26 =	sadd.s32 s14, s0;
	s14 =	ssub.s32 s18, s19  }
0x10: {  	s20 =	sadd.s32 s16, s2;
	s19 =	simm.s32 $0x7;
	s9 =	sshrl.u32 s9, $0x3  }
0x11: {  	s11 =	sadd.s32 $0x40000, s25;
	s12 =	sor.u32 s12, s17;
	s13 =	sadd.s32 $0x68000, s26  }
0x12: {  	s26 =	smax.u32 s14, $0x1;
	s18 =	sshrl.u32 s20, $0x3;
	s20 =	sshrl.u32 s10, $0x3  }
0x13: {  	s0 =	sadd.s32 s9, s0;
	s9 =	smul.u32 $0x2800, s15;
	[dreg:$0x5] =	wrdreg s11  }
0x14: {  	s11 =	sor.u32 $0x1C07, s21;
	[dreg:$0x6] =	wrdreg s13;
	s12 =	sshrl.u32 s12, $0x3  }
0x15: {  	[dreg:$0xb] =	wrdreg s26;
	s21 =	simm.s32 $0x5;
	s0 =	sadd.s32 $0x90600, s0  }
0x16: {  	s26 =	simm.s32 $0x1;
	s25 =	sadd.s32 s1, s12;
	[dreg:$0x9] =	wrdreg s0  }
0x17: {  	s1 =	simm.s32 $0x0;
	s22 =	sshrl.u32 s9, $0x3;
	[dreg:$0xa] =	wrdreg s25  }
0x18: {  	s25 =	simm.s32 $0x180;
	s0 =	simm.s32 $0x100;
	s23 =	sadd.s32 s7, s22  }
0x19: {  	s24 =	sadd.s32 s8, s22;
	s22 =	simm.s32 $0x80;
	[dreg:$0x7] =	wrdreg s23  }
0x1a: {  	[dreg:$0x8] =	wrdreg s24;
	s23 =	simm.s32 $0x200;
	s24 =	simm.s32 $0x8200  }
.LBB2_1:
0x1b: {  	s10 =	rddreg [dreg:$0x5]  }
0x1c: {  	[spmem:s18], [sflag:s11] =	dma.local [hbm:s10], $0x2800  }
0x1d: {  	_ =	swait.ge [sflag:s19], $0x2800  }
0x1e: {  	[sflag:s19] =	ssyncset.done $0x0  }
0x1f: {  	s17 =	rddreg [dreg:$0x6];
	[sflag:s19] =	ssyncadd.s32 $0xFFFFD800  }
0x20: {  	[spmem:s20], [sflag:s11] =	dma.local [hbm:s17], $0x50  }
0x21: {  	_ =	swait.ge [sflag:s19], $0x50  }
0x22: {  	[sflag:s19] =	ssyncset.done $0x0  }
0x23: {  	[sflag:s19] =	ssyncadd.s32 $0xFFFFFFB0  }
0x24: {  	[bflag:$0x0] =	sbarrier.arrive $0xFFFF  }
0x25: {  	s12 =	rddreg [dreg:$0x7]  }
0x26: {  	[tilespmem:s4], [sflag:$0x5] =	stream.linear.gather [hbm4b:s12+s4], $0x80, $0x38;
	[tilespmem:$0x1C580] =	vst v63  }
0x27: {  	s13 =	rddreg [dreg:$0x8]  }
0x28: {  	[tilespmem:s0], [sflag:$0x5] =	stream.linear.gather [hbm4b:s13+s4], $0x80, $0x38;
	[tilespmem:$0x1C580] =	vst v63  }
0x29: {  	_ =	swait.ge [sflag:s21], $0x80  }
0x2a: {  	s14 =	simm.s32 $0x0;
	[sflag:s21] =	ssyncset.done $0x0  }
0x2b: {  	s12 =	sand.u32 $0x3C00, s14;
	[sflag:s21] =	ssyncadd.s32 $0xFFFFFF80  }
0x2c: {  	s10 =	sand.u32 $0x300, s14;
	s12 =	sadd.s32 s9, s12;
	_ =	swait.ge [sflag:s21], $0x80  }
0x2d: {  	s10 =	sor.u32 s12, s10;
	[sflag:s21] =	ssyncset.done $0x0  }
0x2e: {  	s10 =	sor.u32 $0x80, s10;
	[sflag:s21] =	ssyncadd.s32 $0xFFFFFF80  }
0x2f: {  	[tilespmem:s23], [sflag:$0x1] =	stream.indirect.gather [hbm4b:s5+s22], $0x80, s4, s22, $0xb8;
	[tilespmem:$0x1C580] =	vst v63  }
0x30: {  	s10 =	sshrl.u32 s10, $0x3  }
0x31: {  	[tilespmem:s24], [sflag:$0x3] =	stream.indirect.gather [hbm4b:s6+s22], $0x1, s4, s22, $0xb8;
	[tilespmem:$0x1C580] =	vst v63  }
0x32: {  	s15 =	sadd.s32 s7, s10  }
0x33: {  	[tilespmem:s22], [sflag:$0x6] =	stream.linear.gather [hbm4b:s15+s4], $0x80, $0x38;
	[tilespmem:$0x1C580] =	vst v63  }
0x34: {  	s10 =	sadd.s32 s8, s10  }
0x35: {  	[tilespmem:s25], [sflag:$0x6] =	stream.linear.gather [hbm4b:s10+s4], $0x80, $0x38;
	[tilespmem:$0x1C580] =	vst v63  }
0x36: {  	_ =	swait.ge [sflag:s26], $0x4000  }
0x37: {  	[sflag:s26] =	ssyncset.done $0x0  }
0x38: {  	[sflag:s26] =	ssyncadd.s32 $0xFFFFC000  }
0x39: {  	_ =	swait.ge [sflag:s28], $0x80  }
0x3a: {  	[sflag:s28] =	ssyncset.done $0x0  }
0x3b: {  	[sflag:s28] =	ssyncadd.s32 $0xFFFFFF80  }
0x3c: {  	_ =	swait.ge [sflag:s29], $0x80  }
0x3d: {  	[sflag:s29] =	ssyncset.done $0x0  }
0x3e: {  	[sflag:s29] =	ssyncadd.s32 $0xFFFFFF80  }
0x3f: {  	_ =	swait.ge [sflag:s29], $0x80  }
0x40: {  	[sflag:s29] =	ssyncset.done $0x0  }
0x41: {  	[sflag:s29] =	ssyncadd.s32 $0xFFFFFF80  }
0x42: {  	[tilespmem:s30], [sflag:$0x2] =	stream.indirect.gather [hbm4b:s5+s22], $0x80, s22, s22, $0xb8;
	[tilespmem:$0x1C580] =	vst v63  }
0x43: {  	_ = 	snop  }
0x44: {  	[tilespmem:s31], [sflag:$0x4] =	stream.indirect.gather [hbm4b:s6+s22], $0x1, s22, s22, $0xb8;
	[tilespmem:$0x1C580] =	vst v63  }
0x45: {  	_ = 	snop  }
0x46: {  	[spmem:s2] =	stream.indirect.scatter.add.f32 [tilespmem:s23], [sflag:$0x7], $0x80, s0, s22, $0xb8;
	[tilespmem:$0x1C580] =	vst v63  }
0x47: {  	_ =	swait.ge [sflag:s19], $0x4000  }
0x48: {  	[sflag:s19] =	ssyncset.done $0x0  }
0x49: {  	[sflag:s19] =	ssyncadd.s32 $0xFFFFC000  }
0x4a: {  	[spmem:s3] =	stream.indirect.scatter.add.f32 [tilespmem:s24], [sflag:$0x7], $0x1, s0, s22, $0xb8;
	[tilespmem:$0x1C580] =	vst v63  }
0x4b: {  	_ =	swait.ge [sflag:s19], $0x80  }
0x4c: {  	p0 =	por $0x0, $0x0;
	[sflag:s19] =	ssyncset.done $0x0  }
0x4d: {  	s10 =	simm.s32 @p0 $0x2;
	[sflag:s19] =	ssyncadd.s32 $0xFFFFFF80  }
0x4e: {  	_ =	swait.ge @p0 [sflag:s10], $0x4000  }
0x4f: {  	s12 =	sand.u32 @!p0 $0x7C00, s0;
	s13 =	sand.u32 @!p0 $0x300, s0;
	[sflag:s10] =	ssyncset.done @p0 $0x0  }
0x50: {  	s12 =	sadd.s32 @!p0 s9, s12;
	[sflag:s10] =	ssyncadd.s32 @p0 $0xFFFFC000;
	s10 =	simm.s32 @p0 $0x4  }
0x51: {  	s12 =	sor.u32 @!p0 s13, s12;
	_ =	swait.ge @p0 [sflag:s10], $0x80  }
0x52: {  	s12 =	sshrl.u32 @!p0 s12, $0x3;
	[sflag:s10] =	ssyncset.done @p0 $0x0  }
0x53: {  	s13 =	sadd.s32 @!p0 s7, s12;
	[sflag:s10] =	ssyncadd.s32 @p0 $0xFFFFFF80;
	s10 =	simm.s32 @!p0 $0x0  }
0x54: {  	[tilespmem:s10], [sflag:$0x5] =	stream.linear.gather @!p0 [hbm4b:s13+s10], $0x80, $0x38;
	[tilespmem:$0x1C580] =	vst v63  }
0x55: {  	s14 =	simm.s32 @!p0 $0x2;
	s12 =	sadd.s32 @!p0 s8, s12;
	s13 =	simm.s32 @!p0 $0x100  }
0x56: {  	[tilespmem:s13], [sflag:$0x5] =	stream.linear.gather @!p0 [hbm4b:s12+s10], $0x80, $0x38;
	[tilespmem:$0x1C580] =	vst v63  }
0x57: {  	_ =	swait.ge @!p0 [sflag:s14], $0x4000  }
0x58: {  	[sflag:s14] =	ssyncset.done @!p0 $0x0  }
0x59: {  	s12 =	simm.s32 @!p0 $0x4;
	[sflag:s14] =	ssyncadd.s32 @!p0 $0xFFFFC000  }
0x5a: {  	_ =	swait.ge @!p0 [sflag:s12], $0x80  }
0x5b: {  	[sflag:s12] =	ssyncset.done @!p0 $0x0  }
0x5c: {  	[sflag:s12] =	ssyncadd.s32 @!p0 $0xFFFFFF80;
	s12 =	simm.s32 @!p0 $0x5  }
0x5d: {  	_ =	swait.ge @!p0 [sflag:s12], $0x80  }
0x5e: {  	[sflag:s12] =	ssyncset.done @!p0 $0x0  }
0x5f: {  	[sflag:s12] =	ssyncadd.s32 @!p0 $0xFFFFFF80  }
0x60: {  	_ =	swait.ge @!p0 [sflag:s12], $0x80  }
0x61: {  	[sflag:s12] =	ssyncset.done @!p0 $0x0  }
0x62: {  	s13 =	simm.s32 @!p0 $0x200;
	[sflag:s12] =	ssyncadd.s32 @!p0 $0xFFFFFF80;
	s12 =	simm.s32 @!p0 $0x80  }
0x63: {  	[tilespmem:s13], [sflag:$0x1] =	stream.indirect.gather @!p0 [hbm4b:s5+s12], $0x80, s10, s12, $0xb8;
	[tilespmem:$0x1C580] =	vst v63  }
0x64: {  	s16 =	simm.s32 $0x100;
	s13 =	simm.s32 @!p0 $0x8200  }
0x65: {  	[tilespmem:s13], [sflag:$0x3] =	stream.indirect.gather @!p0 [hbm4b:s6+s12], $0x1, s10, s12, $0xb8;
	[tilespmem:$0x1C580] =	vst v63  }
0x66: {  	s17 =	sand.u32 $0x3C00, s16;
	s14 =	sand.u32 $0x300, s16;
	s10 =	simm.s32 $0x1  }
0x67: {  	[spmem:s2] =	stream.indirect.scatter.add.f32 [tilespmem:s30], [sflag:$0x7], $0x80, s25, s22, $0xb8;
	[tilespmem:$0x1C580] =	vst v63  }
0x68: {  	s13 =	simm.s32 $0x2;
	s12 =	sadd.s32 s9, s17;
	_ =	swait.ge [sflag:s19], $0x4000  }
0x69: {  	s15 =	sor.u32 s12, s14;
	s12 =	simm.s32 $0x200;
	[sflag:s19] =	ssyncset.done $0x0  }
.LBB2_2:
0x6a: {  	[sflag:s19] =	ssyncadd.s32 $0xFFFFC000;
	s14 =	smov.u32 s13;
	s13 =	sadd.s32 $0x1, s13  }
0x6b: {  	[spmem:s3] =	stream.indirect.scatter.add.f32 [tilespmem:s31], [sflag:$0x7], $0x1, s25, s22, $0xb8;
	[tilespmem:$0x1C580] =	vst v63  }
0x6c: {  	p0 =	sne.s32 s13, $0x28;
	_ =	swait.ge [sflag:s19], $0x80  }
0x6d: {  	s15 =	sor.u32 $0x80, s15;
	[sflag:s19] =	ssyncset.done $0x0  }
0x6e: {  	s15 =	sshrl.u32 s15, $0x3;
	[sflag:s19] =	ssyncadd.s32 $0xFFFFFF80  }
0x6f: {  	s16 =	sadd.s32 s7, s15  }
0x70: {  	[tilespmem:s22], [sflag:$0x6] =	stream.linear.gather [hbm4b:s16+s4], $0x80, $0x38;
	[tilespmem:$0x1C580] =	vst v63  }
0x71: {  	s15 =	sadd.s32 s8, s15  }
0x72: {  	[tilespmem:s25], [sflag:$0x6] =	stream.linear.gather [hbm4b:s15+s4], $0x80, $0x38;
	[tilespmem:$0x1C580] =	vst v63  }
0x73: {  	_ =	swait.ge [sflag:s26], $0x4000  }
0x74: {  	[sflag:s26] =	ssyncset.done $0x0  }
0x75: {  	[sflag:s26] =	ssyncadd.s32 $0xFFFFC000  }
0x76: {  	_ =	swait.ge [sflag:s28], $0x80  }
0x77: {  	[sflag:s28] =	ssyncset.done $0x0  }
0x78: {  	[sflag:s28] =	ssyncadd.s32 $0xFFFFFF80  }
0x79: {  	_ =	swait.ge [sflag:s29], $0x80  }
0x7a: {  	[sflag:s29] =	ssyncset.done $0x0  }
0x7b: {  	[sflag:s29] =	ssyncadd.s32 $0xFFFFFF80  }
0x7c: {  	_ =	swait.ge [sflag:s29], $0x80  }
0x7d: {  	[sflag:s29] =	ssyncset.done $0x0  }
0x7e: {  	[sflag:s29] =	ssyncadd.s32 $0xFFFFFF80  }
0x7f: {  	[tilespmem:s30], [sflag:$0x2] =	stream.indirect.gather [hbm4b:s5+s22], $0x80, s22, s22, $0xb8;
	[tilespmem:$0x1C580] =	vst v63  }
0x80: {  	_ = 	snop  }
0x81: {  	[tilespmem:s31], [sflag:$0x4] =	stream.indirect.gather [hbm4b:s6+s22], $0x1, s22, s22, $0xb8;
	[tilespmem:$0x1C580] =	vst v63  }
0x82: {  	_ = 	snop  }
0x83: {  	[spmem:s2] =	stream.indirect.scatter.add.f32 [tilespmem:s23], [sflag:$0x7], $0x80, s0, s22, $0xb8;
	[tilespmem:$0x1C580] =	vst v63  }
0x84: {  	_ =	swait.ge [sflag:s19], $0x4000  }
0x85: {  	[sflag:s19] =	ssyncset.done $0x0  }
0x86: {  	[sflag:s19] =	ssyncadd.s32 $0xFFFFC000  }
0x87: {  	[spmem:s3] =	stream.indirect.scatter.add.f32 [tilespmem:s24], [sflag:$0x7], $0x1, s0, s22, $0xb8;
	[tilespmem:$0x1C580] =	vst v63  }
0x88: {  	_ =	swait.ge [sflag:s19], $0x80  }
0x89: {  	p1 =	sgt.u32 s10, $0x26;
	s10 =	smov.u32 s14;
	[sflag:s19] =	ssyncset.done $0x0  }
0x8a: {  	s14 =	simm.s32 @p1 $0x2;
	s15 =	sand.u32 @!p1 $0x7C00, s12;
	[sflag:s19] =	ssyncadd.s32 $0xFFFFFF80  }
0x8b: {  	s16 =	sand.u32 @!p1 $0x300, s12;
	s15 =	sadd.s32 @!p1 s9, s15;
	_ =	swait.ge @p1 [sflag:s14], $0x4000  }
0x8c: {  	s15 =	sor.u32 @!p1 s16, s15;
	[sflag:s14] =	ssyncset.done @p1 $0x0  }
0x8d: {  	s15 =	sshrl.u32 @!p1 s15, $0x3;
	[sflag:s14] =	ssyncadd.s32 @p1 $0xFFFFC000;
	s14 =	simm.s32 @p1 $0x4  }
0x8e: {  	s16 =	sadd.s32 @!p1 s7, s15;
	s15 =	sadd.s32 @!p1 s8, s15;
	_ =	swait.ge @p1 [sflag:s14], $0x80  }
0x8f: {  	[sflag:s14] =	ssyncset.done @p1 $0x0  }
0x90: {  	[sflag:s14] =	ssyncadd.s32 @p1 $0xFFFFFF80;
	s14 =	simm.s32 @!p1 $0x0  }
0x91: {  	[tilespmem:s14], [sflag:$0x5] =	stream.linear.gather @!p1 [hbm4b:s16+s14], $0x80, $0x38;
	[tilespmem:$0x1C580] =	vst v63  }
0x92: {  	s17 =	simm.s32 @!p1 $0x2;
	s16 =	simm.s32 @!p1 $0x100  }
0x93: {  	[tilespmem:s16], [sflag:$0x5] =	stream.linear.gather @!p1 [hbm4b:s15+s14], $0x80, $0x38;
	[tilespmem:$0x1C580] =	vst v63  }
0x94: {  	_ =	swait.ge @!p1 [sflag:s17], $0x4000  }
0x95: {  	[sflag:s17] =	ssyncset.done @!p1 $0x0  }
0x96: {  	s15 =	simm.s32 @!p1 $0x4;
	[sflag:s17] =	ssyncadd.s32 @!p1 $0xFFFFC000  }
0x97: {  	_ =	swait.ge @!p1 [sflag:s15], $0x80  }
0x98: {  	[sflag:s15] =	ssyncset.done @!p1 $0x0  }
0x99: {  	[sflag:s15] =	ssyncadd.s32 @!p1 $0xFFFFFF80;
	s15 =	simm.s32 @!p1 $0x5  }
0x9a: {  	_ =	swait.ge @!p1 [sflag:s15], $0x80  }
0x9b: {  	[sflag:s15] =	ssyncset.done @!p1 $0x0  }
0x9c: {  	[sflag:s15] =	ssyncadd.s32 @!p1 $0xFFFFFF80  }
0x9d: {  	_ =	swait.ge @!p1 [sflag:s15], $0x80  }
0x9e: {  	s12 =	sadd.s32 $0x100, s12;
	[sflag:s15] =	ssyncset.done @!p1 $0x0  }
0x9f: {  	s16 =	simm.s32 @!p1 $0x200;
	[sflag:s15] =	ssyncadd.s32 @!p1 $0xFFFFFF80;
	s15 =	simm.s32 @!p1 $0x80  }
0xa0: {  	[tilespmem:s16], [sflag:$0x1] =	stream.indirect.gather @!p1 [hbm4b:s5+s15], $0x80, s14, s15, $0xb8;
	[tilespmem:$0x1C580] =	vst v63  }
0xa1: {  	s17 =	simm.s32 @!p1 $0x8200;
	s16 =	sadd.s32 $0xFFFFFF00, s12  }
0xa2: {  	[tilespmem:s17], [sflag:$0x3] =	stream.indirect.gather @!p1 [hbm4b:s6+s15], $0x1, s14, s15, $0xb8;
	[tilespmem:$0x1C580] =	vst v63  }
.Ltmp0:
0xa3: {  	_ = 	snop;
	(pc) =	sbr.rel @p0 .LBB2_2-.Ltmp0, $4  }
0xa4: {  	s14 =	sand.u32 $0x3C00, s16  }
0xa5: {  	[spmem:s2] =	stream.indirect.scatter.add.f32 [tilespmem:s30], [sflag:$0x7], $0x80, s25, s22, $0xb8;
	[tilespmem:$0x1C580] =	vst v63  }
0xa6: {  	s15 =	sand.u32 $0x300, s16;
	s14 =	sadd.s32 s9, s14;
	_ =	swait.ge [sflag:s19], $0x4000  }
0xa7: {  	s15 =	sor.u32 s14, s15;
	[sflag:s19] =	ssyncset.done $0x0  }
0xa8: {  	[sflag:s19] =	ssyncadd.s32 $0xFFFFC000  }
0xa9: {  	[spmem:s3] =	stream.indirect.scatter.add.f32 [tilespmem:s31], [sflag:$0x7], $0x1, s25, s22, $0xb8;
	[tilespmem:$0x1C580] =	vst v63  }
0xaa: {  	s13 =	sor.u32 $0x80, s15;
	_ =	swait.ge [sflag:s19], $0x80  }
0xab: {  	s13 =	sshrl.u32 s13, $0x3;
	[sflag:s19] =	ssyncset.done $0x0  }
0xac: {  	s14 =	sadd.s32 s7, s13;
	[sflag:s19] =	ssyncadd.s32 $0xFFFFFF80  }
0xad: {  	[tilespmem:s22], [sflag:$0x6] =	stream.linear.gather [hbm4b:s14+s4], $0x80, $0x38;
	[tilespmem:$0x1C580] =	vst v63  }
0xae: {  	s13 =	sadd.s32 s8, s13  }
0xaf: {  	[tilespmem:s25], [sflag:$0x6] =	stream.linear.gather [hbm4b:s13+s4], $0x80, $0x38;
	[tilespmem:$0x1C580] =	vst v63  }
0xb0: {  	_ =	swait.ge [sflag:s26], $0x4000  }
0xb1: {  	[sflag:s26] =	ssyncset.done $0x0  }
0xb2: {  	[sflag:s26] =	ssyncadd.s32 $0xFFFFC000  }
0xb3: {  	_ =	swait.ge [sflag:s28], $0x80  }
0xb4: {  	[sflag:s28] =	ssyncset.done $0x0  }
0xb5: {  	[sflag:s28] =	ssyncadd.s32 $0xFFFFFF80  }
0xb6: {  	_ =	swait.ge [sflag:s29], $0x80  }
0xb7: {  	[sflag:s29] =	ssyncset.done $0x0  }
0xb8: {  	[sflag:s29] =	ssyncadd.s32 $0xFFFFFF80  }
0xb9: {  	_ =	swait.ge [sflag:s29], $0x80  }
0xba: {  	[sflag:s29] =	ssyncset.done $0x0  }
0xbb: {  	[sflag:s29] =	ssyncadd.s32 $0xFFFFFF80  }
0xbc: {  	[tilespmem:s30], [sflag:$0x2] =	stream.indirect.gather [hbm4b:s5+s22], $0x80, s22, s22, $0xb8;
	[tilespmem:$0x1C580] =	vst v63  }
0xbd: {  	_ = 	snop  }
0xbe: {  	[tilespmem:s31], [sflag:$0x4] =	stream.indirect.gather [hbm4b:s6+s22], $0x1, s22, s22, $0xb8;
	[tilespmem:$0x1C580] =	vst v63  }
0xbf: {  	_ = 	snop  }
0xc0: {  	[spmem:s2] =	stream.indirect.scatter.add.f32 [tilespmem:s23], [sflag:$0x7], $0x80, s0, s22, $0xb8;
	[tilespmem:$0x1C580] =	vst v63  }
0xc1: {  	_ =	swait.ge [sflag:s19], $0x4000  }
0xc2: {  	[sflag:s19] =	ssyncset.done $0x0  }
0xc3: {  	[sflag:s19] =	ssyncadd.s32 $0xFFFFC000  }
0xc4: {  	[spmem:s3] =	stream.indirect.scatter.add.f32 [tilespmem:s24], [sflag:$0x7], $0x1, s0, s22, $0xb8;
	[tilespmem:$0x1C580] =	vst v63  }
0xc5: {  	_ =	swait.ge [sflag:s19], $0x80  }
0xc6: {  	p0 =	sgt.u32 s10, $0x26;
	[sflag:s19] =	ssyncset.done $0x0  }
0xc7: {  	s10 =	simm.s32 @p0 $0x2;
	[sflag:s19] =	ssyncadd.s32 $0xFFFFFF80  }
0xc8: {  	_ =	swait.ge @p0 [sflag:s10], $0x4000  }
0xc9: {  	s13 =	sand.u32 @!p0 $0x7C00, s12;
	s12 =	sand.u32 @!p0 $0x300, s12;
	[sflag:s10] =	ssyncset.done @p0 $0x0  }
0xca: {  	s13 =	sadd.s32 @!p0 s9, s13;
	[sflag:s10] =	ssyncadd.s32 @p0 $0xFFFFC000;
	s10 =	simm.s32 @p0 $0x4  }
0xcb: {  	s12 =	sor.u32 @!p0 s12, s13;
	_ =	swait.ge @p0 [sflag:s10], $0x80  }
0xcc: {  	s12 =	sshrl.u32 @!p0 s12, $0x3;
	[sflag:s10] =	ssyncset.done @p0 $0x0  }
0xcd: {  	s13 =	sadd.s32 @!p0 s7, s12;
	[sflag:s10] =	ssyncadd.s32 @p0 $0xFFFFFF80;
	s10 =	simm.s32 @!p0 $0x0  }
0xce: {  	[tilespmem:s10], [sflag:$0x5] =	stream.linear.gather @!p0 [hbm4b:s13+s10], $0x80, $0x38;
	[tilespmem:$0x1C580] =	vst v63  }
0xcf: {  	s12 =	sadd.s32 @!p0 s8, s12;
	s13 =	simm.s32 @!p0 $0x100  }
0xd0: {  	[tilespmem:s13], [sflag:$0x5] =	stream.linear.gather @!p0 [hbm4b:s12+s10], $0x80, $0x38;
	[tilespmem:$0x1C580] =	vst v63  }
0xd1: {  	s12 =	simm.s32 @!p0 $0x2  }
0xd2: {  	_ =	swait.ge @!p0 [sflag:s12], $0x4000  }
0xd3: {  	[sflag:s12] =	ssyncset.done @!p0 $0x0  }
0xd4: {  	[sflag:s12] =	ssyncadd.s32 @!p0 $0xFFFFC000;
	s12 =	simm.s32 @!p0 $0x4  }
0xd5: {  	_ =	swait.ge @!p0 [sflag:s12], $0x80  }
0xd6: {  	[sflag:s12] =	ssyncset.done @!p0 $0x0  }
0xd7: {  	[sflag:s12] =	ssyncadd.s32 @!p0 $0xFFFFFF80;
	s12 =	simm.s32 @!p0 $0x5  }
0xd8: {  	_ =	swait.ge @!p0 [sflag:s12], $0x80  }
0xd9: {  	[sflag:s12] =	ssyncset.done @!p0 $0x0  }
0xda: {  	[sflag:s12] =	ssyncadd.s32 @!p0 $0xFFFFFF80  }
0xdb: {  	_ =	swait.ge @!p0 [sflag:s12], $0x80  }
0xdc: {  	[sflag:s12] =	ssyncset.done @!p0 $0x0  }
0xdd: {  	s13 =	simm.s32 @!p0 $0x200;
	[sflag:s12] =	ssyncadd.s32 @!p0 $0xFFFFFF80;
	s12 =	simm.s32 @!p0 $0x80  }
0xde: {  	[tilespmem:s13], [sflag:$0x1] =	stream.indirect.gather @!p0 [hbm4b:s5+s12], $0x80, s10, s12, $0xb8;
	[tilespmem:$0x1C580] =	vst v63  }
0xdf: {  	s13 =	simm.s32 @!p0 $0x8200  }
0xe0: {  	[tilespmem:s13], [sflag:$0x3] =	stream.indirect.gather @!p0 [hbm4b:s6+s12], $0x1, s10, s12, $0xb8;
	[tilespmem:$0x1C580] =	vst v63  }
0xe1: {  	_ = 	snop  }
0xe2: {  	[spmem:s2] =	stream.indirect.scatter.add.f32 [tilespmem:s30], [sflag:$0x7], $0x80, s25, s22, $0xb8;
	[tilespmem:$0x1C580] =	vst v63  }
0xe3: {  	_ =	swait.ge [sflag:s19], $0x4000  }
0xe4: {  	[sflag:s19] =	ssyncset.done $0x0  }
0xe5: {  	[sflag:s19] =	ssyncadd.s32 $0xFFFFC000  }
0xe6: {  	[spmem:s3] =	stream.indirect.scatter.add.f32 [tilespmem:s31], [sflag:$0x7], $0x1, s25, s22, $0xb8;
	[tilespmem:$0x1C580] =	vst v63  }
0xe7: {  	_ =	swait.ge [sflag:s19], $0x80  }
0xe8: {  	[sflag:s19] =	ssyncset.done $0x0  }
0xe9: {  	[sflag:s19] =	ssyncadd.s32 $0xFFFFFF80  }
0xea: {  	[bflag:$0x0] =	sbarrier.arrive $0xFFFF  }
0xeb: {  	s13 =	rddreg [dreg:$0x9]  }
0xec: {  	[hbm:s13], [sflag:s11] =	dma.local [spmem:s18], $0x2800  }
0xed: {  	_ =	swait.ge [sflag:s19], $0x2800  }
0xee: {  	s15 =	simm.s32 $0x20;
	[sflag:s19] =	ssyncset.done $0x0  }
0xef: {  	s16 =	simm.s32 $0x10;
	s14 =	rddreg [dreg:$0xa];
	[sflag:s19] =	ssyncadd.s32 $0xFFFFD800  }
0xf0: {  	[hbm:s14@s15], [sflag:s11] =	dma.strided [spmem:s20@s16], $0x50, s26, $0x10   }
0xf1: {  	_ =	swait.ge [sflag:s19], $0x50  }
0xf2: {  	s1 =	sadd.s32 $0x1, s1;
	s17 =	rddreg [dreg:$0xb]  }
0xf3: {  	p0 =	sne.s32 s1, s17  }
.Ltmp1:
0xf4: {  	_ = 	snop;
	(pc) =	sbr.rel @p0 .LBB2_1-.Ltmp1, $3  }
0xf5: {  	_ =	sdelay $0x1  }
0xf6: {  	[sflag:s19] =	ssyncset.done $0x0  }
0xf7: {  	[sflag:s19] =	ssyncadd.s32 $0xFFFFFFB0  }
0xf8: {  	_ =	sfence.sel $0x180000  }
0xf9: {  	[bflag:$0x0] =	sbarrier.arrive $0xFFFF  }
0xfa: {  	_ =	strace $0x9000004D  }
0xfb: {  	s0 =	stileid.u32;
	[bflag:$0x2] =	sbarrier.arrive $0xFFFF  }
0xfc: {  	p0 =	sne.s32 s0, $0x0;
	s0 =	rddreg [dreg:$0x4]  }
0xfd: {  	s0 =	sadd.s32 @!p0 $0x100000, s0  }
0xfe: {  	[sflag:s0] =	ssyncadd.tile.s32 @!p0 $0x1;
	_ =	shalt  }
.Lfunc_end2:
_tile_overlayer_lowered:
.L_overlay_start_2:
0xff: {  	(tag) =	ssettag $0x2  }
0x100: {  	s0 =	rddreg [dreg:$0x0];
	s2 =	stileid.u32  }
0x101: {  	s1 =	rddreg [dreg:$0x1];
	p0 =	sne.s32 s2, $0x0  }
0x102: {  	s3 =	rddreg [dreg:$0x2];
	[bflag:$0x3] =	sbarrier.arrive $0xFFFF;
	s2 =	simm.s32 @!p0 $0x1C07  }
0x103: {  	[timem:s3], [sflag:s2] =	dma.local @!p0 [hbm:s0], s1  }
0x104: {  	s0 =	simm.s32 @!p0 $0x7  }
0x105: {  	_ =	swait.ge @!p0 [sflag:s0], s1  }
0x106: {  	s1 =	ssub.s32 @!p0 $0x0, s1;
	[sflag:s0] =	ssyncset.done @!p0 $0x0  }
0x107: {  	[sflag:s0] =	ssyncadd.s32 @!p0 s1  }
0x108: {  	[bflag:$0x3] =	sbarrier.arrive $0xFFFF  }
0x109: {  	_ =	shalt  }

</sc_bundles>
